<compile_context>
chip_gen: v7x
topology: tpu7x:2x2x1
jax: 0.10.2.dev20260603
libtpu: 0.0.44.dev20260713+nightly
codegen_flags: <defaults>
</compile_context>

<pallas_src>
import functools

import jax
import jax.numpy as jnp
from jax import lax
from jax.experimental import pallas as pl
from jax.experimental.pallas import tpu as pltpu
from jax.experimental.pallas import tpu_sc as plsc

N = 50000
D = 128
H = 128
OUT = 64
E = 200000

NSC = 2
NTILE = 16
LANES = 16
FCHUNK = D // LANES
FPC = FCHUNK // NSC
KCH = 256
NCH = 49
EPT = KCH * NCH
E_PAD = EPT * NTILE
NP = 50048
STRIPE = NP // NTILE
BN = 400


def _sc_body(xt0, src0, dst0, xt1, src1, dst1, xt2, src2, dst2, zeros,
             a00, a10, a01, a11, a02, a12,
             cidx_v, dst_v, rows_v, acc0_s, acc1_s, sem):
  c = lax.axis_index("c")
  tid = lax.axis_index("s")
  row0 = tid * STRIPE

  for xt, src, dst, a0, a1 in ((xt0, src0, dst0, a00, a10),
                               (xt1, src1, dst1, a01, a11),
                               (xt2, src2, dst2, a02, a12)):
    pltpu.sync_copy(src.at[tid], cidx_v)
    pltpu.sync_copy(dst.at[tid], dst_v)

    for p in range(FPC):
      if p == 0:
        base = c * FPC

        def _mkidx(j, carry):
          sl = pl.ds(j * LANES, LANES)
          cidx_v[sl] = cidx_v[sl] * 8 + base
          return carry
      else:

        def _mkidx(j, carry):
          sl = pl.ds(j * LANES, LANES)
          cidx_v[sl] = cidx_v[sl] + 1
          return carry

      lax.fori_loop(0, EPT // LANES, _mkidx, 0)

      pltpu.sync_copy(zeros, acc0_s.at[pl.ds(row0, STRIPE)])
      pltpu.sync_copy(zeros, acc1_s.at[pl.ds(row0, STRIPE)])
      plsc.subcore_barrier()

      def _window(i, carry):
        idx = cidx_v.at[pl.ds(i * KCH, KCH)]
        pltpu.async_copy(xt.at[idx], rows_v, sem).wait()
        drow = dst_v.at[i]
        pltpu.sync_copy(rows_v, acc0_s.at[drow], add=True)

        def _relu(k, carry2):
          for u in range(8):
            r = rows_v[k * 8 + u, :]
            rows_v[k * 8 + u, :] = jnp.maximum(r, 0.0)
          return carry2

        lax.fori_loop(0, KCH // 8, _relu, 0)
        pltpu.sync_copy(rows_v, acc1_s.at[drow], add=True)
        return carry

      lax.fori_loop(0, NCH, _window, 0)
      plsc.subcore_barrier()

      col = (c * FPC + p) * LANES
      pltpu.sync_copy(acc0_s.at[pl.ds(row0, STRIPE)],
                      a0.at[pl.ds(row0, STRIPE), pl.ds(col, LANES)])
      pltpu.sync_copy(acc1_s.at[pl.ds(row0, STRIPE)],
                      a1.at[pl.ds(row0, STRIPE), pl.ds(col, LANES)])
      plsc.subcore_barrier()


def _sc_aggregate(xts, srcs, dsts):
  agg_shape = jax.ShapeDtypeStruct((NP, D), jnp.float32)
  mesh = plsc.VectorSubcoreMesh(core_axis_name="c", subcore_axis_name="s")
  call = pl.kernel(
      _sc_body,
      out_type=(agg_shape,) * 6,
      mesh=mesh,
      scratch_types=[
          pltpu.VMEM((EPT,), jnp.int32),
          pltpu.VMEM((NCH, KCH), jnp.int32),
          pltpu.VMEM((KCH, LANES), jnp.float32),
          pltpu.VMEM_SHARED((NP, LANES), jnp.float32),
          pltpu.VMEM_SHARED((NP, LANES), jnp.float32),
          pltpu.SemaphoreType.DMA,
      ],
      compiler_params=pltpu.CompilerParams(use_tc_tiling_on_sc=False),
      name="hetero_gnn_segsum_sc",
  )
  zeros = jnp.zeros((STRIPE, LANES), jnp.float32)
  return call(xts[0], srcs[0], dsts[0], xts[1], srcs[1], dsts[1],
              xts[2], srcs[2], dsts[2], zeros)


def _dense_body(a00, a01, a02, a10, a11, a12, xt,
                wr00, wr01, wr02, wr10, wr11, wr12,
                wo00, wo01, wo02, wo10, wo11, wo12,
                b0, b1, mw, mb, lw, lb, out):
  dot = functools.partial(jnp.dot, preferred_element_type=jnp.float32)
  wo0 = wo00[...] + wo01[...] + wo02[...]
  wo1 = wo10[...] + wo11[...] + wo12[...]
  acc0 = (dot(a00[...], wr00[...]) + dot(a01[...], wr01[...])
          + dot(a02[...], wr02[...]) + dot(xt[...], wo0) + b0[...])
  x1 = jnp.maximum(acc0, 0.0)
  acc1 = (dot(a10[...], wr10[...]) + dot(a11[...], wr11[...])
          + dot(a12[...], wr12[...]) + dot(x1, wo1) + b1[...])
  h = dot(jnp.maximum(acc1, 0.0), mw[...]) + mb[...]
  out[...] = dot(h, lw[...]) + lb[...]


def _dense(aggs, x_target, wrs, wos, bsum0, bsum1, mlp_w, mlp_b, lin_w,
           lin_b):
  row_spec = pl.BlockSpec((BN, D), lambda i: (i, 0))
  w_spec = pl.BlockSpec((D, H), lambda i: (0, 0))
  b_spec = pl.BlockSpec((1, H), lambda i: (0, 0))
  grid = (N // BN,)
  return pl.pallas_call(
      _dense_body,
      grid=grid,
      in_specs=[row_spec] * 7 + [w_spec] * 12
      + [b_spec, b_spec, w_spec, b_spec,
         pl.BlockSpec((H, OUT), lambda i: (0, 0)),
         pl.BlockSpec((1, OUT), lambda i: (0, 0))],
      out_specs=pl.BlockSpec((BN, OUT), lambda i: (i, 0)),
      out_shape=jax.ShapeDtypeStruct((N, OUT), jnp.float32),
      name="hetero_gnn_dense_tc",
  )(*aggs, x_target, *wrs, *wos, bsum0, bsum1, mlp_w, mlp_b, lin_w, lin_b)


def _prep_edges(ei):
  npad = E_PAD - E
  pad_lane = jnp.arange(npad, dtype=jnp.int32) % LANES
  src = jnp.concatenate([ei[0], pad_lane])
  dst = jnp.concatenate([ei[1], N + pad_lane])
  return src.reshape(NTILE, EPT), dst.reshape(NTILE, NCH, KCH)


def _prep_x(x):
  return x.reshape(FCHUNK * N, LANES)


def kernel(x_app_user, x_non_app_user, x_observation, x_target,
           ei_app, ei_non, ei_obs,
           Wrel_0_0, brel_0_0, Wroot_0_0, Wrel_0_1, brel_0_1, Wroot_0_1,
           Wrel_0_2, brel_0_2, Wroot_0_2, Wrel_1_0, brel_1_0, Wroot_1_0,
           Wrel_1_1, brel_1_1, Wroot_1_1, Wrel_1_2, brel_1_2, Wroot_1_2,
           mlp_W, mlp_b, lin_W, lin_b):
  xts = [_prep_x(x) for x in (x_app_user, x_non_app_user, x_observation)]
  srcs, dsts = zip(*(_prep_edges(ei) for ei in (ei_app, ei_non, ei_obs)))

  a00, a10, a01, a11, a02, a12 = _sc_aggregate(xts, srcs, dsts)

  b0 = (brel_0_0 + brel_0_1 + brel_0_2).reshape(1, H)
  b1 = (brel_1_0 + brel_1_1 + brel_1_2).reshape(1, H)
  return _dense(
      (a00, a01, a02, a10, a11, a12), x_target,
      (Wrel_0_0, Wrel_0_1, Wrel_0_2, Wrel_1_0, Wrel_1_1, Wrel_1_2),
      (Wroot_0_0, Wroot_0_1, Wroot_0_2, Wroot_1_0, Wroot_1_1, Wroot_1_2),
      b0, b1, mlp_W, mlp_b.reshape(1, H), lin_W, lin_b.reshape(1, OUT))

# --- scband reference (transcript-rebuilt; emitter-appended) ---
"""Pipeline reference for scband-hetero-gnn-37460704756549 (READ-ONLY COPY).

The authoritative reference and input builder live on the scoring server;
editing this copy changes nothing except your own understanding.
"""

import jax, jax.numpy as jnp
import numpy as np

N = 50000
E = 200000
D = 128
H = 128
OUT = 64

def _gconv(x_src, x_dst, ei, Wr, br, Wo):
    msgs = jnp.take(x_src, ei[0], axis=0)
    agg = jax.ops.segment_sum(msgs, ei[1], num_segments=x_dst.shape[0])
    return agg @ Wr + br + x_dst @ Wo

def setup_inputs(seed: int = 0):
    key = jax.random.key(seed)
    ks = jax.random.split(key, 64)
    inp = {}
    inp['x_app_user'] = jax.random.normal(ks[0], (N, D), dtype=jnp.float32)
    inp['x_non_app_user'] = jax.random.normal(ks[1], (N, D), dtype=jnp.float32)
    inp['x_observation'] = jax.random.normal(ks[2], (N, D), dtype=jnp.float32)
    inp['x_target'] = jax.random.normal(ks[3], (N, D), dtype=jnp.float32)
    inp['ei_app'] = jax.random.randint(ks[4], (2, E), 0, N, dtype=jnp.int32)
    inp['ei_non'] = jax.random.randint(ks[5], (2, E), 0, N, dtype=jnp.int32)
    inp['ei_obs'] = jax.random.randint(ks[6], (2, E), 0, N, dtype=jnp.int32)
    i = 7
    for l in range(2):
        for t in range(3):
            inp['Wrel_%d_%d' % (l, t)] = jax.random.normal(ks[i], (D, H), dtype=jnp.float32) * 0.05
            i += 1
            inp['brel_%d_%d' % (l, t)] = jnp.zeros((H,), dtype=jnp.float32)
            inp['Wroot_%d_%d' % (l, t)] = jax.random.normal(ks[i], (D, H), dtype=jnp.float32) * 0.05
            i += 1
    inp['mlp_W'] = jax.random.normal(ks[i], (H, H), dtype=jnp.float32) * 0.05
    inp['mlp_b'] = jnp.zeros((H,), dtype=jnp.float32)
    inp['lin_W'] = jax.random.normal(ks[i + 1], (H, OUT), dtype=jnp.float32) * 0.05
    inp['lin_b'] = jnp.zeros((OUT,), dtype=jnp.float32)
    return inp

def reference(x_app_user, x_non_app_user, x_observation, x_target, ei_app, ei_non, ei_obs, Wrel_0_0, brel_0_0, Wroot_0_0, Wrel_0_1, brel_0_1, Wroot_0_1, Wrel_0_2, brel_0_2, Wroot_0_2, Wrel_1_0, brel_1_0, Wroot_1_0, Wrel_1_1, brel_1_1, Wroot_1_1, Wrel_1_2, brel_1_2, Wroot_1_2, mlp_W, mlp_b, lin_W, lin_b):
    convp = [
        [(Wrel_0_0, brel_0_0, Wroot_0_0), (Wrel_0_1, brel_0_1, Wroot_0_1), (Wrel_0_2, brel_0_2, Wroot_0_2)],
        [(Wrel_1_0, brel_1_0, Wroot_1_0), (Wrel_1_1, brel_1_1, Wroot_1_1), (Wrel_1_2, brel_1_2, Wroot_1_2)],
    ]
    xs = [x_app_user, x_non_app_user, x_observation]
    x_tgt = x_target
    eis = [ei_app, ei_non, ei_obs]
    for l in range(2):
        acc = jnp.zeros((x_tgt.shape[0], H), dtype=jnp.float32)
        for t in range(3):
            Wr, br, Wo = convp[l][t]
            acc = acc + _gconv(xs[t], x_tgt, eis[t], Wr, br, Wo)
        xs = [jax.nn.relu(x) for x in xs]
        x_tgt = jax.nn.relu(acc)
    h = x_tgt @ mlp_W + mlp_b
    return h @ lin_W + lin_b

if __name__ == "__main__":
    import jax
    _d = setup_inputs()
    print(jax.jit(kernel)(*tuple(_d.values())))

</pallas_src>

<mosaic_0001>
#map = affine_map<(d0, d1) -> (0, 0)>
#map1 = affine_map<(d0, d1) -> (0, 0, 0)>
module attributes {stable_mosaic.version = 14 : i64} {
  func.func @hetero_gnn_segsum_sc(%arg0: i32, %arg1: i32, %arg2: memref<400000x16xf32, #tpu.memory_space<hbm>>, %arg3: memref<16x12544xi32, #tpu.memory_space<hbm>>, %arg4: memref<16x49x256xi32, #tpu.memory_space<hbm>>, %arg5: memref<400000x16xf32, #tpu.memory_space<hbm>>, %arg6: memref<16x12544xi32, #tpu.memory_space<hbm>>, %arg7: memref<16x49x256xi32, #tpu.memory_space<hbm>>, %arg8: memref<400000x16xf32, #tpu.memory_space<hbm>>, %arg9: memref<16x12544xi32, #tpu.memory_space<hbm>>, %arg10: memref<16x49x256xi32, #tpu.memory_space<hbm>>, %arg11: memref<3128x16xf32, #tpu.memory_space<hbm>>, %arg12: memref<50048x128xf32, #tpu.memory_space<hbm>>, %arg13: memref<50048x128xf32, #tpu.memory_space<hbm>>, %arg14: memref<50048x128xf32, #tpu.memory_space<hbm>>, %arg15: memref<50048x128xf32, #tpu.memory_space<hbm>>, %arg16: memref<50048x128xf32, #tpu.memory_space<hbm>>, %arg17: memref<50048x128xf32, #tpu.memory_space<hbm>>, %arg18: memref<12544xi32, #tpu.memory_space<vmem>>, %arg19: memref<49x256xi32, #tpu.memory_space<vmem>>, %arg20: memref<256x16xf32, #tpu.memory_space<vmem>>, %arg21: memref<50048x16xf32, #tpu.memory_space<vmem_shared>>, %arg22: memref<50048x16xf32, #tpu.memory_space<vmem_shared>>, %arg23: memref<!tpu.dma_semaphore, #tpu.memory_space<semaphore_mem>>) attributes {dimension_semantics = [#tpu.dimension_semantics<core_parallel>, #tpu.dimension_semantics<subcore_parallel>], iteration_bounds = array<i64: 2, 16>, scalar_prefetch = 0 : i64, scratch_operands = 6 : i64, tpu.core_type = #tpu.core_type<sc_vector_subcore>, window_params = [{transform_indices = #map}, {transform_indices = #map}, {transform_indices = #map1}, {transform_indices = #map}, {transform_indices = #map}, {transform_indices = #map1}, {transform_indices = #map}, {transform_indices = #map}, {transform_indices = #map1}, {transform_indices = #map}, {transform_indices = #map}, {transform_indices = #map}, {transform_indices = #map}, {transform_indices = #map}, {transform_indices = #map}, {transform_indices = #map}]} {
    %mul3A = arith.constant 3128 : i32
    %mul3A_0 = arith.muli %arg1, %mul3A : i32
    "tpu.region"() ({
      %run_scoped3A = tpu.sem_alloc : memref<!tpu.dma_semaphore, #tpu.memory_space<semaphore_mem>>
      %dma_start3A = arith.constant 0 : i32
      %dma_start3A_256 = tpu.memref_slice %arg3[%arg1, %dma_start3A] : memref<16x12544xi32, #tpu.memory_space<hbm>> -> memref<1x12544xi32, #tpu.memory_space<hbm>>
      %dma_start3A_257 = tpu.memref_squeeze %dma_start3A_256 : memref<1x12544xi32, #tpu.memory_space<hbm>> -> memref<12544xi32, #tpu.memory_space<hbm>>
      %dma_start3A_258 = arith.constant 0 : i32
      %dma_start3A_259 = tpu.memref_slice %arg3[%arg1, %dma_start3A_258] : memref<16x12544xi32, #tpu.memory_space<hbm>> -> memref<1x12544xi32, #tpu.memory_space<hbm>>
      %dma_start3A_260 = tpu.memref_squeeze %dma_start3A_259 : memref<1x12544xi32, #tpu.memory_space<hbm>> -> memref<12544xi32, #tpu.memory_space<hbm>>
      tpu.enqueue_dma source(%dma_start3A_260 : memref<12544xi32, #tpu.memory_space<hbm>>) target(%arg18 : memref<12544xi32, #tpu.memory_space<vmem>>) target_semaphore(%run_scoped3A : memref<!tpu.dma_semaphore, #tpu.memory_space<semaphore_mem>>)
      %dma_wait3A = arith.constant 0 : i32
      %dma_wait3A_261 = tpu.memref_slice %arg3[%arg1, %dma_wait3A] : memref<16x12544xi32, #tpu.memory_space<hbm>> -> memref<1x12544xi32, #tpu.memory_space<hbm>>
      %dma_wait3A_262 = tpu.memref_squeeze %dma_wait3A_261 : memref<1x12544xi32, #tpu.memory_space<hbm>> -> memref<12544xi32, #tpu.memory_space<hbm>>
      %dma_wait3A_263 = arith.constant 0 : i32
      %dma_wait3A_264 = tpu.memref_slice %arg3[%arg1, %dma_wait3A_263] : memref<16x12544xi32, #tpu.memory_space<hbm>> -> memref<1x12544xi32, #tpu.memory_space<hbm>>
      %dma_wait3A_265 = tpu.memref_squeeze %dma_wait3A_264 : memref<1x12544xi32, #tpu.memory_space<hbm>> -> memref<12544xi32, #tpu.memory_space<hbm>>
      tpu.wait_dma2 semaphore(%run_scoped3A : memref<!tpu.dma_semaphore, #tpu.memory_space<semaphore_mem>>) src(%dma_wait3A_265 : memref<12544xi32, #tpu.memory_space<hbm>>) dst(%arg18 : memref<12544xi32, #tpu.memory_space<vmem>>)
      tpu.yield
    }) : () -> ()
    "tpu.region"() ({
      %run_scoped3A = tpu.sem_alloc : memref<!tpu.dma_semaphore, #tpu.memory_space<semaphore_mem>>
      %dma_start3A = arith.constant 0 : i32
      %dma_start3A_256 = arith.constant 0 : i32
      %dma_start3A_257 = tpu.memref_slice %arg4[%arg1, %dma_start3A, %dma_start3A_256] : memref<16x49x256xi32, #tpu.memory_space<hbm>> -> memref<1x49x256xi32, #tpu.memory_space<hbm>>
      %dma_start3A_258 = tpu.memref_squeeze %dma_start3A_257 : memref<1x49x256xi32, #tpu.memory_space<hbm>> -> memref<49x256xi32, #tpu.memory_space<hbm>>
      %dma_start3A_259 = arith.constant 0 : i32
      %dma_start3A_260 = arith.constant 0 : i32
      %dma_start3A_261 = tpu.memref_slice %arg4[%arg1, %dma_start3A_259, %dma_start3A_260] : memref<16x49x256xi32, #tpu.memory_space<hbm>> -> memref<1x49x256xi32, #tpu.memory_space<hbm>>
      %dma_start3A_262 = tpu.memref_squeeze %dma_start3A_261 : memref<1x49x256xi32, #tpu.memory_space<hbm>> -> memref<49x256xi32, #tpu.memory_space<hbm>>
      tpu.enqueue_dma source(%dma_start3A_262 : memref<49x256xi32, #tpu.memory_space<hbm>>) target(%arg19 : memref<49x256xi32, #tpu.memory_space<vmem>>) target_semaphore(%run_scoped3A : memref<!tpu.dma_semaphore, #tpu.memory_space<semaphore_mem>>)
      %dma_wait3A = arith.constant 0 : i32
      %dma_wait3A_263 = arith.constant 0 : i32
      %dma_wait3A_264 = tpu.memref_slice %arg4[%arg1, %dma_wait3A, %dma_wait3A_263] : memref<16x49x256xi32, #tpu.memory_space<hbm>> -> memref<1x49x256xi32, #tpu.memory_space<hbm>>
      %dma_wait3A_265 = tpu.memref_squeeze %dma_wait3A_264 : memref<1x49x256xi32, #tpu.memory_space<hbm>> -> memref<49x256xi32, #tpu.memory_space<hbm>>
      %dma_wait3A_266 = arith.constant 0 : i32
      %dma_wait3A_267 = arith.constant 0 : i32
      %dma_wait3A_268 = tpu.memref_slice %arg4[%arg1, %dma_wait3A_266, %dma_wait3A_267] : memref<16x49x256xi32, #tpu.memory_space<hbm>> -> memref<1x49x256xi32, #tpu.memory_space<hbm>>
      %dma_wait3A_269 = tpu.memref_squeeze %dma_wait3A_268 : memref<1x49x256xi32, #tpu.memory_space<hbm>> -> memref<49x256xi32, #tpu.memory_space<hbm>>
      tpu.wait_dma2 semaphore(%run_scoped3A : memref<!tpu.dma_semaphore, #tpu.memory_space<semaphore_mem>>) src(%dma_wait3A_269 : memref<49x256xi32, #tpu.memory_space<hbm>>) dst(%arg19 : memref<49x256xi32, #tpu.memory_space<vmem>>)
      tpu.yield
    }) : () -> ()
    %mul3A_1 = arith.constant 4 : i32
    %mul3A_2 = arith.muli %arg0, %mul3A_1 : i32
    %scan3A = arith.constant 0 : i32
    %scan3A_3 = arith.constant 0 : i32
    %scan3A_4 = arith.constant 784 : i32
    %scan3A_5 = arith.addi %scan3A_3, %scan3A_4 : i32
    %scan3A_6 = arith.constant 1 : i32
    scf.for %scan3A_256 = %scan3A_3 to %scan3A_5 step %scan3A_6  : i32 {
      %mul3A_257 = arith.constant 16 : i32
      %mul3A_258 = arith.muli %scan3A_256, %mul3A_257 : i32
      %get3A = arith.index_cast %mul3A_258 : i32 to index
      %get3A_259 = tpu.vector_load %arg18[%get3A] {strides = array<i32>} : memref<12544xi32, #tpu.memory_space<vmem>>, vector<16xi32>,
      %get3A_260 = vector.shape_cast %get3A_259 : vector<16xi32> to vector<16xi32>
      %mul3A_261 = arith.constant 8 : i32
      %mul3A_262 = vector.broadcast %mul3A_261 : i32 to vector<16xi32>
      %mul3A_263 = arith.muli %get3A_260, %mul3A_262 : vector<16xi32>
      %add3A_264 = vector.broadcast %mul3A_2 : i32 to vector<16xi32>
      %add3A_265 = arith.addi %mul3A_263, %add3A_264 : vector<16xi32>
      %swap3A = arith.index_cast %mul3A_258 : i32 to index
      %swap3A_266 = tpu.vector_load %arg18[%swap3A] {strides = array<i32>} : memref<12544xi32, #tpu.memory_space<vmem>>, vector<16xi32>,
      %swap3A_267 = vector.shape_cast %swap3A_266 : vector<16xi32> to vector<16xi32>
      %swap3A_268 = vector.shape_cast %add3A_265 : vector<16xi32> to vector<16xi32>
      tpu.vector_store %arg18[%swap3A], %swap3A_268 {strides = array<i32>} : memref<12544xi32, #tpu.memory_space<vmem>>, vector<16xi32>,
    }
    %scan3A_7 = arith.constant 784 : i32
    "tpu.region"() ({
      %run_scoped3A = tpu.sem_alloc : memref<!tpu.dma_semaphore, #tpu.memory_space<semaphore_mem>>
      %dma_start3A = arith.constant 0 : i32
      %dma_start3A_256 = tpu.memref_slice %arg21[%mul3A_0, %dma_start3A] : memref<50048x16xf32, #tpu.memory_space<vmem_shared>> -> memref<3128x16xf32, #tpu.memory_space<vmem_shared>>
      tpu.enqueue_dma source(%arg11 : memref<3128x16xf32, #tpu.memory_space<hbm>>) target(%dma_start3A_256 : memref<3128x16xf32, #tpu.memory_space<vmem_shared>>) target_semaphore(%run_scoped3A : memref<!tpu.dma_semaphore, #tpu.memory_space<semaphore_mem>>)
      %dma_wait3A = arith.constant 0 : i32
      %dma_wait3A_257 = tpu.memref_slice %arg21[%mul3A_0, %dma_wait3A] : memref<50048x16xf32, #tpu.memory_space<vmem_shared>> -> memref<3128x16xf32, #tpu.memory_space<vmem_shared>>
      tpu.wait_dma2 semaphore(%run_scoped3A : memref<!tpu.dma_semaphore, #tpu.memory_space<semaphore_mem>>) src(%arg11 : memref<3128x16xf32, #tpu.memory_space<hbm>>) dst(%dma_wait3A_257 : memref<3128x16xf32, #tpu.memory_space<vmem_shared>>)
      tpu.yield
    }) : () -> ()
    "tpu.region"() ({
      %run_scoped3A = tpu.sem_alloc : memref<!tpu.dma_semaphore, #tpu.memory_space<semaphore_mem>>
      %dma_start3A = arith.constant 0 : i32
      %dma_start3A_256 = tpu.memref_slice %arg22[%mul3A_0, %dma_start3A] : memref<50048x16xf32, #tpu.memory_space<vmem_shared>> -> memref<3128x16xf32, #tpu.memory_space<vmem_shared>>
      tpu.enqueue_dma source(%arg11 : memref<3128x16xf32, #tpu.memory_space<hbm>>) target(%dma_start3A_256 : memref<3128x16xf32, #tpu.memory_space<vmem_shared>>) target_semaphore(%run_scoped3A : memref<!tpu.dma_semaphore, #tpu.memory_space<semaphore_mem>>)
      %dma_wait3A = arith.constant 0 : i32
      %dma_wait3A_257 = tpu.memref_slice %arg22[%mul3A_0, %dma_wait3A] : memref<50048x16xf32, #tpu.memory_space<vmem_shared>> -> memref<3128x16xf32, #tpu.memory_space<vmem_shared>>
      tpu.wait_dma2 semaphore(%run_scoped3A : memref<!tpu.dma_semaphore, #tpu.memory_space<semaphore_mem>>) src(%arg11 : memref<3128x16xf32, #tpu.memory_space<hbm>>) dst(%dma_wait3A_257 : memref<3128x16xf32, #tpu.memory_space<vmem_shared>>)
      tpu.yield
    }) : () -> ()
    %barrier3A = arith.constant 0 : index
    tpu.barrier barrier_id(%barrier3A)
    %scan3A_8 = arith.constant 0 : i32
    %scan3A_9 = arith.constant 0 : i32
    %scan3A_10 = arith.constant 49 : i32
    %scan3A_11 = arith.addi %scan3A_9, %scan3A_10 : i32
    %scan3A_12 = arith.constant 1 : i32
    scf.for %scan3A_256 = %scan3A_9 to %scan3A_11 step %scan3A_12  : i32 {
      %mul3A_257 = arith.constant 256 : i32
      %mul3A_258 = arith.muli %scan3A_256, %mul3A_257 : i32
      %dma_start3A = tpu.memref_slice %arg18[%mul3A_258] : memref<12544xi32, #tpu.memory_space<vmem>> -> memref<256xi32, #tpu.memory_space<vmem>>
      %dma_start3A_259 = arith.constant 0 : i32
      %dma_start3A_260 = arith.constant 0 : i32
      %dma_start3A_261 = tpu.memref_slice %arg2[%dma_start3A_259, %dma_start3A_260] : memref<400000x16xf32, #tpu.memory_space<hbm>> -> memref<400000x16xf32, #tpu.memory_space<hbm>>
      tpu.enqueue_indirect_dma source(%dma_start3A_261 : memref<400000x16xf32, #tpu.memory_space<hbm>>) target(%arg20 : memref<256x16xf32, #tpu.memory_space<vmem>>) offsets(%dma_start3A : memref<256xi32, #tpu.memory_space<vmem>>) semaphore(%arg23 : memref<!tpu.dma_semaphore, #tpu.memory_space<semaphore_mem>>)
      %dma_wait3A = tpu.memref_slice %arg18[%mul3A_258] : memref<12544xi32, #tpu.memory_space<vmem>> -> memref<256xi32, #tpu.memory_space<vmem>>
      %dma_wait3A_262 = arith.constant 0 : i32
      %dma_wait3A_263 = arith.constant 0 : i32
      %dma_wait3A_264 = tpu.memref_slice %arg2[%dma_wait3A_262, %dma_wait3A_263] : memref<400000x16xf32, #tpu.memory_space<hbm>> -> memref<400000x16xf32, #tpu.memory_space<hbm>>
      tpu.wait_indirect_dma semaphore(%arg23 : memref<!tpu.dma_semaphore, #tpu.memory_space<semaphore_mem>>) src(%dma_wait3A_264 : memref<400000x16xf32, #tpu.memory_space<hbm>>) dst(%arg20 : memref<256x16xf32, #tpu.memory_space<vmem>>)
      "tpu.region"() ({
        %run_scoped3A = tpu.sem_alloc : memref<!tpu.dma_semaphore, #tpu.memory_space<semaphore_mem>>
        %dma_start3A_271 = arith.constant 0 : i32
        %dma_start3A_272 = tpu.memref_slice %arg19[%scan3A_256, %dma_start3A_271] : memref<49x256xi32, #tpu.memory_space<vmem>> -> memref<1x256xi32, #tpu.memory_space<vmem>>
        %dma_start3A_273 = tpu.memref_squeeze %dma_start3A_272 : memref<1x256xi32, #tpu.memory_space<vmem>> -> memref<256xi32, #tpu.memory_space<vmem>>
        %dma_start3A_274 = arith.constant 0 : i32
        %dma_start3A_275 = arith.constant 0 : i32
        %dma_start3A_276 = tpu.memref_slice %arg21[%dma_start3A_274, %dma_start3A_275] : memref<50048x16xf32, #tpu.memory_space<vmem_shared>> -> memref<50048x16xf32, #tpu.memory_space<vmem_shared>>
        tpu.enqueue_indirect_dma source(%arg20 : memref<256x16xf32, #tpu.memory_space<vmem>>) target(%dma_start3A_276 : memref<50048x16xf32, #tpu.memory_space<vmem_shared>>) offsets(%dma_start3A_273 : memref<256xi32, #tpu.memory_space<vmem>>) semaphore(%run_scoped3A : memref<!tpu.dma_semaphore, #tpu.memory_space<semaphore_mem>>) {add = true}
        %dma_wait3A_277 = arith.constant 0 : i32
        %dma_wait3A_278 = tpu.memref_slice %arg19[%scan3A_256, %dma_wait3A_277] : memref<49x256xi32, #tpu.memory_space<vmem>> -> memref<1x256xi32, #tpu.memory_space<vmem>>
        %dma_wait3A_279 = tpu.memref_squeeze %dma_wait3A_278 : memref<1x256xi32, #tpu.memory_space<vmem>> -> memref<256xi32, #tpu.memory_space<vmem>>
        %dma_wait3A_280 = arith.constant 0 : i32
        %dma_wait3A_281 = arith.constant 0 : i32
        %dma_wait3A_282 = tpu.memref_slice %arg21[%dma_wait3A_280, %dma_wait3A_281] : memref<50048x16xf32, #tpu.memory_space<vmem_shared>> -> memref<50048x16xf32, #tpu.memory_space<vmem_shared>>
        tpu.wait_indirect_dma semaphore(%run_scoped3A : memref<!tpu.dma_semaphore, #tpu.memory_space<semaphore_mem>>) src(%arg20 : memref<256x16xf32, #tpu.memory_space<vmem>>) dst(%dma_wait3A_282 : memref<50048x16xf32, #tpu.memory_space<vmem_shared>>)
        tpu.yield
      }) : () -> ()
      %scan3A_265 = arith.constant 0 : i32
      %scan3A_266 = arith.constant 0 : i32
      %scan3A_267 = arith.constant 32 : i32
      %scan3A_268 = arith.addi %scan3A_266, %scan3A_267 : i32
      %scan3A_269 = arith.constant 1 : i32
      scf.for %scan3A_271 = %scan3A_266 to %scan3A_268 step %scan3A_269  : i32 {
        %mul3A_272 = arith.constant 8 : i32
        %mul3A_273 = arith.muli %scan3A_271, %mul3A_272 : i32
        %add3A_274 = arith.constant 0 : i32
        %add3A_275 = arith.addi %mul3A_273, %add3A_274 : i32
        %get3A = arith.index_cast %add3A_275 : i32 to index
        %get3A_276 = arith.constant 0 : index
        %get3A_277 = tpu.vector_load %arg20[%get3A, %get3A_276] {strides = array<i32>} : memref<256x16xf32, #tpu.memory_space<vmem>>, vector<1x16xf32>,
        %get3A_278 = vector.shape_cast %get3A_277 : vector<1x16xf32> to vector<16xf32>
        %max3A = arith.constant 0.000000e+00 : f32
        %max3A_279 = vector.broadcast %max3A : f32 to vector<16xf32>
        %max3A_280 = arith.maximumf %get3A_278, %max3A_279 : vector<16xf32>
        %mul3A_281 = arith.constant 8 : i32
        %mul3A_282 = arith.muli %scan3A_271, %mul3A_281 : i32
        %add3A_283 = arith.constant 0 : i32
        %add3A_284 = arith.addi %mul3A_282, %add3A_283 : i32
        %swap3A = arith.index_cast %add3A_284 : i32 to index
        %swap3A_285 = arith.constant 0 : index
        %swap3A_286 = tpu.vector_load %arg20[%swap3A, %swap3A_285] {strides = array<i32>} : memref<256x16xf32, #tpu.memory_space<vmem>>, vector<1x16xf32>,
        %swap3A_287 = vector.shape_cast %swap3A_286 : vector<1x16xf32> to vector<16xf32>
        %swap3A_288 = vector.shape_cast %max3A_280 : vector<16xf32> to vector<1x16xf32>
        tpu.vector_store %arg20[%swap3A, %swap3A_285], %swap3A_288 {strides = array<i32>} : memref<256x16xf32, #tpu.memory_space<vmem>>, vector<1x16xf32>,
        %mul3A_289 = arith.constant 8 : i32
        %mul3A_290 = arith.muli %scan3A_271, %mul3A_289 : i32
        %add3A_291 = arith.constant 1 : i32
        %add3A_292 = arith.addi %mul3A_290, %add3A_291 : i32
        %get3A_293 = arith.index_cast %add3A_292 : i32 to index
        %get3A_294 = arith.constant 0 : index
        %get3A_295 = tpu.vector_load %arg20[%get3A_293, %get3A_294] {strides = array<i32>} : memref<256x16xf32, #tpu.memory_space<vmem>>, vector<1x16xf32>,
        %get3A_296 = vector.shape_cast %get3A_295 : vector<1x16xf32> to vector<16xf32>
        %max3A_297 = arith.constant 0.000000e+00 : f32
        %max3A_298 = vector.broadcast %max3A_297 : f32 to vector<16xf32>
        %max3A_299 = arith.maximumf %get3A_296, %max3A_298 : vector<16xf32>
        %mul3A_300 = arith.constant 8 : i32
        %mul3A_301 = arith.muli %scan3A_271, %mul3A_300 : i32
        %add3A_302 = arith.constant 1 : i32
        %add3A_303 = arith.addi %mul3A_301, %add3A_302 : i32
        %swap3A_304 = arith.index_cast %add3A_303 : i32 to index
        %swap3A_305 = arith.constant 0 : index
        %swap3A_306 = tpu.vector_load %arg20[%swap3A_304, %swap3A_305] {strides = array<i32>} : memref<256x16xf32, #tpu.memory_space<vmem>>, vector<1x16xf32>,
        %swap3A_307 = vector.shape_cast %swap3A_306 : vector<1x16xf32> to vector<16xf32>
        %swap3A_308 = vector.shape_cast %max3A_299 : vector<16xf32> to vector<1x16xf32>
        tpu.vector_store %arg20[%swap3A_304, %swap3A_305], %swap3A_308 {strides = array<i32>} : memref<256x16xf32, #tpu.memory_space<vmem>>, vector<1x16xf32>,
        %mul3A_309 = arith.constant 8 : i32
        %mul3A_310 = arith.muli %scan3A_271, %mul3A_309 : i32
        %add3A_311 = arith.constant 2 : i32
        %add3A_312 = arith.addi %mul3A_310, %add3A_311 : i32
        %get3A_313 = arith.index_cast %add3A_312 : i32 to index
        %get3A_314 = arith.constant 0 : index
        %get3A_315 = tpu.vector_load %arg20[%get3A_313, %get3A_314] {strides = array<i32>} : memref<256x16xf32, #tpu.memory_space<vmem>>, vector<1x16xf32>,
        %get3A_316 = vector.shape_cast %get3A_315 : vector<1x16xf32> to vector<16xf32>
        %max3A_317 = arith.constant 0.000000e+00 : f32
        %max3A_318 = vector.broadcast %max3A_317 : f32 to vector<16xf32>
        %max3A_319 = arith.maximumf %get3A_316, %max3A_318 : vector<16xf32>
        %mul3A_320 = arith.constant 8 : i32
        %mul3A_321 = arith.muli %scan3A_271, %mul3A_320 : i32
        %add3A_322 = arith.constant 2 : i32
        %add3A_323 = arith.addi %mul3A_321, %add3A_322 : i32
        %swap3A_324 = arith.index_cast %add3A_323 : i32 to index
        %swap3A_325 = arith.constant 0 : index
        %swap3A_326 = tpu.vector_load %arg20[%swap3A_324, %swap3A_325] {strides = array<i32>} : memref<256x16xf32, #tpu.memory_space<vmem>>, vector<1x16xf32>,
        %swap3A_327 = vector.shape_cast %swap3A_326 : vector<1x16xf32> to vector<16xf32>
        %swap3A_328 = vector.shape_cast %max3A_319 : vector<16xf32> to vector<1x16xf32>
        tpu.vector_store %arg20[%swap3A_324, %swap3A_325], %swap3A_328 {strides = array<i32>} : memref<256x16xf32, #tpu.memory_space<vmem>>, vector<1x16xf32>,
        %mul3A_329 = arith.constant 8 : i32
        %mul3A_330 = arith.muli %scan3A_271, %mul3A_329 : i32
        %add3A_331 = arith.constant 3 : i32
        %add3A_332 = arith.addi %mul3A_330, %add3A_331 : i32
        %get3A_333 = arith.index_cast %add3A_332 : i32 to index
        %get3A_334 = arith.constant 0 : index
        %get3A_335 = tpu.vector_load %arg20[%get3A_333, %get3A_334] {strides = array<i32>} : memref<256x16xf32, #tpu.memory_space<vmem>>, vector<1x16xf32>,
        %get3A_336 = vector.shape_cast %get3A_335 : vector<1x16xf32> to vector<16xf32>
        %max3A_337 = arith.constant 0.000000e+00 : f32
        %max3A_338 = vector.broadcast %max3A_337 : f32 to vector<16xf32>
        %max3A_339 = arith.maximumf %get3A_336, %max3A_338 : vector<16xf32>
        %mul3A_340 = arith.constant 8 : i32
        %mul3A_341 = arith.muli %scan3A_271, %mul3A_340 : i32
        %add3A_342 = arith.constant 3 : i32
        %add3A_343 = arith.addi %mul3A_341, %add3A_342 : i32
        %swap3A_344 = arith.index_cast %add3A_343 : i32 to index
        %swap3A_345 = arith.constant 0 : index
        %swap3A_346 = tpu.vector_load %arg20[%swap3A_344, %swap3A_345] {strides = array<i32>} : memref<256x16xf32, #tpu.memory_space<vmem>>, vector<1x16xf32>,
        %swap3A_347 = vector.shape_cast %swap3A_346 : vector<1x16xf32> to vector<16xf32>
        %swap3A_348 = vector.shape_cast %max3A_339 : vector<16xf32> to vector<1x16xf32>
        tpu.vector_store %arg20[%swap3A_344, %swap3A_345], %swap3A_348 {strides = array<i32>} : memref<256x16xf32, #tpu.memory_space<vmem>>, vector<1x16xf32>,
        %mul3A_349 = arith.constant 8 : i32
        %mul3A_350 = arith.muli %scan3A_271, %mul3A_349 : i32
        %add3A_351 = arith.constant 4 : i32
        %add3A_352 = arith.addi %mul3A_350, %add3A_351 : i32
        %get3A_353 = arith.index_cast %add3A_352 : i32 to index
        %get3A_354 = arith.constant 0 : index
        %get3A_355 = tpu.vector_load %arg20[%get3A_353, %get3A_354] {strides = array<i32>} : memref<256x16xf32, #tpu.memory_space<vmem>>, vector<1x16xf32>,
        %get3A_356 = vector.shape_cast %get3A_355 : vector<1x16xf32> to vector<16xf32>
        %max3A_357 = arith.constant 0.000000e+00 : f32
        %max3A_358 = vector.broadcast %max3A_357 : f32 to vector<16xf32>
        %max3A_359 = arith.maximumf %get3A_356, %max3A_358 : vector<16xf32>
        %mul3A_360 = arith.constant 8 : i32
        %mul3A_361 = arith.muli %scan3A_271, %mul3A_360 : i32
        %add3A_362 = arith.constant 4 : i32
        %add3A_363 = arith.addi %mul3A_361, %add3A_362 : i32
        %swap3A_364 = arith.index_cast %add3A_363 : i32 to index
        %swap3A_365 = arith.constant 0 : index
        %swap3A_366 = tpu.vector_load %arg20[%swap3A_364, %swap3A_365] {strides = array<i32>} : memref<256x16xf32, #tpu.memory_space<vmem>>, vector<1x16xf32>,
        %swap3A_367 = vector.shape_cast %swap3A_366 : vector<1x16xf32> to vector<16xf32>
        %swap3A_368 = vector.shape_cast %max3A_359 : vector<16xf32> to vector<1x16xf32>
        tpu.vector_store %arg20[%swap3A_364, %swap3A_365], %swap3A_368 {strides = array<i32>} : memref<256x16xf32, #tpu.memory_space<vmem>>, vector<1x16xf32>,
        %mul3A_369 = arith.constant 8 : i32
        %mul3A_370 = arith.muli %scan3A_271, %mul3A_369 : i32
        %add3A_371 = arith.constant 5 : i32
        %add3A_372 = arith.addi %mul3A_370, %add3A_371 : i32
        %get3A_373 = arith.index_cast %add3A_372 : i32 to index
        %get3A_374 = arith.constant 0 : index
        %get3A_375 = tpu.vector_load %arg20[%get3A_373, %get3A_374] {strides = array<i32>} : memref<256x16xf32, #tpu.memory_space<vmem>>, vector<1x16xf32>,
        %get3A_376 = vector.shape_cast %get3A_375 : vector<1x16xf32> to vector<16xf32>
        %max3A_377 = arith.constant 0.000000e+00 : f32
        %max3A_378 = vector.broadcast %max3A_377 : f32 to vector<16xf32>
        %max3A_379 = arith.maximumf %get3A_376, %max3A_378 : vector<16xf32>
        %mul3A_380 = arith.constant 8 : i32
        %mul3A_381 = arith.muli %scan3A_271, %mul3A_380 : i32
        %add3A_382 = arith.constant 5 : i32
        %add3A_383 = arith.addi %mul3A_381, %add3A_382 : i32
        %swap3A_384 = arith.index_cast %add3A_383 : i32 to index
        %swap3A_385 = arith.constant 0 : index
        %swap3A_386 = tpu.vector_load %arg20[%swap3A_384, %swap3A_385] {strides = array<i32>} : memref<256x16xf32, #tpu.memory_space<vmem>>, vector<1x16xf32>,
        %swap3A_387 = vector.shape_cast %swap3A_386 : vector<1x16xf32> to vector<16xf32>
        %swap3A_388 = vector.shape_cast %max3A_379 : vector<16xf32> to vector<1x16xf32>
        tpu.vector_store %arg20[%swap3A_384, %swap3A_385], %swap3A_388 {strides = array<i32>} : memref<256x16xf32, #tpu.memory_space<vmem>>, vector<1x16xf32>,
        %mul3A_389 = arith.constant 8 : i32
        %mul3A_390 = arith.muli %scan3A_271, %mul3A_389 : i32
        %add3A_391 = arith.constant 6 : i32
        %add3A_392 = arith.addi %mul3A_390, %add3A_391 : i32
        %get3A_393 = arith.index_cast %add3A_392 : i32 to index
        %get3A_394 = arith.constant 0 : index
        %get3A_395 = tpu.vector_load %arg20[%get3A_393, %get3A_394] {strides = array<i32>} : memref<256x16xf32, #tpu.memory_space<vmem>>, vector<1x16xf32>,
        %get3A_396 = vector.shape_cast %get3A_395 : vector<1x16xf32> to vector<16xf32>
        %max3A_397 = arith.constant 0.000000e+00 : f32
        %max3A_398 = vector.broadcast %max3A_397 : f32 to vector<16xf32>
        %max3A_399 = arith.maximumf %get3A_396, %max3A_398 : vector<16xf32>
        %mul3A_400 = arith.constant 8 : i32
        %mul3A_401 = arith.muli %scan3A_271, %mul3A_400 : i32
        %add3A_402 = arith.constant 6 : i32
        %add3A_403 = arith.addi %mul3A_401, %add3A_402 : i32
        %swap3A_404 = arith.index_cast %add3A_403 : i32 to index
        %swap3A_405 = arith.constant 0 : index
        %swap3A_406 = tpu.vector_load %arg20[%swap3A_404, %swap3A_405] {strides = array<i32>} : memref<256x16xf32, #tpu.memory_space<vmem>>, vector<1x16xf32>,
        %swap3A_407 = vector.shape_cast %swap3A_406 : vector<1x16xf32> to vector<16xf32>
        %swap3A_408 = vector.shape_cast %max3A_399 : vector<16xf32> to vector<1x16xf32>
        tpu.vector_store %arg20[%swap3A_404, %swap3A_405], %swap3A_408 {strides = array<i32>} : memref<256x16xf32, #tpu.memory_space<vmem>>, vector<1x16xf32>,
        %mul3A_409 = arith.constant 8 : i32
        %mul3A_410 = arith.muli %scan3A_271, %mul3A_409 : i32
        %add3A_411 = arith.constant 7 : i32
        %add3A_412 = arith.addi %mul3A_410, %add3A_411 : i32
        %get3A_413 = arith.index_cast %add3A_412 : i32 to index
        %get3A_414 = arith.constant 0 : index
        %get3A_415 = tpu.vector_load %arg20[%get3A_413, %get3A_414] {strides = array<i32>} : memref<256x16xf32, #tpu.memory_space<vmem>>, vector<1x16xf32>,
        %get3A_416 = vector.shape_cast %get3A_415 : vector<1x16xf32> to vector<16xf32>
        %max3A_417 = arith.constant 0.000000e+00 : f32
        %max3A_418 = vector.broadcast %max3A_417 : f32 to vector<16xf32>
        %max3A_419 = arith.maximumf %get3A_416, %max3A_418 : vector<16xf32>
        %mul3A_420 = arith.constant 8 : i32
        %mul3A_421 = arith.muli %scan3A_271, %mul3A_420 : i32
        %add3A_422 = arith.constant 7 : i32
        %add3A_423 = arith.addi %mul3A_421, %add3A_422 : i32
        %swap3A_424 = arith.index_cast %add3A_423 : i32 to index
        %swap3A_425 = arith.constant 0 : index
        %swap3A_426 = tpu.vector_load %arg20[%swap3A_424, %swap3A_425] {strides = array<i32>} : memref<256x16xf32, #tpu.memory_space<vmem>>, vector<1x16xf32>,
        %swap3A_427 = vector.shape_cast %swap3A_426 : vector<1x16xf32> to vector<16xf32>
        %swap3A_428 = vector.shape_cast %max3A_419 : vector<16xf32> to vector<1x16xf32>
        tpu.vector_store %arg20[%swap3A_424, %swap3A_425], %swap3A_428 {strides = array<i32>} : memref<256x16xf32, #tpu.memory_space<vmem>>, vector<1x16xf32>,
      }
      %scan3A_270 = arith.constant 32 : i32
      "tpu.region"() ({
        %run_scoped3A = tpu.sem_alloc : memref<!tpu.dma_semaphore, #tpu.memory_space<semaphore_mem>>
        %dma_start3A_271 = arith.constant 0 : i32
        %dma_start3A_272 = tpu.memref_slice %arg19[%scan3A_256, %dma_start3A_271] : memref<49x256xi32, #tpu.memory_space<vmem>> -> memref<1x256xi32, #tpu.memory_space<vmem>>
        %dma_start3A_273 = tpu.memref_squeeze %dma_start3A_272 : memref<1x256xi32, #tpu.memory_space<vmem>> -> memref<256xi32, #tpu.memory_space<vmem>>
        %dma_start3A_274 = arith.constant 0 : i32
        %dma_start3A_275 = arith.constant 0 : i32
        %dma_start3A_276 = tpu.memref_slice %arg22[%dma_start3A_274, %dma_start3A_275] : memref<50048x16xf32, #tpu.memory_space<vmem_shared>> -> memref<50048x16xf32, #tpu.memory_space<vmem_shared>>
        tpu.enqueue_indirect_dma source(%arg20 : memref<256x16xf32, #tpu.memory_space<vmem>>) target(%dma_start3A_276 : memref<50048x16xf32, #tpu.memory_space<vmem_shared>>) offsets(%dma_start3A_273 : memref<256xi32, #tpu.memory_space<vmem>>) semaphore(%run_scoped3A : memref<!tpu.dma_semaphore, #tpu.memory_space<semaphore_mem>>) {add = true}
        %dma_wait3A_277 = arith.constant 0 : i32
        %dma_wait3A_278 = tpu.memref_slice %arg19[%scan3A_256, %dma_wait3A_277] : memref<49x256xi32, #tpu.memory_space<vmem>> -> memref<1x256xi32, #tpu.memory_space<vmem>>
        %dma_wait3A_279 = tpu.memref_squeeze %dma_wait3A_278 : memref<1x256xi32, #tpu.memory_space<vmem>> -> memref<256xi32, #tpu.memory_space<vmem>>
        %dma_wait3A_280 = arith.constant 0 : i32
        %dma_wait3A_281 = arith.constant 0 : i32
        %dma_wait3A_282 = tpu.memref_slice %arg22[%dma_wait3A_280, %dma_wait3A_281] : memref<50048x16xf32, #tpu.memory_space<vmem_shared>> -> memref<50048x16xf32, #tpu.memory_space<vmem_shared>>
        tpu.wait_indirect_dma semaphore(%run_scoped3A : memref<!tpu.dma_semaphore, #tpu.memory_space<semaphore_mem>>) src(%arg20 : memref<256x16xf32, #tpu.memory_space<vmem>>) dst(%dma_wait3A_282 : memref<50048x16xf32, #tpu.memory_space<vmem_shared>>)
        tpu.yield
      }) : () -> ()
    }
    %scan3A_13 = arith.constant 49 : i32
    %barrier3A_14 = arith.constant 0 : index
    tpu.barrier barrier_id(%barrier3A_14)
    %mul3A_15 = arith.constant 4 : i32
    %mul3A_16 = arith.muli %arg0, %mul3A_15 : i32
    %add3A = arith.constant 0 : i32
    %add3A_17 = arith.addi %mul3A_16, %add3A : i32
    %mul3A_18 = arith.constant 16 : i32
    %mul3A_19 = arith.muli %add3A_17, %mul3A_18 : i32
    "tpu.region"() ({
      %run_scoped3A = tpu.sem_alloc : memref<!tpu.dma_semaphore, #tpu.memory_space<semaphore_mem>>
      %dma_start3A = tpu.memref_slice %arg12[%mul3A_0, %mul3A_19] : memref<50048x128xf32, #tpu.memory_space<hbm>> -> memref<3128x16xf32, #tpu.memory_space<hbm>>
      %dma_start3A_256 = arith.constant 0 : i32
      %dma_start3A_257 = tpu.memref_slice %arg21[%mul3A_0, %dma_start3A_256] : memref<50048x16xf32, #tpu.memory_space<vmem_shared>> -> memref<3128x16xf32, #tpu.memory_space<vmem_shared>>
      tpu.enqueue_dma source(%dma_start3A_257 : memref<3128x16xf32, #tpu.memory_space<vmem_shared>>) target(%dma_start3A : memref<3128x16xf32, #tpu.memory_space<hbm>>) target_semaphore(%run_scoped3A : memref<!tpu.dma_semaphore, #tpu.memory_space<semaphore_mem>>)
      %dma_wait3A = tpu.memref_slice %arg12[%mul3A_0, %mul3A_19] : memref<50048x128xf32, #tpu.memory_space<hbm>> -> memref<3128x16xf32, #tpu.memory_space<hbm>>
      %dma_wait3A_258 = arith.constant 0 : i32
      %dma_wait3A_259 = tpu.memref_slice %arg21[%mul3A_0, %dma_wait3A_258] : memref<50048x16xf32, #tpu.memory_space<vmem_shared>> -> memref<3128x16xf32, #tpu.memory_space<vmem_shared>>
      tpu.wait_dma2 semaphore(%run_scoped3A : memref<!tpu.dma_semaphore, #tpu.memory_space<semaphore_mem>>) src(%dma_wait3A_259 : memref<3128x16xf32, #tpu.memory_space<vmem_shared>>) dst(%dma_wait3A : memref<3128x16xf32, #tpu.memory_space<hbm>>)
      tpu.yield
    }) : () -> ()
    "tpu.region"() ({
      %run_scoped3A = tpu.sem_alloc : memref<!tpu.dma_semaphore, #tpu.memory_space<semaphore_mem>>
      %dma_start3A = tpu.memref_slice %arg13[%mul3A_0, %mul3A_19] : memref<50048x128xf32, #tpu.memory_space<hbm>> -> memref<3128x16xf32, #tpu.memory_space<hbm>>
      %dma_start3A_256 = arith.constant 0 : i32
      %dma_start3A_257 = tpu.memref_slice %arg22[%mul3A_0, %dma_start3A_256] : memref<50048x16xf32, #tpu.memory_space<vmem_shared>> -> memref<3128x16xf32, #tpu.memory_space<vmem_shared>>
      tpu.enqueue_dma source(%dma_start3A_257 : memref<3128x16xf32, #tpu.memory_space<vmem_shared>>) target(%dma_start3A : memref<3128x16xf32, #tpu.memory_space<hbm>>) target_semaphore(%run_scoped3A : memref<!tpu.dma_semaphore, #tpu.memory_space<semaphore_mem>>)
      %dma_wait3A = tpu.memref_slice %arg13[%mul3A_0, %mul3A_19] : memref<50048x128xf32, #tpu.memory_space<hbm>> -> memref<3128x16xf32, #tpu.memory_space<hbm>>
      %dma_wait3A_258 = arith.constant 0 : i32
      %dma_wait3A_259 = tpu.memref_slice %arg22[%mul3A_0, %dma_wait3A_258] : memref<50048x16xf32, #tpu.memory_space<vmem_shared>> -> memref<3128x16xf32, #tpu.memory_space<vmem_shared>>
      tpu.wait_dma2 semaphore(%run_scoped3A : memref<!tpu.dma_semaphore, #tpu.memory_space<semaphore_mem>>) src(%dma_wait3A_259 : memref<3128x16xf32, #tpu.memory_space<vmem_shared>>) dst(%dma_wait3A : memref<3128x16xf32, #tpu.memory_space<hbm>>)
      tpu.yield
    }) : () -> ()
    %barrier3A_20 = arith.constant 0 : index
    tpu.barrier barrier_id(%barrier3A_20)
    %scan3A_21 = arith.constant 0 : i32
    %scan3A_22 = arith.constant 0 : i32
    %scan3A_23 = arith.constant 784 : i32
    %scan3A_24 = arith.addi %scan3A_22, %scan3A_23 : i32
    %scan3A_25 = arith.constant 1 : i32
    scf.for %scan3A_256 = %scan3A_22 to %scan3A_24 step %scan3A_25  : i32 {
      %mul3A_257 = arith.constant 16 : i32
      %mul3A_258 = arith.muli %scan3A_256, %mul3A_257 : i32
      %get3A = arith.index_cast %mul3A_258 : i32 to index
      %get3A_259 = tpu.vector_load %arg18[%get3A] {strides = array<i32>} : memref<12544xi32, #tpu.memory_space<vmem>>, vector<16xi32>,
      %get3A_260 = vector.shape_cast %get3A_259 : vector<16xi32> to vector<16xi32>
      %add3A_261 = arith.constant 1 : i32
      %add3A_262 = vector.broadcast %add3A_261 : i32 to vector<16xi32>
      %add3A_263 = arith.addi %get3A_260, %add3A_262 : vector<16xi32>
      %swap3A = arith.index_cast %mul3A_258 : i32 to index
      %swap3A_264 = tpu.vector_load %arg18[%swap3A] {strides = array<i32>} : memref<12544xi32, #tpu.memory_space<vmem>>, vector<16xi32>,
      %swap3A_265 = vector.shape_cast %swap3A_264 : vector<16xi32> to vector<16xi32>
      %swap3A_266 = vector.shape_cast %add3A_263 : vector<16xi32> to vector<16xi32>
      tpu.vector_store %arg18[%swap3A], %swap3A_266 {strides = array<i32>} : memref<12544xi32, #tpu.memory_space<vmem>>, vector<16xi32>,
    }
    %scan3A_26 = arith.constant 784 : i32
    "tpu.region"() ({
      %run_scoped3A = tpu.sem_alloc : memref<!tpu.dma_semaphore, #tpu.memory_space<semaphore_mem>>
      %dma_start3A = arith.constant 0 : i32
      %dma_start3A_256 = tpu.memref_slice %arg21[%mul3A_0, %dma_start3A] : memref<50048x16xf32, #tpu.memory_space<vmem_shared>> -> memref<3128x16xf32, #tpu.memory_space<vmem_shared>>
      tpu.enqueue_dma source(%arg11 : memref<3128x16xf32, #tpu.memory_space<hbm>>) target(%dma_start3A_256 : memref<3128x16xf32, #tpu.memory_space<vmem_shared>>) target_semaphore(%run_scoped3A : memref<!tpu.dma_semaphore, #tpu.memory_space<semaphore_mem>>)
      %dma_wait3A = arith.constant 0 : i32
      %dma_wait3A_257 = tpu.memref_slice %arg21[%mul3A_0, %dma_wait3A] : memref<50048x16xf32, #tpu.memory_space<vmem_shared>> -> memref<3128x16xf32, #tpu.memory_space<vmem_shared>>
      tpu.wait_dma2 semaphore(%run_scoped3A : memref<!tpu.dma_semaphore, #tpu.memory_space<semaphore_mem>>) src(%arg11 : memref<3128x16xf32, #tpu.memory_space<hbm>>) dst(%dma_wait3A_257 : memref<3128x16xf32, #tpu.memory_space<vmem_shared>>)
      tpu.yield
    }) : () -> ()
    "tpu.region"() ({
      %run_scoped3A = tpu.sem_alloc : memref<!tpu.dma_semaphore, #tpu.memory_space<semaphore_mem>>
      %dma_start3A = arith.constant 0 : i32
      %dma_start3A_256 = tpu.memref_slice %arg22[%mul3A_0, %dma_start3A] : memref<50048x16xf32, #tpu.memory_space<vmem_shared>> -> memref<3128x16xf32, #tpu.memory_space<vmem_shared>>
      tpu.enqueue_dma source(%arg11 : memref<3128x16xf32, #tpu.memory_space<hbm>>) target(%dma_start3A_256 : memref<3128x16xf32, #tpu.memory_space<vmem_shared>>) target_semaphore(%run_scoped3A : memref<!tpu.dma_semaphore, #tpu.memory_space<semaphore_mem>>)
      %dma_wait3A = arith.constant 0 : i32
      %dma_wait3A_257 = tpu.memref_slice %arg22[%mul3A_0, %dma_wait3A] : memref<50048x16xf32, #tpu.memory_space<vmem_shared>> -> memref<3128x16xf32, #tpu.memory_space<vmem_shared>>
      tpu.wait_dma2 semaphore(%run_scoped3A : memref<!tpu.dma_semaphore, #tpu.memory_space<semaphore_mem>>) src(%arg11 : memref<3128x16xf32, #tpu.memory_space<hbm>>) dst(%dma_wait3A_257 : memref<3128x16xf32, #tpu.memory_space<vmem_shared>>)
      tpu.yield
    }) : () -> ()
    %barrier3A_27 = arith.constant 0 : index
    tpu.barrier barrier_id(%barrier3A_27)
    %scan3A_28 = arith.constant 0 : i32
    %scan3A_29 = arith.constant 0 : i32
    %scan3A_30 = arith.constant 49 : i32
    %scan3A_31 = arith.addi %scan3A_29, %scan3A_30 : i32
    %scan3A_32 = arith.constant 1 : i32
    scf.for %scan3A_256 = %scan3A_29 to %scan3A_31 step %scan3A_32  : i32 {
      %mul3A_257 = arith.constant 256 : i32
      %mul3A_258 = arith.muli %scan3A_256, %mul3A_257 : i32
      %dma_start3A = tpu.memref_slice %arg18[%mul3A_258] : memref<12544xi32, #tpu.memory_space<vmem>> -> memref<256xi32, #tpu.memory_space<vmem>>
      %dma_start3A_259 = arith.constant 0 : i32
      %dma_start3A_260 = arith.constant 0 : i32
      %dma_start3A_261 = tpu.memref_slice %arg2[%dma_start3A_259, %dma_start3A_260] : memref<400000x16xf32, #tpu.memory_space<hbm>> -> memref<400000x16xf32, #tpu.memory_space<hbm>>
      tpu.enqueue_indirect_dma source(%dma_start3A_261 : memref<400000x16xf32, #tpu.memory_space<hbm>>) target(%arg20 : memref<256x16xf32, #tpu.memory_space<vmem>>) offsets(%dma_start3A : memref<256xi32, #tpu.memory_space<vmem>>) semaphore(%arg23 : memref<!tpu.dma_semaphore, #tpu.memory_space<semaphore_mem>>)
      %dma_wait3A = tpu.memref_slice %arg18[%mul3A_258] : memref<12544xi32, #tpu.memory_space<vmem>> -> memref<256xi32, #tpu.memory_space<vmem>>
      %dma_wait3A_262 = arith.constant 0 : i32
      %dma_wait3A_263 = arith.constant 0 : i32
      %dma_wait3A_264 = tpu.memref_slice %arg2[%dma_wait3A_262, %dma_wait3A_263] : memref<400000x16xf32, #tpu.memory_space<hbm>> -> memref<400000x16xf32, #tpu.memory_space<hbm>>
      tpu.wait_indirect_dma semaphore(%arg23 : memref<!tpu.dma_semaphore, #tpu.memory_space<semaphore_mem>>) src(%dma_wait3A_264 : memref<400000x16xf32, #tpu.memory_space<hbm>>) dst(%arg20 : memref<256x16xf32, #tpu.memory_space<vmem>>)
      "tpu.region"() ({
        %run_scoped3A = tpu.sem_alloc : memref<!tpu.dma_semaphore, #tpu.memory_space<semaphore_mem>>
        %dma_start3A_271 = arith.constant 0 : i32
        %dma_start3A_272 = tpu.memref_slice %arg19[%scan3A_256, %dma_start3A_271] : memref<49x256xi32, #tpu.memory_space<vmem>> -> memref<1x256xi32, #tpu.memory_space<vmem>>
        %dma_start3A_273 = tpu.memref_squeeze %dma_start3A_272 : memref<1x256xi32, #tpu.memory_space<vmem>> -> memref<256xi32, #tpu.memory_space<vmem>>
        %dma_start3A_274 = arith.constant 0 : i32
        %dma_start3A_275 = arith.constant 0 : i32
        %dma_start3A_276 = tpu.memref_slice %arg21[%dma_start3A_274, %dma_start3A_275] : memref<50048x16xf32, #tpu.memory_space<vmem_shared>> -> memref<50048x16xf32, #tpu.memory_space<vmem_shared>>
        tpu.enqueue_indirect_dma source(%arg20 : memref<256x16xf32, #tpu.memory_space<vmem>>) target(%dma_start3A_276 : memref<50048x16xf32, #tpu.memory_space<vmem_shared>>) offsets(%dma_start3A_273 : memref<256xi32, #tpu.memory_space<vmem>>) semaphore(%run_scoped3A : memref<!tpu.dma_semaphore, #tpu.memory_space<semaphore_mem>>) {add = true}
        %dma_wait3A_277 = arith.constant 0 : i32
        %dma_wait3A_278 = tpu.memref_slice %arg19[%scan3A_256, %dma_wait3A_277] : memref<49x256xi32, #tpu.memory_space<vmem>> -> memref<1x256xi32, #tpu.memory_space<vmem>>
        %dma_wait3A_279 = tpu.memref_squeeze %dma_wait3A_278 : memref<1x256xi32, #tpu.memory_space<vmem>> -> memref<256xi32, #tpu.memory_space<vmem>>
        %dma_wait3A_280 = arith.constant 0 : i32
        %dma_wait3A_281 = arith.constant 0 : i32
        %dma_wait3A_282 = tpu.memref_slice %arg21[%dma_wait3A_280, %dma_wait3A_281] : memref<50048x16xf32, #tpu.memory_space<vmem_shared>> -> memref<50048x16xf32, #tpu.memory_space<vmem_shared>>
        tpu.wait_indirect_dma semaphore(%run_scoped3A : memref<!tpu.dma_semaphore, #tpu.memory_space<semaphore_mem>>) src(%arg20 : memref<256x16xf32, #tpu.memory_space<vmem>>) dst(%dma_wait3A_282 : memref<50048x16xf32, #tpu.memory_space<vmem_shared>>)
        tpu.yield
      }) : () -> ()
      %scan3A_265 = arith.constant 0 : i32
      %scan3A_266 = arith.constant 0 : i32
      %scan3A_267 = arith.constant 32 : i32
      %scan3A_268 = arith.addi %scan3A_266, %scan3A_267 : i32
      %scan3A_269 = arith.constant 1 : i32
      scf.for %scan3A_271 = %scan3A_266 to %scan3A_268 step %scan3A_269  : i32 {
        %mul3A_272 = arith.constant 8 : i32
        %mul3A_273 = arith.muli %scan3A_271, %mul3A_272 : i32
        %add3A_274 = arith.constant 0 : i32
        %add3A_275 = arith.addi %mul3A_273, %add3A_274 : i32
        %get3A = arith.index_cast %add3A_275 : i32 to index
        %get3A_276 = arith.constant 0 : index
        %get3A_277 = tpu.vector_load %arg20[%get3A, %get3A_276] {strides = array<i32>} : memref<256x16xf32, #tpu.memory_space<vmem>>, vector<1x16xf32>,
        %get3A_278 = vector.shape_cast %get3A_277 : vector<1x16xf32> to vector<16xf32>
        %max3A = arith.constant 0.000000e+00 : f32
        %max3A_279 = vector.broadcast %max3A : f32 to vector<16xf32>
        %max3A_280 = arith.maximumf %get3A_278, %max3A_279 : vector<16xf32>
        %mul3A_281 = arith.constant 8 : i32
        %mul3A_282 = arith.muli %scan3A_271, %mul3A_281 : i32
        %add3A_283 = arith.constant 0 : i32
        %add3A_284 = arith.addi %mul3A_282, %add3A_283 : i32
        %swap3A = arith.index_cast %add3A_284 : i32 to index
        %swap3A_285 = arith.constant 0 : index
        %swap3A_286 = tpu.vector_load %arg20[%swap3A, %swap3A_285] {strides = array<i32>} : memref<256x16xf32, #tpu.memory_space<vmem>>, vector<1x16xf32>,
        %swap3A_287 = vector.shape_cast %swap3A_286 : vector<1x16xf32> to vector<16xf32>
        %swap3A_288 = vector.shape_cast %max3A_280 : vector<16xf32> to vector<1x16xf32>
        tpu.vector_store %arg20[%swap3A, %swap3A_285], %swap3A_288 {strides = array<i32>} : memref<256x16xf32, #tpu.memory_space<vmem>>, vector<1x16xf32>,
        %mul3A_289 = arith.constant 8 : i32
        %mul3A_290 = arith.muli %scan3A_271, %mul3A_289 : i32
        %add3A_291 = arith.constant 1 : i32
        %add3A_292 = arith.addi %mul3A_290, %add3A_291 : i32
        %get3A_293 = arith.index_cast %add3A_292 : i32 to index
        %get3A_294 = arith.constant 0 : index
        %get3A_295 = tpu.vector_load %arg20[%get3A_293, %get3A_294] {strides = array<i32>} : memref<256x16xf32, #tpu.memory_space<vmem>>, vector<1x16xf32>,
        %get3A_296 = vector.shape_cast %get3A_295 : vector<1x16xf32> to vector<16xf32>
        %max3A_297 = arith.constant 0.000000e+00 : f32
        %max3A_298 = vector.broadcast %max3A_297 : f32 to vector<16xf32>
        %max3A_299 = arith.maximumf %get3A_296, %max3A_298 : vector<16xf32>
        %mul3A_300 = arith.constant 8 : i32
        %mul3A_301 = arith.muli %scan3A_271, %mul3A_300 : i32
        %add3A_302 = arith.constant 1 : i32
        %add3A_303 = arith.addi %mul3A_301, %add3A_302 : i32
        %swap3A_304 = arith.index_cast %add3A_303 : i32 to index
        %swap3A_305 = arith.constant 0 : index
        %swap3A_306 = tpu.vector_load %arg20[%swap3A_304, %swap3A_305] {strides = array<i32>} : memref<256x16xf32, #tpu.memory_space<vmem>>, vector<1x16xf32>,
        %swap3A_307 = vector.shape_cast %swap3A_306 : vector<1x16xf32> to vector<16xf32>
        %swap3A_308 = vector.shape_cast %max3A_299 : vector<16xf32> to vector<1x16xf32>
        tpu.vector_store %arg20[%swap3A_304, %swap3A_305], %swap3A_308 {strides = array<i32>} : memref<256x16xf32, #tpu.memory_space<vmem>>, vector<1x16xf32>,
        %mul3A_309 = arith.constant 8 : i32
        %mul3A_310 = arith.muli %scan3A_271, %mul3A_309 : i32
        %add3A_311 = arith.constant 2 : i32
        %add3A_312 = arith.addi %mul3A_310, %add3A_311 : i32
        %get3A_313 = arith.index_cast %add3A_312 : i32 to index
        %get3A_314 = arith.constant 0 : index
        %get3A_315 = tpu.vector_load %arg20[%get3A_313, %get3A_314] {strides = array<i32>} : memref<256x16xf32, #tpu.memory_space<vmem>>, vector<1x16xf32>,
        %get3A_316 = vector.shape_cast %get3A_315 : vector<1x16xf32> to vector<16xf32>
        %max3A_317 = arith.constant 0.000000e+00 : f32
        %max3A_318 = vector.broadcast %max3A_317 : f32 to vector<16xf32>
        %max3A_319 = arith.maximumf %get3A_316, %max3A_318 : vector<16xf32>
        %mul3A_320 = arith.constant 8 : i32
        %mul3A_321 = arith.muli %scan3A_271, %mul3A_320 : i32
        %add3A_322 = arith.constant 2 : i32
        %add3A_323 = arith.addi %mul3A_321, %add3A_322 : i32
        %swap3A_324 = arith.index_cast %add3A_323 : i32 to index
        %swap3A_325 = arith.constant 0 : index
        %swap3A_326 = tpu.vector_load %arg20[%swap3A_324, %swap3A_325] {strides = array<i32>} : memref<256x16xf32, #tpu.memory_space<vmem>>, vector<1x16xf32>,
        %swap3A_327 = vector.shape_cast %swap3A_326 : vector<1x16xf32> to vector<16xf32>
        %swap3A_328 = vector.shape_cast %max3A_319 : vector<16xf32> to vector<1x16xf32>
        tpu.vector_store %arg20[%swap3A_324, %swap3A_325], %swap3A_328 {strides = array<i32>} : memref<256x16xf32, #tpu.memory_space<vmem>>, vector<1x16xf32>,
        %mul3A_329 = arith.constant 8 : i32
        %mul3A_330 = arith.muli %scan3A_271, %mul3A_329 : i32
        %add3A_331 = arith.constant 3 : i32
        %add3A_332 = arith.addi %mul3A_330, %add3A_331 : i32
        %get3A_333 = arith.index_cast %add3A_332 : i32 to index
        %get3A_334 = arith.constant 0 : index
        %get3A_335 = tpu.vector_load %arg20[%get3A_333, %get3A_334] {strides = array<i32>} : memref<256x16xf32, #tpu.memory_space<vmem>>, vector<1x16xf32>,
        %get3A_336 = vector.shape_cast %get3A_335 : vector<1x16xf32> to vector<16xf32>
        %max3A_337 = arith.constant 0.000000e+00 : f32
        %max3A_338 = vector.broadcast %max3A_337 : f32 to vector<16xf32>
        %max3A_339 = arith.maximumf %get3A_336, %max3A_338 : vector<16xf32>
        %mul3A_340 = arith.constant 8 : i32
        %mul3A_341 = arith.muli %scan3A_271, %mul3A_340 : i32
        %add3A_342 = arith.constant 3 : i32
        %add3A_343 = arith.addi %mul3A_341, %add3A_342 : i32
        %swap3A_344 = arith.index_cast %add3A_343 : i32 to index
        %swap3A_345 = arith.constant 0 : index
        %swap3A_346 = tpu.vector_load %arg20[%swap3A_344, %swap3A_345] {strides = array<i32>} : memref<256x16xf32, #tpu.memory_space<vmem>>, vector<1x16xf32>,
        %swap3A_347 = vector.shape_cast %swap3A_346 : vector<1x16xf32> to vector<16xf32>
        %swap3A_348 = vector.shape_cast %max3A_339 : vector<16xf32> to vector<1x16xf32>
        tpu.vector_store %arg20[%swap3A_344, %swap3A_345], %swap3A_348 {strides = array<i32>} : memref<256x16xf32, #tpu.memory_space<vmem>>, vector<1x16xf32>,
        %mul3A_349 = arith.constant 8 : i32
        %mul3A_350 = arith.muli %scan3A_271, %mul3A_349 : i32
        %add3A_351 = arith.constant 4 : i32
        %add3A_352 = arith.addi %mul3A_350, %add3A_351 : i32
        %get3A_353 = arith.index_cast %add3A_352 : i32 to index
        %get3A_354 = arith.constant 0 : index
        %get3A_355 = tpu.vector_load %arg20[%get3A_353, %get3A_354] {strides = array<i32>} : memref<256x16xf32, #tpu.memory_space<vmem>>, vector<1x16xf32>,
        %get3A_356 = vector.shape_cast %get3A_355 : vector<1x16xf32> to vector<16xf32>
        %max3A_357 = arith.constant 0.000000e+00 : f32
        %max3A_358 = vector.broadcast %max3A_357 : f32 to vector<16xf32>
        %max3A_359 = arith.maximumf %get3A_356, %max3A_358 : vector<16xf32>
        %mul3A_360 = arith.constant 8 : i32
        %mul3A_361 = arith.muli %scan3A_271, %mul3A_360 : i32
        %add3A_362 = arith.constant 4 : i32
        %add3A_363 = arith.addi %mul3A_361, %add3A_362 : i32
        %swap3A_364 = arith.index_cast %add3A_363 : i32 to index
        %swap3A_365 = arith.constant 0 : index
        %swap3A_366 = tpu.vector_load %arg20[%swap3A_364, %swap3A_365] {strides = array<i32>} : memref<256x16xf32, #tpu.memory_space<vmem>>, vector<1x16xf32>,
        %swap3A_367 = vector.shape_cast %swap3A_366 : vector<1x16xf32> to vector<16xf32>
        %swap3A_368 = vector.shape_cast %max3A_359 : vector<16xf32> to vector<1x16xf32>
        tpu.vector_store %arg20[%swap3A_364, %swap3A_365], %swap3A_368 {strides = array<i32>} : memref<256x16xf32, #tpu.memory_space<vmem>>, vector<1x16xf32>,
        %mul3A_369 = arith.constant 8 : i32
        %mul3A_370 = arith.muli %scan3A_271, %mul3A_369 : i32
        %add3A_371 = arith.constant 5 : i32
        %add3A_372 = arith.addi %mul3A_370, %add3A_371 : i32
        %get3A_373 = arith.index_cast %add3A_372 : i32 to index
        %get3A_374 = arith.constant 0 : index
        %get3A_375 = tpu.vector_load %arg20[%get3A_373, %get3A_374] {strides = array<i32>} : memref<256x16xf32, #tpu.memory_space<vmem>>, vector<1x16xf32>,
        %get3A_376 = vector.shape_cast %get3A_375 : vector<1x16xf32> to vector<16xf32>
        %max3A_377 = arith.constant 0.000000e+00 : f32
        %max3A_378 = vector.broadcast %max3A_377 : f32 to vector<16xf32>
        %max3A_379 = arith.maximumf %get3A_376, %max3A_378 : vector<16xf32>
        %mul3A_380 = arith.constant 8 : i32
        %mul3A_381 = arith.muli %scan3A_271, %mul3A_380 : i32
        %add3A_382 = arith.constant 5 : i32
        %add3A_383 = arith.addi %mul3A_381, %add3A_382 : i32
        %swap3A_384 = arith.index_cast %add3A_383 : i32 to index
        %swap3A_385 = arith.constant 0 : index
        %swap3A_386 = tpu.vector_load %arg20[%swap3A_384, %swap3A_385] {strides = array<i32>} : memref<256x16xf32, #tpu.memory_space<vmem>>, vector<1x16xf32>,
        %swap3A_387 = vector.shape_cast %swap3A_386 : vector<1x16xf32> to vector<16xf32>
        %swap3A_388 = vector.shape_cast %max3A_379 : vector<16xf32> to vector<1x16xf32>
        tpu.vector_store %arg20[%swap3A_384, %swap3A_385], %swap3A_388 {strides = array<i32>} : memref<256x16xf32, #tpu.memory_space<vmem>>, vector<1x16xf32>,
        %mul3A_389 = arith.constant 8 : i32
        %mul3A_390 = arith.muli %scan3A_271, %mul3A_389 : i32
        %add3A_391 = arith.constant 6 : i32
        %add3A_392 = arith.addi %mul3A_390, %add3A_391 : i32
        %get3A_393 = arith.index_cast %add3A_392 : i32 to index
        %get3A_394 = arith.constant 0 : index
        %get3A_395 = tpu.vector_load %arg20[%get3A_393, %get3A_394] {strides = array<i32>} : memref<256x16xf32, #tpu.memory_space<vmem>>, vector<1x16xf32>,
        %get3A_396 = vector.shape_cast %get3A_395 : vector<1x16xf32> to vector<16xf32>
        %max3A_397 = arith.constant 0.000000e+00 : f32
        %max3A_398 = vector.broadcast %max3A_397 : f32 to vector<16xf32>
        %max3A_399 = arith.maximumf %get3A_396, %max3A_398 : vector<16xf32>
        %mul3A_400 = arith.constant 8 : i32
        %mul3A_401 = arith.muli %scan3A_271, %mul3A_400 : i32
        %add3A_402 = arith.constant 6 : i32
        %add3A_403 = arith.addi %mul3A_401, %add3A_402 : i32
        %swap3A_404 = arith.index_cast %add3A_403 : i32 to index
        %swap3A_405 = arith.constant 0 : index
        %swap3A_406 = tpu.vector_load %arg20[%swap3A_404, %swap3A_405] {strides = array<i32>} : memref<256x16xf32, #tpu.memory_space<vmem>>, vector<1x16xf32>,
        %swap3A_407 = vector.shape_cast %swap3A_406 : vector<1x16xf32> to vector<16xf32>
        %swap3A_408 = vector.shape_cast %max3A_399 : vector<16xf32> to vector<1x16xf32>
        tpu.vector_store %arg20[%swap3A_404, %swap3A_405], %swap3A_408 {strides = array<i32>} : memref<256x16xf32, #tpu.memory_space<vmem>>, vector<1x16xf32>,
        %mul3A_409 = arith.constant 8 : i32
        %mul3A_410 = arith.muli %scan3A_271, %mul3A_409 : i32
        %add3A_411 = arith.constant 7 : i32
        %add3A_412 = arith.addi %mul3A_410, %add3A_411 : i32
        %get3A_413 = arith.index_cast %add3A_412 : i32 to index
        %get3A_414 = arith.constant 0 : index
        %get3A_415 = tpu.vector_load %arg20[%get3A_413, %get3A_414] {strides = array<i32>} : memref<256x16xf32, #tpu.memory_space<vmem>>, vector<1x16xf32>,
        %get3A_416 = vector.shape_cast %get3A_415 : vector<1x16xf32> to vector<16xf32>
        %max3A_417 = arith.constant 0.000000e+00 : f32
        %max3A_418 = vector.broadcast %max3A_417 : f32 to vector<16xf32>
        %max3A_419 = arith.maximumf %get3A_416, %max3A_418 : vector<16xf32>
        %mul3A_420 = arith.constant 8 : i32
        %mul3A_421 = arith.muli %scan3A_271, %mul3A_420 : i32
        %add3A_422 = arith.constant 7 : i32
        %add3A_423 = arith.addi %mul3A_421, %add3A_422 : i32
        %swap3A_424 = arith.index_cast %add3A_423 : i32 to index
        %swap3A_425 = arith.constant 0 : index
        %swap3A_426 = tpu.vector_load %arg20[%swap3A_424, %swap3A_425] {strides = array<i32>} : memref<256x16xf32, #tpu.memory_space<vmem>>, vector<1x16xf32>,
        %swap3A_427 = vector.shape_cast %swap3A_426 : vector<1x16xf32> to vector<16xf32>
        %swap3A_428 = vector.shape_cast %max3A_419 : vector<16xf32> to vector<1x16xf32>
        tpu.vector_store %arg20[%swap3A_424, %swap3A_425], %swap3A_428 {strides = array<i32>} : memref<256x16xf32, #tpu.memory_space<vmem>>, vector<1x16xf32>,
      }
      %scan3A_270 = arith.constant 32 : i32
      "tpu.region"() ({
        %run_scoped3A = tpu.sem_alloc : memref<!tpu.dma_semaphore, #tpu.memory_space<semaphore_mem>>
        %dma_start3A_271 = arith.constant 0 : i32
        %dma_start3A_272 = tpu.memref_slice %arg19[%scan3A_256, %dma_start3A_271] : memref<49x256xi32, #tpu.memory_space<vmem>> -> memref<1x256xi32, #tpu.memory_space<vmem>>
        %dma_start3A_273 = tpu.memref_squeeze %dma_start3A_272 : memref<1x256xi32, #tpu.memory_space<vmem>> -> memref<256xi32, #tpu.memory_space<vmem>>
        %dma_start3A_274 = arith.constant 0 : i32
        %dma_start3A_275 = arith.constant 0 : i32
        %dma_start3A_276 = tpu.memref_slice %arg22[%dma_start3A_274, %dma_start3A_275] : memref<50048x16xf32, #tpu.memory_space<vmem_shared>> -> memref<50048x16xf32, #tpu.memory_space<vmem_shared>>
        tpu.enqueue_indirect_dma source(%arg20 : memref<256x16xf32, #tpu.memory_space<vmem>>) target(%dma_start3A_276 : memref<50048x16xf32, #tpu.memory_space<vmem_shared>>) offsets(%dma_start3A_273 : memref<256xi32, #tpu.memory_space<vmem>>) semaphore(%run_scoped3A : memref<!tpu.dma_semaphore, #tpu.memory_space<semaphore_mem>>) {add = true}
        %dma_wait3A_277 = arith.constant 0 : i32
        %dma_wait3A_278 = tpu.memref_slice %arg19[%scan3A_256, %dma_wait3A_277] : memref<49x256xi32, #tpu.memory_space<vmem>> -> memref<1x256xi32, #tpu.memory_space<vmem>>
        %dma_wait3A_279 = tpu.memref_squeeze %dma_wait3A_278 : memref<1x256xi32, #tpu.memory_space<vmem>> -> memref<256xi32, #tpu.memory_space<vmem>>
        %dma_wait3A_280 = arith.constant 0 : i32
        %dma_wait3A_281 = arith.constant 0 : i32
        %dma_wait3A_282 = tpu.memref_slice %arg22[%dma_wait3A_280, %dma_wait3A_281] : memref<50048x16xf32, #tpu.memory_space<vmem_shared>> -> memref<50048x16xf32, #tpu.memory_space<vmem_shared>>
        tpu.wait_indirect_dma semaphore(%run_scoped3A : memref<!tpu.dma_semaphore, #tpu.memory_space<semaphore_mem>>) src(%arg20 : memref<256x16xf32, #tpu.memory_space<vmem>>) dst(%dma_wait3A_282 : memref<50048x16xf32, #tpu.memory_space<vmem_shared>>)
        tpu.yield
      }) : () -> ()
    }
    %scan3A_33 = arith.constant 49 : i32
    %barrier3A_34 = arith.constant 0 : index
    tpu.barrier barrier_id(%barrier3A_34)
    %mul3A_35 = arith.constant 4 : i32
    %mul3A_36 = arith.muli %arg0, %mul3A_35 : i32
    %add3A_37 = arith.constant 1 : i32
    %add3A_38 = arith.addi %mul3A_36, %add3A_37 : i32
    %mul3A_39 = arith.constant 16 : i32
    %mul3A_40 = arith.muli %add3A_38, %mul3A_39 : i32
    "tpu.region"() ({
      %run_scoped3A = tpu.sem_alloc : memref<!tpu.dma_semaphore, #tpu.memory_space<semaphore_mem>>
      %dma_start3A = tpu.memref_slice %arg12[%mul3A_0, %mul3A_40] : memref<50048x128xf32, #tpu.memory_space<hbm>> -> memref<3128x16xf32, #tpu.memory_space<hbm>>
      %dma_start3A_256 = arith.constant 0 : i32
      %dma_start3A_257 = tpu.memref_slice %arg21[%mul3A_0, %dma_start3A_256] : memref<50048x16xf32, #tpu.memory_space<vmem_shared>> -> memref<3128x16xf32, #tpu.memory_space<vmem_shared>>
      tpu.enqueue_dma source(%dma_start3A_257 : memref<3128x16xf32, #tpu.memory_space<vmem_shared>>) target(%dma_start3A : memref<3128x16xf32, #tpu.memory_space<hbm>>) target_semaphore(%run_scoped3A : memref<!tpu.dma_semaphore, #tpu.memory_space<semaphore_mem>>)
      %dma_wait3A = tpu.memref_slice %arg12[%mul3A_0, %mul3A_40] : memref<50048x128xf32, #tpu.memory_space<hbm>> -> memref<3128x16xf32, #tpu.memory_space<hbm>>
      %dma_wait3A_258 = arith.constant 0 : i32
      %dma_wait3A_259 = tpu.memref_slice %arg21[%mul3A_0, %dma_wait3A_258] : memref<50048x16xf32, #tpu.memory_space<vmem_shared>> -> memref<3128x16xf32, #tpu.memory_space<vmem_shared>>
      tpu.wait_dma2 semaphore(%run_scoped3A : memref<!tpu.dma_semaphore, #tpu.memory_space<semaphore_mem>>) src(%dma_wait3A_259 : memref<3128x16xf32, #tpu.memory_space<vmem_shared>>) dst(%dma_wait3A : memref<3128x16xf32, #tpu.memory_space<hbm>>)
      tpu.yield
    }) : () -> ()
    "tpu.region"() ({
      %run_scoped3A = tpu.sem_alloc : memref<!tpu.dma_semaphore, #tpu.memory_space<semaphore_mem>>
      %dma_start3A = tpu.memref_slice %arg13[%mul3A_0, %mul3A_40] : memref<50048x128xf32, #tpu.memory_space<hbm>> -> memref<3128x16xf32, #tpu.memory_space<hbm>>
      %dma_start3A_256 = arith.constant 0 : i32
      %dma_start3A_257 = tpu.memref_slice %arg22[%mul3A_0, %dma_start3A_256] : memref<50048x16xf32, #tpu.memory_space<vmem_shared>> -> memref<3128x16xf32, #tpu.memory_space<vmem_shared>>
      tpu.enqueue_dma source(%dma_start3A_257 : memref<3128x16xf32, #tpu.memory_space<vmem_shared>>) target(%dma_start3A : memref<3128x16xf32, #tpu.memory_space<hbm>>) target_semaphore(%run_scoped3A : memref<!tpu.dma_semaphore, #tpu.memory_space<semaphore_mem>>)
      %dma_wait3A = tpu.memref_slice %arg13[%mul3A_0, %mul3A_40] : memref<50048x128xf32, #tpu.memory_space<hbm>> -> memref<3128x16xf32, #tpu.memory_space<hbm>>
      %dma_wait3A_258 = arith.constant 0 : i32
      %dma_wait3A_259 = tpu.memref_slice %arg22[%mul3A_0, %dma_wait3A_258] : memref<50048x16xf32, #tpu.memory_space<vmem_shared>> -> memref<3128x16xf32, #tpu.memory_space<vmem_shared>>
      tpu.wait_dma2 semaphore(%run_scoped3A : memref<!tpu.dma_semaphore, #tpu.memory_space<semaphore_mem>>) src(%dma_wait3A_259 : memref<3128x16xf32, #tpu.memory_space<vmem_shared>>) dst(%dma_wait3A : memref<3128x16xf32, #tpu.memory_space<hbm>>)
      tpu.yield
    }) : () -> ()
    %barrier3A_41 = arith.constant 0 : index
    tpu.barrier barrier_id(%barrier3A_41)
    %scan3A_42 = arith.constant 0 : i32
    %scan3A_43 = arith.constant 0 : i32
    %scan3A_44 = arith.constant 784 : i32
    %scan3A_45 = arith.addi %scan3A_43, %scan3A_44 : i32
    %scan3A_46 = arith.constant 1 : i32
    scf.for %scan3A_256 = %scan3A_43 to %scan3A_45 step %scan3A_46  : i32 {
      %mul3A_257 = arith.constant 16 : i32
      %mul3A_258 = arith.muli %scan3A_256, %mul3A_257 : i32
      %get3A = arith.index_cast %mul3A_258 : i32 to index
      %get3A_259 = tpu.vector_load %arg18[%get3A] {strides = array<i32>} : memref<12544xi32, #tpu.memory_space<vmem>>, vector<16xi32>,
      %get3A_260 = vector.shape_cast %get3A_259 : vector<16xi32> to vector<16xi32>
      %add3A_261 = arith.constant 1 : i32
      %add3A_262 = vector.broadcast %add3A_261 : i32 to vector<16xi32>
      %add3A_263 = arith.addi %get3A_260, %add3A_262 : vector<16xi32>
      %swap3A = arith.index_cast %mul3A_258 : i32 to index
      %swap3A_264 = tpu.vector_load %arg18[%swap3A] {strides = array<i32>} : memref<12544xi32, #tpu.memory_space<vmem>>, vector<16xi32>,
      %swap3A_265 = vector.shape_cast %swap3A_264 : vector<16xi32> to vector<16xi32>
      %swap3A_266 = vector.shape_cast %add3A_263 : vector<16xi32> to vector<16xi32>
      tpu.vector_store %arg18[%swap3A], %swap3A_266 {strides = array<i32>} : memref<12544xi32, #tpu.memory_space<vmem>>, vector<16xi32>,
    }
    %scan3A_47 = arith.constant 784 : i32
    "tpu.region"() ({
      %run_scoped3A = tpu.sem_alloc : memref<!tpu.dma_semaphore, #tpu.memory_space<semaphore_mem>>
      %dma_start3A = arith.constant 0 : i32
      %dma_start3A_256 = tpu.memref_slice %arg21[%mul3A_0, %dma_start3A] : memref<50048x16xf32, #tpu.memory_space<vmem_shared>> -> memref<3128x16xf32, #tpu.memory_space<vmem_shared>>
      tpu.enqueue_dma source(%arg11 : memref<3128x16xf32, #tpu.memory_space<hbm>>) target(%dma_start3A_256 : memref<3128x16xf32, #tpu.memory_space<vmem_shared>>) target_semaphore(%run_scoped3A : memref<!tpu.dma_semaphore, #tpu.memory_space<semaphore_mem>>)
      %dma_wait3A = arith.constant 0 : i32
      %dma_wait3A_257 = tpu.memref_slice %arg21[%mul3A_0, %dma_wait3A] : memref<50048x16xf32, #tpu.memory_space<vmem_shared>> -> memref<3128x16xf32, #tpu.memory_space<vmem_shared>>
      tpu.wait_dma2 semaphore(%run_scoped3A : memref<!tpu.dma_semaphore, #tpu.memory_space<semaphore_mem>>) src(%arg11 : memref<3128x16xf32, #tpu.memory_space<hbm>>) dst(%dma_wait3A_257 : memref<3128x16xf32, #tpu.memory_space<vmem_shared>>)
      tpu.yield
    }) : () -> ()
    "tpu.region"() ({
      %run_scoped3A = tpu.sem_alloc : memref<!tpu.dma_semaphore, #tpu.memory_space<semaphore_mem>>
      %dma_start3A = arith.constant 0 : i32
      %dma_start3A_256 = tpu.memref_slice %arg22[%mul3A_0, %dma_start3A] : memref<50048x16xf32, #tpu.memory_space<vmem_shared>> -> memref<3128x16xf32, #tpu.memory_space<vmem_shared>>
      tpu.enqueue_dma source(%arg11 : memref<3128x16xf32, #tpu.memory_space<hbm>>) target(%dma_start3A_256 : memref<3128x16xf32, #tpu.memory_space<vmem_shared>>) target_semaphore(%run_scoped3A : memref<!tpu.dma_semaphore, #tpu.memory_space<semaphore_mem>>)
      %dma_wait3A = arith.constant 0 : i32
      %dma_wait3A_257 = tpu.memref_slice %arg22[%mul3A_0, %dma_wait3A] : memref<50048x16xf32, #tpu.memory_space<vmem_shared>> -> memref<3128x16xf32, #tpu.memory_space<vmem_shared>>
      tpu.wait_dma2 semaphore(%run_scoped3A : memref<!tpu.dma_semaphore, #tpu.memory_space<semaphore_mem>>) src(%arg11 : memref<3128x16xf32, #tpu.memory_space<hbm>>) dst(%dma_wait3A_257 : memref<3128x16xf32, #tpu.memory_space<vmem_shared>>)
      tpu.yield
    }) : () -> ()
    %barrier3A_48 = arith.constant 0 : index
    tpu.barrier barrier_id(%barrier3A_48)
    %scan3A_49 = arith.constant 0 : i32
    %scan3A_50 = arith.constant 0 : i32
    %scan3A_51 = arith.constant 49 : i32
    %scan3A_52 = arith.addi %scan3A_50, %scan3A_51 : i32
    %scan3A_53 = arith.constant 1 : i32
    scf.for %scan3A_256 = %scan3A_50 to %scan3A_52 step %scan3A_53  : i32 {
      %mul3A_257 = arith.constant 256 : i32
      %mul3A_258 = arith.muli %scan3A_256, %mul3A_257 : i32
      %dma_start3A = tpu.memref_slice %arg18[%mul3A_258] : memref<12544xi32, #tpu.memory_space<vmem>> -> memref<256xi32, #tpu.memory_space<vmem>>
      %dma_start3A_259 = arith.constant 0 : i32
      %dma_start3A_260 = arith.constant 0 : i32
      %dma_start3A_261 = tpu.memref_slice %arg2[%dma_start3A_259, %dma_start3A_260] : memref<400000x16xf32, #tpu.memory_space<hbm>> -> memref<400000x16xf32, #tpu.memory_space<hbm>>
      tpu.enqueue_indirect_dma source(%dma_start3A_261 : memref<400000x16xf32, #tpu.memory_space<hbm>>) target(%arg20 : memref<256x16xf32, #tpu.memory_space<vmem>>) offsets(%dma_start3A : memref<256xi32, #tpu.memory_space<vmem>>) semaphore(%arg23 : memref<!tpu.dma_semaphore, #tpu.memory_space<semaphore_mem>>)
      %dma_wait3A = tpu.memref_slice %arg18[%mul3A_258] : memref<12544xi32, #tpu.memory_space<vmem>> -> memref<256xi32, #tpu.memory_space<vmem>>
      %dma_wait3A_262 = arith.constant 0 : i32
      %dma_wait3A_263 = arith.constant 0 : i32
      %dma_wait3A_264 = tpu.memref_slice %arg2[%dma_wait3A_262, %dma_wait3A_263] : memref<400000x16xf32, #tpu.memory_space<hbm>> -> memref<400000x16xf32, #tpu.memory_space<hbm>>
      tpu.wait_indirect_dma semaphore(%arg23 : memref<!tpu.dma_semaphore, #tpu.memory_space<semaphore_mem>>) src(%dma_wait3A_264 : memref<400000x16xf32, #tpu.memory_space<hbm>>) dst(%arg20 : memref<256x16xf32, #tpu.memory_space<vmem>>)
      "tpu.region"() ({
        %run_scoped3A = tpu.sem_alloc : memref<!tpu.dma_semaphore, #tpu.memory_space<semaphore_mem>>
        %dma_start3A_271 = arith.constant 0 : i32
        %dma_start3A_272 = tpu.memref_slice %arg19[%scan3A_256, %dma_start3A_271] : memref<49x256xi32, #tpu.memory_space<vmem>> -> memref<1x256xi32, #tpu.memory_space<vmem>>
        %dma_start3A_273 = tpu.memref_squeeze %dma_start3A_272 : memref<1x256xi32, #tpu.memory_space<vmem>> -> memref<256xi32, #tpu.memory_space<vmem>>
        %dma_start3A_274 = arith.constant 0 : i32
        %dma_start3A_275 = arith.constant 0 : i32
        %dma_start3A_276 = tpu.memref_slice %arg21[%dma_start3A_274, %dma_start3A_275] : memref<50048x16xf32, #tpu.memory_space<vmem_shared>> -> memref<50048x16xf32, #tpu.memory_space<vmem_shared>>
        tpu.enqueue_indirect_dma source(%arg20 : memref<256x16xf32, #tpu.memory_space<vmem>>) target(%dma_start3A_276 : memref<50048x16xf32, #tpu.memory_space<vmem_shared>>) offsets(%dma_start3A_273 : memref<256xi32, #tpu.memory_space<vmem>>) semaphore(%run_scoped3A : memref<!tpu.dma_semaphore, #tpu.memory_space<semaphore_mem>>) {add = true}
        %dma_wait3A_277 = arith.constant 0 : i32
        %dma_wait3A_278 = tpu.memref_slice %arg19[%scan3A_256, %dma_wait3A_277] : memref<49x256xi32, #tpu.memory_space<vmem>> -> memref<1x256xi32, #tpu.memory_space<vmem>>
        %dma_wait3A_279 = tpu.memref_squeeze %dma_wait3A_278 : memref<1x256xi32, #tpu.memory_space<vmem>> -> memref<256xi32, #tpu.memory_space<vmem>>
        %dma_wait3A_280 = arith.constant 0 : i32
        %dma_wait3A_281 = arith.constant 0 : i32
        %dma_wait3A_282 = tpu.memref_slice %arg21[%dma_wait3A_280, %dma_wait3A_281] : memref<50048x16xf32, #tpu.memory_space<vmem_shared>> -> memref<50048x16xf32, #tpu.memory_space<vmem_shared>>
        tpu.wait_indirect_dma semaphore(%run_scoped3A : memref<!tpu.dma_semaphore, #tpu.memory_space<semaphore_mem>>) src(%arg20 : memref<256x16xf32, #tpu.memory_space<vmem>>) dst(%dma_wait3A_282 : memref<50048x16xf32, #tpu.memory_space<vmem_shared>>)
        tpu.yield
      }) : () -> ()
      %scan3A_265 = arith.constant 0 : i32
      %scan3A_266 = arith.constant 0 : i32
      %scan3A_267 = arith.constant 32 : i32
      %scan3A_268 = arith.addi %scan3A_266, %scan3A_267 : i32
      %scan3A_269 = arith.constant 1 : i32
      scf.for %scan3A_271 = %scan3A_266 to %scan3A_268 step %scan3A_269  : i32 {
        %mul3A_272 = arith.constant 8 : i32
        %mul3A_273 = arith.muli %scan3A_271, %mul3A_272 : i32
        %add3A_274 = arith.constant 0 : i32
        %add3A_275 = arith.addi %mul3A_273, %add3A_274 : i32
        %get3A = arith.index_cast %add3A_275 : i32 to index
        %get3A_276 = arith.constant 0 : index
        %get3A_277 = tpu.vector_load %arg20[%get3A, %get3A_276] {strides = array<i32>} : memref<256x16xf32, #tpu.memory_space<vmem>>, vector<1x16xf32>,
        %get3A_278 = vector.shape_cast %get3A_277 : vector<1x16xf32> to vector<16xf32>
        %max3A = arith.constant 0.000000e+00 : f32
        %max3A_279 = vector.broadcast %max3A : f32 to vector<16xf32>
        %max3A_280 = arith.maximumf %get3A_278, %max3A_279 : vector<16xf32>
        %mul3A_281 = arith.constant 8 : i32
        %mul3A_282 = arith.muli %scan3A_271, %mul3A_281 : i32
        %add3A_283 = arith.constant 0 : i32
        %add3A_284 = arith.addi %mul3A_282, %add3A_283 : i32
        %swap3A = arith.index_cast %add3A_284 : i32 to index
        %swap3A_285 = arith.constant 0 : index
        %swap3A_286 = tpu.vector_load %arg20[%swap3A, %swap3A_285] {strides = array<i32>} : memref<256x16xf32, #tpu.memory_space<vmem>>, vector<1x16xf32>,
        %swap3A_287 = vector.shape_cast %swap3A_286 : vector<1x16xf32> to vector<16xf32>
        %swap3A_288 = vector.shape_cast %max3A_280 : vector<16xf32> to vector<1x16xf32>
        tpu.vector_store %arg20[%swap3A, %swap3A_285], %swap3A_288 {strides = array<i32>} : memref<256x16xf32, #tpu.memory_space<vmem>>, vector<1x16xf32>,
        %mul3A_289 = arith.constant 8 : i32
        %mul3A_290 = arith.muli %scan3A_271, %mul3A_289 : i32
        %add3A_291 = arith.constant 1 : i32
        %add3A_292 = arith.addi %mul3A_290, %add3A_291 : i32
        %get3A_293 = arith.index_cast %add3A_292 : i32 to index
        %get3A_294 = arith.constant 0 : index
        %get3A_295 = tpu.vector_load %arg20[%get3A_293, %get3A_294] {strides = array<i32>} : memref<256x16xf32, #tpu.memory_space<vmem>>, vector<1x16xf32>,
        %get3A_296 = vector.shape_cast %get3A_295 : vector<1x16xf32> to vector<16xf32>
        %max3A_297 = arith.constant 0.000000e+00 : f32
        %max3A_298 = vector.broadcast %max3A_297 : f32 to vector<16xf32>
        %max3A_299 = arith.maximumf %get3A_296, %max3A_298 : vector<16xf32>
        %mul3A_300 = arith.constant 8 : i32
        %mul3A_301 = arith.muli %scan3A_271, %mul3A_300 : i32
        %add3A_302 = arith.constant 1 : i32
        %add3A_303 = arith.addi %mul3A_301, %add3A_302 : i32
        %swap3A_304 = arith.index_cast %add3A_303 : i32 to index
        %swap3A_305 = arith.constant 0 : index
        %swap3A_306 = tpu.vector_load %arg20[%swap3A_304, %swap3A_305] {strides = array<i32>} : memref<256x16xf32, #tpu.memory_space<vmem>>, vector<1x16xf32>,
        %swap3A_307 = vector.shape_cast %swap3A_306 : vector<1x16xf32> to vector<16xf32>
        %swap3A_308 = vector.shape_cast %max3A_299 : vector<16xf32> to vector<1x16xf32>
        tpu.vector_store %arg20[%swap3A_304, %swap3A_305], %swap3A_308 {strides = array<i32>} : memref<256x16xf32, #tpu.memory_space<vmem>>, vector<1x16xf32>,
        %mul3A_309 = arith.constant 8 : i32
        %mul3A_310 = arith.muli %scan3A_271, %mul3A_309 : i32
        %add3A_311 = arith.constant 2 : i32
        %add3A_312 = arith.addi %mul3A_310, %add3A_311 : i32
        %get3A_313 = arith.index_cast %add3A_312 : i32 to index
        %get3A_314 = arith.constant 0 : index
        %get3A_315 = tpu.vector_load %arg20[%get3A_313, %get3A_314] {strides = array<i32>} : memref<256x16xf32, #tpu.memory_space<vmem>>, vector<1x16xf32>,
        %get3A_316 = vector.shape_cast %get3A_315 : vector<1x16xf32> to vector<16xf32>
        %max3A_317 = arith.constant 0.000000e+00 : f32
        %max3A_318 = vector.broadcast %max3A_317 : f32 to vector<16xf32>
        %max3A_319 = arith.maximumf %get3A_316, %max3A_318 : vector<16xf32>
        %mul3A_320 = arith.constant 8 : i32
        %mul3A_321 = arith.muli %scan3A_271, %mul3A_320 : i32
        %add3A_322 = arith.constant 2 : i32
        %add3A_323 = arith.addi %mul3A_321, %add3A_322 : i32
        %swap3A_324 = arith.index_cast %add3A_323 : i32 to index
        %swap3A_325 = arith.constant 0 : index
        %swap3A_326 = tpu.vector_load %arg20[%swap3A_324, %swap3A_325] {strides = array<i32>} : memref<256x16xf32, #tpu.memory_space<vmem>>, vector<1x16xf32>,
        %swap3A_327 = vector.shape_cast %swap3A_326 : vector<1x16xf32> to vector<16xf32>
        %swap3A_328 = vector.shape_cast %max3A_319 : vector<16xf32> to vector<1x16xf32>
        tpu.vector_store %arg20[%swap3A_324, %swap3A_325], %swap3A_328 {strides = array<i32>} : memref<256x16xf32, #tpu.memory_space<vmem>>, vector<1x16xf32>,
        %mul3A_329 = arith.constant 8 : i32
        %mul3A_330 = arith.muli %scan3A_271, %mul3A_329 : i32
        %add3A_331 = arith.constant 3 : i32
        %add3A_332 = arith.addi %mul3A_330, %add3A_331 : i32
        %get3A_333 = arith.index_cast %add3A_332 : i32 to index
        %get3A_334 = arith.constant 0 : index
        %get3A_335 = tpu.vector_load %arg20[%get3A_333, %get3A_334] {strides = array<i32>} : memref<256x16xf32, #tpu.memory_space<vmem>>, vector<1x16xf32>,
        %get3A_336 = vector.shape_cast %get3A_335 : vector<1x16xf32> to vector<16xf32>
        %max3A_337 = arith.constant 0.000000e+00 : f32
        %max3A_338 = vector.broadcast %max3A_337 : f32 to vector<16xf32>
        %max3A_339 = arith.maximumf %get3A_336, %max3A_338 : vector<16xf32>
        %mul3A_340 = arith.constant 8 : i32
        %mul3A_341 = arith.muli %scan3A_271, %mul3A_340 : i32
        %add3A_342 = arith.constant 3 : i32
        %add3A_343 = arith.addi %mul3A_341, %add3A_342 : i32
        %swap3A_344 = arith.index_cast %add3A_343 : i32 to index
        %swap3A_345 = arith.constant 0 : index
        %swap3A_346 = tpu.vector_load %arg20[%swap3A_344, %swap3A_345] {strides = array<i32>} : memref<256x16xf32, #tpu.memory_space<vmem>>, vector<1x16xf32>,
        %swap3A_347 = vector.shape_cast %swap3A_346 : vector<1x16xf32> to vector<16xf32>
        %swap3A_348 = vector.shape_cast %max3A_339 : vector<16xf32> to vector<1x16xf32>
        tpu.vector_store %arg20[%swap3A_344, %swap3A_345], %swap3A_348 {strides = array<i32>} : memref<256x16xf32, #tpu.memory_space<vmem>>, vector<1x16xf32>,
        %mul3A_349 = arith.constant 8 : i32
        %mul3A_350 = arith.muli %scan3A_271, %mul3A_349 : i32
        %add3A_351 = arith.constant 4 : i32
        %add3A_352 = arith.addi %mul3A_350, %add3A_351 : i32
        %get3A_353 = arith.index_cast %add3A_352 : i32 to index
        %get3A_354 = arith.constant 0 : index
        %get3A_355 = tpu.vector_load %arg20[%get3A_353, %get3A_354] {strides = array<i32>} : memref<256x16xf32, #tpu.memory_space<vmem>>, vector<1x16xf32>,
        %get3A_356 = vector.shape_cast %get3A_355 : vector<1x16xf32> to vector<16xf32>
        %max3A_357 = arith.constant 0.000000e+00 : f32
        %max3A_358 = vector.broadcast %max3A_357 : f32 to vector<16xf32>
        %max3A_359 = arith.maximumf %get3A_356, %max3A_358 : vector<16xf32>
        %mul3A_360 = arith.constant 8 : i32
        %mul3A_361 = arith.muli %scan3A_271, %mul3A_360 : i32
        %add3A_362 = arith.constant 4 : i32
        %add3A_363 = arith.addi %mul3A_361, %add3A_362 : i32
        %swap3A_364 = arith.index_cast %add3A_363 : i32 to index
        %swap3A_365 = arith.constant 0 : index
        %swap3A_366 = tpu.vector_load %arg20[%swap3A_364, %swap3A_365] {strides = array<i32>} : memref<256x16xf32, #tpu.memory_space<vmem>>, vector<1x16xf32>,
        %swap3A_367 = vector.shape_cast %swap3A_366 : vector<1x16xf32> to vector<16xf32>
        %swap3A_368 = vector.shape_cast %max3A_359 : vector<16xf32> to vector<1x16xf32>
        tpu.vector_store %arg20[%swap3A_364, %swap3A_365], %swap3A_368 {strides = array<i32>} : memref<256x16xf32, #tpu.memory_space<vmem>>, vector<1x16xf32>,
        %mul3A_369 = arith.constant 8 : i32
        %mul3A_370 = arith.muli %scan3A_271, %mul3A_369 : i32
        %add3A_371 = arith.constant 5 : i32
        %add3A_372 = arith.addi %mul3A_370, %add3A_371 : i32
        %get3A_373 = arith.index_cast %add3A_372 : i32 to index
        %get3A_374 = arith.constant 0 : index
        %get3A_375 = tpu.vector_load %arg20[%get3A_373, %get3A_374] {strides = array<i32>} : memref<256x16xf32, #tpu.memory_space<vmem>>, vector<1x16xf32>,
        %get3A_376 = vector.shape_cast %get3A_375 : vector<1x16xf32> to vector<16xf32>
        %max3A_377 = arith.constant 0.000000e+00 : f32
        %max3A_378 = vector.broadcast %max3A_377 : f32 to vector<16xf32>
        %max3A_379 = arith.maximumf %get3A_376, %max3A_378 : vector<16xf32>
        %mul3A_380 = arith.constant 8 : i32
        %mul3A_381 = arith.muli %scan3A_271, %mul3A_380 : i32
        %add3A_382 = arith.constant 5 : i32
        %add3A_383 = arith.addi %mul3A_381, %add3A_382 : i32
        %swap3A_384 = arith.index_cast %add3A_383 : i32 to index
        %swap3A_385 = arith.constant 0 : index
        %swap3A_386 = tpu.vector_load %arg20[%swap3A_384, %swap3A_385] {strides = array<i32>} : memref<256x16xf32, #tpu.memory_space<vmem>>, vector<1x16xf32>,
        %swap3A_387 = vector.shape_cast %swap3A_386 : vector<1x16xf32> to vector<16xf32>
        %swap3A_388 = vector.shape_cast %max3A_379 : vector<16xf32> to vector<1x16xf32>
        tpu.vector_store %arg20[%swap3A_384, %swap3A_385], %swap3A_388 {strides = array<i32>} : memref<256x16xf32, #tpu.memory_space<vmem>>, vector<1x16xf32>,
        %mul3A_389 = arith.constant 8 : i32
        %mul3A_390 = arith.muli %scan3A_271, %mul3A_389 : i32
        %add3A_391 = arith.constant 6 : i32
        %add3A_392 = arith.addi %mul3A_390, %add3A_391 : i32
        %get3A_393 = arith.index_cast %add3A_392 : i32 to index
        %get3A_394 = arith.constant 0 : index
        %get3A_395 = tpu.vector_load %arg20[%get3A_393, %get3A_394] {strides = array<i32>} : memref<256x16xf32, #tpu.memory_space<vmem>>, vector<1x16xf32>,
        %get3A_396 = vector.shape_cast %get3A_395 : vector<1x16xf32> to vector<16xf32>
        %max3A_397 = arith.constant 0.000000e+00 : f32
        %max3A_398 = vector.broadcast %max3A_397 : f32 to vector<16xf32>
        %max3A_399 = arith.maximumf %get3A_396, %max3A_398 : vector<16xf32>
        %mul3A_400 = arith.constant 8 : i32
        %mul3A_401 = arith.muli %scan3A_271, %mul3A_400 : i32
        %add3A_402 = arith.constant 6 : i32
        %add3A_403 = arith.addi %mul3A_401, %add3A_402 : i32
        %swap3A_404 = arith.index_cast %add3A_403 : i32 to index
        %swap3A_405 = arith.constant 0 : index
        %swap3A_406 = tpu.vector_load %arg20[%swap3A_404, %swap3A_405] {strides = array<i32>} : memref<256x16xf32, #tpu.memory_space<vmem>>, vector<1x16xf32>,
        %swap3A_407 = vector.shape_cast %swap3A_406 : vector<1x16xf32> to vector<16xf32>
        %swap3A_408 = vector.shape_cast %max3A_399 : vector<16xf32> to vector<1x16xf32>
        tpu.vector_store %arg20[%swap3A_404, %swap3A_405], %swap3A_408 {strides = array<i32>} : memref<256x16xf32, #tpu.memory_space<vmem>>, vector<1x16xf32>,
        %mul3A_409 = arith.constant 8 : i32
        %mul3A_410 = arith.muli %scan3A_271, %mul3A_409 : i32
        %add3A_411 = arith.constant 7 : i32
        %add3A_412 = arith.addi %mul3A_410, %add3A_411 : i32
        %get3A_413 = arith.index_cast %add3A_412 : i32 to index
        %get3A_414 = arith.constant 0 : index
        %get3A_415 = tpu.vector_load %arg20[%get3A_413, %get3A_414] {strides = array<i32>} : memref<256x16xf32, #tpu.memory_space<vmem>>, vector<1x16xf32>,
        %get3A_416 = vector.shape_cast %get3A_415 : vector<1x16xf32> to vector<16xf32>
        %max3A_417 = arith.constant 0.000000e+00 : f32
        %max3A_418 = vector.broadcast %max3A_417 : f32 to vector<16xf32>
        %max3A_419 = arith.maximumf %get3A_416, %max3A_418 : vector<16xf32>
        %mul3A_420 = arith.constant 8 : i32
        %mul3A_421 = arith.muli %scan3A_271, %mul3A_420 : i32
        %add3A_422 = arith.constant 7 : i32
        %add3A_423 = arith.addi %mul3A_421, %add3A_422 : i32
        %swap3A_424 = arith.index_cast %add3A_423 : i32 to index
        %swap3A_425 = arith.constant 0 : index
        %swap3A_426 = tpu.vector_load %arg20[%swap3A_424, %swap3A_425] {strides = array<i32>} : memref<256x16xf32, #tpu.memory_space<vmem>>, vector<1x16xf32>,
        %swap3A_427 = vector.shape_cast %swap3A_426 : vector<1x16xf32> to vector<16xf32>
        %swap3A_428 = vector.shape_cast %max3A_419 : vector<16xf32> to vector<1x16xf32>
        tpu.vector_store %arg20[%swap3A_424, %swap3A_425], %swap3A_428 {strides = array<i32>} : memref<256x16xf32, #tpu.memory_space<vmem>>, vector<1x16xf32>,
      }
      %scan3A_270 = arith.constant 32 : i32
      "tpu.region"() ({
        %run_scoped3A = tpu.sem_alloc : memref<!tpu.dma_semaphore, #tpu.memory_space<semaphore_mem>>
        %dma_start3A_271 = arith.constant 0 : i32
        %dma_start3A_272 = tpu.memref_slice %arg19[%scan3A_256, %dma_start3A_271] : memref<49x256xi32, #tpu.memory_space<vmem>> -> memref<1x256xi32, #tpu.memory_space<vmem>>
        %dma_start3A_273 = tpu.memref_squeeze %dma_start3A_272 : memref<1x256xi32, #tpu.memory_space<vmem>> -> memref<256xi32, #tpu.memory_space<vmem>>
        %dma_start3A_274 = arith.constant 0 : i32
        %dma_start3A_275 = arith.constant 0 : i32
        %dma_start3A_276 = tpu.memref_slice %arg22[%dma_start3A_274, %dma_start3A_275] : memref<50048x16xf32, #tpu.memory_space<vmem_shared>> -> memref<50048x16xf32, #tpu.memory_space<vmem_shared>>
        tpu.enqueue_indirect_dma source(%arg20 : memref<256x16xf32, #tpu.memory_space<vmem>>) target(%dma_start3A_276 : memref<50048x16xf32, #tpu.memory_space<vmem_shared>>) offsets(%dma_start3A_273 : memref<256xi32, #tpu.memory_space<vmem>>) semaphore(%run_scoped3A : memref<!tpu.dma_semaphore, #tpu.memory_space<semaphore_mem>>) {add = true}
        %dma_wait3A_277 = arith.constant 0 : i32
        %dma_wait3A_278 = tpu.memref_slice %arg19[%scan3A_256, %dma_wait3A_277] : memref<49x256xi32, #tpu.memory_space<vmem>> -> memref<1x256xi32, #tpu.memory_space<vmem>>
        %dma_wait3A_279 = tpu.memref_squeeze %dma_wait3A_278 : memref<1x256xi32, #tpu.memory_space<vmem>> -> memref<256xi32, #tpu.memory_space<vmem>>
        %dma_wait3A_280 = arith.constant 0 : i32
        %dma_wait3A_281 = arith.constant 0 : i32
        %dma_wait3A_282 = tpu.memref_slice %arg22[%dma_wait3A_280, %dma_wait3A_281] : memref<50048x16xf32, #tpu.memory_space<vmem_shared>> -> memref<50048x16xf32, #tpu.memory_space<vmem_shared>>
        tpu.wait_indirect_dma semaphore(%run_scoped3A : memref<!tpu.dma_semaphore, #tpu.memory_space<semaphore_mem>>) src(%arg20 : memref<256x16xf32, #tpu.memory_space<vmem>>) dst(%dma_wait3A_282 : memref<50048x16xf32, #tpu.memory_space<vmem_shared>>)
        tpu.yield
      }) : () -> ()
    }
    %scan3A_54 = arith.constant 49 : i32
    %barrier3A_55 = arith.constant 0 : index
    tpu.barrier barrier_id(%barrier3A_55)
    %mul3A_56 = arith.constant 4 : i32
    %mul3A_57 = arith.muli %arg0, %mul3A_56 : i32
    %add3A_58 = arith.constant 2 : i32
    %add3A_59 = arith.addi %mul3A_57, %add3A_58 : i32
    %mul3A_60 = arith.constant 16 : i32
    %mul3A_61 = arith.muli %add3A_59, %mul3A_60 : i32
    "tpu.region"() ({
      %run_scoped3A = tpu.sem_alloc : memref<!tpu.dma_semaphore, #tpu.memory_space<semaphore_mem>>
      %dma_start3A = tpu.memref_slice %arg12[%mul3A_0, %mul3A_61] : memref<50048x128xf32, #tpu.memory_space<hbm>> -> memref<3128x16xf32, #tpu.memory_space<hbm>>
      %dma_start3A_256 = arith.constant 0 : i32
      %dma_start3A_257 = tpu.memref_slice %arg21[%mul3A_0, %dma_start3A_256] : memref<50048x16xf32, #tpu.memory_space<vmem_shared>> -> memref<3128x16xf32, #tpu.memory_space<vmem_shared>>
      tpu.enqueue_dma source(%dma_start3A_257 : memref<3128x16xf32, #tpu.memory_space<vmem_shared>>) target(%dma_start3A : memref<3128x16xf32, #tpu.memory_space<hbm>>) target_semaphore(%run_scoped3A : memref<!tpu.dma_semaphore, #tpu.memory_space<semaphore_mem>>)
      %dma_wait3A = tpu.memref_slice %arg12[%mul3A_0, %mul3A_61] : memref<50048x128xf32, #tpu.memory_space<hbm>> -> memref<3128x16xf32, #tpu.memory_space<hbm>>
      %dma_wait3A_258 = arith.constant 0 : i32
      %dma_wait3A_259 = tpu.memref_slice %arg21[%mul3A_0, %dma_wait3A_258] : memref<50048x16xf32, #tpu.memory_space<vmem_shared>> -> memref<3128x16xf32, #tpu.memory_space<vmem_shared>>
      tpu.wait_dma2 semaphore(%run_scoped3A : memref<!tpu.dma_semaphore, #tpu.memory_space<semaphore_mem>>) src(%dma_wait3A_259 : memref<3128x16xf32, #tpu.memory_space<vmem_shared>>) dst(%dma_wait3A : memref<3128x16xf32, #tpu.memory_space<hbm>>)
      tpu.yield
    }) : () -> ()
    "tpu.region"() ({
      %run_scoped3A = tpu.sem_alloc : memref<!tpu.dma_semaphore, #tpu.memory_space<semaphore_mem>>
      %dma_start3A = tpu.memref_slice %arg13[%mul3A_0, %mul3A_61] : memref<50048x128xf32, #tpu.memory_space<hbm>> -> memref<3128x16xf32, #tpu.memory_space<hbm>>
      %dma_start3A_256 = arith.constant 0 : i32
      %dma_start3A_257 = tpu.memref_slice %arg22[%mul3A_0, %dma_start3A_256] : memref<50048x16xf32, #tpu.memory_space<vmem_shared>> -> memref<3128x16xf32, #tpu.memory_space<vmem_shared>>
      tpu.enqueue_dma source(%dma_start3A_257 : memref<3128x16xf32, #tpu.memory_space<vmem_shared>>) target(%dma_start3A : memref<3128x16xf32, #tpu.memory_space<hbm>>) target_semaphore(%run_scoped3A : memref<!tpu.dma_semaphore, #tpu.memory_space<semaphore_mem>>)
      %dma_wait3A = tpu.memref_slice %arg13[%mul3A_0, %mul3A_61] : memref<50048x128xf32, #tpu.memory_space<hbm>> -> memref<3128x16xf32, #tpu.memory_space<hbm>>
      %dma_wait3A_258 = arith.constant 0 : i32
      %dma_wait3A_259 = tpu.memref_slice %arg22[%mul3A_0, %dma_wait3A_258] : memref<50048x16xf32, #tpu.memory_space<vmem_shared>> -> memref<3128x16xf32, #tpu.memory_space<vmem_shared>>
      tpu.wait_dma2 semaphore(%run_scoped3A : memref<!tpu.dma_semaphore, #tpu.memory_space<semaphore_mem>>) src(%dma_wait3A_259 : memref<3128x16xf32, #tpu.memory_space<vmem_shared>>) dst(%dma_wait3A : memref<3128x16xf32, #tpu.memory_space<hbm>>)
      tpu.yield
    }) : () -> ()
    %barrier3A_62 = arith.constant 0 : index
    tpu.barrier barrier_id(%barrier3A_62)
    %scan3A_63 = arith.constant 0 : i32
    %scan3A_64 = arith.constant 0 : i32
    %scan3A_65 = arith.constant 784 : i32
    %scan3A_66 = arith.addi %scan3A_64, %scan3A_65 : i32
    %scan3A_67 = arith.constant 1 : i32
    scf.for %scan3A_256 = %scan3A_64 to %scan3A_66 step %scan3A_67  : i32 {
      %mul3A_257 = arith.constant 16 : i32
      %mul3A_258 = arith.muli %scan3A_256, %mul3A_257 : i32
      %get3A = arith.index_cast %mul3A_258 : i32 to index
      %get3A_259 = tpu.vector_load %arg18[%get3A] {strides = array<i32>} : memref<12544xi32, #tpu.memory_space<vmem>>, vector<16xi32>,
      %get3A_260 = vector.shape_cast %get3A_259 : vector<16xi32> to vector<16xi32>
      %add3A_261 = arith.constant 1 : i32
      %add3A_262 = vector.broadcast %add3A_261 : i32 to vector<16xi32>
      %add3A_263 = arith.addi %get3A_260, %add3A_262 : vector<16xi32>
      %swap3A = arith.index_cast %mul3A_258 : i32 to index
      %swap3A_264 = tpu.vector_load %arg18[%swap3A] {strides = array<i32>} : memref<12544xi32, #tpu.memory_space<vmem>>, vector<16xi32>,
      %swap3A_265 = vector.shape_cast %swap3A_264 : vector<16xi32> to vector<16xi32>
      %swap3A_266 = vector.shape_cast %add3A_263 : vector<16xi32> to vector<16xi32>
      tpu.vector_store %arg18[%swap3A], %swap3A_266 {strides = array<i32>} : memref<12544xi32, #tpu.memory_space<vmem>>, vector<16xi32>,
    }
    %scan3A_68 = arith.constant 784 : i32
    "tpu.region"() ({
      %run_scoped3A = tpu.sem_alloc : memref<!tpu.dma_semaphore, #tpu.memory_space<semaphore_mem>>
      %dma_start3A = arith.constant 0 : i32
      %dma_start3A_256 = tpu.memref_slice %arg21[%mul3A_0, %dma_start3A] : memref<50048x16xf32, #tpu.memory_space<vmem_shared>> -> memref<3128x16xf32, #tpu.memory_space<vmem_shared>>
      tpu.enqueue_dma source(%arg11 : memref<3128x16xf32, #tpu.memory_space<hbm>>) target(%dma_start3A_256 : memref<3128x16xf32, #tpu.memory_space<vmem_shared>>) target_semaphore(%run_scoped3A : memref<!tpu.dma_semaphore, #tpu.memory_space<semaphore_mem>>)
      %dma_wait3A = arith.constant 0 : i32
      %dma_wait3A_257 = tpu.memref_slice %arg21[%mul3A_0, %dma_wait3A] : memref<50048x16xf32, #tpu.memory_space<vmem_shared>> -> memref<3128x16xf32, #tpu.memory_space<vmem_shared>>
      tpu.wait_dma2 semaphore(%run_scoped3A : memref<!tpu.dma_semaphore, #tpu.memory_space<semaphore_mem>>) src(%arg11 : memref<3128x16xf32, #tpu.memory_space<hbm>>) dst(%dma_wait3A_257 : memref<3128x16xf32, #tpu.memory_space<vmem_shared>>)
      tpu.yield
    }) : () -> ()
    "tpu.region"() ({
      %run_scoped3A = tpu.sem_alloc : memref<!tpu.dma_semaphore, #tpu.memory_space<semaphore_mem>>
      %dma_start3A = arith.constant 0 : i32
      %dma_start3A_256 = tpu.memref_slice %arg22[%mul3A_0, %dma_start3A] : memref<50048x16xf32, #tpu.memory_space<vmem_shared>> -> memref<3128x16xf32, #tpu.memory_space<vmem_shared>>
      tpu.enqueue_dma source(%arg11 : memref<3128x16xf32, #tpu.memory_space<hbm>>) target(%dma_start3A_256 : memref<3128x16xf32, #tpu.memory_space<vmem_shared>>) target_semaphore(%run_scoped3A : memref<!tpu.dma_semaphore, #tpu.memory_space<semaphore_mem>>)
      %dma_wait3A = arith.constant 0 : i32
      %dma_wait3A_257 = tpu.memref_slice %arg22[%mul3A_0, %dma_wait3A] : memref<50048x16xf32, #tpu.memory_space<vmem_shared>> -> memref<3128x16xf32, #tpu.memory_space<vmem_shared>>
      tpu.wait_dma2 semaphore(%run_scoped3A : memref<!tpu.dma_semaphore, #tpu.memory_space<semaphore_mem>>) src(%arg11 : memref<3128x16xf32, #tpu.memory_space<hbm>>) dst(%dma_wait3A_257 : memref<3128x16xf32, #tpu.memory_space<vmem_shared>>)
      tpu.yield
    }) : () -> ()
    %barrier3A_69 = arith.constant 0 : index
    tpu.barrier barrier_id(%barrier3A_69)
    %scan3A_70 = arith.constant 0 : i32
    %scan3A_71 = arith.constant 0 : i32
    %scan3A_72 = arith.constant 49 : i32
    %scan3A_73 = arith.addi %scan3A_71, %scan3A_72 : i32
    %scan3A_74 = arith.constant 1 : i32
    scf.for %scan3A_256 = %scan3A_71 to %scan3A_73 step %scan3A_74  : i32 {
      %mul3A_257 = arith.constant 256 : i32
      %mul3A_258 = arith.muli %scan3A_256, %mul3A_257 : i32
      %dma_start3A = tpu.memref_slice %arg18[%mul3A_258] : memref<12544xi32, #tpu.memory_space<vmem>> -> memref<256xi32, #tpu.memory_space<vmem>>
      %dma_start3A_259 = arith.constant 0 : i32
      %dma_start3A_260 = arith.constant 0 : i32
      %dma_start3A_261 = tpu.memref_slice %arg2[%dma_start3A_259, %dma_start3A_260] : memref<400000x16xf32, #tpu.memory_space<hbm>> -> memref<400000x16xf32, #tpu.memory_space<hbm>>
      tpu.enqueue_indirect_dma source(%dma_start3A_261 : memref<400000x16xf32, #tpu.memory_space<hbm>>) target(%arg20 : memref<256x16xf32, #tpu.memory_space<vmem>>) offsets(%dma_start3A : memref<256xi32, #tpu.memory_space<vmem>>) semaphore(%arg23 : memref<!tpu.dma_semaphore, #tpu.memory_space<semaphore_mem>>)
      %dma_wait3A = tpu.memref_slice %arg18[%mul3A_258] : memref<12544xi32, #tpu.memory_space<vmem>> -> memref<256xi32, #tpu.memory_space<vmem>>
      %dma_wait3A_262 = arith.constant 0 : i32
      %dma_wait3A_263 = arith.constant 0 : i32
      %dma_wait3A_264 = tpu.memref_slice %arg2[%dma_wait3A_262, %dma_wait3A_263] : memref<400000x16xf32, #tpu.memory_space<hbm>> -> memref<400000x16xf32, #tpu.memory_space<hbm>>
      tpu.wait_indirect_dma semaphore(%arg23 : memref<!tpu.dma_semaphore, #tpu.memory_space<semaphore_mem>>) src(%dma_wait3A_264 : memref<400000x16xf32, #tpu.memory_space<hbm>>) dst(%arg20 : memref<256x16xf32, #tpu.memory_space<vmem>>)
      "tpu.region"() ({
        %run_scoped3A = tpu.sem_alloc : memref<!tpu.dma_semaphore, #tpu.memory_space<semaphore_mem>>
        %dma_start3A_271 = arith.constant 0 : i32
        %dma_start3A_272 = tpu.memref_slice %arg19[%scan3A_256, %dma_start3A_271] : memref<49x256xi32, #tpu.memory_space<vmem>> -> memref<1x256xi32, #tpu.memory_space<vmem>>
        %dma_start3A_273 = tpu.memref_squeeze %dma_start3A_272 : memref<1x256xi32, #tpu.memory_space<vmem>> -> memref<256xi32, #tpu.memory_space<vmem>>
        %dma_start3A_274 = arith.constant 0 : i32
        %dma_start3A_275 = arith.constant 0 : i32
        %dma_start3A_276 = tpu.memref_slice %arg21[%dma_start3A_274, %dma_start3A_275] : memref<50048x16xf32, #tpu.memory_space<vmem_shared>> -> memref<50048x16xf32, #tpu.memory_space<vmem_shared>>
        tpu.enqueue_indirect_dma source(%arg20 : memref<256x16xf32, #tpu.memory_space<vmem>>) target(%dma_start3A_276 : memref<50048x16xf32, #tpu.memory_space<vmem_shared>>) offsets(%dma_start3A_273 : memref<256xi32, #tpu.memory_space<vmem>>) semaphore(%run_scoped3A : memref<!tpu.dma_semaphore, #tpu.memory_space<semaphore_mem>>) {add = true}
        %dma_wait3A_277 = arith.constant 0 : i32
        %dma_wait3A_278 = tpu.memref_slice %arg19[%scan3A_256, %dma_wait3A_277] : memref<49x256xi32, #tpu.memory_space<vmem>> -> memref<1x256xi32, #tpu.memory_space<vmem>>
        %dma_wait3A_279 = tpu.memref_squeeze %dma_wait3A_278 : memref<1x256xi32, #tpu.memory_space<vmem>> -> memref<256xi32, #tpu.memory_space<vmem>>
        %dma_wait3A_280 = arith.constant 0 : i32
        %dma_wait3A_281 = arith.constant 0 : i32
        %dma_wait3A_282 = tpu.memref_slice %arg21[%dma_wait3A_280, %dma_wait3A_281] : memref<50048x16xf32, #tpu.memory_space<vmem_shared>> -> memref<50048x16xf32, #tpu.memory_space<vmem_shared>>
        tpu.wait_indirect_dma semaphore(%run_scoped3A : memref<!tpu.dma_semaphore, #tpu.memory_space<semaphore_mem>>) src(%arg20 : memref<256x16xf32, #tpu.memory_space<vmem>>) dst(%dma_wait3A_282 : memref<50048x16xf32, #tpu.memory_space<vmem_shared>>)
        tpu.yield
      }) : () -> ()
      %scan3A_265 = arith.constant 0 : i32
      %scan3A_266 = arith.constant 0 : i32
      %scan3A_267 = arith.constant 32 : i32
      %scan3A_268 = arith.addi %scan3A_266, %scan3A_267 : i32
      %scan3A_269 = arith.constant 1 : i32
      scf.for %scan3A_271 = %scan3A_266 to %scan3A_268 step %scan3A_269  : i32 {
        %mul3A_272 = arith.constant 8 : i32
        %mul3A_273 = arith.muli %scan3A_271, %mul3A_272 : i32
        %add3A_274 = arith.constant 0 : i32
        %add3A_275 = arith.addi %mul3A_273, %add3A_274 : i32
        %get3A = arith.index_cast %add3A_275 : i32 to index
        %get3A_276 = arith.constant 0 : index
        %get3A_277 = tpu.vector_load %arg20[%get3A, %get3A_276] {strides = array<i32>} : memref<256x16xf32, #tpu.memory_space<vmem>>, vector<1x16xf32>,
        %get3A_278 = vector.shape_cast %get3A_277 : vector<1x16xf32> to vector<16xf32>
        %max3A = arith.constant 0.000000e+00 : f32
        %max3A_279 = vector.broadcast %max3A : f32 to vector<16xf32>
        %max3A_280 = arith.maximumf %get3A_278, %max3A_279 : vector<16xf32>
        %mul3A_281 = arith.constant 8 : i32
        %mul3A_282 = arith.muli %scan3A_271, %mul3A_281 : i32
        %add3A_283 = arith.constant 0 : i32
        %add3A_284 = arith.addi %mul3A_282, %add3A_283 : i32
        %swap3A = arith.index_cast %add3A_284 : i32 to index
        %swap3A_285 = arith.constant 0 : index
        %swap3A_286 = tpu.vector_load %arg20[%swap3A, %swap3A_285] {strides = array<i32>} : memref<256x16xf32, #tpu.memory_space<vmem>>, vector<1x16xf32>,
        %swap3A_287 = vector.shape_cast %swap3A_286 : vector<1x16xf32> to vector<16xf32>
        %swap3A_288 = vector.shape_cast %max3A_280 : vector<16xf32> to vector<1x16xf32>
        tpu.vector_store %arg20[%swap3A, %swap3A_285], %swap3A_288 {strides = array<i32>} : memref<256x16xf32, #tpu.memory_space<vmem>>, vector<1x16xf32>,
        %mul3A_289 = arith.constant 8 : i32
        %mul3A_290 = arith.muli %scan3A_271, %mul3A_289 : i32
        %add3A_291 = arith.constant 1 : i32
        %add3A_292 = arith.addi %mul3A_290, %add3A_291 : i32
        %get3A_293 = arith.index_cast %add3A_292 : i32 to index
        %get3A_294 = arith.constant 0 : index
        %get3A_295 = tpu.vector_load %arg20[%get3A_293, %get3A_294] {strides = array<i32>} : memref<256x16xf32, #tpu.memory_space<vmem>>, vector<1x16xf32>,
        %get3A_296 = vector.shape_cast %get3A_295 : vector<1x16xf32> to vector<16xf32>
        %max3A_297 = arith.constant 0.000000e+00 : f32
        %max3A_298 = vector.broadcast %max3A_297 : f32 to vector<16xf32>
        %max3A_299 = arith.maximumf %get3A_296, %max3A_298 : vector<16xf32>
        %mul3A_300 = arith.constant 8 : i32
        %mul3A_301 = arith.muli %scan3A_271, %mul3A_300 : i32
        %add3A_302 = arith.constant 1 : i32
        %add3A_303 = arith.addi %mul3A_301, %add3A_302 : i32
        %swap3A_304 = arith.index_cast %add3A_303 : i32 to index
        %swap3A_305 = arith.constant 0 : index
        %swap3A_306 = tpu.vector_load %arg20[%swap3A_304, %swap3A_305] {strides = array<i32>} : memref<256x16xf32, #tpu.memory_space<vmem>>, vector<1x16xf32>,
        %swap3A_307 = vector.shape_cast %swap3A_306 : vector<1x16xf32> to vector<16xf32>
        %swap3A_308 = vector.shape_cast %max3A_299 : vector<16xf32> to vector<1x16xf32>
        tpu.vector_store %arg20[%swap3A_304, %swap3A_305], %swap3A_308 {strides = array<i32>} : memref<256x16xf32, #tpu.memory_space<vmem>>, vector<1x16xf32>,
        %mul3A_309 = arith.constant 8 : i32
        %mul3A_310 = arith.muli %scan3A_271, %mul3A_309 : i32
        %add3A_311 = arith.constant 2 : i32
        %add3A_312 = arith.addi %mul3A_310, %add3A_311 : i32
        %get3A_313 = arith.index_cast %add3A_312 : i32 to index
        %get3A_314 = arith.constant 0 : index
        %get3A_315 = tpu.vector_load %arg20[%get3A_313, %get3A_314] {strides = array<i32>} : memref<256x16xf32, #tpu.memory_space<vmem>>, vector<1x16xf32>,
        %get3A_316 = vector.shape_cast %get3A_315 : vector<1x16xf32> to vector<16xf32>
        %max3A_317 = arith.constant 0.000000e+00 : f32
        %max3A_318 = vector.broadcast %max3A_317 : f32 to vector<16xf32>
        %max3A_319 = arith.maximumf %get3A_316, %max3A_318 : vector<16xf32>
        %mul3A_320 = arith.constant 8 : i32
        %mul3A_321 = arith.muli %scan3A_271, %mul3A_320 : i32
        %add3A_322 = arith.constant 2 : i32
        %add3A_323 = arith.addi %mul3A_321, %add3A_322 : i32
        %swap3A_324 = arith.index_cast %add3A_323 : i32 to index
        %swap3A_325 = arith.constant 0 : index
        %swap3A_326 = tpu.vector_load %arg20[%swap3A_324, %swap3A_325] {strides = array<i32>} : memref<256x16xf32, #tpu.memory_space<vmem>>, vector<1x16xf32>,
        %swap3A_327 = vector.shape_cast %swap3A_326 : vector<1x16xf32> to vector<16xf32>
        %swap3A_328 = vector.shape_cast %max3A_319 : vector<16xf32> to vector<1x16xf32>
        tpu.vector_store %arg20[%swap3A_324, %swap3A_325], %swap3A_328 {strides = array<i32>} : memref<256x16xf32, #tpu.memory_space<vmem>>, vector<1x16xf32>,
        %mul3A_329 = arith.constant 8 : i32
        %mul3A_330 = arith.muli %scan3A_271, %mul3A_329 : i32
        %add3A_331 = arith.constant 3 : i32
        %add3A_332 = arith.addi %mul3A_330, %add3A_331 : i32
        %get3A_333 = arith.index_cast %add3A_332 : i32 to index
        %get3A_334 = arith.constant 0 : index
        %get3A_335 = tpu.vector_load %arg20[%get3A_333, %get3A_334] {strides = array<i32>} : memref<256x16xf32, #tpu.memory_space<vmem>>, vector<1x16xf32>,
        %get3A_336 = vector.shape_cast %get3A_335 : vector<1x16xf32> to vector<16xf32>
        %max3A_337 = arith.constant 0.000000e+00 : f32
        %max3A_338 = vector.broadcast %max3A_337 : f32 to vector<16xf32>
        %max3A_339 = arith.maximumf %get3A_336, %max3A_338 : vector<16xf32>
        %mul3A_340 = arith.constant 8 : i32
        %mul3A_341 = arith.muli %scan3A_271, %mul3A_340 : i32
        %add3A_342 = arith.constant 3 : i32
        %add3A_343 = arith.addi %mul3A_341, %add3A_342 : i32
        %swap3A_344 = arith.index_cast %add3A_343 : i32 to index
        %swap3A_345 = arith.constant 0 : index
        %swap3A_346 = tpu.vector_load %arg20[%swap3A_344, %swap3A_345] {strides = array<i32>} : memref<256x16xf32, #tpu.memory_space<vmem>>, vector<1x16xf32>,
        %swap3A_347 = vector.shape_cast %swap3A_346 : vector<1x16xf32> to vector<16xf32>
        %swap3A_348 = vector.shape_cast %max3A_339 : vector<16xf32> to vector<1x16xf32>
        tpu.vector_store %arg20[%swap3A_344, %swap3A_345], %swap3A_348 {strides = array<i32>} : memref<256x16xf32, #tpu.memory_space<vmem>>, vector<1x16xf32>,
        %mul3A_349 = arith.constant 8 : i32
        %mul3A_350 = arith.muli %scan3A_271, %mul3A_349 : i32
        %add3A_351 = arith.constant 4 : i32
        %add3A_352 = arith.addi %mul3A_350, %add3A_351 : i32
        %get3A_353 = arith.index_cast %add3A_352 : i32 to index
        %get3A_354 = arith.constant 0 : index
        %get3A_355 = tpu.vector_load %arg20[%get3A_353, %get3A_354] {strides = array<i32>} : memref<256x16xf32, #tpu.memory_space<vmem>>, vector<1x16xf32>,
        %get3A_356 = vector.shape_cast %get3A_355 : vector<1x16xf32> to vector<16xf32>
        %max3A_357 = arith.constant 0.000000e+00 : f32
        %max3A_358 = vector.broadcast %max3A_357 : f32 to vector<16xf32>
        %max3A_359 = arith.maximumf %get3A_356, %max3A_358 : vector<16xf32>
        %mul3A_360 = arith.constant 8 : i32
        %mul3A_361 = arith.muli %scan3A_271, %mul3A_360 : i32
        %add3A_362 = arith.constant 4 : i32
        %add3A_363 = arith.addi %mul3A_361, %add3A_362 : i32
        %swap3A_364 = arith.index_cast %add3A_363 : i32 to index
        %swap3A_365 = arith.constant 0 : index
        %swap3A_366 = tpu.vector_load %arg20[%swap3A_364, %swap3A_365] {strides = array<i32>} : memref<256x16xf32, #tpu.memory_space<vmem>>, vector<1x16xf32>,
        %swap3A_367 = vector.shape_cast %swap3A_366 : vector<1x16xf32> to vector<16xf32>
        %swap3A_368 = vector.shape_cast %max3A_359 : vector<16xf32> to vector<1x16xf32>
        tpu.vector_store %arg20[%swap3A_364, %swap3A_365], %swap3A_368 {strides = array<i32>} : memref<256x16xf32, #tpu.memory_space<vmem>>, vector<1x16xf32>,
        %mul3A_369 = arith.constant 8 : i32
        %mul3A_370 = arith.muli %scan3A_271, %mul3A_369 : i32
        %add3A_371 = arith.constant 5 : i32
        %add3A_372 = arith.addi %mul3A_370, %add3A_371 : i32
        %get3A_373 = arith.index_cast %add3A_372 : i32 to index
        %get3A_374 = arith.constant 0 : index
        %get3A_375 = tpu.vector_load %arg20[%get3A_373, %get3A_374] {strides = array<i32>} : memref<256x16xf32, #tpu.memory_space<vmem>>, vector<1x16xf32>,
        %get3A_376 = vector.shape_cast %get3A_375 : vector<1x16xf32> to vector<16xf32>
        %max3A_377 = arith.constant 0.000000e+00 : f32
        %max3A_378 = vector.broadcast %max3A_377 : f32 to vector<16xf32>
        %max3A_379 = arith.maximumf %get3A_376, %max3A_378 : vector<16xf32>
        %mul3A_380 = arith.constant 8 : i32
        %mul3A_381 = arith.muli %scan3A_271, %mul3A_380 : i32
        %add3A_382 = arith.constant 5 : i32
        %add3A_383 = arith.addi %mul3A_381, %add3A_382 : i32
        %swap3A_384 = arith.index_cast %add3A_383 : i32 to index
        %swap3A_385 = arith.constant 0 : index
        %swap3A_386 = tpu.vector_load %arg20[%swap3A_384, %swap3A_385] {strides = array<i32>} : memref<256x16xf32, #tpu.memory_space<vmem>>, vector<1x16xf32>,
        %swap3A_387 = vector.shape_cast %swap3A_386 : vector<1x16xf32> to vector<16xf32>
        %swap3A_388 = vector.shape_cast %max3A_379 : vector<16xf32> to vector<1x16xf32>
        tpu.vector_store %arg20[%swap3A_384, %swap3A_385], %swap3A_388 {strides = array<i32>} : memref<256x16xf32, #tpu.memory_space<vmem>>, vector<1x16xf32>,
        %mul3A_389 = arith.constant 8 : i32
        %mul3A_390 = arith.muli %scan3A_271, %mul3A_389 : i32
        %add3A_391 = arith.constant 6 : i32
        %add3A_392 = arith.addi %mul3A_390, %add3A_391 : i32
        %get3A_393 = arith.index_cast %add3A_392 : i32 to index
        %get3A_394 = arith.constant 0 : index
        %get3A_395 = tpu.vector_load %arg20[%get3A_393, %get3A_394] {strides = array<i32>} : memref<256x16xf32, #tpu.memory_space<vmem>>, vector<1x16xf32>,
        %get3A_396 = vector.shape_cast %get3A_395 : vector<1x16xf32> to vector<16xf32>
        %max3A_397 = arith.constant 0.000000e+00 : f32
        %max3A_398 = vector.broadcast %max3A_397 : f32 to vector<16xf32>
        %max3A_399 = arith.maximumf %get3A_396, %max3A_398 : vector<16xf32>
        %mul3A_400 = arith.constant 8 : i32
        %mul3A_401 = arith.muli %scan3A_271, %mul3A_400 : i32
        %add3A_402 = arith.constant 6 : i32
        %add3A_403 = arith.addi %mul3A_401, %add3A_402 : i32
        %swap3A_404 = arith.index_cast %add3A_403 : i32 to index
        %swap3A_405 = arith.constant 0 : index
        %swap3A_406 = tpu.vector_load %arg20[%swap3A_404, %swap3A_405] {strides = array<i32>} : memref<256x16xf32, #tpu.memory_space<vmem>>, vector<1x16xf32>,
        %swap3A_407 = vector.shape_cast %swap3A_406 : vector<1x16xf32> to vector<16xf32>
        %swap3A_408 = vector.shape_cast %max3A_399 : vector<16xf32> to vector<1x16xf32>
        tpu.vector_store %arg20[%swap3A_404, %swap3A_405], %swap3A_408 {strides = array<i32>} : memref<256x16xf32, #tpu.memory_space<vmem>>, vector<1x16xf32>,
        %mul3A_409 = arith.constant 8 : i32
        %mul3A_410 = arith.muli %scan3A_271, %mul3A_409 : i32
        %add3A_411 = arith.constant 7 : i32
        %add3A_412 = arith.addi %mul3A_410, %add3A_411 : i32
        %get3A_413 = arith.index_cast %add3A_412 : i32 to index
        %get3A_414 = arith.constant 0 : index
        %get3A_415 = tpu.vector_load %arg20[%get3A_413, %get3A_414] {strides = array<i32>} : memref<256x16xf32, #tpu.memory_space<vmem>>, vector<1x16xf32>,
        %get3A_416 = vector.shape_cast %get3A_415 : vector<1x16xf32> to vector<16xf32>
        %max3A_417 = arith.constant 0.000000e+00 : f32
        %max3A_418 = vector.broadcast %max3A_417 : f32 to vector<16xf32>
        %max3A_419 = arith.maximumf %get3A_416, %max3A_418 : vector<16xf32>
        %mul3A_420 = arith.constant 8 : i32
        %mul3A_421 = arith.muli %scan3A_271, %mul3A_420 : i32
        %add3A_422 = arith.constant 7 : i32
        %add3A_423 = arith.addi %mul3A_421, %add3A_422 : i32
        %swap3A_424 = arith.index_cast %add3A_423 : i32 to index
        %swap3A_425 = arith.constant 0 : index
        %swap3A_426 = tpu.vector_load %arg20[%swap3A_424, %swap3A_425] {strides = array<i32>} : memref<256x16xf32, #tpu.memory_space<vmem>>, vector<1x16xf32>,
        %swap3A_427 = vector.shape_cast %swap3A_426 : vector<1x16xf32> to vector<16xf32>
        %swap3A_428 = vector.shape_cast %max3A_419 : vector<16xf32> to vector<1x16xf32>
        tpu.vector_store %arg20[%swap3A_424, %swap3A_425], %swap3A_428 {strides = array<i32>} : memref<256x16xf32, #tpu.memory_space<vmem>>, vector<1x16xf32>,
      }
      %scan3A_270 = arith.constant 32 : i32
      "tpu.region"() ({
        %run_scoped3A = tpu.sem_alloc : memref<!tpu.dma_semaphore, #tpu.memory_space<semaphore_mem>>
        %dma_start3A_271 = arith.constant 0 : i32
        %dma_start3A_272 = tpu.memref_slice %arg19[%scan3A_256, %dma_start3A_271] : memref<49x256xi32, #tpu.memory_space<vmem>> -> memref<1x256xi32, #tpu.memory_space<vmem>>
        %dma_start3A_273 = tpu.memref_squeeze %dma_start3A_272 : memref<1x256xi32, #tpu.memory_space<vmem>> -> memref<256xi32, #tpu.memory_space<vmem>>
        %dma_start3A_274 = arith.constant 0 : i32
        %dma_start3A_275 = arith.constant 0 : i32
        %dma_start3A_276 = tpu.memref_slice %arg22[%dma_start3A_274, %dma_start3A_275] : memref<50048x16xf32, #tpu.memory_space<vmem_shared>> -> memref<50048x16xf32, #tpu.memory_space<vmem_shared>>
        tpu.enqueue_indirect_dma source(%arg20 : memref<256x16xf32, #tpu.memory_space<vmem>>) target(%dma_start3A_276 : memref<50048x16xf32, #tpu.memory_space<vmem_shared>>) offsets(%dma_start3A_273 : memref<256xi32, #tpu.memory_space<vmem>>) semaphore(%run_scoped3A : memref<!tpu.dma_semaphore, #tpu.memory_space<semaphore_mem>>) {add = true}
        %dma_wait3A_277 = arith.constant 0 : i32
        %dma_wait3A_278 = tpu.memref_slice %arg19[%scan3A_256, %dma_wait3A_277] : memref<49x256xi32, #tpu.memory_space<vmem>> -> memref<1x256xi32, #tpu.memory_space<vmem>>
        %dma_wait3A_279 = tpu.memref_squeeze %dma_wait3A_278 : memref<1x256xi32, #tpu.memory_space<vmem>> -> memref<256xi32, #tpu.memory_space<vmem>>
        %dma_wait3A_280 = arith.constant 0 : i32
        %dma_wait3A_281 = arith.constant 0 : i32
        %dma_wait3A_282 = tpu.memref_slice %arg22[%dma_wait3A_280, %dma_wait3A_281] : memref<50048x16xf32, #tpu.memory_space<vmem_shared>> -> memref<50048x16xf32, #tpu.memory_space<vmem_shared>>
        tpu.wait_indirect_dma semaphore(%run_scoped3A : memref<!tpu.dma_semaphore, #tpu.memory_space<semaphore_mem>>) src(%arg20 : memref<256x16xf32, #tpu.memory_space<vmem>>) dst(%dma_wait3A_282 : memref<50048x16xf32, #tpu.memory_space<vmem_shared>>)
        tpu.yield
      }) : () -> ()
    }
    %scan3A_75 = arith.constant 49 : i32
    %barrier3A_76 = arith.constant 0 : index
    tpu.barrier barrier_id(%barrier3A_76)
    %mul3A_77 = arith.constant 4 : i32
    %mul3A_78 = arith.muli %arg0, %mul3A_77 : i32
    %add3A_79 = arith.constant 3 : i32
    %add3A_80 = arith.addi %mul3A_78, %add3A_79 : i32
    %mul3A_81 = arith.constant 16 : i32
    %mul3A_82 = arith.muli %add3A_80, %mul3A_81 : i32
    "tpu.region"() ({
      %run_scoped3A = tpu.sem_alloc : memref<!tpu.dma_semaphore, #tpu.memory_space<semaphore_mem>>
      %dma_start3A = tpu.memref_slice %arg12[%mul3A_0, %mul3A_82] : memref<50048x128xf32, #tpu.memory_space<hbm>> -> memref<3128x16xf32, #tpu.memory_space<hbm>>
      %dma_start3A_256 = arith.constant 0 : i32
      %dma_start3A_257 = tpu.memref_slice %arg21[%mul3A_0, %dma_start3A_256] : memref<50048x16xf32, #tpu.memory_space<vmem_shared>> -> memref<3128x16xf32, #tpu.memory_space<vmem_shared>>
      tpu.enqueue_dma source(%dma_start3A_257 : memref<3128x16xf32, #tpu.memory_space<vmem_shared>>) target(%dma_start3A : memref<3128x16xf32, #tpu.memory_space<hbm>>) target_semaphore(%run_scoped3A : memref<!tpu.dma_semaphore, #tpu.memory_space<semaphore_mem>>)
      %dma_wait3A = tpu.memref_slice %arg12[%mul3A_0, %mul3A_82] : memref<50048x128xf32, #tpu.memory_space<hbm>> -> memref<3128x16xf32, #tpu.memory_space<hbm>>
      %dma_wait3A_258 = arith.constant 0 : i32
      %dma_wait3A_259 = tpu.memref_slice %arg21[%mul3A_0, %dma_wait3A_258] : memref<50048x16xf32, #tpu.memory_space<vmem_shared>> -> memref<3128x16xf32, #tpu.memory_space<vmem_shared>>
      tpu.wait_dma2 semaphore(%run_scoped3A : memref<!tpu.dma_semaphore, #tpu.memory_space<semaphore_mem>>) src(%dma_wait3A_259 : memref<3128x16xf32, #tpu.memory_space<vmem_shared>>) dst(%dma_wait3A : memref<3128x16xf32, #tpu.memory_space<hbm>>)
      tpu.yield
    }) : () -> ()
    "tpu.region"() ({
      %run_scoped3A = tpu.sem_alloc : memref<!tpu.dma_semaphore, #tpu.memory_space<semaphore_mem>>
      %dma_start3A = tpu.memref_slice %arg13[%mul3A_0, %mul3A_82] : memref<50048x128xf32, #tpu.memory_space<hbm>> -> memref<3128x16xf32, #tpu.memory_space<hbm>>
      %dma_start3A_256 = arith.constant 0 : i32
      %dma_start3A_257 = tpu.memref_slice %arg22[%mul3A_0, %dma_start3A_256] : memref<50048x16xf32, #tpu.memory_space<vmem_shared>> -> memref<3128x16xf32, #tpu.memory_space<vmem_shared>>
      tpu.enqueue_dma source(%dma_start3A_257 : memref<3128x16xf32, #tpu.memory_space<vmem_shared>>) target(%dma_start3A : memref<3128x16xf32, #tpu.memory_space<hbm>>) target_semaphore(%run_scoped3A : memref<!tpu.dma_semaphore, #tpu.memory_space<semaphore_mem>>)
      %dma_wait3A = tpu.memref_slice %arg13[%mul3A_0, %mul3A_82] : memref<50048x128xf32, #tpu.memory_space<hbm>> -> memref<3128x16xf32, #tpu.memory_space<hbm>>
      %dma_wait3A_258 = arith.constant 0 : i32
      %dma_wait3A_259 = tpu.memref_slice %arg22[%mul3A_0, %dma_wait3A_258] : memref<50048x16xf32, #tpu.memory_space<vmem_shared>> -> memref<3128x16xf32, #tpu.memory_space<vmem_shared>>
      tpu.wait_dma2 semaphore(%run_scoped3A : memref<!tpu.dma_semaphore, #tpu.memory_space<semaphore_mem>>) src(%dma_wait3A_259 : memref<3128x16xf32, #tpu.memory_space<vmem_shared>>) dst(%dma_wait3A : memref<3128x16xf32, #tpu.memory_space<hbm>>)
      tpu.yield
    }) : () -> ()
    %barrier3A_83 = arith.constant 0 : index
    tpu.barrier barrier_id(%barrier3A_83)
    "tpu.region"() ({
      %run_scoped3A = tpu.sem_alloc : memref<!tpu.dma_semaphore, #tpu.memory_space<semaphore_mem>>
      %dma_start3A = arith.constant 0 : i32
      %dma_start3A_256 = tpu.memref_slice %arg6[%arg1, %dma_start3A] : memref<16x12544xi32, #tpu.memory_space<hbm>> -> memref<1x12544xi32, #tpu.memory_space<hbm>>
      %dma_start3A_257 = tpu.memref_squeeze %dma_start3A_256 : memref<1x12544xi32, #tpu.memory_space<hbm>> -> memref<12544xi32, #tpu.memory_space<hbm>>
      %dma_start3A_258 = arith.constant 0 : i32
      %dma_start3A_259 = tpu.memref_slice %arg6[%arg1, %dma_start3A_258] : memref<16x12544xi32, #tpu.memory_space<hbm>> -> memref<1x12544xi32, #tpu.memory_space<hbm>>
      %dma_start3A_260 = tpu.memref_squeeze %dma_start3A_259 : memref<1x12544xi32, #tpu.memory_space<hbm>> -> memref<12544xi32, #tpu.memory_space<hbm>>
      tpu.enqueue_dma source(%dma_start3A_260 : memref<12544xi32, #tpu.memory_space<hbm>>) target(%arg18 : memref<12544xi32, #tpu.memory_space<vmem>>) target_semaphore(%run_scoped3A : memref<!tpu.dma_semaphore, #tpu.memory_space<semaphore_mem>>)
      %dma_wait3A = arith.constant 0 : i32
      %dma_wait3A_261 = tpu.memref_slice %arg6[%arg1, %dma_wait3A] : memref<16x12544xi32, #tpu.memory_space<hbm>> -> memref<1x12544xi32, #tpu.memory_space<hbm>>
      %dma_wait3A_262 = tpu.memref_squeeze %dma_wait3A_261 : memref<1x12544xi32, #tpu.memory_space<hbm>> -> memref<12544xi32, #tpu.memory_space<hbm>>
      %dma_wait3A_263 = arith.constant 0 : i32
      %dma_wait3A_264 = tpu.memref_slice %arg6[%arg1, %dma_wait3A_263] : memref<16x12544xi32, #tpu.memory_space<hbm>> -> memref<1x12544xi32, #tpu.memory_space<hbm>>
      %dma_wait3A_265 = tpu.memref_squeeze %dma_wait3A_264 : memref<1x12544xi32, #tpu.memory_space<hbm>> -> memref<12544xi32, #tpu.memory_space<hbm>>
      tpu.wait_dma2 semaphore(%run_scoped3A : memref<!tpu.dma_semaphore, #tpu.memory_space<semaphore_mem>>) src(%dma_wait3A_265 : memref<12544xi32, #tpu.memory_space<hbm>>) dst(%arg18 : memref<12544xi32, #tpu.memory_space<vmem>>)
      tpu.yield
    }) : () -> ()
    "tpu.region"() ({
      %run_scoped3A = tpu.sem_alloc : memref<!tpu.dma_semaphore, #tpu.memory_space<semaphore_mem>>
      %dma_start3A = arith.constant 0 : i32
      %dma_start3A_256 = arith.constant 0 : i32
      %dma_start3A_257 = tpu.memref_slice %arg7[%arg1, %dma_start3A, %dma_start3A_256] : memref<16x49x256xi32, #tpu.memory_space<hbm>> -> memref<1x49x256xi32, #tpu.memory_space<hbm>>
      %dma_start3A_258 = tpu.memref_squeeze %dma_start3A_257 : memref<1x49x256xi32, #tpu.memory_space<hbm>> -> memref<49x256xi32, #tpu.memory_space<hbm>>
      %dma_start3A_259 = arith.constant 0 : i32
      %dma_start3A_260 = arith.constant 0 : i32
      %dma_start3A_261 = tpu.memref_slice %arg7[%arg1, %dma_start3A_259, %dma_start3A_260] : memref<16x49x256xi32, #tpu.memory_space<hbm>> -> memref<1x49x256xi32, #tpu.memory_space<hbm>>
      %dma_start3A_262 = tpu.memref_squeeze %dma_start3A_261 : memref<1x49x256xi32, #tpu.memory_space<hbm>> -> memref<49x256xi32, #tpu.memory_space<hbm>>
      tpu.enqueue_dma source(%dma_start3A_262 : memref<49x256xi32, #tpu.memory_space<hbm>>) target(%arg19 : memref<49x256xi32, #tpu.memory_space<vmem>>) target_semaphore(%run_scoped3A : memref<!tpu.dma_semaphore, #tpu.memory_space<semaphore_mem>>)
      %dma_wait3A = arith.constant 0 : i32
      %dma_wait3A_263 = arith.constant 0 : i32
      %dma_wait3A_264 = tpu.memref_slice %arg7[%arg1, %dma_wait3A, %dma_wait3A_263] : memref<16x49x256xi32, #tpu.memory_space<hbm>> -> memref<1x49x256xi32, #tpu.memory_space<hbm>>
      %dma_wait3A_265 = tpu.memref_squeeze %dma_wait3A_264 : memref<1x49x256xi32, #tpu.memory_space<hbm>> -> memref<49x256xi32, #tpu.memory_space<hbm>>
      %dma_wait3A_266 = arith.constant 0 : i32
      %dma_wait3A_267 = arith.constant 0 : i32
      %dma_wait3A_268 = tpu.memref_slice %arg7[%arg1, %dma_wait3A_266, %dma_wait3A_267] : memref<16x49x256xi32, #tpu.memory_space<hbm>> -> memref<1x49x256xi32, #tpu.memory_space<hbm>>
      %dma_wait3A_269 = tpu.memref_squeeze %dma_wait3A_268 : memref<1x49x256xi32, #tpu.memory_space<hbm>> -> memref<49x256xi32, #tpu.memory_space<hbm>>
      tpu.wait_dma2 semaphore(%run_scoped3A : memref<!tpu.dma_semaphore, #tpu.memory_space<semaphore_mem>>) src(%dma_wait3A_269 : memref<49x256xi32, #tpu.memory_space<hbm>>) dst(%arg19 : memref<49x256xi32, #tpu.memory_space<vmem>>)
      tpu.yield
    }) : () -> ()
    %mul3A_84 = arith.constant 4 : i32
    %mul3A_85 = arith.muli %arg0, %mul3A_84 : i32
    %scan3A_86 = arith.constant 0 : i32
    %scan3A_87 = arith.constant 0 : i32
    %scan3A_88 = arith.constant 784 : i32
    %scan3A_89 = arith.addi %scan3A_87, %scan3A_88 : i32
    %scan3A_90 = arith.constant 1 : i32
    scf.for %scan3A_256 = %scan3A_87 to %scan3A_89 step %scan3A_90  : i32 {
      %mul3A_257 = arith.constant 16 : i32
      %mul3A_258 = arith.muli %scan3A_256, %mul3A_257 : i32
      %get3A = arith.index_cast %mul3A_258 : i32 to index
      %get3A_259 = tpu.vector_load %arg18[%get3A] {strides = array<i32>} : memref<12544xi32, #tpu.memory_space<vmem>>, vector<16xi32>,
      %get3A_260 = vector.shape_cast %get3A_259 : vector<16xi32> to vector<16xi32>
      %mul3A_261 = arith.constant 8 : i32
      %mul3A_262 = vector.broadcast %mul3A_261 : i32 to vector<16xi32>
      %mul3A_263 = arith.muli %get3A_260, %mul3A_262 : vector<16xi32>
      %add3A_264 = vector.broadcast %mul3A_85 : i32 to vector<16xi32>
      %add3A_265 = arith.addi %mul3A_263, %add3A_264 : vector<16xi32>
      %swap3A = arith.index_cast %mul3A_258 : i32 to index
      %swap3A_266 = tpu.vector_load %arg18[%swap3A] {strides = array<i32>} : memref<12544xi32, #tpu.memory_space<vmem>>, vector<16xi32>,
      %swap3A_267 = vector.shape_cast %swap3A_266 : vector<16xi32> to vector<16xi32>
      %swap3A_268 = vector.shape_cast %add3A_265 : vector<16xi32> to vector<16xi32>
      tpu.vector_store %arg18[%swap3A], %swap3A_268 {strides = array<i32>} : memref<12544xi32, #tpu.memory_space<vmem>>, vector<16xi32>,
    }
    %scan3A_91 = arith.constant 784 : i32
    "tpu.region"() ({
      %run_scoped3A = tpu.sem_alloc : memref<!tpu.dma_semaphore, #tpu.memory_space<semaphore_mem>>
      %dma_start3A = arith.constant 0 : i32
      %dma_start3A_256 = tpu.memref_slice %arg21[%mul3A_0, %dma_start3A] : memref<50048x16xf32, #tpu.memory_space<vmem_shared>> -> memref<3128x16xf32, #tpu.memory_space<vmem_shared>>
      tpu.enqueue_dma source(%arg11 : memref<3128x16xf32, #tpu.memory_space<hbm>>) target(%dma_start3A_256 : memref<3128x16xf32, #tpu.memory_space<vmem_shared>>) target_semaphore(%run_scoped3A : memref<!tpu.dma_semaphore, #tpu.memory_space<semaphore_mem>>)
      %dma_wait3A = arith.constant 0 : i32
      %dma_wait3A_257 = tpu.memref_slice %arg21[%mul3A_0, %dma_wait3A] : memref<50048x16xf32, #tpu.memory_space<vmem_shared>> -> memref<3128x16xf32, #tpu.memory_space<vmem_shared>>
      tpu.wait_dma2 semaphore(%run_scoped3A : memref<!tpu.dma_semaphore, #tpu.memory_space<semaphore_mem>>) src(%arg11 : memref<3128x16xf32, #tpu.memory_space<hbm>>) dst(%dma_wait3A_257 : memref<3128x16xf32, #tpu.memory_space<vmem_shared>>)
      tpu.yield
    }) : () -> ()
    "tpu.region"() ({
      %run_scoped3A = tpu.sem_alloc : memref<!tpu.dma_semaphore, #tpu.memory_space<semaphore_mem>>
      %dma_start3A = arith.constant 0 : i32
      %dma_start3A_256 = tpu.memref_slice %arg22[%mul3A_0, %dma_start3A] : memref<50048x16xf32, #tpu.memory_space<vmem_shared>> -> memref<3128x16xf32, #tpu.memory_space<vmem_shared>>
      tpu.enqueue_dma source(%arg11 : memref<3128x16xf32, #tpu.memory_space<hbm>>) target(%dma_start3A_256 : memref<3128x16xf32, #tpu.memory_space<vmem_shared>>) target_semaphore(%run_scoped3A : memref<!tpu.dma_semaphore, #tpu.memory_space<semaphore_mem>>)
      %dma_wait3A = arith.constant 0 : i32
      %dma_wait3A_257 = tpu.memref_slice %arg22[%mul3A_0, %dma_wait3A] : memref<50048x16xf32, #tpu.memory_space<vmem_shared>> -> memref<3128x16xf32, #tpu.memory_space<vmem_shared>>
      tpu.wait_dma2 semaphore(%run_scoped3A : memref<!tpu.dma_semaphore, #tpu.memory_space<semaphore_mem>>) src(%arg11 : memref<3128x16xf32, #tpu.memory_space<hbm>>) dst(%dma_wait3A_257 : memref<3128x16xf32, #tpu.memory_space<vmem_shared>>)
      tpu.yield
    }) : () -> ()
    %barrier3A_92 = arith.constant 0 : index
    tpu.barrier barrier_id(%barrier3A_92)
    %scan3A_93 = arith.constant 0 : i32
    %scan3A_94 = arith.constant 0 : i32
    %scan3A_95 = arith.constant 49 : i32
    %scan3A_96 = arith.addi %scan3A_94, %scan3A_95 : i32
    %scan3A_97 = arith.constant 1 : i32
    scf.for %scan3A_256 = %scan3A_94 to %scan3A_96 step %scan3A_97  : i32 {
      %mul3A_257 = arith.constant 256 : i32
      %mul3A_258 = arith.muli %scan3A_256, %mul3A_257 : i32
      %dma_start3A = tpu.memref_slice %arg18[%mul3A_258] : memref<12544xi32, #tpu.memory_space<vmem>> -> memref<256xi32, #tpu.memory_space<vmem>>
      %dma_start3A_259 = arith.constant 0 : i32
      %dma_start3A_260 = arith.constant 0 : i32
      %dma_start3A_261 = tpu.memref_slice %arg5[%dma_start3A_259, %dma_start3A_260] : memref<400000x16xf32, #tpu.memory_space<hbm>> -> memref<400000x16xf32, #tpu.memory_space<hbm>>
      tpu.enqueue_indirect_dma source(%dma_start3A_261 : memref<400000x16xf32, #tpu.memory_space<hbm>>) target(%arg20 : memref<256x16xf32, #tpu.memory_space<vmem>>) offsets(%dma_start3A : memref<256xi32, #tpu.memory_space<vmem>>) semaphore(%arg23 : memref<!tpu.dma_semaphore, #tpu.memory_space<semaphore_mem>>)
      %dma_wait3A = tpu.memref_slice %arg18[%mul3A_258] : memref<12544xi32, #tpu.memory_space<vmem>> -> memref<256xi32, #tpu.memory_space<vmem>>
      %dma_wait3A_262 = arith.constant 0 : i32
      %dma_wait3A_263 = arith.constant 0 : i32
      %dma_wait3A_264 = tpu.memref_slice %arg5[%dma_wait3A_262, %dma_wait3A_263] : memref<400000x16xf32, #tpu.memory_space<hbm>> -> memref<400000x16xf32, #tpu.memory_space<hbm>>
      tpu.wait_indirect_dma semaphore(%arg23 : memref<!tpu.dma_semaphore, #tpu.memory_space<semaphore_mem>>) src(%dma_wait3A_264 : memref<400000x16xf32, #tpu.memory_space<hbm>>) dst(%arg20 : memref<256x16xf32, #tpu.memory_space<vmem>>)
      "tpu.region"() ({
        %run_scoped3A = tpu.sem_alloc : memref<!tpu.dma_semaphore, #tpu.memory_space<semaphore_mem>>
        %dma_start3A_271 = arith.constant 0 : i32
        %dma_start3A_272 = tpu.memref_slice %arg19[%scan3A_256, %dma_start3A_271] : memref<49x256xi32, #tpu.memory_space<vmem>> -> memref<1x256xi32, #tpu.memory_space<vmem>>
        %dma_start3A_273 = tpu.memref_squeeze %dma_start3A_272 : memref<1x256xi32, #tpu.memory_space<vmem>> -> memref<256xi32, #tpu.memory_space<vmem>>
        %dma_start3A_274 = arith.constant 0 : i32
        %dma_start3A_275 = arith.constant 0 : i32
        %dma_start3A_276 = tpu.memref_slice %arg21[%dma_start3A_274, %dma_start3A_275] : memref<50048x16xf32, #tpu.memory_space<vmem_shared>> -> memref<50048x16xf32, #tpu.memory_space<vmem_shared>>
        tpu.enqueue_indirect_dma source(%arg20 : memref<256x16xf32, #tpu.memory_space<vmem>>) target(%dma_start3A_276 : memref<50048x16xf32, #tpu.memory_space<vmem_shared>>) offsets(%dma_start3A_273 : memref<256xi32, #tpu.memory_space<vmem>>) semaphore(%run_scoped3A : memref<!tpu.dma_semaphore, #tpu.memory_space<semaphore_mem>>) {add = true}
        %dma_wait3A_277 = arith.constant 0 : i32
        %dma_wait3A_278 = tpu.memref_slice %arg19[%scan3A_256, %dma_wait3A_277] : memref<49x256xi32, #tpu.memory_space<vmem>> -> memref<1x256xi32, #tpu.memory_space<vmem>>
        %dma_wait3A_279 = tpu.memref_squeeze %dma_wait3A_278 : memref<1x256xi32, #tpu.memory_space<vmem>> -> memref<256xi32, #tpu.memory_space<vmem>>
        %dma_wait3A_280 = arith.constant 0 : i32
        %dma_wait3A_281 = arith.constant 0 : i32
        %dma_wait3A_282 = tpu.memref_slice %arg21[%dma_wait3A_280, %dma_wait3A_281] : memref<50048x16xf32, #tpu.memory_space<vmem_shared>> -> memref<50048x16xf32, #tpu.memory_space<vmem_shared>>
        tpu.wait_indirect_dma semaphore(%run_scoped3A : memref<!tpu.dma_semaphore, #tpu.memory_space<semaphore_mem>>) src(%arg20 : memref<256x16xf32, #tpu.memory_space<vmem>>) dst(%dma_wait3A_282 : memref<50048x16xf32, #tpu.memory_space<vmem_shared>>)
        tpu.yield
      }) : () -> ()
      %scan3A_265 = arith.constant 0 : i32
      %scan3A_266 = arith.constant 0 : i32
      %scan3A_267 = arith.constant 32 : i32
      %scan3A_268 = arith.addi %scan3A_266, %scan3A_267 : i32
      %scan3A_269 = arith.constant 1 : i32
      scf.for %scan3A_271 = %scan3A_266 to %scan3A_268 step %scan3A_269  : i32 {
        %mul3A_272 = arith.constant 8 : i32
        %mul3A_273 = arith.muli %scan3A_271, %mul3A_272 : i32
        %add3A_274 = arith.constant 0 : i32
        %add3A_275 = arith.addi %mul3A_273, %add3A_274 : i32
        %get3A = arith.index_cast %add3A_275 : i32 to index
        %get3A_276 = arith.constant 0 : index
        %get3A_277 = tpu.vector_load %arg20[%get3A, %get3A_276] {strides = array<i32>} : memref<256x16xf32, #tpu.memory_space<vmem>>, vector<1x16xf32>,
        %get3A_278 = vector.shape_cast %get3A_277 : vector<1x16xf32> to vector<16xf32>
        %max3A = arith.constant 0.000000e+00 : f32
        %max3A_279 = vector.broadcast %max3A : f32 to vector<16xf32>
        %max3A_280 = arith.maximumf %get3A_278, %max3A_279 : vector<16xf32>
        %mul3A_281 = arith.constant 8 : i32
        %mul3A_282 = arith.muli %scan3A_271, %mul3A_281 : i32
        %add3A_283 = arith.constant 0 : i32
        %add3A_284 = arith.addi %mul3A_282, %add3A_283 : i32
        %swap3A = arith.index_cast %add3A_284 : i32 to index
        %swap3A_285 = arith.constant 0 : index
        %swap3A_286 = tpu.vector_load %arg20[%swap3A, %swap3A_285] {strides = array<i32>} : memref<256x16xf32, #tpu.memory_space<vmem>>, vector<1x16xf32>,
        %swap3A_287 = vector.shape_cast %swap3A_286 : vector<1x16xf32> to vector<16xf32>
        %swap3A_288 = vector.shape_cast %max3A_280 : vector<16xf32> to vector<1x16xf32>
        tpu.vector_store %arg20[%swap3A, %swap3A_285], %swap3A_288 {strides = array<i32>} : memref<256x16xf32, #tpu.memory_space<vmem>>, vector<1x16xf32>,
        %mul3A_289 = arith.constant 8 : i32
        %mul3A_290 = arith.muli %scan3A_271, %mul3A_289 : i32
        %add3A_291 = arith.constant 1 : i32
        %add3A_292 = arith.addi %mul3A_290, %add3A_291 : i32
        %get3A_293 = arith.index_cast %add3A_292 : i32 to index
        %get3A_294 = arith.constant 0 : index
        %get3A_295 = tpu.vector_load %arg20[%get3A_293, %get3A_294] {strides = array<i32>} : memref<256x16xf32, #tpu.memory_space<vmem>>, vector<1x16xf32>,
        %get3A_296 = vector.shape_cast %get3A_295 : vector<1x16xf32> to vector<16xf32>
        %max3A_297 = arith.constant 0.000000e+00 : f32
        %max3A_298 = vector.broadcast %max3A_297 : f32 to vector<16xf32>
        %max3A_299 = arith.maximumf %get3A_296, %max3A_298 : vector<16xf32>
        %mul3A_300 = arith.constant 8 : i32
        %mul3A_301 = arith.muli %scan3A_271, %mul3A_300 : i32
        %add3A_302 = arith.constant 1 : i32
        %add3A_303 = arith.addi %mul3A_301, %add3A_302 : i32
        %swap3A_304 = arith.index_cast %add3A_303 : i32 to index
        %swap3A_305 = arith.constant 0 : index
        %swap3A_306 = tpu.vector_load %arg20[%swap3A_304, %swap3A_305] {strides = array<i32>} : memref<256x16xf32, #tpu.memory_space<vmem>>, vector<1x16xf32>,
        %swap3A_307 = vector.shape_cast %swap3A_306 : vector<1x16xf32> to vector<16xf32>
        %swap3A_308 = vector.shape_cast %max3A_299 : vector<16xf32> to vector<1x16xf32>
        tpu.vector_store %arg20[%swap3A_304, %swap3A_305], %swap3A_308 {strides = array<i32>} : memref<256x16xf32, #tpu.memory_space<vmem>>, vector<1x16xf32>,
        %mul3A_309 = arith.constant 8 : i32
        %mul3A_310 = arith.muli %scan3A_271, %mul3A_309 : i32
        %add3A_311 = arith.constant 2 : i32
        %add3A_312 = arith.addi %mul3A_310, %add3A_311 : i32
        %get3A_313 = arith.index_cast %add3A_312 : i32 to index
        %get3A_314 = arith.constant 0 : index
        %get3A_315 = tpu.vector_load %arg20[%get3A_313, %get3A_314] {strides = array<i32>} : memref<256x16xf32, #tpu.memory_space<vmem>>, vector<1x16xf32>,
        %get3A_316 = vector.shape_cast %get3A_315 : vector<1x16xf32> to vector<16xf32>
        %max3A_317 = arith.constant 0.000000e+00 : f32
        %max3A_318 = vector.broadcast %max3A_317 : f32 to vector<16xf32>
        %max3A_319 = arith.maximumf %get3A_316, %max3A_318 : vector<16xf32>
        %mul3A_320 = arith.constant 8 : i32
        %mul3A_321 = arith.muli %scan3A_271, %mul3A_320 : i32
        %add3A_322 = arith.constant 2 : i32
        %add3A_323 = arith.addi %mul3A_321, %add3A_322 : i32
        %swap3A_324 = arith.index_cast %add3A_323 : i32 to index
        %swap3A_325 = arith.constant 0 : index
        %swap3A_326 = tpu.vector_load %arg20[%swap3A_324, %swap3A_325] {strides = array<i32>} : memref<256x16xf32, #tpu.memory_space<vmem>>, vector<1x16xf32>,
        %swap3A_327 = vector.shape_cast %swap3A_326 : vector<1x16xf32> to vector<16xf32>
        %swap3A_328 = vector.shape_cast %max3A_319 : vector<16xf32> to vector<1x16xf32>
        tpu.vector_store %arg20[%swap3A_324, %swap3A_325], %swap3A_328 {strides = array<i32>} : memref<256x16xf32, #tpu.memory_space<vmem>>, vector<1x16xf32>,
        %mul3A_329 = arith.constant 8 : i32
        %mul3A_330 = arith.muli %scan3A_271, %mul3A_329 : i32
        %add3A_331 = arith.constant 3 : i32
        %add3A_332 = arith.addi %mul3A_330, %add3A_331 : i32
        %get3A_333 = arith.index_cast %add3A_332 : i32 to index
        %get3A_334 = arith.constant 0 : index
        %get3A_335 = tpu.vector_load %arg20[%get3A_333, %get3A_334] {strides = array<i32>} : memref<256x16xf32, #tpu.memory_space<vmem>>, vector<1x16xf32>,
        %get3A_336 = vector.shape_cast %get3A_335 : vector<1x16xf32> to vector<16xf32>
        %max3A_337 = arith.constant 0.000000e+00 : f32
        %max3A_338 = vector.broadcast %max3A_337 : f32 to vector<16xf32>
        %max3A_339 = arith.maximumf %get3A_336, %max3A_338 : vector<16xf32>
        %mul3A_340 = arith.constant 8 : i32
        %mul3A_341 = arith.muli %scan3A_271, %mul3A_340 : i32
        %add3A_342 = arith.constant 3 : i32
        %add3A_343 = arith.addi %mul3A_341, %add3A_342 : i32
        %swap3A_344 = arith.index_cast %add3A_343 : i32 to index
        %swap3A_345 = arith.constant 0 : index
        %swap3A_346 = tpu.vector_load %arg20[%swap3A_344, %swap3A_345] {strides = array<i32>} : memref<256x16xf32, #tpu.memory_space<vmem>>, vector<1x16xf32>,
        %swap3A_347 = vector.shape_cast %swap3A_346 : vector<1x16xf32> to vector<16xf32>
        %swap3A_348 = vector.shape_cast %max3A_339 : vector<16xf32> to vector<1x16xf32>
        tpu.vector_store %arg20[%swap3A_344, %swap3A_345], %swap3A_348 {strides = array<i32>} : memref<256x16xf32, #tpu.memory_space<vmem>>, vector<1x16xf32>,
        %mul3A_349 = arith.constant 8 : i32
        %mul3A_350 = arith.muli %scan3A_271, %mul3A_349 : i32
        %add3A_351 = arith.constant 4 : i32
        %add3A_352 = arith.addi %mul3A_350, %add3A_351 : i32
        %get3A_353 = arith.index_cast %add3A_352 : i32 to index
        %get3A_354 = arith.constant 0 : index
        %get3A_355 = tpu.vector_load %arg20[%get3A_353, %get3A_354] {strides = array<i32>} : memref<256x16xf32, #tpu.memory_space<vmem>>, vector<1x16xf32>,
        %get3A_356 = vector.shape_cast %get3A_355 : vector<1x16xf32> to vector<16xf32>
        %max3A_357 = arith.constant 0.000000e+00 : f32
        %max3A_358 = vector.broadcast %max3A_357 : f32 to vector<16xf32>
        %max3A_359 = arith.maximumf %get3A_356, %max3A_358 : vector<16xf32>
        %mul3A_360 = arith.constant 8 : i32
        %mul3A_361 = arith.muli %scan3A_271, %mul3A_360 : i32
        %add3A_362 = arith.constant 4 : i32
        %add3A_363 = arith.addi %mul3A_361, %add3A_362 : i32
        %swap3A_364 = arith.index_cast %add3A_363 : i32 to index
        %swap3A_365 = arith.constant 0 : index
        %swap3A_366 = tpu.vector_load %arg20[%swap3A_364, %swap3A_365] {strides = array<i32>} : memref<256x16xf32, #tpu.memory_space<vmem>>, vector<1x16xf32>,
        %swap3A_367 = vector.shape_cast %swap3A_366 : vector<1x16xf32> to vector<16xf32>
        %swap3A_368 = vector.shape_cast %max3A_359 : vector<16xf32> to vector<1x16xf32>
        tpu.vector_store %arg20[%swap3A_364, %swap3A_365], %swap3A_368 {strides = array<i32>} : memref<256x16xf32, #tpu.memory_space<vmem>>, vector<1x16xf32>,
        %mul3A_369 = arith.constant 8 : i32
        %mul3A_370 = arith.muli %scan3A_271, %mul3A_369 : i32
        %add3A_371 = arith.constant 5 : i32
        %add3A_372 = arith.addi %mul3A_370, %add3A_371 : i32
        %get3A_373 = arith.index_cast %add3A_372 : i32 to index
        %get3A_374 = arith.constant 0 : index
        %get3A_375 = tpu.vector_load %arg20[%get3A_373, %get3A_374] {strides = array<i32>} : memref<256x16xf32, #tpu.memory_space<vmem>>, vector<1x16xf32>,
        %get3A_376 = vector.shape_cast %get3A_375 : vector<1x16xf32> to vector<16xf32>
        %max3A_377 = arith.constant 0.000000e+00 : f32
        %max3A_378 = vector.broadcast %max3A_377 : f32 to vector<16xf32>
        %max3A_379 = arith.maximumf %get3A_376, %max3A_378 : vector<16xf32>
        %mul3A_380 = arith.constant 8 : i32
        %mul3A_381 = arith.muli %scan3A_271, %mul3A_380 : i32
        %add3A_382 = arith.constant 5 : i32
        %add3A_383 = arith.addi %mul3A_381, %add3A_382 : i32
        %swap3A_384 = arith.index_cast %add3A_383 : i32 to index
        %swap3A_385 = arith.constant 0 : index
        %swap3A_386 = tpu.vector_load %arg20[%swap3A_384, %swap3A_385] {strides = array<i32>} : memref<256x16xf32, #tpu.memory_space<vmem>>, vector<1x16xf32>,
        %swap3A_387 = vector.shape_cast %swap3A_386 : vector<1x16xf32> to vector<16xf32>
        %swap3A_388 = vector.shape_cast %max3A_379 : vector<16xf32> to vector<1x16xf32>
        tpu.vector_store %arg20[%swap3A_384, %swap3A_385], %swap3A_388 {strides = array<i32>} : memref<256x16xf32, #tpu.memory_space<vmem>>, vector<1x16xf32>,
        %mul3A_389 = arith.constant 8 : i32
        %mul3A_390 = arith.muli %scan3A_271, %mul3A_389 : i32
        %add3A_391 = arith.constant 6 : i32
        %add3A_392 = arith.addi %mul3A_390, %add3A_391 : i32
        %get3A_393 = arith.index_cast %add3A_392 : i32 to index
        %get3A_394 = arith.constant 0 : index
        %get3A_395 = tpu.vector_load %arg20[%get3A_393, %get3A_394] {strides = array<i32>} : memref<256x16xf32, #tpu.memory_space<vmem>>, vector<1x16xf32>,
        %get3A_396 = vector.shape_cast %get3A_395 : vector<1x16xf32> to vector<16xf32>
        %max3A_397 = arith.constant 0.000000e+00 : f32
        %max3A_398 = vector.broadcast %max3A_397 : f32 to vector<16xf32>
        %max3A_399 = arith.maximumf %get3A_396, %max3A_398 : vector<16xf32>
        %mul3A_400 = arith.constant 8 : i32
        %mul3A_401 = arith.muli %scan3A_271, %mul3A_400 : i32
        %add3A_402 = arith.constant 6 : i32
        %add3A_403 = arith.addi %mul3A_401, %add3A_402 : i32
        %swap3A_404 = arith.index_cast %add3A_403 : i32 to index
        %swap3A_405 = arith.constant 0 : index
        %swap3A_406 = tpu.vector_load %arg20[%swap3A_404, %swap3A_405] {strides = array<i32>} : memref<256x16xf32, #tpu.memory_space<vmem>>, vector<1x16xf32>,
        %swap3A_407 = vector.shape_cast %swap3A_406 : vector<1x16xf32> to vector<16xf32>
        %swap3A_408 = vector.shape_cast %max3A_399 : vector<16xf32> to vector<1x16xf32>
        tpu.vector_store %arg20[%swap3A_404, %swap3A_405], %swap3A_408 {strides = array<i32>} : memref<256x16xf32, #tpu.memory_space<vmem>>, vector<1x16xf32>,
        %mul3A_409 = arith.constant 8 : i32
        %mul3A_410 = arith.muli %scan3A_271, %mul3A_409 : i32
        %add3A_411 = arith.constant 7 : i32
        %add3A_412 = arith.addi %mul3A_410, %add3A_411 : i32
        %get3A_413 = arith.index_cast %add3A_412 : i32 to index
        %get3A_414 = arith.constant 0 : index
        %get3A_415 = tpu.vector_load %arg20[%get3A_413, %get3A_414] {strides = array<i32>} : memref<256x16xf32, #tpu.memory_space<vmem>>, vector<1x16xf32>,
        %get3A_416 = vector.shape_cast %get3A_415 : vector<1x16xf32> to vector<16xf32>
        %max3A_417 = arith.constant 0.000000e+00 : f32
        %max3A_418 = vector.broadcast %max3A_417 : f32 to vector<16xf32>
        %max3A_419 = arith.maximumf %get3A_416, %max3A_418 : vector<16xf32>
        %mul3A_420 = arith.constant 8 : i32
        %mul3A_421 = arith.muli %scan3A_271, %mul3A_420 : i32
        %add3A_422 = arith.constant 7 : i32
        %add3A_423 = arith.addi %mul3A_421, %add3A_422 : i32
        %swap3A_424 = arith.index_cast %add3A_423 : i32 to index
        %swap3A_425 = arith.constant 0 : index
        %swap3A_426 = tpu.vector_load %arg20[%swap3A_424, %swap3A_425] {strides = array<i32>} : memref<256x16xf32, #tpu.memory_space<vmem>>, vector<1x16xf32>,
        %swap3A_427 = vector.shape_cast %swap3A_426 : vector<1x16xf32> to vector<16xf32>
        %swap3A_428 = vector.shape_cast %max3A_419 : vector<16xf32> to vector<1x16xf32>
        tpu.vector_store %arg20[%swap3A_424, %swap3A_425], %swap3A_428 {strides = array<i32>} : memref<256x16xf32, #tpu.memory_space<vmem>>, vector<1x16xf32>,
      }
      %scan3A_270 = arith.constant 32 : i32
      "tpu.region"() ({
        %run_scoped3A = tpu.sem_alloc : memref<!tpu.dma_semaphore, #tpu.memory_space<semaphore_mem>>
        %dma_start3A_271 = arith.constant 0 : i32
        %dma_start3A_272 = tpu.memref_slice %arg19[%scan3A_256, %dma_start3A_271] : memref<49x256xi32, #tpu.memory_space<vmem>> -> memref<1x256xi32, #tpu.memory_space<vmem>>
        %dma_start3A_273 = tpu.memref_squeeze %dma_start3A_272 : memref<1x256xi32, #tpu.memory_space<vmem>> -> memref<256xi32, #tpu.memory_space<vmem>>
        %dma_start3A_274 = arith.constant 0 : i32
        %dma_start3A_275 = arith.constant 0 : i32
        %dma_start3A_276 = tpu.memref_slice %arg22[%dma_start3A_274, %dma_start3A_275] : memref<50048x16xf32, #tpu.memory_space<vmem_shared>> -> memref<50048x16xf32, #tpu.memory_space<vmem_shared>>
        tpu.enqueue_indirect_dma source(%arg20 : memref<256x16xf32, #tpu.memory_space<vmem>>) target(%dma_start3A_276 : memref<50048x16xf32, #tpu.memory_space<vmem_shared>>) offsets(%dma_start3A_273 : memref<256xi32, #tpu.memory_space<vmem>>) semaphore(%run_scoped3A : memref<!tpu.dma_semaphore, #tpu.memory_space<semaphore_mem>>) {add = true}
        %dma_wait3A_277 = arith.constant 0 : i32
        %dma_wait3A_278 = tpu.memref_slice %arg19[%scan3A_256, %dma_wait3A_277] : memref<49x256xi32, #tpu.memory_space<vmem>> -> memref<1x256xi32, #tpu.memory_space<vmem>>
        %dma_wait3A_279 = tpu.memref_squeeze %dma_wait3A_278 : memref<1x256xi32, #tpu.memory_space<vmem>> -> memref<256xi32, #tpu.memory_space<vmem>>
        %dma_wait3A_280 = arith.constant 0 : i32
        %dma_wait3A_281 = arith.constant 0 : i32
        %dma_wait3A_282 = tpu.memref_slice %arg22[%dma_wait3A_280, %dma_wait3A_281] : memref<50048x16xf32, #tpu.memory_space<vmem_shared>> -> memref<50048x16xf32, #tpu.memory_space<vmem_shared>>
        tpu.wait_indirect_dma semaphore(%run_scoped3A : memref<!tpu.dma_semaphore, #tpu.memory_space<semaphore_mem>>) src(%arg20 : memref<256x16xf32, #tpu.memory_space<vmem>>) dst(%dma_wait3A_282 : memref<50048x16xf32, #tpu.memory_space<vmem_shared>>)
        tpu.yield
      }) : () -> ()
    }
    %scan3A_98 = arith.constant 49 : i32
    %barrier3A_99 = arith.constant 0 : index
    tpu.barrier barrier_id(%barrier3A_99)
    %mul3A_100 = arith.constant 4 : i32
    %mul3A_101 = arith.muli %arg0, %mul3A_100 : i32
    %add3A_102 = arith.constant 0 : i32
    %add3A_103 = arith.addi %mul3A_101, %add3A_102 : i32
    %mul3A_104 = arith.constant 16 : i32
    %mul3A_105 = arith.muli %add3A_103, %mul3A_104 : i32
    "tpu.region"() ({
      %run_scoped3A = tpu.sem_alloc : memref<!tpu.dma_semaphore, #tpu.memory_space<semaphore_mem>>
      %dma_start3A = tpu.memref_slice %arg14[%mul3A_0, %mul3A_105] : memref<50048x128xf32, #tpu.memory_space<hbm>> -> memref<3128x16xf32, #tpu.memory_space<hbm>>
      %dma_start3A_256 = arith.constant 0 : i32
      %dma_start3A_257 = tpu.memref_slice %arg21[%mul3A_0, %dma_start3A_256] : memref<50048x16xf32, #tpu.memory_space<vmem_shared>> -> memref<3128x16xf32, #tpu.memory_space<vmem_shared>>
      tpu.enqueue_dma source(%dma_start3A_257 : memref<3128x16xf32, #tpu.memory_space<vmem_shared>>) target(%dma_start3A : memref<3128x16xf32, #tpu.memory_space<hbm>>) target_semaphore(%run_scoped3A : memref<!tpu.dma_semaphore, #tpu.memory_space<semaphore_mem>>)
      %dma_wait3A = tpu.memref_slice %arg14[%mul3A_0, %mul3A_105] : memref<50048x128xf32, #tpu.memory_space<hbm>> -> memref<3128x16xf32, #tpu.memory_space<hbm>>
      %dma_wait3A_258 = arith.constant 0 : i32
      %dma_wait3A_259 = tpu.memref_slice %arg21[%mul3A_0, %dma_wait3A_258] : memref<50048x16xf32, #tpu.memory_space<vmem_shared>> -> memref<3128x16xf32, #tpu.memory_space<vmem_shared>>
      tpu.wait_dma2 semaphore(%run_scoped3A : memref<!tpu.dma_semaphore, #tpu.memory_space<semaphore_mem>>) src(%dma_wait3A_259 : memref<3128x16xf32, #tpu.memory_space<vmem_shared>>) dst(%dma_wait3A : memref<3128x16xf32, #tpu.memory_space<hbm>>)
      tpu.yield
    }) : () -> ()
    "tpu.region"() ({
      %run_scoped3A = tpu.sem_alloc : memref<!tpu.dma_semaphore, #tpu.memory_space<semaphore_mem>>
      %dma_start3A = tpu.memref_slice %arg15[%mul3A_0, %mul3A_105] : memref<50048x128xf32, #tpu.memory_space<hbm>> -> memref<3128x16xf32, #tpu.memory_space<hbm>>
      %dma_start3A_256 = arith.constant 0 : i32
      %dma_start3A_257 = tpu.memref_slice %arg22[%mul3A_0, %dma_start3A_256] : memref<50048x16xf32, #tpu.memory_space<vmem_shared>> -> memref<3128x16xf32, #tpu.memory_space<vmem_shared>>
      tpu.enqueue_dma source(%dma_start3A_257 : memref<3128x16xf32, #tpu.memory_space<vmem_shared>>) target(%dma_start3A : memref<3128x16xf32, #tpu.memory_space<hbm>>) target_semaphore(%run_scoped3A : memref<!tpu.dma_semaphore, #tpu.memory_space<semaphore_mem>>)
      %dma_wait3A = tpu.memref_slice %arg15[%mul3A_0, %mul3A_105] : memref<50048x128xf32, #tpu.memory_space<hbm>> -> memref<3128x16xf32, #tpu.memory_space<hbm>>
      %dma_wait3A_258 = arith.constant 0 : i32
      %dma_wait3A_259 = tpu.memref_slice %arg22[%mul3A_0, %dma_wait3A_258] : memref<50048x16xf32, #tpu.memory_space<vmem_shared>> -> memref<3128x16xf32, #tpu.memory_space<vmem_shared>>
      tpu.wait_dma2 semaphore(%run_scoped3A : memref<!tpu.dma_semaphore, #tpu.memory_space<semaphore_mem>>) src(%dma_wait3A_259 : memref<3128x16xf32, #tpu.memory_space<vmem_shared>>) dst(%dma_wait3A : memref<3128x16xf32, #tpu.memory_space<hbm>>)
      tpu.yield
    }) : () -> ()
    %barrier3A_106 = arith.constant 0 : index
    tpu.barrier barrier_id(%barrier3A_106)
    %scan3A_107 = arith.constant 0 : i32
    %scan3A_108 = arith.constant 0 : i32
    %scan3A_109 = arith.constant 784 : i32
    %scan3A_110 = arith.addi %scan3A_108, %scan3A_109 : i32
    %scan3A_111 = arith.constant 1 : i32
    scf.for %scan3A_256 = %scan3A_108 to %scan3A_110 step %scan3A_111  : i32 {
      %mul3A_257 = arith.constant 16 : i32
      %mul3A_258 = arith.muli %scan3A_256, %mul3A_257 : i32
      %get3A = arith.index_cast %mul3A_258 : i32 to index
      %get3A_259 = tpu.vector_load %arg18[%get3A] {strides = array<i32>} : memref<12544xi32, #tpu.memory_space<vmem>>, vector<16xi32>,
      %get3A_260 = vector.shape_cast %get3A_259 : vector<16xi32> to vector<16xi32>
      %add3A_261 = arith.constant 1 : i32
      %add3A_262 = vector.broadcast %add3A_261 : i32 to vector<16xi32>
      %add3A_263 = arith.addi %get3A_260, %add3A_262 : vector<16xi32>
      %swap3A = arith.index_cast %mul3A_258 : i32 to index
      %swap3A_264 = tpu.vector_load %arg18[%swap3A] {strides = array<i32>} : memref<12544xi32, #tpu.memory_space<vmem>>, vector<16xi32>,
      %swap3A_265 = vector.shape_cast %swap3A_264 : vector<16xi32> to vector<16xi32>
      %swap3A_266 = vector.shape_cast %add3A_263 : vector<16xi32> to vector<16xi32>
      tpu.vector_store %arg18[%swap3A], %swap3A_266 {strides = array<i32>} : memref<12544xi32, #tpu.memory_space<vmem>>, vector<16xi32>,
    }
    %scan3A_112 = arith.constant 784 : i32
    "tpu.region"() ({
      %run_scoped3A = tpu.sem_alloc : memref<!tpu.dma_semaphore, #tpu.memory_space<semaphore_mem>>
      %dma_start3A = arith.constant 0 : i32
      %dma_start3A_256 = tpu.memref_slice %arg21[%mul3A_0, %dma_start3A] : memref<50048x16xf32, #tpu.memory_space<vmem_shared>> -> memref<3128x16xf32, #tpu.memory_space<vmem_shared>>
      tpu.enqueue_dma source(%arg11 : memref<3128x16xf32, #tpu.memory_space<hbm>>) target(%dma_start3A_256 : memref<3128x16xf32, #tpu.memory_space<vmem_shared>>) target_semaphore(%run_scoped3A : memref<!tpu.dma_semaphore, #tpu.memory_space<semaphore_mem>>)
      %dma_wait3A = arith.constant 0 : i32
      %dma_wait3A_257 = tpu.memref_slice %arg21[%mul3A_0, %dma_wait3A] : memref<50048x16xf32, #tpu.memory_space<vmem_shared>> -> memref<3128x16xf32, #tpu.memory_space<vmem_shared>>
      tpu.wait_dma2 semaphore(%run_scoped3A : memref<!tpu.dma_semaphore, #tpu.memory_space<semaphore_mem>>) src(%arg11 : memref<3128x16xf32, #tpu.memory_space<hbm>>) dst(%dma_wait3A_257 : memref<3128x16xf32, #tpu.memory_space<vmem_shared>>)
      tpu.yield
    }) : () -> ()
    "tpu.region"() ({
      %run_scoped3A = tpu.sem_alloc : memref<!tpu.dma_semaphore, #tpu.memory_space<semaphore_mem>>
      %dma_start3A = arith.constant 0 : i32
      %dma_start3A_256 = tpu.memref_slice %arg22[%mul3A_0, %dma_start3A] : memref<50048x16xf32, #tpu.memory_space<vmem_shared>> -> memref<3128x16xf32, #tpu.memory_space<vmem_shared>>
      tpu.enqueue_dma source(%arg11 : memref<3128x16xf32, #tpu.memory_space<hbm>>) target(%dma_start3A_256 : memref<3128x16xf32, #tpu.memory_space<vmem_shared>>) target_semaphore(%run_scoped3A : memref<!tpu.dma_semaphore, #tpu.memory_space<semaphore_mem>>)
      %dma_wait3A = arith.constant 0 : i32
      %dma_wait3A_257 = tpu.memref_slice %arg22[%mul3A_0, %dma_wait3A] : memref<50048x16xf32, #tpu.memory_space<vmem_shared>> -> memref<3128x16xf32, #tpu.memory_space<vmem_shared>>
      tpu.wait_dma2 semaphore(%run_scoped3A : memref<!tpu.dma_semaphore, #tpu.memory_space<semaphore_mem>>) src(%arg11 : memref<3128x16xf32, #tpu.memory_space<hbm>>) dst(%dma_wait3A_257 : memref<3128x16xf32, #tpu.memory_space<vmem_shared>>)
      tpu.yield
    }) : () -> ()
    %barrier3A_113 = arith.constant 0 : index
    tpu.barrier barrier_id(%barrier3A_113)
    %scan3A_114 = arith.constant 0 : i32
    %scan3A_115 = arith.constant 0 : i32
    %scan3A_116 = arith.constant 49 : i32
    %scan3A_117 = arith.addi %scan3A_115, %scan3A_116 : i32
    %scan3A_118 = arith.constant 1 : i32
    scf.for %scan3A_256 = %scan3A_115 to %scan3A_117 step %scan3A_118  : i32 {
      %mul3A_257 = arith.constant 256 : i32
      %mul3A_258 = arith.muli %scan3A_256, %mul3A_257 : i32
      %dma_start3A = tpu.memref_slice %arg18[%mul3A_258] : memref<12544xi32, #tpu.memory_space<vmem>> -> memref<256xi32, #tpu.memory_space<vmem>>
      %dma_start3A_259 = arith.constant 0 : i32
      %dma_start3A_260 = arith.constant 0 : i32
      %dma_start3A_261 = tpu.memref_slice %arg5[%dma_start3A_259, %dma_start3A_260] : memref<400000x16xf32, #tpu.memory_space<hbm>> -> memref<400000x16xf32, #tpu.memory_space<hbm>>
      tpu.enqueue_indirect_dma source(%dma_start3A_261 : memref<400000x16xf32, #tpu.memory_space<hbm>>) target(%arg20 : memref<256x16xf32, #tpu.memory_space<vmem>>) offsets(%dma_start3A : memref<256xi32, #tpu.memory_space<vmem>>) semaphore(%arg23 : memref<!tpu.dma_semaphore, #tpu.memory_space<semaphore_mem>>)
      %dma_wait3A = tpu.memref_slice %arg18[%mul3A_258] : memref<12544xi32, #tpu.memory_space<vmem>> -> memref<256xi32, #tpu.memory_space<vmem>>
      %dma_wait3A_262 = arith.constant 0 : i32
      %dma_wait3A_263 = arith.constant 0 : i32
      %dma_wait3A_264 = tpu.memref_slice %arg5[%dma_wait3A_262, %dma_wait3A_263] : memref<400000x16xf32, #tpu.memory_space<hbm>> -> memref<400000x16xf32, #tpu.memory_space<hbm>>
      tpu.wait_indirect_dma semaphore(%arg23 : memref<!tpu.dma_semaphore, #tpu.memory_space<semaphore_mem>>) src(%dma_wait3A_264 : memref<400000x16xf32, #tpu.memory_space<hbm>>) dst(%arg20 : memref<256x16xf32, #tpu.memory_space<vmem>>)
      "tpu.region"() ({
        %run_scoped3A = tpu.sem_alloc : memref<!tpu.dma_semaphore, #tpu.memory_space<semaphore_mem>>
        %dma_start3A_271 = arith.constant 0 : i32
        %dma_start3A_272 = tpu.memref_slice %arg19[%scan3A_256, %dma_start3A_271] : memref<49x256xi32, #tpu.memory_space<vmem>> -> memref<1x256xi32, #tpu.memory_space<vmem>>
        %dma_start3A_273 = tpu.memref_squeeze %dma_start3A_272 : memref<1x256xi32, #tpu.memory_space<vmem>> -> memref<256xi32, #tpu.memory_space<vmem>>
        %dma_start3A_274 = arith.constant 0 : i32
        %dma_start3A_275 = arith.constant 0 : i32
        %dma_start3A_276 = tpu.memref_slice %arg21[%dma_start3A_274, %dma_start3A_275] : memref<50048x16xf32, #tpu.memory_space<vmem_shared>> -> memref<50048x16xf32, #tpu.memory_space<vmem_shared>>
        tpu.enqueue_indirect_dma source(%arg20 : memref<256x16xf32, #tpu.memory_space<vmem>>) target(%dma_start3A_276 : memref<50048x16xf32, #tpu.memory_space<vmem_shared>>) offsets(%dma_start3A_273 : memref<256xi32, #tpu.memory_space<vmem>>) semaphore(%run_scoped3A : memref<!tpu.dma_semaphore, #tpu.memory_space<semaphore_mem>>) {add = true}
        %dma_wait3A_277 = arith.constant 0 : i32
        %dma_wait3A_278 = tpu.memref_slice %arg19[%scan3A_256, %dma_wait3A_277] : memref<49x256xi32, #tpu.memory_space<vmem>> -> memref<1x256xi32, #tpu.memory_space<vmem>>
        %dma_wait3A_279 = tpu.memref_squeeze %dma_wait3A_278 : memref<1x256xi32, #tpu.memory_space<vmem>> -> memref<256xi32, #tpu.memory_space<vmem>>
        %dma_wait3A_280 = arith.constant 0 : i32
        %dma_wait3A_281 = arith.constant 0 : i32
        %dma_wait3A_282 = tpu.memref_slice %arg21[%dma_wait3A_280, %dma_wait3A_281] : memref<50048x16xf32, #tpu.memory_space<vmem_shared>> -> memref<50048x16xf32, #tpu.memory_space<vmem_shared>>
        tpu.wait_indirect_dma semaphore(%run_scoped3A : memref<!tpu.dma_semaphore, #tpu.memory_space<semaphore_mem>>) src(%arg20 : memref<256x16xf32, #tpu.memory_space<vmem>>) dst(%dma_wait3A_282 : memref<50048x16xf32, #tpu.memory_space<vmem_shared>>)
        tpu.yield
      }) : () -> ()
      %scan3A_265 = arith.constant 0 : i32
      %scan3A_266 = arith.constant 0 : i32
      %scan3A_267 = arith.constant 32 : i32
      %scan3A_268 = arith.addi %scan3A_266, %scan3A_267 : i32
      %scan3A_269 = arith.constant 1 : i32
      scf.for %scan3A_271 = %scan3A_266 to %scan3A_268 step %scan3A_269  : i32 {
        %mul3A_272 = arith.constant 8 : i32
        %mul3A_273 = arith.muli %scan3A_271, %mul3A_272 : i32
        %add3A_274 = arith.constant 0 : i32
        %add3A_275 = arith.addi %mul3A_273, %add3A_274 : i32
        %get3A = arith.index_cast %add3A_275 : i32 to index
        %get3A_276 = arith.constant 0 : index
        %get3A_277 = tpu.vector_load %arg20[%get3A, %get3A_276] {strides = array<i32>} : memref<256x16xf32, #tpu.memory_space<vmem>>, vector<1x16xf32>,
        %get3A_278 = vector.shape_cast %get3A_277 : vector<1x16xf32> to vector<16xf32>
        %max3A = arith.constant 0.000000e+00 : f32
        %max3A_279 = vector.broadcast %max3A : f32 to vector<16xf32>
        %max3A_280 = arith.maximumf %get3A_278, %max3A_279 : vector<16xf32>
        %mul3A_281 = arith.constant 8 : i32
        %mul3A_282 = arith.muli %scan3A_271, %mul3A_281 : i32
        %add3A_283 = arith.constant 0 : i32
        %add3A_284 = arith.addi %mul3A_282, %add3A_283 : i32
        %swap3A = arith.index_cast %add3A_284 : i32 to index
        %swap3A_285 = arith.constant 0 : index
        %swap3A_286 = tpu.vector_load %arg20[%swap3A, %swap3A_285] {strides = array<i32>} : memref<256x16xf32, #tpu.memory_space<vmem>>, vector<1x16xf32>,
        %swap3A_287 = vector.shape_cast %swap3A_286 : vector<1x16xf32> to vector<16xf32>
        %swap3A_288 = vector.shape_cast %max3A_280 : vector<16xf32> to vector<1x16xf32>
        tpu.vector_store %arg20[%swap3A, %swap3A_285], %swap3A_288 {strides = array<i32>} : memref<256x16xf32, #tpu.memory_space<vmem>>, vector<1x16xf32>,
        %mul3A_289 = arith.constant 8 : i32
        %mul3A_290 = arith.muli %scan3A_271, %mul3A_289 : i32
        %add3A_291 = arith.constant 1 : i32
        %add3A_292 = arith.addi %mul3A_290, %add3A_291 : i32
        %get3A_293 = arith.index_cast %add3A_292 : i32 to index
        %get3A_294 = arith.constant 0 : index
        %get3A_295 = tpu.vector_load %arg20[%get3A_293, %get3A_294] {strides = array<i32>} : memref<256x16xf32, #tpu.memory_space<vmem>>, vector<1x16xf32>,
        %get3A_296 = vector.shape_cast %get3A_295 : vector<1x16xf32> to vector<16xf32>
        %max3A_297 = arith.constant 0.000000e+00 : f32
        %max3A_298 = vector.broadcast %max3A_297 : f32 to vector<16xf32>
        %max3A_299 = arith.maximumf %get3A_296, %max3A_298 : vector<16xf32>
        %mul3A_300 = arith.constant 8 : i32
        %mul3A_301 = arith.muli %scan3A_271, %mul3A_300 : i32
        %add3A_302 = arith.constant 1 : i32
        %add3A_303 = arith.addi %mul3A_301, %add3A_302 : i32
        %swap3A_304 = arith.index_cast %add3A_303 : i32 to index
        %swap3A_305 = arith.constant 0 : index
        %swap3A_306 = tpu.vector_load %arg20[%swap3A_304, %swap3A_305] {strides = array<i32>} : memref<256x16xf32, #tpu.memory_space<vmem>>, vector<1x16xf32>,
        %swap3A_307 = vector.shape_cast %swap3A_306 : vector<1x16xf32> to vector<16xf32>
        %swap3A_308 = vector.shape_cast %max3A_299 : vector<16xf32> to vector<1x16xf32>
        tpu.vector_store %arg20[%swap3A_304, %swap3A_305], %swap3A_308 {strides = array<i32>} : memref<256x16xf32, #tpu.memory_space<vmem>>, vector<1x16xf32>,
        %mul3A_309 = arith.constant 8 : i32
        %mul3A_310 = arith.muli %scan3A_271, %mul3A_309 : i32
        %add3A_311 = arith.constant 2 : i32
        %add3A_312 = arith.addi %mul3A_310, %add3A_311 : i32
        %get3A_313 = arith.index_cast %add3A_312 : i32 to index
        %get3A_314 = arith.constant 0 : index
        %get3A_315 = tpu.vector_load %arg20[%get3A_313, %get3A_314] {strides = array<i32>} : memref<256x16xf32, #tpu.memory_space<vmem>>, vector<1x16xf32>,
        %get3A_316 = vector.shape_cast %get3A_315 : vector<1x16xf32> to vector<16xf32>
        %max3A_317 = arith.constant 0.000000e+00 : f32
        %max3A_318 = vector.broadcast %max3A_317 : f32 to vector<16xf32>
        %max3A_319 = arith.maximumf %get3A_316, %max3A_318 : vector<16xf32>
        %mul3A_320 = arith.constant 8 : i32
        %mul3A_321 = arith.muli %scan3A_271, %mul3A_320 : i32
        %add3A_322 = arith.constant 2 : i32
        %add3A_323 = arith.addi %mul3A_321, %add3A_322 : i32
        %swap3A_324 = arith.index_cast %add3A_323 : i32 to index
        %swap3A_325 = arith.constant 0 : index
        %swap3A_326 = tpu.vector_load %arg20[%swap3A_324, %swap3A_325] {strides = array<i32>} : memref<256x16xf32, #tpu.memory_space<vmem>>, vector<1x16xf32>,
        %swap3A_327 = vector.shape_cast %swap3A_326 : vector<1x16xf32> to vector<16xf32>
        %swap3A_328 = vector.shape_cast %max3A_319 : vector<16xf32> to vector<1x16xf32>
        tpu.vector_store %arg20[%swap3A_324, %swap3A_325], %swap3A_328 {strides = array<i32>} : memref<256x16xf32, #tpu.memory_space<vmem>>, vector<1x16xf32>,
        %mul3A_329 = arith.constant 8 : i32
        %mul3A_330 = arith.muli %scan3A_271, %mul3A_329 : i32
        %add3A_331 = arith.constant 3 : i32
        %add3A_332 = arith.addi %mul3A_330, %add3A_331 : i32
        %get3A_333 = arith.index_cast %add3A_332 : i32 to index
        %get3A_334 = arith.constant 0 : index
        %get3A_335 = tpu.vector_load %arg20[%get3A_333, %get3A_334] {strides = array<i32>} : memref<256x16xf32, #tpu.memory_space<vmem>>, vector<1x16xf32>,
        %get3A_336 = vector.shape_cast %get3A_335 : vector<1x16xf32> to vector<16xf32>
        %max3A_337 = arith.constant 0.000000e+00 : f32
        %max3A_338 = vector.broadcast %max3A_337 : f32 to vector<16xf32>
        %max3A_339 = arith.maximumf %get3A_336, %max3A_338 : vector<16xf32>
        %mul3A_340 = arith.constant 8 : i32
        %mul3A_341 = arith.muli %scan3A_271, %mul3A_340 : i32
        %add3A_342 = arith.constant 3 : i32
        %add3A_343 = arith.addi %mul3A_341, %add3A_342 : i32
        %swap3A_344 = arith.index_cast %add3A_343 : i32 to index
        %swap3A_345 = arith.constant 0 : index
        %swap3A_346 = tpu.vector_load %arg20[%swap3A_344, %swap3A_345] {strides = array<i32>} : memref<256x16xf32, #tpu.memory_space<vmem>>, vector<1x16xf32>,
        %swap3A_347 = vector.shape_cast %swap3A_346 : vector<1x16xf32> to vector<16xf32>
        %swap3A_348 = vector.shape_cast %max3A_339 : vector<16xf32> to vector<1x16xf32>
        tpu.vector_store %arg20[%swap3A_344, %swap3A_345], %swap3A_348 {strides = array<i32>} : memref<256x16xf32, #tpu.memory_space<vmem>>, vector<1x16xf32>,
        %mul3A_349 = arith.constant 8 : i32
        %mul3A_350 = arith.muli %scan3A_271, %mul3A_349 : i32
        %add3A_351 = arith.constant 4 : i32
        %add3A_352 = arith.addi %mul3A_350, %add3A_351 : i32
        %get3A_353 = arith.index_cast %add3A_352 : i32 to index
        %get3A_354 = arith.constant 0 : index
        %get3A_355 = tpu.vector_load %arg20[%get3A_353, %get3A_354] {strides = array<i32>} : memref<256x16xf32, #tpu.memory_space<vmem>>, vector<1x16xf32>,
        %get3A_356 = vector.shape_cast %get3A_355 : vector<1x16xf32> to vector<16xf32>
        %max3A_357 = arith.constant 0.000000e+00 : f32
        %max3A_358 = vector.broadcast %max3A_357 : f32 to vector<16xf32>
        %max3A_359 = arith.maximumf %get3A_356, %max3A_358 : vector<16xf32>
        %mul3A_360 = arith.constant 8 : i32
        %mul3A_361 = arith.muli %scan3A_271, %mul3A_360 : i32
        %add3A_362 = arith.constant 4 : i32
        %add3A_363 = arith.addi %mul3A_361, %add3A_362 : i32
        %swap3A_364 = arith.index_cast %add3A_363 : i32 to index
        %swap3A_365 = arith.constant 0 : index
        %swap3A_366 = tpu.vector_load %arg20[%swap3A_364, %swap3A_365] {strides = array<i32>} : memref<256x16xf32, #tpu.memory_space<vmem>>, vector<1x16xf32>,
        %swap3A_367 = vector.shape_cast %swap3A_366 : vector<1x16xf32> to vector<16xf32>
        %swap3A_368 = vector.shape_cast %max3A_359 : vector<16xf32> to vector<1x16xf32>
        tpu.vector_store %arg20[%swap3A_364, %swap3A_365], %swap3A_368 {strides = array<i32>} : memref<256x16xf32, #tpu.memory_space<vmem>>, vector<1x16xf32>,
        %mul3A_369 = arith.constant 8 : i32
        %mul3A_370 = arith.muli %scan3A_271, %mul3A_369 : i32
        %add3A_371 = arith.constant 5 : i32
        %add3A_372 = arith.addi %mul3A_370, %add3A_371 : i32
        %get3A_373 = arith.index_cast %add3A_372 : i32 to index
        %get3A_374 = arith.constant 0 : index
        %get3A_375 = tpu.vector_load %arg20[%get3A_373, %get3A_374] {strides = array<i32>} : memref<256x16xf32, #tpu.memory_space<vmem>>, vector<1x16xf32>,
        %get3A_376 = vector.shape_cast %get3A_375 : vector<1x16xf32> to vector<16xf32>
        %max3A_377 = arith.constant 0.000000e+00 : f32
        %max3A_378 = vector.broadcast %max3A_377 : f32 to vector<16xf32>
        %max3A_379 = arith.maximumf %get3A_376, %max3A_378 : vector<16xf32>
        %mul3A_380 = arith.constant 8 : i32
        %mul3A_381 = arith.muli %scan3A_271, %mul3A_380 : i32
        %add3A_382 = arith.constant 5 : i32
        %add3A_383 = arith.addi %mul3A_381, %add3A_382 : i32
        %swap3A_384 = arith.index_cast %add3A_383 : i32 to index
        %swap3A_385 = arith.constant 0 : index
        %swap3A_386 = tpu.vector_load %arg20[%swap3A_384, %swap3A_385] {strides = array<i32>} : memref<256x16xf32, #tpu.memory_space<vmem>>, vector<1x16xf32>,
        %swap3A_387 = vector.shape_cast %swap3A_386 : vector<1x16xf32> to vector<16xf32>
        %swap3A_388 = vector.shape_cast %max3A_379 : vector<16xf32> to vector<1x16xf32>
        tpu.vector_store %arg20[%swap3A_384, %swap3A_385], %swap3A_388 {strides = array<i32>} : memref<256x16xf32, #tpu.memory_space<vmem>>, vector<1x16xf32>,
        %mul3A_389 = arith.constant 8 : i32
        %mul3A_390 = arith.muli %scan3A_271, %mul3A_389 : i32
        %add3A_391 = arith.constant 6 : i32
        %add3A_392 = arith.addi %mul3A_390, %add3A_391 : i32
        %get3A_393 = arith.index_cast %add3A_392 : i32 to index
        %get3A_394 = arith.constant 0 : index
        %get3A_395 = tpu.vector_load %arg20[%get3A_393, %get3A_394] {strides = array<i32>} : memref<256x16xf32, #tpu.memory_space<vmem>>, vector<1x16xf32>,
        %get3A_396 = vector.shape_cast %get3A_395 : vector<1x16xf32> to vector<16xf32>
        %max3A_397 = arith.constant 0.000000e+00 : f32
        %max3A_398 = vector.broadcast %max3A_397 : f32 to vector<16xf32>
        %max3A_399 = arith.maximumf %get3A_396, %max3A_398 : vector<16xf32>
        %mul3A_400 = arith.constant 8 : i32
        %mul3A_401 = arith.muli %scan3A_271, %mul3A_400 : i32
        %add3A_402 = arith.constant 6 : i32
        %add3A_403 = arith.addi %mul3A_401, %add3A_402 : i32
        %swap3A_404 = arith.index_cast %add3A_403 : i32 to index
        %swap3A_405 = arith.constant 0 : index
        %swap3A_406 = tpu.vector_load %arg20[%swap3A_404, %swap3A_405] {strides = array<i32>} : memref<256x16xf32, #tpu.memory_space<vmem>>, vector<1x16xf32>,
        %swap3A_407 = vector.shape_cast %swap3A_406 : vector<1x16xf32> to vector<16xf32>
        %swap3A_408 = vector.shape_cast %max3A_399 : vector<16xf32> to vector<1x16xf32>
        tpu.vector_store %arg20[%swap3A_404, %swap3A_405], %swap3A_408 {strides = array<i32>} : memref<256x16xf32, #tpu.memory_space<vmem>>, vector<1x16xf32>,
        %mul3A_409 = arith.constant 8 : i32
        %mul3A_410 = arith.muli %scan3A_271, %mul3A_409 : i32
        %add3A_411 = arith.constant 7 : i32
        %add3A_412 = arith.addi %mul3A_410, %add3A_411 : i32
        %get3A_413 = arith.index_cast %add3A_412 : i32 to index
        %get3A_414 = arith.constant 0 : index
        %get3A_415 = tpu.vector_load %arg20[%get3A_413, %get3A_414] {strides = array<i32>} : memref<256x16xf32, #tpu.memory_space<vmem>>, vector<1x16xf32>,
        %get3A_416 = vector.shape_cast %get3A_415 : vector<1x16xf32> to vector<16xf32>
        %max3A_417 = arith.constant 0.000000e+00 : f32
        %max3A_418 = vector.broadcast %max3A_417 : f32 to vector<16xf32>
        %max3A_419 = arith.maximumf %get3A_416, %max3A_418 : vector<16xf32>
        %mul3A_420 = arith.constant 8 : i32
        %mul3A_421 = arith.muli %scan3A_271, %mul3A_420 : i32
        %add3A_422 = arith.constant 7 : i32
        %add3A_423 = arith.addi %mul3A_421, %add3A_422 : i32
        %swap3A_424 = arith.index_cast %add3A_423 : i32 to index
        %swap3A_425 = arith.constant 0 : index
        %swap3A_426 = tpu.vector_load %arg20[%swap3A_424, %swap3A_425] {strides = array<i32>} : memref<256x16xf32, #tpu.memory_space<vmem>>, vector<1x16xf32>,
        %swap3A_427 = vector.shape_cast %swap3A_426 : vector<1x16xf32> to vector<16xf32>
        %swap3A_428 = vector.shape_cast %max3A_419 : vector<16xf32> to vector<1x16xf32>
        tpu.vector_store %arg20[%swap3A_424, %swap3A_425], %swap3A_428 {strides = array<i32>} : memref<256x16xf32, #tpu.memory_space<vmem>>, vector<1x16xf32>,
      }
      %scan3A_270 = arith.constant 32 : i32
      "tpu.region"() ({
        %run_scoped3A = tpu.sem_alloc : memref<!tpu.dma_semaphore, #tpu.memory_space<semaphore_mem>>
        %dma_start3A_271 = arith.constant 0 : i32
        %dma_start3A_272 = tpu.memref_slice %arg19[%scan3A_256, %dma_start3A_271] : memref<49x256xi32, #tpu.memory_space<vmem>> -> memref<1x256xi32, #tpu.memory_space<vmem>>
        %dma_start3A_273 = tpu.memref_squeeze %dma_start3A_272 : memref<1x256xi32, #tpu.memory_space<vmem>> -> memref<256xi32, #tpu.memory_space<vmem>>
        %dma_start3A_274 = arith.constant 0 : i32
        %dma_start3A_275 = arith.constant 0 : i32
        %dma_start3A_276 = tpu.memref_slice %arg22[%dma_start3A_274, %dma_start3A_275] : memref<50048x16xf32, #tpu.memory_space<vmem_shared>> -> memref<50048x16xf32, #tpu.memory_space<vmem_shared>>
        tpu.enqueue_indirect_dma source(%arg20 : memref<256x16xf32, #tpu.memory_space<vmem>>) target(%dma_start3A_276 : memref<50048x16xf32, #tpu.memory_space<vmem_shared>>) offsets(%dma_start3A_273 : memref<256xi32, #tpu.memory_space<vmem>>) semaphore(%run_scoped3A : memref<!tpu.dma_semaphore, #tpu.memory_space<semaphore_mem>>) {add = true}
        %dma_wait3A_277 = arith.constant 0 : i32
        %dma_wait3A_278 = tpu.memref_slice %arg19[%scan3A_256, %dma_wait3A_277] : memref<49x256xi32, #tpu.memory_space<vmem>> -> memref<1x256xi32, #tpu.memory_space<vmem>>
        %dma_wait3A_279 = tpu.memref_squeeze %dma_wait3A_278 : memref<1x256xi32, #tpu.memory_space<vmem>> -> memref<256xi32, #tpu.memory_space<vmem>>
        %dma_wait3A_280 = arith.constant 0 : i32
        %dma_wait3A_281 = arith.constant 0 : i32
        %dma_wait3A_282 = tpu.memref_slice %arg22[%dma_wait3A_280, %dma_wait3A_281] : memref<50048x16xf32, #tpu.memory_space<vmem_shared>> -> memref<50048x16xf32, #tpu.memory_space<vmem_shared>>
        tpu.wait_indirect_dma semaphore(%run_scoped3A : memref<!tpu.dma_semaphore, #tpu.memory_space<semaphore_mem>>) src(%arg20 : memref<256x16xf32, #tpu.memory_space<vmem>>) dst(%dma_wait3A_282 : memref<50048x16xf32, #tpu.memory_space<vmem_shared>>)
        tpu.yield
      }) : () -> ()
    }
    %scan3A_119 = arith.constant 49 : i32
    %barrier3A_120 = arith.constant 0 : index
    tpu.barrier barrier_id(%barrier3A_120)
    %mul3A_121 = arith.constant 4 : i32
    %mul3A_122 = arith.muli %arg0, %mul3A_121 : i32
    %add3A_123 = arith.constant 1 : i32
    %add3A_124 = arith.addi %mul3A_122, %add3A_123 : i32
    %mul3A_125 = arith.constant 16 : i32
    %mul3A_126 = arith.muli %add3A_124, %mul3A_125 : i32
    "tpu.region"() ({
      %run_scoped3A = tpu.sem_alloc : memref<!tpu.dma_semaphore, #tpu.memory_space<semaphore_mem>>
      %dma_start3A = tpu.memref_slice %arg14[%mul3A_0, %mul3A_126] : memref<50048x128xf32, #tpu.memory_space<hbm>> -> memref<3128x16xf32, #tpu.memory_space<hbm>>
      %dma_start3A_256 = arith.constant 0 : i32
      %dma_start3A_257 = tpu.memref_slice %arg21[%mul3A_0, %dma_start3A_256] : memref<50048x16xf32, #tpu.memory_space<vmem_shared>> -> memref<3128x16xf32, #tpu.memory_space<vmem_shared>>
      tpu.enqueue_dma source(%dma_start3A_257 : memref<3128x16xf32, #tpu.memory_space<vmem_shared>>) target(%dma_start3A : memref<3128x16xf32, #tpu.memory_space<hbm>>) target_semaphore(%run_scoped3A : memref<!tpu.dma_semaphore, #tpu.memory_space<semaphore_mem>>)
      %dma_wait3A = tpu.memref_slice %arg14[%mul3A_0, %mul3A_126] : memref<50048x128xf32, #tpu.memory_space<hbm>> -> memref<3128x16xf32, #tpu.memory_space<hbm>>
      %dma_wait3A_258 = arith.constant 0 : i32
      %dma_wait3A_259 = tpu.memref_slice %arg21[%mul3A_0, %dma_wait3A_258] : memref<50048x16xf32, #tpu.memory_space<vmem_shared>> -> memref<3128x16xf32, #tpu.memory_space<vmem_shared>>
      tpu.wait_dma2 semaphore(%run_scoped3A : memref<!tpu.dma_semaphore, #tpu.memory_space<semaphore_mem>>) src(%dma_wait3A_259 : memref<3128x16xf32, #tpu.memory_space<vmem_shared>>) dst(%dma_wait3A : memref<3128x16xf32, #tpu.memory_space<hbm>>)
      tpu.yield
    }) : () -> ()
    "tpu.region"() ({
      %run_scoped3A = tpu.sem_alloc : memref<!tpu.dma_semaphore, #tpu.memory_space<semaphore_mem>>
      %dma_start3A = tpu.memref_slice %arg15[%mul3A_0, %mul3A_126] : memref<50048x128xf32, #tpu.memory_space<hbm>> -> memref<3128x16xf32, #tpu.memory_space<hbm>>
      %dma_start3A_256 = arith.constant 0 : i32
      %dma_start3A_257 = tpu.memref_slice %arg22[%mul3A_0, %dma_start3A_256] : memref<50048x16xf32, #tpu.memory_space<vmem_shared>> -> memref<3128x16xf32, #tpu.memory_space<vmem_shared>>
      tpu.enqueue_dma source(%dma_start3A_257 : memref<3128x16xf32, #tpu.memory_space<vmem_shared>>) target(%dma_start3A : memref<3128x16xf32, #tpu.memory_space<hbm>>) target_semaphore(%run_scoped3A : memref<!tpu.dma_semaphore, #tpu.memory_space<semaphore_mem>>)
      %dma_wait3A = tpu.memref_slice %arg15[%mul3A_0, %mul3A_126] : memref<50048x128xf32, #tpu.memory_space<hbm>> -> memref<3128x16xf32, #tpu.memory_space<hbm>>
      %dma_wait3A_258 = arith.constant 0 : i32
      %dma_wait3A_259 = tpu.memref_slice %arg22[%mul3A_0, %dma_wait3A_258] : memref<50048x16xf32, #tpu.memory_space<vmem_shared>> -> memref<3128x16xf32, #tpu.memory_space<vmem_shared>>
      tpu.wait_dma2 semaphore(%run_scoped3A : memref<!tpu.dma_semaphore, #tpu.memory_space<semaphore_mem>>) src(%dma_wait3A_259 : memref<3128x16xf32, #tpu.memory_space<vmem_shared>>) dst(%dma_wait3A : memref<3128x16xf32, #tpu.memory_space<hbm>>)
      tpu.yield
    }) : () -> ()
    %barrier3A_127 = arith.constant 0 : index
    tpu.barrier barrier_id(%barrier3A_127)
    %scan3A_128 = arith.constant 0 : i32
    %scan3A_129 = arith.constant 0 : i32
    %scan3A_130 = arith.constant 784 : i32
    %scan3A_131 = arith.addi %scan3A_129, %scan3A_130 : i32
    %scan3A_132 = arith.constant 1 : i32
    scf.for %scan3A_256 = %scan3A_129 to %scan3A_131 step %scan3A_132  : i32 {
      %mul3A_257 = arith.constant 16 : i32
      %mul3A_258 = arith.muli %scan3A_256, %mul3A_257 : i32
      %get3A = arith.index_cast %mul3A_258 : i32 to index
      %get3A_259 = tpu.vector_load %arg18[%get3A] {strides = array<i32>} : memref<12544xi32, #tpu.memory_space<vmem>>, vector<16xi32>,
      %get3A_260 = vector.shape_cast %get3A_259 : vector<16xi32> to vector<16xi32>
      %add3A_261 = arith.constant 1 : i32
      %add3A_262 = vector.broadcast %add3A_261 : i32 to vector<16xi32>
      %add3A_263 = arith.addi %get3A_260, %add3A_262 : vector<16xi32>
      %swap3A = arith.index_cast %mul3A_258 : i32 to index
      %swap3A_264 = tpu.vector_load %arg18[%swap3A] {strides = array<i32>} : memref<12544xi32, #tpu.memory_space<vmem>>, vector<16xi32>,
      %swap3A_265 = vector.shape_cast %swap3A_264 : vector<16xi32> to vector<16xi32>
      %swap3A_266 = vector.shape_cast %add3A_263 : vector<16xi32> to vector<16xi32>
      tpu.vector_store %arg18[%swap3A], %swap3A_266 {strides = array<i32>} : memref<12544xi32, #tpu.memory_space<vmem>>, vector<16xi32>,
    }
    %scan3A_133 = arith.constant 784 : i32
    "tpu.region"() ({
      %run_scoped3A = tpu.sem_alloc : memref<!tpu.dma_semaphore, #tpu.memory_space<semaphore_mem>>
      %dma_start3A = arith.constant 0 : i32
      %dma_start3A_256 = tpu.memref_slice %arg21[%mul3A_0, %dma_start3A] : memref<50048x16xf32, #tpu.memory_space<vmem_shared>> -> memref<3128x16xf32, #tpu.memory_space<vmem_shared>>
      tpu.enqueue_dma source(%arg11 : memref<3128x16xf32, #tpu.memory_space<hbm>>) target(%dma_start3A_256 : memref<3128x16xf32, #tpu.memory_space<vmem_shared>>) target_semaphore(%run_scoped3A : memref<!tpu.dma_semaphore, #tpu.memory_space<semaphore_mem>>)
      %dma_wait3A = arith.constant 0 : i32
      %dma_wait3A_257 = tpu.memref_slice %arg21[%mul3A_0, %dma_wait3A] : memref<50048x16xf32, #tpu.memory_space<vmem_shared>> -> memref<3128x16xf32, #tpu.memory_space<vmem_shared>>
      tpu.wait_dma2 semaphore(%run_scoped3A : memref<!tpu.dma_semaphore, #tpu.memory_space<semaphore_mem>>) src(%arg11 : memref<3128x16xf32, #tpu.memory_space<hbm>>) dst(%dma_wait3A_257 : memref<3128x16xf32, #tpu.memory_space<vmem_shared>>)
      tpu.yield
    }) : () -> ()
    "tpu.region"() ({
      %run_scoped3A = tpu.sem_alloc : memref<!tpu.dma_semaphore, #tpu.memory_space<semaphore_mem>>
      %dma_start3A = arith.constant 0 : i32
      %dma_start3A_256 = tpu.memref_slice %arg22[%mul3A_0, %dma_start3A] : memref<50048x16xf32, #tpu.memory_space<vmem_shared>> -> memref<3128x16xf32, #tpu.memory_space<vmem_shared>>
      tpu.enqueue_dma source(%arg11 : memref<3128x16xf32, #tpu.memory_space<hbm>>) target(%dma_start3A_256 : memref<3128x16xf32, #tpu.memory_space<vmem_shared>>) target_semaphore(%run_scoped3A : memref<!tpu.dma_semaphore, #tpu.memory_space<semaphore_mem>>)
      %dma_wait3A = arith.constant 0 : i32
      %dma_wait3A_257 = tpu.memref_slice %arg22[%mul3A_0, %dma_wait3A] : memref<50048x16xf32, #tpu.memory_space<vmem_shared>> -> memref<3128x16xf32, #tpu.memory_space<vmem_shared>>
      tpu.wait_dma2 semaphore(%run_scoped3A : memref<!tpu.dma_semaphore, #tpu.memory_space<semaphore_mem>>) src(%arg11 : memref<3128x16xf32, #tpu.memory_space<hbm>>) dst(%dma_wait3A_257 : memref<3128x16xf32, #tpu.memory_space<vmem_shared>>)
      tpu.yield
    }) : () -> ()
    %barrier3A_134 = arith.constant 0 : index
    tpu.barrier barrier_id(%barrier3A_134)
    %scan3A_135 = arith.constant 0 : i32
    %scan3A_136 = arith.constant 0 : i32
    %scan3A_137 = arith.constant 49 : i32
    %scan3A_138 = arith.addi %scan3A_136, %scan3A_137 : i32
    %scan3A_139 = arith.constant 1 : i32
    scf.for %scan3A_256 = %scan3A_136 to %scan3A_138 step %scan3A_139  : i32 {
      %mul3A_257 = arith.constant 256 : i32
      %mul3A_258 = arith.muli %scan3A_256, %mul3A_257 : i32
      %dma_start3A = tpu.memref_slice %arg18[%mul3A_258] : memref<12544xi32, #tpu.memory_space<vmem>> -> memref<256xi32, #tpu.memory_space<vmem>>
      %dma_start3A_259 = arith.constant 0 : i32
      %dma_start3A_260 = arith.constant 0 : i32
      %dma_start3A_261 = tpu.memref_slice %arg5[%dma_start3A_259, %dma_start3A_260] : memref<400000x16xf32, #tpu.memory_space<hbm>> -> memref<400000x16xf32, #tpu.memory_space<hbm>>
      tpu.enqueue_indirect_dma source(%dma_start3A_261 : memref<400000x16xf32, #tpu.memory_space<hbm>>) target(%arg20 : memref<256x16xf32, #tpu.memory_space<vmem>>) offsets(%dma_start3A : memref<256xi32, #tpu.memory_space<vmem>>) semaphore(%arg23 : memref<!tpu.dma_semaphore, #tpu.memory_space<semaphore_mem>>)
      %dma_wait3A = tpu.memref_slice %arg18[%mul3A_258] : memref<12544xi32, #tpu.memory_space<vmem>> -> memref<256xi32, #tpu.memory_space<vmem>>
      %dma_wait3A_262 = arith.constant 0 : i32
      %dma_wait3A_263 = arith.constant 0 : i32
      %dma_wait3A_264 = tpu.memref_slice %arg5[%dma_wait3A_262, %dma_wait3A_263] : memref<400000x16xf32, #tpu.memory_space<hbm>> -> memref<400000x16xf32, #tpu.memory_space<hbm>>
      tpu.wait_indirect_dma semaphore(%arg23 : memref<!tpu.dma_semaphore, #tpu.memory_space<semaphore_mem>>) src(%dma_wait3A_264 : memref<400000x16xf32, #tpu.memory_space<hbm>>) dst(%arg20 : memref<256x16xf32, #tpu.memory_space<vmem>>)
      "tpu.region"() ({
        %run_scoped3A = tpu.sem_alloc : memref<!tpu.dma_semaphore, #tpu.memory_space<semaphore_mem>>
        %dma_start3A_271 = arith.constant 0 : i32
        %dma_start3A_272 = tpu.memref_slice %arg19[%scan3A_256, %dma_start3A_271] : memref<49x256xi32, #tpu.memory_space<vmem>> -> memref<1x256xi32, #tpu.memory_space<vmem>>
        %dma_start3A_273 = tpu.memref_squeeze %dma_start3A_272 : memref<1x256xi32, #tpu.memory_space<vmem>> -> memref<256xi32, #tpu.memory_space<vmem>>
        %dma_start3A_274 = arith.constant 0 : i32
        %dma_start3A_275 = arith.constant 0 : i32
        %dma_start3A_276 = tpu.memref_slice %arg21[%dma_start3A_274, %dma_start3A_275] : memref<50048x16xf32, #tpu.memory_space<vmem_shared>> -> memref<50048x16xf32, #tpu.memory_space<vmem_shared>>
        tpu.enqueue_indirect_dma source(%arg20 : memref<256x16xf32, #tpu.memory_space<vmem>>) target(%dma_start3A_276 : memref<50048x16xf32, #tpu.memory_space<vmem_shared>>) offsets(%dma_start3A_273 : memref<256xi32, #tpu.memory_space<vmem>>) semaphore(%run_scoped3A : memref<!tpu.dma_semaphore, #tpu.memory_space<semaphore_mem>>) {add = true}
        %dma_wait3A_277 = arith.constant 0 : i32
        %dma_wait3A_278 = tpu.memref_slice %arg19[%scan3A_256, %dma_wait3A_277] : memref<49x256xi32, #tpu.memory_space<vmem>> -> memref<1x256xi32, #tpu.memory_space<vmem>>
        %dma_wait3A_279 = tpu.memref_squeeze %dma_wait3A_278 : memref<1x256xi32, #tpu.memory_space<vmem>> -> memref<256xi32, #tpu.memory_space<vmem>>
        %dma_wait3A_280 = arith.constant 0 : i32
        %dma_wait3A_281 = arith.constant 0 : i32
        %dma_wait3A_282 = tpu.memref_slice %arg21[%dma_wait3A_280, %dma_wait3A_281] : memref<50048x16xf32, #tpu.memory_space<vmem_shared>> -> memref<50048x16xf32, #tpu.memory_space<vmem_shared>>
        tpu.wait_indirect_dma semaphore(%run_scoped3A : memref<!tpu.dma_semaphore, #tpu.memory_space<semaphore_mem>>) src(%arg20 : memref<256x16xf32, #tpu.memory_space<vmem>>) dst(%dma_wait3A_282 : memref<50048x16xf32, #tpu.memory_space<vmem_shared>>)
        tpu.yield
      }) : () -> ()
      %scan3A_265 = arith.constant 0 : i32
      %scan3A_266 = arith.constant 0 : i32
      %scan3A_267 = arith.constant 32 : i32
      %scan3A_268 = arith.addi %scan3A_266, %scan3A_267 : i32
      %scan3A_269 = arith.constant 1 : i32
      scf.for %scan3A_271 = %scan3A_266 to %scan3A_268 step %scan3A_269  : i32 {
        %mul3A_272 = arith.constant 8 : i32
        %mul3A_273 = arith.muli %scan3A_271, %mul3A_272 : i32
        %add3A_274 = arith.constant 0 : i32
        %add3A_275 = arith.addi %mul3A_273, %add3A_274 : i32
        %get3A = arith.index_cast %add3A_275 : i32 to index
        %get3A_276 = arith.constant 0 : index
        %get3A_277 = tpu.vector_load %arg20[%get3A, %get3A_276] {strides = array<i32>} : memref<256x16xf32, #tpu.memory_space<vmem>>, vector<1x16xf32>,
        %get3A_278 = vector.shape_cast %get3A_277 : vector<1x16xf32> to vector<16xf32>
        %max3A = arith.constant 0.000000e+00 : f32
        %max3A_279 = vector.broadcast %max3A : f32 to vector<16xf32>
        %max3A_280 = arith.maximumf %get3A_278, %max3A_279 : vector<16xf32>
        %mul3A_281 = arith.constant 8 : i32
        %mul3A_282 = arith.muli %scan3A_271, %mul3A_281 : i32
        %add3A_283 = arith.constant 0 : i32
        %add3A_284 = arith.addi %mul3A_282, %add3A_283 : i32
        %swap3A = arith.index_cast %add3A_284 : i32 to index
        %swap3A_285 = arith.constant 0 : index
        %swap3A_286 = tpu.vector_load %arg20[%swap3A, %swap3A_285] {strides = array<i32>} : memref<256x16xf32, #tpu.memory_space<vmem>>, vector<1x16xf32>,
        %swap3A_287 = vector.shape_cast %swap3A_286 : vector<1x16xf32> to vector<16xf32>
        %swap3A_288 = vector.shape_cast %max3A_280 : vector<16xf32> to vector<1x16xf32>
        tpu.vector_store %arg20[%swap3A, %swap3A_285], %swap3A_288 {strides = array<i32>} : memref<256x16xf32, #tpu.memory_space<vmem>>, vector<1x16xf32>,
        %mul3A_289 = arith.constant 8 : i32
        %mul3A_290 = arith.muli %scan3A_271, %mul3A_289 : i32
        %add3A_291 = arith.constant 1 : i32
        %add3A_292 = arith.addi %mul3A_290, %add3A_291 : i32
        %get3A_293 = arith.index_cast %add3A_292 : i32 to index
        %get3A_294 = arith.constant 0 : index
        %get3A_295 = tpu.vector_load %arg20[%get3A_293, %get3A_294] {strides = array<i32>} : memref<256x16xf32, #tpu.memory_space<vmem>>, vector<1x16xf32>,
        %get3A_296 = vector.shape_cast %get3A_295 : vector<1x16xf32> to vector<16xf32>
        %max3A_297 = arith.constant 0.000000e+00 : f32
        %max3A_298 = vector.broadcast %max3A_297 : f32 to vector<16xf32>
        %max3A_299 = arith.maximumf %get3A_296, %max3A_298 : vector<16xf32>
        %mul3A_300 = arith.constant 8 : i32
        %mul3A_301 = arith.muli %scan3A_271, %mul3A_300 : i32
        %add3A_302 = arith.constant 1 : i32
        %add3A_303 = arith.addi %mul3A_301, %add3A_302 : i32
        %swap3A_304 = arith.index_cast %add3A_303 : i32 to index
        %swap3A_305 = arith.constant 0 : index
        %swap3A_306 = tpu.vector_load %arg20[%swap3A_304, %swap3A_305] {strides = array<i32>} : memref<256x16xf32, #tpu.memory_space<vmem>>, vector<1x16xf32>,
        %swap3A_307 = vector.shape_cast %swap3A_306 : vector<1x16xf32> to vector<16xf32>
        %swap3A_308 = vector.shape_cast %max3A_299 : vector<16xf32> to vector<1x16xf32>
        tpu.vector_store %arg20[%swap3A_304, %swap3A_305], %swap3A_308 {strides = array<i32>} : memref<256x16xf32, #tpu.memory_space<vmem>>, vector<1x16xf32>,
        %mul3A_309 = arith.constant 8 : i32
        %mul3A_310 = arith.muli %scan3A_271, %mul3A_309 : i32
        %add3A_311 = arith.constant 2 : i32
        %add3A_312 = arith.addi %mul3A_310, %add3A_311 : i32
        %get3A_313 = arith.index_cast %add3A_312 : i32 to index
        %get3A_314 = arith.constant 0 : index
        %get3A_315 = tpu.vector_load %arg20[%get3A_313, %get3A_314] {strides = array<i32>} : memref<256x16xf32, #tpu.memory_space<vmem>>, vector<1x16xf32>,
        %get3A_316 = vector.shape_cast %get3A_315 : vector<1x16xf32> to vector<16xf32>
        %max3A_317 = arith.constant 0.000000e+00 : f32
        %max3A_318 = vector.broadcast %max3A_317 : f32 to vector<16xf32>
        %max3A_319 = arith.maximumf %get3A_316, %max3A_318 : vector<16xf32>
        %mul3A_320 = arith.constant 8 : i32
        %mul3A_321 = arith.muli %scan3A_271, %mul3A_320 : i32
        %add3A_322 = arith.constant 2 : i32
        %add3A_323 = arith.addi %mul3A_321, %add3A_322 : i32
        %swap3A_324 = arith.index_cast %add3A_323 : i32 to index
        %swap3A_325 = arith.constant 0 : index
        %swap3A_326 = tpu.vector_load %arg20[%swap3A_324, %swap3A_325] {strides = array<i32>} : memref<256x16xf32, #tpu.memory_space<vmem>>, vector<1x16xf32>,
        %swap3A_327 = vector.shape_cast %swap3A_326 : vector<1x16xf32> to vector<16xf32>
        %swap3A_328 = vector.shape_cast %max3A_319 : vector<16xf32> to vector<1x16xf32>
        tpu.vector_store %arg20[%swap3A_324, %swap3A_325], %swap3A_328 {strides = array<i32>} : memref<256x16xf32, #tpu.memory_space<vmem>>, vector<1x16xf32>,
        %mul3A_329 = arith.constant 8 : i32
        %mul3A_330 = arith.muli %scan3A_271, %mul3A_329 : i32
        %add3A_331 = arith.constant 3 : i32
        %add3A_332 = arith.addi %mul3A_330, %add3A_331 : i32
        %get3A_333 = arith.index_cast %add3A_332 : i32 to index
        %get3A_334 = arith.constant 0 : index
        %get3A_335 = tpu.vector_load %arg20[%get3A_333, %get3A_334] {strides = array<i32>} : memref<256x16xf32, #tpu.memory_space<vmem>>, vector<1x16xf32>,
        %get3A_336 = vector.shape_cast %get3A_335 : vector<1x16xf32> to vector<16xf32>
        %max3A_337 = arith.constant 0.000000e+00 : f32
        %max3A_338 = vector.broadcast %max3A_337 : f32 to vector<16xf32>
        %max3A_339 = arith.maximumf %get3A_336, %max3A_338 : vector<16xf32>
        %mul3A_340 = arith.constant 8 : i32
        %mul3A_341 = arith.muli %scan3A_271, %mul3A_340 : i32
        %add3A_342 = arith.constant 3 : i32
        %add3A_343 = arith.addi %mul3A_341, %add3A_342 : i32
        %swap3A_344 = arith.index_cast %add3A_343 : i32 to index
        %swap3A_345 = arith.constant 0 : index
        %swap3A_346 = tpu.vector_load %arg20[%swap3A_344, %swap3A_345] {strides = array<i32>} : memref<256x16xf32, #tpu.memory_space<vmem>>, vector<1x16xf32>,
        %swap3A_347 = vector.shape_cast %swap3A_346 : vector<1x16xf32> to vector<16xf32>
        %swap3A_348 = vector.shape_cast %max3A_339 : vector<16xf32> to vector<1x16xf32>
        tpu.vector_store %arg20[%swap3A_344, %swap3A_345], %swap3A_348 {strides = array<i32>} : memref<256x16xf32, #tpu.memory_space<vmem>>, vector<1x16xf32>,
        %mul3A_349 = arith.constant 8 : i32
        %mul3A_350 = arith.muli %scan3A_271, %mul3A_349 : i32
        %add3A_351 = arith.constant 4 : i32
        %add3A_352 = arith.addi %mul3A_350, %add3A_351 : i32
        %get3A_353 = arith.index_cast %add3A_352 : i32 to index
        %get3A_354 = arith.constant 0 : index
        %get3A_355 = tpu.vector_load %arg20[%get3A_353, %get3A_354] {strides = array<i32>} : memref<256x16xf32, #tpu.memory_space<vmem>>, vector<1x16xf32>,
        %get3A_356 = vector.shape_cast %get3A_355 : vector<1x16xf32> to vector<16xf32>
        %max3A_357 = arith.constant 0.000000e+00 : f32
        %max3A_358 = vector.broadcast %max3A_357 : f32 to vector<16xf32>
        %max3A_359 = arith.maximumf %get3A_356, %max3A_358 : vector<16xf32>
        %mul3A_360 = arith.constant 8 : i32
        %mul3A_361 = arith.muli %scan3A_271, %mul3A_360 : i32
        %add3A_362 = arith.constant 4 : i32
        %add3A_363 = arith.addi %mul3A_361, %add3A_362 : i32
        %swap3A_364 = arith.index_cast %add3A_363 : i32 to index
        %swap3A_365 = arith.constant 0 : index
        %swap3A_366 = tpu.vector_load %arg20[%swap3A_364, %swap3A_365] {strides = array<i32>} : memref<256x16xf32, #tpu.memory_space<vmem>>, vector<1x16xf32>,
        %swap3A_367 = vector.shape_cast %swap3A_366 : vector<1x16xf32> to vector<16xf32>
        %swap3A_368 = vector.shape_cast %max3A_359 : vector<16xf32> to vector<1x16xf32>
        tpu.vector_store %arg20[%swap3A_364, %swap3A_365], %swap3A_368 {strides = array<i32>} : memref<256x16xf32, #tpu.memory_space<vmem>>, vector<1x16xf32>,
        %mul3A_369 = arith.constant 8 : i32
        %mul3A_370 = arith.muli %scan3A_271, %mul3A_369 : i32
        %add3A_371 = arith.constant 5 : i32
        %add3A_372 = arith.addi %mul3A_370, %add3A_371 : i32
        %get3A_373 = arith.index_cast %add3A_372 : i32 to index
        %get3A_374 = arith.constant 0 : index
        %get3A_375 = tpu.vector_load %arg20[%get3A_373, %get3A_374] {strides = array<i32>} : memref<256x16xf32, #tpu.memory_space<vmem>>, vector<1x16xf32>,
        %get3A_376 = vector.shape_cast %get3A_375 : vector<1x16xf32> to vector<16xf32>
        %max3A_377 = arith.constant 0.000000e+00 : f32
        %max3A_378 = vector.broadcast %max3A_377 : f32 to vector<16xf32>
        %max3A_379 = arith.maximumf %get3A_376, %max3A_378 : vector<16xf32>
        %mul3A_380 = arith.constant 8 : i32
        %mul3A_381 = arith.muli %scan3A_271, %mul3A_380 : i32
        %add3A_382 = arith.constant 5 : i32
        %add3A_383 = arith.addi %mul3A_381, %add3A_382 : i32
        %swap3A_384 = arith.index_cast %add3A_383 : i32 to index
        %swap3A_385 = arith.constant 0 : index
        %swap3A_386 = tpu.vector_load %arg20[%swap3A_384, %swap3A_385] {strides = array<i32>} : memref<256x16xf32, #tpu.memory_space<vmem>>, vector<1x16xf32>,
        %swap3A_387 = vector.shape_cast %swap3A_386 : vector<1x16xf32> to vector<16xf32>
        %swap3A_388 = vector.shape_cast %max3A_379 : vector<16xf32> to vector<1x16xf32>
        tpu.vector_store %arg20[%swap3A_384, %swap3A_385], %swap3A_388 {strides = array<i32>} : memref<256x16xf32, #tpu.memory_space<vmem>>, vector<1x16xf32>,
        %mul3A_389 = arith.constant 8 : i32
        %mul3A_390 = arith.muli %scan3A_271, %mul3A_389 : i32
        %add3A_391 = arith.constant 6 : i32
        %add3A_392 = arith.addi %mul3A_390, %add3A_391 : i32
        %get3A_393 = arith.index_cast %add3A_392 : i32 to index
        %get3A_394 = arith.constant 0 : index
        %get3A_395 = tpu.vector_load %arg20[%get3A_393, %get3A_394] {strides = array<i32>} : memref<256x16xf32, #tpu.memory_space<vmem>>, vector<1x16xf32>,
        %get3A_396 = vector.shape_cast %get3A_395 : vector<1x16xf32> to vector<16xf32>
        %max3A_397 = arith.constant 0.000000e+00 : f32
        %max3A_398 = vector.broadcast %max3A_397 : f32 to vector<16xf32>
        %max3A_399 = arith.maximumf %get3A_396, %max3A_398 : vector<16xf32>
        %mul3A_400 = arith.constant 8 : i32
        %mul3A_401 = arith.muli %scan3A_271, %mul3A_400 : i32
        %add3A_402 = arith.constant 6 : i32
        %add3A_403 = arith.addi %mul3A_401, %add3A_402 : i32
        %swap3A_404 = arith.index_cast %add3A_403 : i32 to index
        %swap3A_405 = arith.constant 0 : index
        %swap3A_406 = tpu.vector_load %arg20[%swap3A_404, %swap3A_405] {strides = array<i32>} : memref<256x16xf32, #tpu.memory_space<vmem>>, vector<1x16xf32>,
        %swap3A_407 = vector.shape_cast %swap3A_406 : vector<1x16xf32> to vector<16xf32>
        %swap3A_408 = vector.shape_cast %max3A_399 : vector<16xf32> to vector<1x16xf32>
        tpu.vector_store %arg20[%swap3A_404, %swap3A_405], %swap3A_408 {strides = array<i32>} : memref<256x16xf32, #tpu.memory_space<vmem>>, vector<1x16xf32>,
        %mul3A_409 = arith.constant 8 : i32
        %mul3A_410 = arith.muli %scan3A_271, %mul3A_409 : i32
        %add3A_411 = arith.constant 7 : i32
        %add3A_412 = arith.addi %mul3A_410, %add3A_411 : i32
        %get3A_413 = arith.index_cast %add3A_412 : i32 to index
        %get3A_414 = arith.constant 0 : index
        %get3A_415 = tpu.vector_load %arg20[%get3A_413, %get3A_414] {strides = array<i32>} : memref<256x16xf32, #tpu.memory_space<vmem>>, vector<1x16xf32>,
        %get3A_416 = vector.shape_cast %get3A_415 : vector<1x16xf32> to vector<16xf32>
        %max3A_417 = arith.constant 0.000000e+00 : f32
        %max3A_418 = vector.broadcast %max3A_417 : f32 to vector<16xf32>
        %max3A_419 = arith.maximumf %get3A_416, %max3A_418 : vector<16xf32>
        %mul3A_420 = arith.constant 8 : i32
        %mul3A_421 = arith.muli %scan3A_271, %mul3A_420 : i32
        %add3A_422 = arith.constant 7 : i32
        %add3A_423 = arith.addi %mul3A_421, %add3A_422 : i32
        %swap3A_424 = arith.index_cast %add3A_423 : i32 to index
        %swap3A_425 = arith.constant 0 : index
        %swap3A_426 = tpu.vector_load %arg20[%swap3A_424, %swap3A_425] {strides = array<i32>} : memref<256x16xf32, #tpu.memory_space<vmem>>, vector<1x16xf32>,
        %swap3A_427 = vector.shape_cast %swap3A_426 : vector<1x16xf32> to vector<16xf32>
        %swap3A_428 = vector.shape_cast %max3A_419 : vector<16xf32> to vector<1x16xf32>
        tpu.vector_store %arg20[%swap3A_424, %swap3A_425], %swap3A_428 {strides = array<i32>} : memref<256x16xf32, #tpu.memory_space<vmem>>, vector<1x16xf32>,
      }
      %scan3A_270 = arith.constant 32 : i32
      "tpu.region"() ({
        %run_scoped3A = tpu.sem_alloc : memref<!tpu.dma_semaphore, #tpu.memory_space<semaphore_mem>>
        %dma_start3A_271 = arith.constant 0 : i32
        %dma_start3A_272 = tpu.memref_slice %arg19[%scan3A_256, %dma_start3A_271] : memref<49x256xi32, #tpu.memory_space<vmem>> -> memref<1x256xi32, #tpu.memory_space<vmem>>
        %dma_start3A_273 = tpu.memref_squeeze %dma_start3A_272 : memref<1x256xi32, #tpu.memory_space<vmem>> -> memref<256xi32, #tpu.memory_space<vmem>>
        %dma_start3A_274 = arith.constant 0 : i32
        %dma_start3A_275 = arith.constant 0 : i32
        %dma_start3A_276 = tpu.memref_slice %arg22[%dma_start3A_274, %dma_start3A_275] : memref<50048x16xf32, #tpu.memory_space<vmem_shared>> -> memref<50048x16xf32, #tpu.memory_space<vmem_shared>>
        tpu.enqueue_indirect_dma source(%arg20 : memref<256x16xf32, #tpu.memory_space<vmem>>) target(%dma_start3A_276 : memref<50048x16xf32, #tpu.memory_space<vmem_shared>>) offsets(%dma_start3A_273 : memref<256xi32, #tpu.memory_space<vmem>>) semaphore(%run_scoped3A : memref<!tpu.dma_semaphore, #tpu.memory_space<semaphore_mem>>) {add = true}
        %dma_wait3A_277 = arith.constant 0 : i32
        %dma_wait3A_278 = tpu.memref_slice %arg19[%scan3A_256, %dma_wait3A_277] : memref<49x256xi32, #tpu.memory_space<vmem>> -> memref<1x256xi32, #tpu.memory_space<vmem>>
        %dma_wait3A_279 = tpu.memref_squeeze %dma_wait3A_278 : memref<1x256xi32, #tpu.memory_space<vmem>> -> memref<256xi32, #tpu.memory_space<vmem>>
        %dma_wait3A_280 = arith.constant 0 : i32
        %dma_wait3A_281 = arith.constant 0 : i32
        %dma_wait3A_282 = tpu.memref_slice %arg22[%dma_wait3A_280, %dma_wait3A_281] : memref<50048x16xf32, #tpu.memory_space<vmem_shared>> -> memref<50048x16xf32, #tpu.memory_space<vmem_shared>>
        tpu.wait_indirect_dma semaphore(%run_scoped3A : memref<!tpu.dma_semaphore, #tpu.memory_space<semaphore_mem>>) src(%arg20 : memref<256x16xf32, #tpu.memory_space<vmem>>) dst(%dma_wait3A_282 : memref<50048x16xf32, #tpu.memory_space<vmem_shared>>)
        tpu.yield
      }) : () -> ()
    }
    %scan3A_140 = arith.constant 49 : i32
    %barrier3A_141 = arith.constant 0 : index
    tpu.barrier barrier_id(%barrier3A_141)
    %mul3A_142 = arith.constant 4 : i32
    %mul3A_143 = arith.muli %arg0, %mul3A_142 : i32
    %add3A_144 = arith.constant 2 : i32
    %add3A_145 = arith.addi %mul3A_143, %add3A_144 : i32
    %mul3A_146 = arith.constant 16 : i32
    %mul3A_147 = arith.muli %add3A_145, %mul3A_146 : i32
    "tpu.region"() ({
      %run_scoped3A = tpu.sem_alloc : memref<!tpu.dma_semaphore, #tpu.memory_space<semaphore_mem>>
      %dma_start3A = tpu.memref_slice %arg14[%mul3A_0, %mul3A_147] : memref<50048x128xf32, #tpu.memory_space<hbm>> -> memref<3128x16xf32, #tpu.memory_space<hbm>>
      %dma_start3A_256 = arith.constant 0 : i32
      %dma_start3A_257 = tpu.memref_slice %arg21[%mul3A_0, %dma_start3A_256] : memref<50048x16xf32, #tpu.memory_space<vmem_shared>> -> memref<3128x16xf32, #tpu.memory_space<vmem_shared>>
      tpu.enqueue_dma source(%dma_start3A_257 : memref<3128x16xf32, #tpu.memory_space<vmem_shared>>) target(%dma_start3A : memref<3128x16xf32, #tpu.memory_space<hbm>>) target_semaphore(%run_scoped3A : memref<!tpu.dma_semaphore, #tpu.memory_space<semaphore_mem>>)
      %dma_wait3A = tpu.memref_slice %arg14[%mul3A_0, %mul3A_147] : memref<50048x128xf32, #tpu.memory_space<hbm>> -> memref<3128x16xf32, #tpu.memory_space<hbm>>
      %dma_wait3A_258 = arith.constant 0 : i32
      %dma_wait3A_259 = tpu.memref_slice %arg21[%mul3A_0, %dma_wait3A_258] : memref<50048x16xf32, #tpu.memory_space<vmem_shared>> -> memref<3128x16xf32, #tpu.memory_space<vmem_shared>>
      tpu.wait_dma2 semaphore(%run_scoped3A : memref<!tpu.dma_semaphore, #tpu.memory_space<semaphore_mem>>) src(%dma_wait3A_259 : memref<3128x16xf32, #tpu.memory_space<vmem_shared>>) dst(%dma_wait3A : memref<3128x16xf32, #tpu.memory_space<hbm>>)
      tpu.yield
    }) : () -> ()
    "tpu.region"() ({
      %run_scoped3A = tpu.sem_alloc : memref<!tpu.dma_semaphore, #tpu.memory_space<semaphore_mem>>
      %dma_start3A = tpu.memref_slice %arg15[%mul3A_0, %mul3A_147] : memref<50048x128xf32, #tpu.memory_space<hbm>> -> memref<3128x16xf32, #tpu.memory_space<hbm>>
      %dma_start3A_256 = arith.constant 0 : i32
      %dma_start3A_257 = tpu.memref_slice %arg22[%mul3A_0, %dma_start3A_256] : memref<50048x16xf32, #tpu.memory_space<vmem_shared>> -> memref<3128x16xf32, #tpu.memory_space<vmem_shared>>
      tpu.enqueue_dma source(%dma_start3A_257 : memref<3128x16xf32, #tpu.memory_space<vmem_shared>>) target(%dma_start3A : memref<3128x16xf32, #tpu.memory_space<hbm>>) target_semaphore(%run_scoped3A : memref<!tpu.dma_semaphore, #tpu.memory_space<semaphore_mem>>)
      %dma_wait3A = tpu.memref_slice %arg15[%mul3A_0, %mul3A_147] : memref<50048x128xf32, #tpu.memory_space<hbm>> -> memref<3128x16xf32, #tpu.memory_space<hbm>>
      %dma_wait3A_258 = arith.constant 0 : i32
      %dma_wait3A_259 = tpu.memref_slice %arg22[%mul3A_0, %dma_wait3A_258] : memref<50048x16xf32, #tpu.memory_space<vmem_shared>> -> memref<3128x16xf32, #tpu.memory_space<vmem_shared>>
      tpu.wait_dma2 semaphore(%run_scoped3A : memref<!tpu.dma_semaphore, #tpu.memory_space<semaphore_mem>>) src(%dma_wait3A_259 : memref<3128x16xf32, #tpu.memory_space<vmem_shared>>) dst(%dma_wait3A : memref<3128x16xf32, #tpu.memory_space<hbm>>)
      tpu.yield
    }) : () -> ()
    %barrier3A_148 = arith.constant 0 : index
    tpu.barrier barrier_id(%barrier3A_148)
    %scan3A_149 = arith.constant 0 : i32
    %scan3A_150 = arith.constant 0 : i32
    %scan3A_151 = arith.constant 784 : i32
    %scan3A_152 = arith.addi %scan3A_150, %scan3A_151 : i32
    %scan3A_153 = arith.constant 1 : i32
    scf.for %scan3A_256 = %scan3A_150 to %scan3A_152 step %scan3A_153  : i32 {
      %mul3A_257 = arith.constant 16 : i32
      %mul3A_258 = arith.muli %scan3A_256, %mul3A_257 : i32
      %get3A = arith.index_cast %mul3A_258 : i32 to index
      %get3A_259 = tpu.vector_load %arg18[%get3A] {strides = array<i32>} : memref<12544xi32, #tpu.memory_space<vmem>>, vector<16xi32>,
      %get3A_260 = vector.shape_cast %get3A_259 : vector<16xi32> to vector<16xi32>
      %add3A_261 = arith.constant 1 : i32
      %add3A_262 = vector.broadcast %add3A_261 : i32 to vector<16xi32>
      %add3A_263 = arith.addi %get3A_260, %add3A_262 : vector<16xi32>
      %swap3A = arith.index_cast %mul3A_258 : i32 to index
      %swap3A_264 = tpu.vector_load %arg18[%swap3A] {strides = array<i32>} : memref<12544xi32, #tpu.memory_space<vmem>>, vector<16xi32>,
      %swap3A_265 = vector.shape_cast %swap3A_264 : vector<16xi32> to vector<16xi32>
      %swap3A_266 = vector.shape_cast %add3A_263 : vector<16xi32> to vector<16xi32>
      tpu.vector_store %arg18[%swap3A], %swap3A_266 {strides = array<i32>} : memref<12544xi32, #tpu.memory_space<vmem>>, vector<16xi32>,
    }
    %scan3A_154 = arith.constant 784 : i32
    "tpu.region"() ({
      %run_scoped3A = tpu.sem_alloc : memref<!tpu.dma_semaphore, #tpu.memory_space<semaphore_mem>>
      %dma_start3A = arith.constant 0 : i32
      %dma_start3A_256 = tpu.memref_slice %arg21[%mul3A_0, %dma_start3A] : memref<50048x16xf32, #tpu.memory_space<vmem_shared>> -> memref<3128x16xf32, #tpu.memory_space<vmem_shared>>
      tpu.enqueue_dma source(%arg11 : memref<3128x16xf32, #tpu.memory_space<hbm>>) target(%dma_start3A_256 : memref<3128x16xf32, #tpu.memory_space<vmem_shared>>) target_semaphore(%run_scoped3A : memref<!tpu.dma_semaphore, #tpu.memory_space<semaphore_mem>>)
      %dma_wait3A = arith.constant 0 : i32
      %dma_wait3A_257 = tpu.memref_slice %arg21[%mul3A_0, %dma_wait3A] : memref<50048x16xf32, #tpu.memory_space<vmem_shared>> -> memref<3128x16xf32, #tpu.memory_space<vmem_shared>>
      tpu.wait_dma2 semaphore(%run_scoped3A : memref<!tpu.dma_semaphore, #tpu.memory_space<semaphore_mem>>) src(%arg11 : memref<3128x16xf32, #tpu.memory_space<hbm>>) dst(%dma_wait3A_257 : memref<3128x16xf32, #tpu.memory_space<vmem_shared>>)
      tpu.yield
    }) : () -> ()
    "tpu.region"() ({
      %run_scoped3A = tpu.sem_alloc : memref<!tpu.dma_semaphore, #tpu.memory_space<semaphore_mem>>
      %dma_start3A = arith.constant 0 : i32
      %dma_start3A_256 = tpu.memref_slice %arg22[%mul3A_0, %dma_start3A] : memref<50048x16xf32, #tpu.memory_space<vmem_shared>> -> memref<3128x16xf32, #tpu.memory_space<vmem_shared>>
      tpu.enqueue_dma source(%arg11 : memref<3128x16xf32, #tpu.memory_space<hbm>>) target(%dma_start3A_256 : memref<3128x16xf32, #tpu.memory_space<vmem_shared>>) target_semaphore(%run_scoped3A : memref<!tpu.dma_semaphore, #tpu.memory_space<semaphore_mem>>)
      %dma_wait3A = arith.constant 0 : i32
      %dma_wait3A_257 = tpu.memref_slice %arg22[%mul3A_0, %dma_wait3A] : memref<50048x16xf32, #tpu.memory_space<vmem_shared>> -> memref<3128x16xf32, #tpu.memory_space<vmem_shared>>
      tpu.wait_dma2 semaphore(%run_scoped3A : memref<!tpu.dma_semaphore, #tpu.memory_space<semaphore_mem>>) src(%arg11 : memref<3128x16xf32, #tpu.memory_space<hbm>>) dst(%dma_wait3A_257 : memref<3128x16xf32, #tpu.memory_space<vmem_shared>>)
      tpu.yield
    }) : () -> ()
    %barrier3A_155 = arith.constant 0 : index
    tpu.barrier barrier_id(%barrier3A_155)
    %scan3A_156 = arith.constant 0 : i32
    %scan3A_157 = arith.constant 0 : i32
    %scan3A_158 = arith.constant 49 : i32
    %scan3A_159 = arith.addi %scan3A_157, %scan3A_158 : i32
    %scan3A_160 = arith.constant 1 : i32
    scf.for %scan3A_256 = %scan3A_157 to %scan3A_159 step %scan3A_160  : i32 {
      %mul3A_257 = arith.constant 256 : i32
      %mul3A_258 = arith.muli %scan3A_256, %mul3A_257 : i32
      %dma_start3A = tpu.memref_slice %arg18[%mul3A_258] : memref<12544xi32, #tpu.memory_space<vmem>> -> memref<256xi32, #tpu.memory_space<vmem>>
      %dma_start3A_259 = arith.constant 0 : i32
      %dma_start3A_260 = arith.constant 0 : i32
      %dma_start3A_261 = tpu.memref_slice %arg5[%dma_start3A_259, %dma_start3A_260] : memref<400000x16xf32, #tpu.memory_space<hbm>> -> memref<400000x16xf32, #tpu.memory_space<hbm>>
      tpu.enqueue_indirect_dma source(%dma_start3A_261 : memref<400000x16xf32, #tpu.memory_space<hbm>>) target(%arg20 : memref<256x16xf32, #tpu.memory_space<vmem>>) offsets(%dma_start3A : memref<256xi32, #tpu.memory_space<vmem>>) semaphore(%arg23 : memref<!tpu.dma_semaphore, #tpu.memory_space<semaphore_mem>>)
      %dma_wait3A = tpu.memref_slice %arg18[%mul3A_258] : memref<12544xi32, #tpu.memory_space<vmem>> -> memref<256xi32, #tpu.memory_space<vmem>>
      %dma_wait3A_262 = arith.constant 0 : i32
      %dma_wait3A_263 = arith.constant 0 : i32
      %dma_wait3A_264 = tpu.memref_slice %arg5[%dma_wait3A_262, %dma_wait3A_263] : memref<400000x16xf32, #tpu.memory_space<hbm>> -> memref<400000x16xf32, #tpu.memory_space<hbm>>
      tpu.wait_indirect_dma semaphore(%arg23 : memref<!tpu.dma_semaphore, #tpu.memory_space<semaphore_mem>>) src(%dma_wait3A_264 : memref<400000x16xf32, #tpu.memory_space<hbm>>) dst(%arg20 : memref<256x16xf32, #tpu.memory_space<vmem>>)
      "tpu.region"() ({
        %run_scoped3A = tpu.sem_alloc : memref<!tpu.dma_semaphore, #tpu.memory_space<semaphore_mem>>
        %dma_start3A_271 = arith.constant 0 : i32
        %dma_start3A_272 = tpu.memref_slice %arg19[%scan3A_256, %dma_start3A_271] : memref<49x256xi32, #tpu.memory_space<vmem>> -> memref<1x256xi32, #tpu.memory_space<vmem>>
        %dma_start3A_273 = tpu.memref_squeeze %dma_start3A_272 : memref<1x256xi32, #tpu.memory_space<vmem>> -> memref<256xi32, #tpu.memory_space<vmem>>
        %dma_start3A_274 = arith.constant 0 : i32
        %dma_start3A_275 = arith.constant 0 : i32
        %dma_start3A_276 = tpu.memref_slice %arg21[%dma_start3A_274, %dma_start3A_275] : memref<50048x16xf32, #tpu.memory_space<vmem_shared>> -> memref<50048x16xf32, #tpu.memory_space<vmem_shared>>
        tpu.enqueue_indirect_dma source(%arg20 : memref<256x16xf32, #tpu.memory_space<vmem>>) target(%dma_start3A_276 : memref<50048x16xf32, #tpu.memory_space<vmem_shared>>) offsets(%dma_start3A_273 : memref<256xi32, #tpu.memory_space<vmem>>) semaphore(%run_scoped3A : memref<!tpu.dma_semaphore, #tpu.memory_space<semaphore_mem>>) {add = true}
        %dma_wait3A_277 = arith.constant 0 : i32
        %dma_wait3A_278 = tpu.memref_slice %arg19[%scan3A_256, %dma_wait3A_277] : memref<49x256xi32, #tpu.memory_space<vmem>> -> memref<1x256xi32, #tpu.memory_space<vmem>>
        %dma_wait3A_279 = tpu.memref_squeeze %dma_wait3A_278 : memref<1x256xi32, #tpu.memory_space<vmem>> -> memref<256xi32, #tpu.memory_space<vmem>>
        %dma_wait3A_280 = arith.constant 0 : i32
        %dma_wait3A_281 = arith.constant 0 : i32
        %dma_wait3A_282 = tpu.memref_slice %arg21[%dma_wait3A_280, %dma_wait3A_281] : memref<50048x16xf32, #tpu.memory_space<vmem_shared>> -> memref<50048x16xf32, #tpu.memory_space<vmem_shared>>
        tpu.wait_indirect_dma semaphore(%run_scoped3A : memref<!tpu.dma_semaphore, #tpu.memory_space<semaphore_mem>>) src(%arg20 : memref<256x16xf32, #tpu.memory_space<vmem>>) dst(%dma_wait3A_282 : memref<50048x16xf32, #tpu.memory_space<vmem_shared>>)
        tpu.yield
      }) : () -> ()
      %scan3A_265 = arith.constant 0 : i32
      %scan3A_266 = arith.constant 0 : i32
      %scan3A_267 = arith.constant 32 : i32
      %scan3A_268 = arith.addi %scan3A_266, %scan3A_267 : i32
      %scan3A_269 = arith.constant 1 : i32
      scf.for %scan3A_271 = %scan3A_266 to %scan3A_268 step %scan3A_269  : i32 {
        %mul3A_272 = arith.constant 8 : i32
        %mul3A_273 = arith.muli %scan3A_271, %mul3A_272 : i32
        %add3A_274 = arith.constant 0 : i32
        %add3A_275 = arith.addi %mul3A_273, %add3A_274 : i32
        %get3A = arith.index_cast %add3A_275 : i32 to index
        %get3A_276 = arith.constant 0 : index
        %get3A_277 = tpu.vector_load %arg20[%get3A, %get3A_276] {strides = array<i32>} : memref<256x16xf32, #tpu.memory_space<vmem>>, vector<1x16xf32>,
        %get3A_278 = vector.shape_cast %get3A_277 : vector<1x16xf32> to vector<16xf32>
        %max3A = arith.constant 0.000000e+00 : f32
        %max3A_279 = vector.broadcast %max3A : f32 to vector<16xf32>
        %max3A_280 = arith.maximumf %get3A_278, %max3A_279 : vector<16xf32>
        %mul3A_281 = arith.constant 8 : i32
        %mul3A_282 = arith.muli %scan3A_271, %mul3A_281 : i32
        %add3A_283 = arith.constant 0 : i32
        %add3A_284 = arith.addi %mul3A_282, %add3A_283 : i32
        %swap3A = arith.index_cast %add3A_284 : i32 to index
        %swap3A_285 = arith.constant 0 : index
        %swap3A_286 = tpu.vector_load %arg20[%swap3A, %swap3A_285] {strides = array<i32>} : memref<256x16xf32, #tpu.memory_space<vmem>>, vector<1x16xf32>,
        %swap3A_287 = vector.shape_cast %swap3A_286 : vector<1x16xf32> to vector<16xf32>
        %swap3A_288 = vector.shape_cast %max3A_280 : vector<16xf32> to vector<1x16xf32>
        tpu.vector_store %arg20[%swap3A, %swap3A_285], %swap3A_288 {strides = array<i32>} : memref<256x16xf32, #tpu.memory_space<vmem>>, vector<1x16xf32>,
        %mul3A_289 = arith.constant 8 : i32
        %mul3A_290 = arith.muli %scan3A_271, %mul3A_289 : i32
        %add3A_291 = arith.constant 1 : i32
        %add3A_292 = arith.addi %mul3A_290, %add3A_291 : i32
        %get3A_293 = arith.index_cast %add3A_292 : i32 to index
        %get3A_294 = arith.constant 0 : index
        %get3A_295 = tpu.vector_load %arg20[%get3A_293, %get3A_294] {strides = array<i32>} : memref<256x16xf32, #tpu.memory_space<vmem>>, vector<1x16xf32>,
        %get3A_296 = vector.shape_cast %get3A_295 : vector<1x16xf32> to vector<16xf32>
        %max3A_297 = arith.constant 0.000000e+00 : f32
        %max3A_298 = vector.broadcast %max3A_297 : f32 to vector<16xf32>
        %max3A_299 = arith.maximumf %get3A_296, %max3A_298 : vector<16xf32>
        %mul3A_300 = arith.constant 8 : i32
        %mul3A_301 = arith.muli %scan3A_271, %mul3A_300 : i32
        %add3A_302 = arith.constant 1 : i32
        %add3A_303 = arith.addi %mul3A_301, %add3A_302 : i32
        %swap3A_304 = arith.index_cast %add3A_303 : i32 to index
        %swap3A_305 = arith.constant 0 : index
        %swap3A_306 = tpu.vector_load %arg20[%swap3A_304, %swap3A_305] {strides = array<i32>} : memref<256x16xf32, #tpu.memory_space<vmem>>, vector<1x16xf32>,
        %swap3A_307 = vector.shape_cast %swap3A_306 : vector<1x16xf32> to vector<16xf32>
        %swap3A_308 = vector.shape_cast %max3A_299 : vector<16xf32> to vector<1x16xf32>
        tpu.vector_store %arg20[%swap3A_304, %swap3A_305], %swap3A_308 {strides = array<i32>} : memref<256x16xf32, #tpu.memory_space<vmem>>, vector<1x16xf32>,
        %mul3A_309 = arith.constant 8 : i32
        %mul3A_310 = arith.muli %scan3A_271, %mul3A_309 : i32
        %add3A_311 = arith.constant 2 : i32
        %add3A_312 = arith.addi %mul3A_310, %add3A_311 : i32
        %get3A_313 = arith.index_cast %add3A_312 : i32 to index
        %get3A_314 = arith.constant 0 : index
        %get3A_315 = tpu.vector_load %arg20[%get3A_313, %get3A_314] {strides = array<i32>} : memref<256x16xf32, #tpu.memory_space<vmem>>, vector<1x16xf32>,
        %get3A_316 = vector.shape_cast %get3A_315 : vector<1x16xf32> to vector<16xf32>
        %max3A_317 = arith.constant 0.000000e+00 : f32
        %max3A_318 = vector.broadcast %max3A_317 : f32 to vector<16xf32>
        %max3A_319 = arith.maximumf %get3A_316, %max3A_318 : vector<16xf32>
        %mul3A_320 = arith.constant 8 : i32
        %mul3A_321 = arith.muli %scan3A_271, %mul3A_320 : i32
        %add3A_322 = arith.constant 2 : i32
        %add3A_323 = arith.addi %mul3A_321, %add3A_322 : i32
        %swap3A_324 = arith.index_cast %add3A_323 : i32 to index
        %swap3A_325 = arith.constant 0 : index
        %swap3A_326 = tpu.vector_load %arg20[%swap3A_324, %swap3A_325] {strides = array<i32>} : memref<256x16xf32, #tpu.memory_space<vmem>>, vector<1x16xf32>,
        %swap3A_327 = vector.shape_cast %swap3A_326 : vector<1x16xf32> to vector<16xf32>
        %swap3A_328 = vector.shape_cast %max3A_319 : vector<16xf32> to vector<1x16xf32>
        tpu.vector_store %arg20[%swap3A_324, %swap3A_325], %swap3A_328 {strides = array<i32>} : memref<256x16xf32, #tpu.memory_space<vmem>>, vector<1x16xf32>,
        %mul3A_329 = arith.constant 8 : i32
        %mul3A_330 = arith.muli %scan3A_271, %mul3A_329 : i32
        %add3A_331 = arith.constant 3 : i32
        %add3A_332 = arith.addi %mul3A_330, %add3A_331 : i32
        %get3A_333 = arith.index_cast %add3A_332 : i32 to index
        %get3A_334 = arith.constant 0 : index
        %get3A_335 = tpu.vector_load %arg20[%get3A_333, %get3A_334] {strides = array<i32>} : memref<256x16xf32, #tpu.memory_space<vmem>>, vector<1x16xf32>,
        %get3A_336 = vector.shape_cast %get3A_335 : vector<1x16xf32> to vector<16xf32>
        %max3A_337 = arith.constant 0.000000e+00 : f32
        %max3A_338 = vector.broadcast %max3A_337 : f32 to vector<16xf32>
        %max3A_339 = arith.maximumf %get3A_336, %max3A_338 : vector<16xf32>
        %mul3A_340 = arith.constant 8 : i32
        %mul3A_341 = arith.muli %scan3A_271, %mul3A_340 : i32
        %add3A_342 = arith.constant 3 : i32
        %add3A_343 = arith.addi %mul3A_341, %add3A_342 : i32
        %swap3A_344 = arith.index_cast %add3A_343 : i32 to index
        %swap3A_345 = arith.constant 0 : index
        %swap3A_346 = tpu.vector_load %arg20[%swap3A_344, %swap3A_345] {strides = array<i32>} : memref<256x16xf32, #tpu.memory_space<vmem>>, vector<1x16xf32>,
        %swap3A_347 = vector.shape_cast %swap3A_346 : vector<1x16xf32> to vector<16xf32>
        %swap3A_348 = vector.shape_cast %max3A_339 : vector<16xf32> to vector<1x16xf32>
        tpu.vector_store %arg20[%swap3A_344, %swap3A_345], %swap3A_348 {strides = array<i32>} : memref<256x16xf32, #tpu.memory_space<vmem>>, vector<1x16xf32>,
        %mul3A_349 = arith.constant 8 : i32
        %mul3A_350 = arith.muli %scan3A_271, %mul3A_349 : i32
        %add3A_351 = arith.constant 4 : i32
        %add3A_352 = arith.addi %mul3A_350, %add3A_351 : i32
        %get3A_353 = arith.index_cast %add3A_352 : i32 to index
        %get3A_354 = arith.constant 0 : index
        %get3A_355 = tpu.vector_load %arg20[%get3A_353, %get3A_354] {strides = array<i32>} : memref<256x16xf32, #tpu.memory_space<vmem>>, vector<1x16xf32>,
        %get3A_356 = vector.shape_cast %get3A_355 : vector<1x16xf32> to vector<16xf32>
        %max3A_357 = arith.constant 0.000000e+00 : f32
        %max3A_358 = vector.broadcast %max3A_357 : f32 to vector<16xf32>
        %max3A_359 = arith.maximumf %get3A_356, %max3A_358 : vector<16xf32>
        %mul3A_360 = arith.constant 8 : i32
        %mul3A_361 = arith.muli %scan3A_271, %mul3A_360 : i32
        %add3A_362 = arith.constant 4 : i32
        %add3A_363 = arith.addi %mul3A_361, %add3A_362 : i32
        %swap3A_364 = arith.index_cast %add3A_363 : i32 to index
        %swap3A_365 = arith.constant 0 : index
        %swap3A_366 = tpu.vector_load %arg20[%swap3A_364, %swap3A_365] {strides = array<i32>} : memref<256x16xf32, #tpu.memory_space<vmem>>, vector<1x16xf32>,
        %swap3A_367 = vector.shape_cast %swap3A_366 : vector<1x16xf32> to vector<16xf32>
        %swap3A_368 = vector.shape_cast %max3A_359 : vector<16xf32> to vector<1x16xf32>
        tpu.vector_store %arg20[%swap3A_364, %swap3A_365], %swap3A_368 {strides = array<i32>} : memref<256x16xf32, #tpu.memory_space<vmem>>, vector<1x16xf32>,
        %mul3A_369 = arith.constant 8 : i32
        %mul3A_370 = arith.muli %scan3A_271, %mul3A_369 : i32
        %add3A_371 = arith.constant 5 : i32
        %add3A_372 = arith.addi %mul3A_370, %add3A_371 : i32
        %get3A_373 = arith.index_cast %add3A_372 : i32 to index
        %get3A_374 = arith.constant 0 : index
        %get3A_375 = tpu.vector_load %arg20[%get3A_373, %get3A_374] {strides = array<i32>} : memref<256x16xf32, #tpu.memory_space<vmem>>, vector<1x16xf32>,
        %get3A_376 = vector.shape_cast %get3A_375 : vector<1x16xf32> to vector<16xf32>
        %max3A_377 = arith.constant 0.000000e+00 : f32
        %max3A_378 = vector.broadcast %max3A_377 : f32 to vector<16xf32>
        %max3A_379 = arith.maximumf %get3A_376, %max3A_378 : vector<16xf32>
        %mul3A_380 = arith.constant 8 : i32
        %mul3A_381 = arith.muli %scan3A_271, %mul3A_380 : i32
        %add3A_382 = arith.constant 5 : i32
        %add3A_383 = arith.addi %mul3A_381, %add3A_382 : i32
        %swap3A_384 = arith.index_cast %add3A_383 : i32 to index
        %swap3A_385 = arith.constant 0 : index
        %swap3A_386 = tpu.vector_load %arg20[%swap3A_384, %swap3A_385] {strides = array<i32>} : memref<256x16xf32, #tpu.memory_space<vmem>>, vector<1x16xf32>,
        %swap3A_387 = vector.shape_cast %swap3A_386 : vector<1x16xf32> to vector<16xf32>
        %swap3A_388 = vector.shape_cast %max3A_379 : vector<16xf32> to vector<1x16xf32>
        tpu.vector_store %arg20[%swap3A_384, %swap3A_385], %swap3A_388 {strides = array<i32>} : memref<256x16xf32, #tpu.memory_space<vmem>>, vector<1x16xf32>,
        %mul3A_389 = arith.constant 8 : i32
        %mul3A_390 = arith.muli %scan3A_271, %mul3A_389 : i32
        %add3A_391 = arith.constant 6 : i32
        %add3A_392 = arith.addi %mul3A_390, %add3A_391 : i32
        %get3A_393 = arith.index_cast %add3A_392 : i32 to index
        %get3A_394 = arith.constant 0 : index
        %get3A_395 = tpu.vector_load %arg20[%get3A_393, %get3A_394] {strides = array<i32>} : memref<256x16xf32, #tpu.memory_space<vmem>>, vector<1x16xf32>,
        %get3A_396 = vector.shape_cast %get3A_395 : vector<1x16xf32> to vector<16xf32>
        %max3A_397 = arith.constant 0.000000e+00 : f32
        %max3A_398 = vector.broadcast %max3A_397 : f32 to vector<16xf32>
        %max3A_399 = arith.maximumf %get3A_396, %max3A_398 : vector<16xf32>
        %mul3A_400 = arith.constant 8 : i32
        %mul3A_401 = arith.muli %scan3A_271, %mul3A_400 : i32
        %add3A_402 = arith.constant 6 : i32
        %add3A_403 = arith.addi %mul3A_401, %add3A_402 : i32
        %swap3A_404 = arith.index_cast %add3A_403 : i32 to index
        %swap3A_405 = arith.constant 0 : index
        %swap3A_406 = tpu.vector_load %arg20[%swap3A_404, %swap3A_405] {strides = array<i32>} : memref<256x16xf32, #tpu.memory_space<vmem>>, vector<1x16xf32>,
        %swap3A_407 = vector.shape_cast %swap3A_406 : vector<1x16xf32> to vector<16xf32>
        %swap3A_408 = vector.shape_cast %max3A_399 : vector<16xf32> to vector<1x16xf32>
        tpu.vector_store %arg20[%swap3A_404, %swap3A_405], %swap3A_408 {strides = array<i32>} : memref<256x16xf32, #tpu.memory_space<vmem>>, vector<1x16xf32>,
        %mul3A_409 = arith.constant 8 : i32
        %mul3A_410 = arith.muli %scan3A_271, %mul3A_409 : i32
        %add3A_411 = arith.constant 7 : i32
        %add3A_412 = arith.addi %mul3A_410, %add3A_411 : i32
        %get3A_413 = arith.index_cast %add3A_412 : i32 to index
        %get3A_414 = arith.constant 0 : index
        %get3A_415 = tpu.vector_load %arg20[%get3A_413, %get3A_414] {strides = array<i32>} : memref<256x16xf32, #tpu.memory_space<vmem>>, vector<1x16xf32>,
        %get3A_416 = vector.shape_cast %get3A_415 : vector<1x16xf32> to vector<16xf32>
        %max3A_417 = arith.constant 0.000000e+00 : f32
        %max3A_418 = vector.broadcast %max3A_417 : f32 to vector<16xf32>
        %max3A_419 = arith.maximumf %get3A_416, %max3A_418 : vector<16xf32>
        %mul3A_420 = arith.constant 8 : i32
        %mul3A_421 = arith.muli %scan3A_271, %mul3A_420 : i32
        %add3A_422 = arith.constant 7 : i32
        %add3A_423 = arith.addi %mul3A_421, %add3A_422 : i32
        %swap3A_424 = arith.index_cast %add3A_423 : i32 to index
        %swap3A_425 = arith.constant 0 : index
        %swap3A_426 = tpu.vector_load %arg20[%swap3A_424, %swap3A_425] {strides = array<i32>} : memref<256x16xf32, #tpu.memory_space<vmem>>, vector<1x16xf32>,
        %swap3A_427 = vector.shape_cast %swap3A_426 : vector<1x16xf32> to vector<16xf32>
        %swap3A_428 = vector.shape_cast %max3A_419 : vector<16xf32> to vector<1x16xf32>
        tpu.vector_store %arg20[%swap3A_424, %swap3A_425], %swap3A_428 {strides = array<i32>} : memref<256x16xf32, #tpu.memory_space<vmem>>, vector<1x16xf32>,
      }
      %scan3A_270 = arith.constant 32 : i32
      "tpu.region"() ({
        %run_scoped3A = tpu.sem_alloc : memref<!tpu.dma_semaphore, #tpu.memory_space<semaphore_mem>>
        %dma_start3A_271 = arith.constant 0 : i32
        %dma_start3A_272 = tpu.memref_slice %arg19[%scan3A_256, %dma_start3A_271] : memref<49x256xi32, #tpu.memory_space<vmem>> -> memref<1x256xi32, #tpu.memory_space<vmem>>
        %dma_start3A_273 = tpu.memref_squeeze %dma_start3A_272 : memref<1x256xi32, #tpu.memory_space<vmem>> -> memref<256xi32, #tpu.memory_space<vmem>>
        %dma_start3A_274 = arith.constant 0 : i32
        %dma_start3A_275 = arith.constant 0 : i32
        %dma_start3A_276 = tpu.memref_slice %arg22[%dma_start3A_274, %dma_start3A_275] : memref<50048x16xf32, #tpu.memory_space<vmem_shared>> -> memref<50048x16xf32, #tpu.memory_space<vmem_shared>>
        tpu.enqueue_indirect_dma source(%arg20 : memref<256x16xf32, #tpu.memory_space<vmem>>) target(%dma_start3A_276 : memref<50048x16xf32, #tpu.memory_space<vmem_shared>>) offsets(%dma_start3A_273 : memref<256xi32, #tpu.memory_space<vmem>>) semaphore(%run_scoped3A : memref<!tpu.dma_semaphore, #tpu.memory_space<semaphore_mem>>) {add = true}
        %dma_wait3A_277 = arith.constant 0 : i32
        %dma_wait3A_278 = tpu.memref_slice %arg19[%scan3A_256, %dma_wait3A_277] : memref<49x256xi32, #tpu.memory_space<vmem>> -> memref<1x256xi32, #tpu.memory_space<vmem>>
        %dma_wait3A_279 = tpu.memref_squeeze %dma_wait3A_278 : memref<1x256xi32, #tpu.memory_space<vmem>> -> memref<256xi32, #tpu.memory_space<vmem>>
        %dma_wait3A_280 = arith.constant 0 : i32
        %dma_wait3A_281 = arith.constant 0 : i32
        %dma_wait3A_282 = tpu.memref_slice %arg22[%dma_wait3A_280, %dma_wait3A_281] : memref<50048x16xf32, #tpu.memory_space<vmem_shared>> -> memref<50048x16xf32, #tpu.memory_space<vmem_shared>>
        tpu.wait_indirect_dma semaphore(%run_scoped3A : memref<!tpu.dma_semaphore, #tpu.memory_space<semaphore_mem>>) src(%arg20 : memref<256x16xf32, #tpu.memory_space<vmem>>) dst(%dma_wait3A_282 : memref<50048x16xf32, #tpu.memory_space<vmem_shared>>)
        tpu.yield
      }) : () -> ()
    }
    %scan3A_161 = arith.constant 49 : i32
    %barrier3A_162 = arith.constant 0 : index
    tpu.barrier barrier_id(%barrier3A_162)
    %mul3A_163 = arith.constant 4 : i32
    %mul3A_164 = arith.muli %arg0, %mul3A_163 : i32
    %add3A_165 = arith.constant 3 : i32
    %add3A_166 = arith.addi %mul3A_164, %add3A_165 : i32
    %mul3A_167 = arith.constant 16 : i32
    %mul3A_168 = arith.muli %add3A_166, %mul3A_167 : i32
    "tpu.region"() ({
      %run_scoped3A = tpu.sem_alloc : memref<!tpu.dma_semaphore, #tpu.memory_space<semaphore_mem>>
      %dma_start3A = tpu.memref_slice %arg14[%mul3A_0, %mul3A_168] : memref<50048x128xf32, #tpu.memory_space<hbm>> -> memref<3128x16xf32, #tpu.memory_space<hbm>>
      %dma_start3A_256 = arith.constant 0 : i32
      %dma_start3A_257 = tpu.memref_slice %arg21[%mul3A_0, %dma_start3A_256] : memref<50048x16xf32, #tpu.memory_space<vmem_shared>> -> memref<3128x16xf32, #tpu.memory_space<vmem_shared>>
      tpu.enqueue_dma source(%dma_start3A_257 : memref<3128x16xf32, #tpu.memory_space<vmem_shared>>) target(%dma_start3A : memref<3128x16xf32, #tpu.memory_space<hbm>>) target_semaphore(%run_scoped3A : memref<!tpu.dma_semaphore, #tpu.memory_space<semaphore_mem>>)
      %dma_wait3A = tpu.memref_slice %arg14[%mul3A_0, %mul3A_168] : memref<50048x128xf32, #tpu.memory_space<hbm>> -> memref<3128x16xf32, #tpu.memory_space<hbm>>
      %dma_wait3A_258 = arith.constant 0 : i32
      %dma_wait3A_259 = tpu.memref_slice %arg21[%mul3A_0, %dma_wait3A_258] : memref<50048x16xf32, #tpu.memory_space<vmem_shared>> -> memref<3128x16xf32, #tpu.memory_space<vmem_shared>>
      tpu.wait_dma2 semaphore(%run_scoped3A : memref<!tpu.dma_semaphore, #tpu.memory_space<semaphore_mem>>) src(%dma_wait3A_259 : memref<3128x16xf32, #tpu.memory_space<vmem_shared>>) dst(%dma_wait3A : memref<3128x16xf32, #tpu.memory_space<hbm>>)
      tpu.yield
    }) : () -> ()
    "tpu.region"() ({
      %run_scoped3A = tpu.sem_alloc : memref<!tpu.dma_semaphore, #tpu.memory_space<semaphore_mem>>
      %dma_start3A = tpu.memref_slice %arg15[%mul3A_0, %mul3A_168] : memref<50048x128xf32, #tpu.memory_space<hbm>> -> memref<3128x16xf32, #tpu.memory_space<hbm>>
      %dma_start3A_256 = arith.constant 0 : i32
      %dma_start3A_257 = tpu.memref_slice %arg22[%mul3A_0, %dma_start3A_256] : memref<50048x16xf32, #tpu.memory_space<vmem_shared>> -> memref<3128x16xf32, #tpu.memory_space<vmem_shared>>
      tpu.enqueue_dma source(%dma_start3A_257 : memref<3128x16xf32, #tpu.memory_space<vmem_shared>>) target(%dma_start3A : memref<3128x16xf32, #tpu.memory_space<hbm>>) target_semaphore(%run_scoped3A : memref<!tpu.dma_semaphore, #tpu.memory_space<semaphore_mem>>)
      %dma_wait3A = tpu.memref_slice %arg15[%mul3A_0, %mul3A_168] : memref<50048x128xf32, #tpu.memory_space<hbm>> -> memref<3128x16xf32, #tpu.memory_space<hbm>>
      %dma_wait3A_258 = arith.constant 0 : i32
      %dma_wait3A_259 = tpu.memref_slice %arg22[%mul3A_0, %dma_wait3A_258] : memref<50048x16xf32, #tpu.memory_space<vmem_shared>> -> memref<3128x16xf32, #tpu.memory_space<vmem_shared>>
      tpu.wait_dma2 semaphore(%run_scoped3A : memref<!tpu.dma_semaphore, #tpu.memory_space<semaphore_mem>>) src(%dma_wait3A_259 : memref<3128x16xf32, #tpu.memory_space<vmem_shared>>) dst(%dma_wait3A : memref<3128x16xf32, #tpu.memory_space<hbm>>)
      tpu.yield
    }) : () -> ()
    %barrier3A_169 = arith.constant 0 : index
    tpu.barrier barrier_id(%barrier3A_169)
    "tpu.region"() ({
      %run_scoped3A = tpu.sem_alloc : memref<!tpu.dma_semaphore, #tpu.memory_space<semaphore_mem>>
      %dma_start3A = arith.constant 0 : i32
      %dma_start3A_256 = tpu.memref_slice %arg9[%arg1, %dma_start3A] : memref<16x12544xi32, #tpu.memory_space<hbm>> -> memref<1x12544xi32, #tpu.memory_space<hbm>>
      %dma_start3A_257 = tpu.memref_squeeze %dma_start3A_256 : memref<1x12544xi32, #tpu.memory_space<hbm>> -> memref<12544xi32, #tpu.memory_space<hbm>>
      %dma_start3A_258 = arith.constant 0 : i32
      %dma_start3A_259 = tpu.memref_slice %arg9[%arg1, %dma_start3A_258] : memref<16x12544xi32, #tpu.memory_space<hbm>> -> memref<1x12544xi32, #tpu.memory_space<hbm>>
      %dma_start3A_260 = tpu.memref_squeeze %dma_start3A_259 : memref<1x12544xi32, #tpu.memory_space<hbm>> -> memref<12544xi32, #tpu.memory_space<hbm>>
      tpu.enqueue_dma source(%dma_start3A_260 : memref<12544xi32, #tpu.memory_space<hbm>>) target(%arg18 : memref<12544xi32, #tpu.memory_space<vmem>>) target_semaphore(%run_scoped3A : memref<!tpu.dma_semaphore, #tpu.memory_space<semaphore_mem>>)
      %dma_wait3A = arith.constant 0 : i32
      %dma_wait3A_261 = tpu.memref_slice %arg9[%arg1, %dma_wait3A] : memref<16x12544xi32, #tpu.memory_space<hbm>> -> memref<1x12544xi32, #tpu.memory_space<hbm>>
      %dma_wait3A_262 = tpu.memref_squeeze %dma_wait3A_261 : memref<1x12544xi32, #tpu.memory_space<hbm>> -> memref<12544xi32, #tpu.memory_space<hbm>>
      %dma_wait3A_263 = arith.constant 0 : i32
      %dma_wait3A_264 = tpu.memref_slice %arg9[%arg1, %dma_wait3A_263] : memref<16x12544xi32, #tpu.memory_space<hbm>> -> memref<1x12544xi32, #tpu.memory_space<hbm>>
      %dma_wait3A_265 = tpu.memref_squeeze %dma_wait3A_264 : memref<1x12544xi32, #tpu.memory_space<hbm>> -> memref<12544xi32, #tpu.memory_space<hbm>>
      tpu.wait_dma2 semaphore(%run_scoped3A : memref<!tpu.dma_semaphore, #tpu.memory_space<semaphore_mem>>) src(%dma_wait3A_265 : memref<12544xi32, #tpu.memory_space<hbm>>) dst(%arg18 : memref<12544xi32, #tpu.memory_space<vmem>>)
      tpu.yield
    }) : () -> ()
    "tpu.region"() ({
      %run_scoped3A = tpu.sem_alloc : memref<!tpu.dma_semaphore, #tpu.memory_space<semaphore_mem>>
      %dma_start3A = arith.constant 0 : i32
      %dma_start3A_256 = arith.constant 0 : i32
      %dma_start3A_257 = tpu.memref_slice %arg10[%arg1, %dma_start3A, %dma_start3A_256] : memref<16x49x256xi32, #tpu.memory_space<hbm>> -> memref<1x49x256xi32, #tpu.memory_space<hbm>>
      %dma_start3A_258 = tpu.memref_squeeze %dma_start3A_257 : memref<1x49x256xi32, #tpu.memory_space<hbm>> -> memref<49x256xi32, #tpu.memory_space<hbm>>
      %dma_start3A_259 = arith.constant 0 : i32
      %dma_start3A_260 = arith.constant 0 : i32
      %dma_start3A_261 = tpu.memref_slice %arg10[%arg1, %dma_start3A_259, %dma_start3A_260] : memref<16x49x256xi32, #tpu.memory_space<hbm>> -> memref<1x49x256xi32, #tpu.memory_space<hbm>>
      %dma_start3A_262 = tpu.memref_squeeze %dma_start3A_261 : memref<1x49x256xi32, #tpu.memory_space<hbm>> -> memref<49x256xi32, #tpu.memory_space<hbm>>
      tpu.enqueue_dma source(%dma_start3A_262 : memref<49x256xi32, #tpu.memory_space<hbm>>) target(%arg19 : memref<49x256xi32, #tpu.memory_space<vmem>>) target_semaphore(%run_scoped3A : memref<!tpu.dma_semaphore, #tpu.memory_space<semaphore_mem>>)
      %dma_wait3A = arith.constant 0 : i32
      %dma_wait3A_263 = arith.constant 0 : i32
      %dma_wait3A_264 = tpu.memref_slice %arg10[%arg1, %dma_wait3A, %dma_wait3A_263] : memref<16x49x256xi32, #tpu.memory_space<hbm>> -> memref<1x49x256xi32, #tpu.memory_space<hbm>>
      %dma_wait3A_265 = tpu.memref_squeeze %dma_wait3A_264 : memref<1x49x256xi32, #tpu.memory_space<hbm>> -> memref<49x256xi32, #tpu.memory_space<hbm>>
      %dma_wait3A_266 = arith.constant 0 : i32
      %dma_wait3A_267 = arith.constant 0 : i32
      %dma_wait3A_268 = tpu.memref_slice %arg10[%arg1, %dma_wait3A_266, %dma_wait3A_267] : memref<16x49x256xi32, #tpu.memory_space<hbm>> -> memref<1x49x256xi32, #tpu.memory_space<hbm>>
      %dma_wait3A_269 = tpu.memref_squeeze %dma_wait3A_268 : memref<1x49x256xi32, #tpu.memory_space<hbm>> -> memref<49x256xi32, #tpu.memory_space<hbm>>
      tpu.wait_dma2 semaphore(%run_scoped3A : memref<!tpu.dma_semaphore, #tpu.memory_space<semaphore_mem>>) src(%dma_wait3A_269 : memref<49x256xi32, #tpu.memory_space<hbm>>) dst(%arg19 : memref<49x256xi32, #tpu.memory_space<vmem>>)
      tpu.yield
    }) : () -> ()
    %mul3A_170 = arith.constant 4 : i32
    %mul3A_171 = arith.muli %arg0, %mul3A_170 : i32
    %scan3A_172 = arith.constant 0 : i32
    %scan3A_173 = arith.constant 0 : i32
    %scan3A_174 = arith.constant 784 : i32
    %scan3A_175 = arith.addi %scan3A_173, %scan3A_174 : i32
    %scan3A_176 = arith.constant 1 : i32
    scf.for %scan3A_256 = %scan3A_173 to %scan3A_175 step %scan3A_176  : i32 {
      %mul3A_257 = arith.constant 16 : i32
      %mul3A_258 = arith.muli %scan3A_256, %mul3A_257 : i32
      %get3A = arith.index_cast %mul3A_258 : i32 to index
      %get3A_259 = tpu.vector_load %arg18[%get3A] {strides = array<i32>} : memref<12544xi32, #tpu.memory_space<vmem>>, vector<16xi32>,
      %get3A_260 = vector.shape_cast %get3A_259 : vector<16xi32> to vector<16xi32>
      %mul3A_261 = arith.constant 8 : i32
      %mul3A_262 = vector.broadcast %mul3A_261 : i32 to vector<16xi32>
      %mul3A_263 = arith.muli %get3A_260, %mul3A_262 : vector<16xi32>
      %add3A_264 = vector.broadcast %mul3A_171 : i32 to vector<16xi32>
      %add3A_265 = arith.addi %mul3A_263, %add3A_264 : vector<16xi32>
      %swap3A = arith.index_cast %mul3A_258 : i32 to index
      %swap3A_266 = tpu.vector_load %arg18[%swap3A] {strides = array<i32>} : memref<12544xi32, #tpu.memory_space<vmem>>, vector<16xi32>,
      %swap3A_267 = vector.shape_cast %swap3A_266 : vector<16xi32> to vector<16xi32>
      %swap3A_268 = vector.shape_cast %add3A_265 : vector<16xi32> to vector<16xi32>
      tpu.vector_store %arg18[%swap3A], %swap3A_268 {strides = array<i32>} : memref<12544xi32, #tpu.memory_space<vmem>>, vector<16xi32>,
    }
    %scan3A_177 = arith.constant 784 : i32
    "tpu.region"() ({
      %run_scoped3A = tpu.sem_alloc : memref<!tpu.dma_semaphore, #tpu.memory_space<semaphore_mem>>
      %dma_start3A = arith.constant 0 : i32
      %dma_start3A_256 = tpu.memref_slice %arg21[%mul3A_0, %dma_start3A] : memref<50048x16xf32, #tpu.memory_space<vmem_shared>> -> memref<3128x16xf32, #tpu.memory_space<vmem_shared>>
      tpu.enqueue_dma source(%arg11 : memref<3128x16xf32, #tpu.memory_space<hbm>>) target(%dma_start3A_256 : memref<3128x16xf32, #tpu.memory_space<vmem_shared>>) target_semaphore(%run_scoped3A : memref<!tpu.dma_semaphore, #tpu.memory_space<semaphore_mem>>)
      %dma_wait3A = arith.constant 0 : i32
      %dma_wait3A_257 = tpu.memref_slice %arg21[%mul3A_0, %dma_wait3A] : memref<50048x16xf32, #tpu.memory_space<vmem_shared>> -> memref<3128x16xf32, #tpu.memory_space<vmem_shared>>
      tpu.wait_dma2 semaphore(%run_scoped3A : memref<!tpu.dma_semaphore, #tpu.memory_space<semaphore_mem>>) src(%arg11 : memref<3128x16xf32, #tpu.memory_space<hbm>>) dst(%dma_wait3A_257 : memref<3128x16xf32, #tpu.memory_space<vmem_shared>>)
      tpu.yield
    }) : () -> ()
    "tpu.region"() ({
      %run_scoped3A = tpu.sem_alloc : memref<!tpu.dma_semaphore, #tpu.memory_space<semaphore_mem>>
      %dma_start3A = arith.constant 0 : i32
      %dma_start3A_256 = tpu.memref_slice %arg22[%mul3A_0, %dma_start3A] : memref<50048x16xf32, #tpu.memory_space<vmem_shared>> -> memref<3128x16xf32, #tpu.memory_space<vmem_shared>>
      tpu.enqueue_dma source(%arg11 : memref<3128x16xf32, #tpu.memory_space<hbm>>) target(%dma_start3A_256 : memref<3128x16xf32, #tpu.memory_space<vmem_shared>>) target_semaphore(%run_scoped3A : memref<!tpu.dma_semaphore, #tpu.memory_space<semaphore_mem>>)
      %dma_wait3A = arith.constant 0 : i32
      %dma_wait3A_257 = tpu.memref_slice %arg22[%mul3A_0, %dma_wait3A] : memref<50048x16xf32, #tpu.memory_space<vmem_shared>> -> memref<3128x16xf32, #tpu.memory_space<vmem_shared>>
      tpu.wait_dma2 semaphore(%run_scoped3A : memref<!tpu.dma_semaphore, #tpu.memory_space<semaphore_mem>>) src(%arg11 : memref<3128x16xf32, #tpu.memory_space<hbm>>) dst(%dma_wait3A_257 : memref<3128x16xf32, #tpu.memory_space<vmem_shared>>)
      tpu.yield
    }) : () -> ()
    %barrier3A_178 = arith.constant 0 : index
    tpu.barrier barrier_id(%barrier3A_178)
    %scan3A_179 = arith.constant 0 : i32
    %scan3A_180 = arith.constant 0 : i32
    %scan3A_181 = arith.constant 49 : i32
    %scan3A_182 = arith.addi %scan3A_180, %scan3A_181 : i32
    %scan3A_183 = arith.constant 1 : i32
    scf.for %scan3A_256 = %scan3A_180 to %scan3A_182 step %scan3A_183  : i32 {
      %mul3A_257 = arith.constant 256 : i32
      %mul3A_258 = arith.muli %scan3A_256, %mul3A_257 : i32
      %dma_start3A = tpu.memref_slice %arg18[%mul3A_258] : memref<12544xi32, #tpu.memory_space<vmem>> -> memref<256xi32, #tpu.memory_space<vmem>>
      %dma_start3A_259 = arith.constant 0 : i32
      %dma_start3A_260 = arith.constant 0 : i32
      %dma_start3A_261 = tpu.memref_slice %arg8[%dma_start3A_259, %dma_start3A_260] : memref<400000x16xf32, #tpu.memory_space<hbm>> -> memref<400000x16xf32, #tpu.memory_space<hbm>>
      tpu.enqueue_indirect_dma source(%dma_start3A_261 : memref<400000x16xf32, #tpu.memory_space<hbm>>) target(%arg20 : memref<256x16xf32, #tpu.memory_space<vmem>>) offsets(%dma_start3A : memref<256xi32, #tpu.memory_space<vmem>>) semaphore(%arg23 : memref<!tpu.dma_semaphore, #tpu.memory_space<semaphore_mem>>)
      %dma_wait3A = tpu.memref_slice %arg18[%mul3A_258] : memref<12544xi32, #tpu.memory_space<vmem>> -> memref<256xi32, #tpu.memory_space<vmem>>
      %dma_wait3A_262 = arith.constant 0 : i32
      %dma_wait3A_263 = arith.constant 0 : i32
      %dma_wait3A_264 = tpu.memref_slice %arg8[%dma_wait3A_262, %dma_wait3A_263] : memref<400000x16xf32, #tpu.memory_space<hbm>> -> memref<400000x16xf32, #tpu.memory_space<hbm>>
      tpu.wait_indirect_dma semaphore(%arg23 : memref<!tpu.dma_semaphore, #tpu.memory_space<semaphore_mem>>) src(%dma_wait3A_264 : memref<400000x16xf32, #tpu.memory_space<hbm>>) dst(%arg20 : memref<256x16xf32, #tpu.memory_space<vmem>>)
      "tpu.region"() ({
        %run_scoped3A = tpu.sem_alloc : memref<!tpu.dma_semaphore, #tpu.memory_space<semaphore_mem>>
        %dma_start3A_271 = arith.constant 0 : i32
        %dma_start3A_272 = tpu.memref_slice %arg19[%scan3A_256, %dma_start3A_271] : memref<49x256xi32, #tpu.memory_space<vmem>> -> memref<1x256xi32, #tpu.memory_space<vmem>>
        %dma_start3A_273 = tpu.memref_squeeze %dma_start3A_272 : memref<1x256xi32, #tpu.memory_space<vmem>> -> memref<256xi32, #tpu.memory_space<vmem>>
        %dma_start3A_274 = arith.constant 0 : i32
        %dma_start3A_275 = arith.constant 0 : i32
        %dma_start3A_276 = tpu.memref_slice %arg21[%dma_start3A_274, %dma_start3A_275] : memref<50048x16xf32, #tpu.memory_space<vmem_shared>> -> memref<50048x16xf32, #tpu.memory_space<vmem_shared>>
        tpu.enqueue_indirect_dma source(%arg20 : memref<256x16xf32, #tpu.memory_space<vmem>>) target(%dma_start3A_276 : memref<50048x16xf32, #tpu.memory_space<vmem_shared>>) offsets(%dma_start3A_273 : memref<256xi32, #tpu.memory_space<vmem>>) semaphore(%run_scoped3A : memref<!tpu.dma_semaphore, #tpu.memory_space<semaphore_mem>>) {add = true}
        %dma_wait3A_277 = arith.constant 0 : i32
        %dma_wait3A_278 = tpu.memref_slice %arg19[%scan3A_256, %dma_wait3A_277] : memref<49x256xi32, #tpu.memory_space<vmem>> -> memref<1x256xi32, #tpu.memory_space<vmem>>
        %dma_wait3A_279 = tpu.memref_squeeze %dma_wait3A_278 : memref<1x256xi32, #tpu.memory_space<vmem>> -> memref<256xi32, #tpu.memory_space<vmem>>
        %dma_wait3A_280 = arith.constant 0 : i32
        %dma_wait3A_281 = arith.constant 0 : i32
        %dma_wait3A_282 = tpu.memref_slice %arg21[%dma_wait3A_280, %dma_wait3A_281] : memref<50048x16xf32, #tpu.memory_space<vmem_shared>> -> memref<50048x16xf32, #tpu.memory_space<vmem_shared>>
        tpu.wait_indirect_dma semaphore(%run_scoped3A : memref<!tpu.dma_semaphore, #tpu.memory_space<semaphore_mem>>) src(%arg20 : memref<256x16xf32, #tpu.memory_space<vmem>>) dst(%dma_wait3A_282 : memref<50048x16xf32, #tpu.memory_space<vmem_shared>>)
        tpu.yield
      }) : () -> ()
      %scan3A_265 = arith.constant 0 : i32
      %scan3A_266 = arith.constant 0 : i32
      %scan3A_267 = arith.constant 32 : i32
      %scan3A_268 = arith.addi %scan3A_266, %scan3A_267 : i32
      %scan3A_269 = arith.constant 1 : i32
      scf.for %scan3A_271 = %scan3A_266 to %scan3A_268 step %scan3A_269  : i32 {
        %mul3A_272 = arith.constant 8 : i32
        %mul3A_273 = arith.muli %scan3A_271, %mul3A_272 : i32
        %add3A_274 = arith.constant 0 : i32
        %add3A_275 = arith.addi %mul3A_273, %add3A_274 : i32
        %get3A = arith.index_cast %add3A_275 : i32 to index
        %get3A_276 = arith.constant 0 : index
        %get3A_277 = tpu.vector_load %arg20[%get3A, %get3A_276] {strides = array<i32>} : memref<256x16xf32, #tpu.memory_space<vmem>>, vector<1x16xf32>,
        %get3A_278 = vector.shape_cast %get3A_277 : vector<1x16xf32> to vector<16xf32>
        %max3A = arith.constant 0.000000e+00 : f32
        %max3A_279 = vector.broadcast %max3A : f32 to vector<16xf32>
        %max3A_280 = arith.maximumf %get3A_278, %max3A_279 : vector<16xf32>
        %mul3A_281 = arith.constant 8 : i32
        %mul3A_282 = arith.muli %scan3A_271, %mul3A_281 : i32
        %add3A_283 = arith.constant 0 : i32
        %add3A_284 = arith.addi %mul3A_282, %add3A_283 : i32
        %swap3A = arith.index_cast %add3A_284 : i32 to index
        %swap3A_285 = arith.constant 0 : index
        %swap3A_286 = tpu.vector_load %arg20[%swap3A, %swap3A_285] {strides = array<i32>} : memref<256x16xf32, #tpu.memory_space<vmem>>, vector<1x16xf32>,
        %swap3A_287 = vector.shape_cast %swap3A_286 : vector<1x16xf32> to vector<16xf32>
        %swap3A_288 = vector.shape_cast %max3A_280 : vector<16xf32> to vector<1x16xf32>
        tpu.vector_store %arg20[%swap3A, %swap3A_285], %swap3A_288 {strides = array<i32>} : memref<256x16xf32, #tpu.memory_space<vmem>>, vector<1x16xf32>,
        %mul3A_289 = arith.constant 8 : i32
        %mul3A_290 = arith.muli %scan3A_271, %mul3A_289 : i32
        %add3A_291 = arith.constant 1 : i32
        %add3A_292 = arith.addi %mul3A_290, %add3A_291 : i32
        %get3A_293 = arith.index_cast %add3A_292 : i32 to index
        %get3A_294 = arith.constant 0 : index
        %get3A_295 = tpu.vector_load %arg20[%get3A_293, %get3A_294] {strides = array<i32>} : memref<256x16xf32, #tpu.memory_space<vmem>>, vector<1x16xf32>,
        %get3A_296 = vector.shape_cast %get3A_295 : vector<1x16xf32> to vector<16xf32>
        %max3A_297 = arith.constant 0.000000e+00 : f32
        %max3A_298 = vector.broadcast %max3A_297 : f32 to vector<16xf32>
        %max3A_299 = arith.maximumf %get3A_296, %max3A_298 : vector<16xf32>
        %mul3A_300 = arith.constant 8 : i32
        %mul3A_301 = arith.muli %scan3A_271, %mul3A_300 : i32
        %add3A_302 = arith.constant 1 : i32
        %add3A_303 = arith.addi %mul3A_301, %add3A_302 : i32
        %swap3A_304 = arith.index_cast %add3A_303 : i32 to index
        %swap3A_305 = arith.constant 0 : index
        %swap3A_306 = tpu.vector_load %arg20[%swap3A_304, %swap3A_305] {strides = array<i32>} : memref<256x16xf32, #tpu.memory_space<vmem>>, vector<1x16xf32>,
        %swap3A_307 = vector.shape_cast %swap3A_306 : vector<1x16xf32> to vector<16xf32>
        %swap3A_308 = vector.shape_cast %max3A_299 : vector<16xf32> to vector<1x16xf32>
        tpu.vector_store %arg20[%swap3A_304, %swap3A_305], %swap3A_308 {strides = array<i32>} : memref<256x16xf32, #tpu.memory_space<vmem>>, vector<1x16xf32>,
        %mul3A_309 = arith.constant 8 : i32
        %mul3A_310 = arith.muli %scan3A_271, %mul3A_309 : i32
        %add3A_311 = arith.constant 2 : i32
        %add3A_312 = arith.addi %mul3A_310, %add3A_311 : i32
        %get3A_313 = arith.index_cast %add3A_312 : i32 to index
        %get3A_314 = arith.constant 0 : index
        %get3A_315 = tpu.vector_load %arg20[%get3A_313, %get3A_314] {strides = array<i32>} : memref<256x16xf32, #tpu.memory_space<vmem>>, vector<1x16xf32>,
        %get3A_316 = vector.shape_cast %get3A_315 : vector<1x16xf32> to vector<16xf32>
        %max3A_317 = arith.constant 0.000000e+00 : f32
        %max3A_318 = vector.broadcast %max3A_317 : f32 to vector<16xf32>
        %max3A_319 = arith.maximumf %get3A_316, %max3A_318 : vector<16xf32>
        %mul3A_320 = arith.constant 8 : i32
        %mul3A_321 = arith.muli %scan3A_271, %mul3A_320 : i32
        %add3A_322 = arith.constant 2 : i32
        %add3A_323 = arith.addi %mul3A_321, %add3A_322 : i32
        %swap3A_324 = arith.index_cast %add3A_323 : i32 to index
        %swap3A_325 = arith.constant 0 : index
        %swap3A_326 = tpu.vector_load %arg20[%swap3A_324, %swap3A_325] {strides = array<i32>} : memref<256x16xf32, #tpu.memory_space<vmem>>, vector<1x16xf32>,
        %swap3A_327 = vector.shape_cast %swap3A_326 : vector<1x16xf32> to vector<16xf32>
        %swap3A_328 = vector.shape_cast %max3A_319 : vector<16xf32> to vector<1x16xf32>
        tpu.vector_store %arg20[%swap3A_324, %swap3A_325], %swap3A_328 {strides = array<i32>} : memref<256x16xf32, #tpu.memory_space<vmem>>, vector<1x16xf32>,
        %mul3A_329 = arith.constant 8 : i32
        %mul3A_330 = arith.muli %scan3A_271, %mul3A_329 : i32
        %add3A_331 = arith.constant 3 : i32
        %add3A_332 = arith.addi %mul3A_330, %add3A_331 : i32
        %get3A_333 = arith.index_cast %add3A_332 : i32 to index
        %get3A_334 = arith.constant 0 : index
        %get3A_335 = tpu.vector_load %arg20[%get3A_333, %get3A_334] {strides = array<i32>} : memref<256x16xf32, #tpu.memory_space<vmem>>, vector<1x16xf32>,
        %get3A_336 = vector.shape_cast %get3A_335 : vector<1x16xf32> to vector<16xf32>
        %max3A_337 = arith.constant 0.000000e+00 : f32
        %max3A_338 = vector.broadcast %max3A_337 : f32 to vector<16xf32>
        %max3A_339 = arith.maximumf %get3A_336, %max3A_338 : vector<16xf32>
        %mul3A_340 = arith.constant 8 : i32
        %mul3A_341 = arith.muli %scan3A_271, %mul3A_340 : i32
        %add3A_342 = arith.constant 3 : i32
        %add3A_343 = arith.addi %mul3A_341, %add3A_342 : i32
        %swap3A_344 = arith.index_cast %add3A_343 : i32 to index
        %swap3A_345 = arith.constant 0 : index
        %swap3A_346 = tpu.vector_load %arg20[%swap3A_344, %swap3A_345] {strides = array<i32>} : memref<256x16xf32, #tpu.memory_space<vmem>>, vector<1x16xf32>,
        %swap3A_347 = vector.shape_cast %swap3A_346 : vector<1x16xf32> to vector<16xf32>
        %swap3A_348 = vector.shape_cast %max3A_339 : vector<16xf32> to vector<1x16xf32>
        tpu.vector_store %arg20[%swap3A_344, %swap3A_345], %swap3A_348 {strides = array<i32>} : memref<256x16xf32, #tpu.memory_space<vmem>>, vector<1x16xf32>,
        %mul3A_349 = arith.constant 8 : i32
        %mul3A_350 = arith.muli %scan3A_271, %mul3A_349 : i32
        %add3A_351 = arith.constant 4 : i32
        %add3A_352 = arith.addi %mul3A_350, %add3A_351 : i32
        %get3A_353 = arith.index_cast %add3A_352 : i32 to index
        %get3A_354 = arith.constant 0 : index
        %get3A_355 = tpu.vector_load %arg20[%get3A_353, %get3A_354] {strides = array<i32>} : memref<256x16xf32, #tpu.memory_space<vmem>>, vector<1x16xf32>,
        %get3A_356 = vector.shape_cast %get3A_355 : vector<1x16xf32> to vector<16xf32>
        %max3A_357 = arith.constant 0.000000e+00 : f32
        %max3A_358 = vector.broadcast %max3A_357 : f32 to vector<16xf32>
        %max3A_359 = arith.maximumf %get3A_356, %max3A_358 : vector<16xf32>
        %mul3A_360 = arith.constant 8 : i32
        %mul3A_361 = arith.muli %scan3A_271, %mul3A_360 : i32
        %add3A_362 = arith.constant 4 : i32
        %add3A_363 = arith.addi %mul3A_361, %add3A_362 : i32
        %swap3A_364 = arith.index_cast %add3A_363 : i32 to index
        %swap3A_365 = arith.constant 0 : index
        %swap3A_366 = tpu.vector_load %arg20[%swap3A_364, %swap3A_365] {strides = array<i32>} : memref<256x16xf32, #tpu.memory_space<vmem>>, vector<1x16xf32>,
        %swap3A_367 = vector.shape_cast %swap3A_366 : vector<1x16xf32> to vector<16xf32>
        %swap3A_368 = vector.shape_cast %max3A_359 : vector<16xf32> to vector<1x16xf32>
        tpu.vector_store %arg20[%swap3A_364, %swap3A_365], %swap3A_368 {strides = array<i32>} : memref<256x16xf32, #tpu.memory_space<vmem>>, vector<1x16xf32>,
        %mul3A_369 = arith.constant 8 : i32
        %mul3A_370 = arith.muli %scan3A_271, %mul3A_369 : i32
        %add3A_371 = arith.constant 5 : i32
        %add3A_372 = arith.addi %mul3A_370, %add3A_371 : i32
        %get3A_373 = arith.index_cast %add3A_372 : i32 to index
        %get3A_374 = arith.constant 0 : index
        %get3A_375 = tpu.vector_load %arg20[%get3A_373, %get3A_374] {strides = array<i32>} : memref<256x16xf32, #tpu.memory_space<vmem>>, vector<1x16xf32>,
        %get3A_376 = vector.shape_cast %get3A_375 : vector<1x16xf32> to vector<16xf32>
        %max3A_377 = arith.constant 0.000000e+00 : f32
        %max3A_378 = vector.broadcast %max3A_377 : f32 to vector<16xf32>
        %max3A_379 = arith.maximumf %get3A_376, %max3A_378 : vector<16xf32>
        %mul3A_380 = arith.constant 8 : i32
        %mul3A_381 = arith.muli %scan3A_271, %mul3A_380 : i32
        %add3A_382 = arith.constant 5 : i32
        %add3A_383 = arith.addi %mul3A_381, %add3A_382 : i32
        %swap3A_384 = arith.index_cast %add3A_383 : i32 to index
        %swap3A_385 = arith.constant 0 : index
        %swap3A_386 = tpu.vector_load %arg20[%swap3A_384, %swap3A_385] {strides = array<i32>} : memref<256x16xf32, #tpu.memory_space<vmem>>, vector<1x16xf32>,
        %swap3A_387 = vector.shape_cast %swap3A_386 : vector<1x16xf32> to vector<16xf32>
        %swap3A_388 = vector.shape_cast %max3A_379 : vector<16xf32> to vector<1x16xf32>
        tpu.vector_store %arg20[%swap3A_384, %swap3A_385], %swap3A_388 {strides = array<i32>} : memref<256x16xf32, #tpu.memory_space<vmem>>, vector<1x16xf32>,
        %mul3A_389 = arith.constant 8 : i32
        %mul3A_390 = arith.muli %scan3A_271, %mul3A_389 : i32
        %add3A_391 = arith.constant 6 : i32
        %add3A_392 = arith.addi %mul3A_390, %add3A_391 : i32
        %get3A_393 = arith.index_cast %add3A_392 : i32 to index
        %get3A_394 = arith.constant 0 : index
        %get3A_395 = tpu.vector_load %arg20[%get3A_393, %get3A_394] {strides = array<i32>} : memref<256x16xf32, #tpu.memory_space<vmem>>, vector<1x16xf32>,
        %get3A_396 = vector.shape_cast %get3A_395 : vector<1x16xf32> to vector<16xf32>
        %max3A_397 = arith.constant 0.000000e+00 : f32
        %max3A_398 = vector.broadcast %max3A_397 : f32 to vector<16xf32>
        %max3A_399 = arith.maximumf %get3A_396, %max3A_398 : vector<16xf32>
        %mul3A_400 = arith.constant 8 : i32
        %mul3A_401 = arith.muli %scan3A_271, %mul3A_400 : i32
        %add3A_402 = arith.constant 6 : i32
        %add3A_403 = arith.addi %mul3A_401, %add3A_402 : i32
        %swap3A_404 = arith.index_cast %add3A_403 : i32 to index
        %swap3A_405 = arith.constant 0 : index
        %swap3A_406 = tpu.vector_load %arg20[%swap3A_404, %swap3A_405] {strides = array<i32>} : memref<256x16xf32, #tpu.memory_space<vmem>>, vector<1x16xf32>,
        %swap3A_407 = vector.shape_cast %swap3A_406 : vector<1x16xf32> to vector<16xf32>
        %swap3A_408 = vector.shape_cast %max3A_399 : vector<16xf32> to vector<1x16xf32>
        tpu.vector_store %arg20[%swap3A_404, %swap3A_405], %swap3A_408 {strides = array<i32>} : memref<256x16xf32, #tpu.memory_space<vmem>>, vector<1x16xf32>,
        %mul3A_409 = arith.constant 8 : i32
        %mul3A_410 = arith.muli %scan3A_271, %mul3A_409 : i32
        %add3A_411 = arith.constant 7 : i32
        %add3A_412 = arith.addi %mul3A_410, %add3A_411 : i32
        %get3A_413 = arith.index_cast %add3A_412 : i32 to index
        %get3A_414 = arith.constant 0 : index
        %get3A_415 = tpu.vector_load %arg20[%get3A_413, %get3A_414] {strides = array<i32>} : memref<256x16xf32, #tpu.memory_space<vmem>>, vector<1x16xf32>,
        %get3A_416 = vector.shape_cast %get3A_415 : vector<1x16xf32> to vector<16xf32>
        %max3A_417 = arith.constant 0.000000e+00 : f32
        %max3A_418 = vector.broadcast %max3A_417 : f32 to vector<16xf32>
        %max3A_419 = arith.maximumf %get3A_416, %max3A_418 : vector<16xf32>
        %mul3A_420 = arith.constant 8 : i32
        %mul3A_421 = arith.muli %scan3A_271, %mul3A_420 : i32
        %add3A_422 = arith.constant 7 : i32
        %add3A_423 = arith.addi %mul3A_421, %add3A_422 : i32
        %swap3A_424 = arith.index_cast %add3A_423 : i32 to index
        %swap3A_425 = arith.constant 0 : index
        %swap3A_426 = tpu.vector_load %arg20[%swap3A_424, %swap3A_425] {strides = array<i32>} : memref<256x16xf32, #tpu.memory_space<vmem>>, vector<1x16xf32>,
        %swap3A_427 = vector.shape_cast %swap3A_426 : vector<1x16xf32> to vector<16xf32>
        %swap3A_428 = vector.shape_cast %max3A_419 : vector<16xf32> to vector<1x16xf32>
        tpu.vector_store %arg20[%swap3A_424, %swap3A_425], %swap3A_428 {strides = array<i32>} : memref<256x16xf32, #tpu.memory_space<vmem>>, vector<1x16xf32>,
      }
      %scan3A_270 = arith.constant 32 : i32
      "tpu.region"() ({
        %run_scoped3A = tpu.sem_alloc : memref<!tpu.dma_semaphore, #tpu.memory_space<semaphore_mem>>
        %dma_start3A_271 = arith.constant 0 : i32
        %dma_start3A_272 = tpu.memref_slice %arg19[%scan3A_256, %dma_start3A_271] : memref<49x256xi32, #tpu.memory_space<vmem>> -> memref<1x256xi32, #tpu.memory_space<vmem>>
        %dma_start3A_273 = tpu.memref_squeeze %dma_start3A_272 : memref<1x256xi32, #tpu.memory_space<vmem>> -> memref<256xi32, #tpu.memory_space<vmem>>
        %dma_start3A_274 = arith.constant 0 : i32
        %dma_start3A_275 = arith.constant 0 : i32
        %dma_start3A_276 = tpu.memref_slice %arg22[%dma_start3A_274, %dma_start3A_275] : memref<50048x16xf32, #tpu.memory_space<vmem_shared>> -> memref<50048x16xf32, #tpu.memory_space<vmem_shared>>
        tpu.enqueue_indirect_dma source(%arg20 : memref<256x16xf32, #tpu.memory_space<vmem>>) target(%dma_start3A_276 : memref<50048x16xf32, #tpu.memory_space<vmem_shared>>) offsets(%dma_start3A_273 : memref<256xi32, #tpu.memory_space<vmem>>) semaphore(%run_scoped3A : memref<!tpu.dma_semaphore, #tpu.memory_space<semaphore_mem>>) {add = true}
        %dma_wait3A_277 = arith.constant 0 : i32
        %dma_wait3A_278 = tpu.memref_slice %arg19[%scan3A_256, %dma_wait3A_277] : memref<49x256xi32, #tpu.memory_space<vmem>> -> memref<1x256xi32, #tpu.memory_space<vmem>>
        %dma_wait3A_279 = tpu.memref_squeeze %dma_wait3A_278 : memref<1x256xi32, #tpu.memory_space<vmem>> -> memref<256xi32, #tpu.memory_space<vmem>>
        %dma_wait3A_280 = arith.constant 0 : i32
        %dma_wait3A_281 = arith.constant 0 : i32
        %dma_wait3A_282 = tpu.memref_slice %arg22[%dma_wait3A_280, %dma_wait3A_281] : memref<50048x16xf32, #tpu.memory_space<vmem_shared>> -> memref<50048x16xf32, #tpu.memory_space<vmem_shared>>
        tpu.wait_indirect_dma semaphore(%run_scoped3A : memref<!tpu.dma_semaphore, #tpu.memory_space<semaphore_mem>>) src(%arg20 : memref<256x16xf32, #tpu.memory_space<vmem>>) dst(%dma_wait3A_282 : memref<50048x16xf32, #tpu.memory_space<vmem_shared>>)
        tpu.yield
      }) : () -> ()
    }
    %scan3A_184 = arith.constant 49 : i32
    %barrier3A_185 = arith.constant 0 : index
    tpu.barrier barrier_id(%barrier3A_185)
    %mul3A_186 = arith.constant 4 : i32
    %mul3A_187 = arith.muli %arg0, %mul3A_186 : i32
    %add3A_188 = arith.constant 0 : i32
    %add3A_189 = arith.addi %mul3A_187, %add3A_188 : i32
    %mul3A_190 = arith.constant 16 : i32
    %mul3A_191 = arith.muli %add3A_189, %mul3A_190 : i32
    "tpu.region"() ({
      %run_scoped3A = tpu.sem_alloc : memref<!tpu.dma_semaphore, #tpu.memory_space<semaphore_mem>>
      %dma_start3A = tpu.memref_slice %arg16[%mul3A_0, %mul3A_191] : memref<50048x128xf32, #tpu.memory_space<hbm>> -> memref<3128x16xf32, #tpu.memory_space<hbm>>
      %dma_start3A_256 = arith.constant 0 : i32
      %dma_start3A_257 = tpu.memref_slice %arg21[%mul3A_0, %dma_start3A_256] : memref<50048x16xf32, #tpu.memory_space<vmem_shared>> -> memref<3128x16xf32, #tpu.memory_space<vmem_shared>>
      tpu.enqueue_dma source(%dma_start3A_257 : memref<3128x16xf32, #tpu.memory_space<vmem_shared>>) target(%dma_start3A : memref<3128x16xf32, #tpu.memory_space<hbm>>) target_semaphore(%run_scoped3A : memref<!tpu.dma_semaphore, #tpu.memory_space<semaphore_mem>>)
      %dma_wait3A = tpu.memref_slice %arg16[%mul3A_0, %mul3A_191] : memref<50048x128xf32, #tpu.memory_space<hbm>> -> memref<3128x16xf32, #tpu.memory_space<hbm>>
      %dma_wait3A_258 = arith.constant 0 : i32
      %dma_wait3A_259 = tpu.memref_slice %arg21[%mul3A_0, %dma_wait3A_258] : memref<50048x16xf32, #tpu.memory_space<vmem_shared>> -> memref<3128x16xf32, #tpu.memory_space<vmem_shared>>
      tpu.wait_dma2 semaphore(%run_scoped3A : memref<!tpu.dma_semaphore, #tpu.memory_space<semaphore_mem>>) src(%dma_wait3A_259 : memref<3128x16xf32, #tpu.memory_space<vmem_shared>>) dst(%dma_wait3A : memref<3128x16xf32, #tpu.memory_space<hbm>>)
      tpu.yield
    }) : () -> ()
    "tpu.region"() ({
      %run_scoped3A = tpu.sem_alloc : memref<!tpu.dma_semaphore, #tpu.memory_space<semaphore_mem>>
      %dma_start3A = tpu.memref_slice %arg17[%mul3A_0, %mul3A_191] : memref<50048x128xf32, #tpu.memory_space<hbm>> -> memref<3128x16xf32, #tpu.memory_space<hbm>>
      %dma_start3A_256 = arith.constant 0 : i32
      %dma_start3A_257 = tpu.memref_slice %arg22[%mul3A_0, %dma_start3A_256] : memref<50048x16xf32, #tpu.memory_space<vmem_shared>> -> memref<3128x16xf32, #tpu.memory_space<vmem_shared>>
      tpu.enqueue_dma source(%dma_start3A_257 : memref<3128x16xf32, #tpu.memory_space<vmem_shared>>) target(%dma_start3A : memref<3128x16xf32, #tpu.memory_space<hbm>>) target_semaphore(%run_scoped3A : memref<!tpu.dma_semaphore, #tpu.memory_space<semaphore_mem>>)
      %dma_wait3A = tpu.memref_slice %arg17[%mul3A_0, %mul3A_191] : memref<50048x128xf32, #tpu.memory_space<hbm>> -> memref<3128x16xf32, #tpu.memory_space<hbm>>
      %dma_wait3A_258 = arith.constant 0 : i32
      %dma_wait3A_259 = tpu.memref_slice %arg22[%mul3A_0, %dma_wait3A_258] : memref<50048x16xf32, #tpu.memory_space<vmem_shared>> -> memref<3128x16xf32, #tpu.memory_space<vmem_shared>>
      tpu.wait_dma2 semaphore(%run_scoped3A : memref<!tpu.dma_semaphore, #tpu.memory_space<semaphore_mem>>) src(%dma_wait3A_259 : memref<3128x16xf32, #tpu.memory_space<vmem_shared>>) dst(%dma_wait3A : memref<3128x16xf32, #tpu.memory_space<hbm>>)
      tpu.yield
    }) : () -> ()
    %barrier3A_192 = arith.constant 0 : index
    tpu.barrier barrier_id(%barrier3A_192)
    %scan3A_193 = arith.constant 0 : i32
    %scan3A_194 = arith.constant 0 : i32
    %scan3A_195 = arith.constant 784 : i32
    %scan3A_196 = arith.addi %scan3A_194, %scan3A_195 : i32
    %scan3A_197 = arith.constant 1 : i32
    scf.for %scan3A_256 = %scan3A_194 to %scan3A_196 step %scan3A_197  : i32 {
      %mul3A_257 = arith.constant 16 : i32
      %mul3A_258 = arith.muli %scan3A_256, %mul3A_257 : i32
      %get3A = arith.index_cast %mul3A_258 : i32 to index
      %get3A_259 = tpu.vector_load %arg18[%get3A] {strides = array<i32>} : memref<12544xi32, #tpu.memory_space<vmem>>, vector<16xi32>,
      %get3A_260 = vector.shape_cast %get3A_259 : vector<16xi32> to vector<16xi32>
      %add3A_261 = arith.constant 1 : i32
      %add3A_262 = vector.broadcast %add3A_261 : i32 to vector<16xi32>
      %add3A_263 = arith.addi %get3A_260, %add3A_262 : vector<16xi32>
      %swap3A = arith.index_cast %mul3A_258 : i32 to index
      %swap3A_264 = tpu.vector_load %arg18[%swap3A] {strides = array<i32>} : memref<12544xi32, #tpu.memory_space<vmem>>, vector<16xi32>,
      %swap3A_265 = vector.shape_cast %swap3A_264 : vector<16xi32> to vector<16xi32>
      %swap3A_266 = vector.shape_cast %add3A_263 : vector<16xi32> to vector<16xi32>
      tpu.vector_store %arg18[%swap3A], %swap3A_266 {strides = array<i32>} : memref<12544xi32, #tpu.memory_space<vmem>>, vector<16xi32>,
    }
    %scan3A_198 = arith.constant 784 : i32
    "tpu.region"() ({
      %run_scoped3A = tpu.sem_alloc : memref<!tpu.dma_semaphore, #tpu.memory_space<semaphore_mem>>
      %dma_start3A = arith.constant 0 : i32
      %dma_start3A_256 = tpu.memref_slice %arg21[%mul3A_0, %dma_start3A] : memref<50048x16xf32, #tpu.memory_space<vmem_shared>> -> memref<3128x16xf32, #tpu.memory_space<vmem_shared>>
      tpu.enqueue_dma source(%arg11 : memref<3128x16xf32, #tpu.memory_space<hbm>>) target(%dma_start3A_256 : memref<3128x16xf32, #tpu.memory_space<vmem_shared>>) target_semaphore(%run_scoped3A : memref<!tpu.dma_semaphore, #tpu.memory_space<semaphore_mem>>)
      %dma_wait3A = arith.constant 0 : i32
      %dma_wait3A_257 = tpu.memref_slice %arg21[%mul3A_0, %dma_wait3A] : memref<50048x16xf32, #tpu.memory_space<vmem_shared>> -> memref<3128x16xf32, #tpu.memory_space<vmem_shared>>
      tpu.wait_dma2 semaphore(%run_scoped3A : memref<!tpu.dma_semaphore, #tpu.memory_space<semaphore_mem>>) src(%arg11 : memref<3128x16xf32, #tpu.memory_space<hbm>>) dst(%dma_wait3A_257 : memref<3128x16xf32, #tpu.memory_space<vmem_shared>>)
      tpu.yield
    }) : () -> ()
    "tpu.region"() ({
      %run_scoped3A = tpu.sem_alloc : memref<!tpu.dma_semaphore, #tpu.memory_space<semaphore_mem>>
      %dma_start3A = arith.constant 0 : i32
      %dma_start3A_256 = tpu.memref_slice %arg22[%mul3A_0, %dma_start3A] : memref<50048x16xf32, #tpu.memory_space<vmem_shared>> -> memref<3128x16xf32, #tpu.memory_space<vmem_shared>>
      tpu.enqueue_dma source(%arg11 : memref<3128x16xf32, #tpu.memory_space<hbm>>) target(%dma_start3A_256 : memref<3128x16xf32, #tpu.memory_space<vmem_shared>>) target_semaphore(%run_scoped3A : memref<!tpu.dma_semaphore, #tpu.memory_space<semaphore_mem>>)
      %dma_wait3A = arith.constant 0 : i32
      %dma_wait3A_257 = tpu.memref_slice %arg22[%mul3A_0, %dma_wait3A] : memref<50048x16xf32, #tpu.memory_space<vmem_shared>> -> memref<3128x16xf32, #tpu.memory_space<vmem_shared>>
      tpu.wait_dma2 semaphore(%run_scoped3A : memref<!tpu.dma_semaphore, #tpu.memory_space<semaphore_mem>>) src(%arg11 : memref<3128x16xf32, #tpu.memory_space<hbm>>) dst(%dma_wait3A_257 : memref<3128x16xf32, #tpu.memory_space<vmem_shared>>)
      tpu.yield
    }) : () -> ()
    %barrier3A_199 = arith.constant 0 : index
    tpu.barrier barrier_id(%barrier3A_199)
    %scan3A_200 = arith.constant 0 : i32
    %scan3A_201 = arith.constant 0 : i32
    %scan3A_202 = arith.constant 49 : i32
    %scan3A_203 = arith.addi %scan3A_201, %scan3A_202 : i32
    %scan3A_204 = arith.constant 1 : i32
    scf.for %scan3A_256 = %scan3A_201 to %scan3A_203 step %scan3A_204  : i32 {
      %mul3A_257 = arith.constant 256 : i32
      %mul3A_258 = arith.muli %scan3A_256, %mul3A_257 : i32
      %dma_start3A = tpu.memref_slice %arg18[%mul3A_258] : memref<12544xi32, #tpu.memory_space<vmem>> -> memref<256xi32, #tpu.memory_space<vmem>>
      %dma_start3A_259 = arith.constant 0 : i32
      %dma_start3A_260 = arith.constant 0 : i32
      %dma_start3A_261 = tpu.memref_slice %arg8[%dma_start3A_259, %dma_start3A_260] : memref<400000x16xf32, #tpu.memory_space<hbm>> -> memref<400000x16xf32, #tpu.memory_space<hbm>>
      tpu.enqueue_indirect_dma source(%dma_start3A_261 : memref<400000x16xf32, #tpu.memory_space<hbm>>) target(%arg20 : memref<256x16xf32, #tpu.memory_space<vmem>>) offsets(%dma_start3A : memref<256xi32, #tpu.memory_space<vmem>>) semaphore(%arg23 : memref<!tpu.dma_semaphore, #tpu.memory_space<semaphore_mem>>)
      %dma_wait3A = tpu.memref_slice %arg18[%mul3A_258] : memref<12544xi32, #tpu.memory_space<vmem>> -> memref<256xi32, #tpu.memory_space<vmem>>
      %dma_wait3A_262 = arith.constant 0 : i32
      %dma_wait3A_263 = arith.constant 0 : i32
      %dma_wait3A_264 = tpu.memref_slice %arg8[%dma_wait3A_262, %dma_wait3A_263] : memref<400000x16xf32, #tpu.memory_space<hbm>> -> memref<400000x16xf32, #tpu.memory_space<hbm>>
      tpu.wait_indirect_dma semaphore(%arg23 : memref<!tpu.dma_semaphore, #tpu.memory_space<semaphore_mem>>) src(%dma_wait3A_264 : memref<400000x16xf32, #tpu.memory_space<hbm>>) dst(%arg20 : memref<256x16xf32, #tpu.memory_space<vmem>>)
      "tpu.region"() ({
        %run_scoped3A = tpu.sem_alloc : memref<!tpu.dma_semaphore, #tpu.memory_space<semaphore_mem>>
        %dma_start3A_271 = arith.constant 0 : i32
        %dma_start3A_272 = tpu.memref_slice %arg19[%scan3A_256, %dma_start3A_271] : memref<49x256xi32, #tpu.memory_space<vmem>> -> memref<1x256xi32, #tpu.memory_space<vmem>>
        %dma_start3A_273 = tpu.memref_squeeze %dma_start3A_272 : memref<1x256xi32, #tpu.memory_space<vmem>> -> memref<256xi32, #tpu.memory_space<vmem>>
        %dma_start3A_274 = arith.constant 0 : i32
        %dma_start3A_275 = arith.constant 0 : i32
        %dma_start3A_276 = tpu.memref_slice %arg21[%dma_start3A_274, %dma_start3A_275] : memref<50048x16xf32, #tpu.memory_space<vmem_shared>> -> memref<50048x16xf32, #tpu.memory_space<vmem_shared>>
        tpu.enqueue_indirect_dma source(%arg20 : memref<256x16xf32, #tpu.memory_space<vmem>>) target(%dma_start3A_276 : memref<50048x16xf32, #tpu.memory_space<vmem_shared>>) offsets(%dma_start3A_273 : memref<256xi32, #tpu.memory_space<vmem>>) semaphore(%run_scoped3A : memref<!tpu.dma_semaphore, #tpu.memory_space<semaphore_mem>>) {add = true}
        %dma_wait3A_277 = arith.constant 0 : i32
        %dma_wait3A_278 = tpu.memref_slice %arg19[%scan3A_256, %dma_wait3A_277] : memref<49x256xi32, #tpu.memory_space<vmem>> -> memref<1x256xi32, #tpu.memory_space<vmem>>
        %dma_wait3A_279 = tpu.memref_squeeze %dma_wait3A_278 : memref<1x256xi32, #tpu.memory_space<vmem>> -> memref<256xi32, #tpu.memory_space<vmem>>
        %dma_wait3A_280 = arith.constant 0 : i32
        %dma_wait3A_281 = arith.constant 0 : i32
        %dma_wait3A_282 = tpu.memref_slice %arg21[%dma_wait3A_280, %dma_wait3A_281] : memref<50048x16xf32, #tpu.memory_space<vmem_shared>> -> memref<50048x16xf32, #tpu.memory_space<vmem_shared>>
        tpu.wait_indirect_dma semaphore(%run_scoped3A : memref<!tpu.dma_semaphore, #tpu.memory_space<semaphore_mem>>) src(%arg20 : memref<256x16xf32, #tpu.memory_space<vmem>>) dst(%dma_wait3A_282 : memref<50048x16xf32, #tpu.memory_space<vmem_shared>>)
        tpu.yield
      }) : () -> ()
      %scan3A_265 = arith.constant 0 : i32
      %scan3A_266 = arith.constant 0 : i32
      %scan3A_267 = arith.constant 32 : i32
      %scan3A_268 = arith.addi %scan3A_266, %scan3A_267 : i32
      %scan3A_269 = arith.constant 1 : i32
      scf.for %scan3A_271 = %scan3A_266 to %scan3A_268 step %scan3A_269  : i32 {
        %mul3A_272 = arith.constant 8 : i32
        %mul3A_273 = arith.muli %scan3A_271, %mul3A_272 : i32
        %add3A_274 = arith.constant 0 : i32
        %add3A_275 = arith.addi %mul3A_273, %add3A_274 : i32
        %get3A = arith.index_cast %add3A_275 : i32 to index
        %get3A_276 = arith.constant 0 : index
        %get3A_277 = tpu.vector_load %arg20[%get3A, %get3A_276] {strides = array<i32>} : memref<256x16xf32, #tpu.memory_space<vmem>>, vector<1x16xf32>,
        %get3A_278 = vector.shape_cast %get3A_277 : vector<1x16xf32> to vector<16xf32>
        %max3A = arith.constant 0.000000e+00 : f32
        %max3A_279 = vector.broadcast %max3A : f32 to vector<16xf32>
        %max3A_280 = arith.maximumf %get3A_278, %max3A_279 : vector<16xf32>
        %mul3A_281 = arith.constant 8 : i32
        %mul3A_282 = arith.muli %scan3A_271, %mul3A_281 : i32
        %add3A_283 = arith.constant 0 : i32
        %add3A_284 = arith.addi %mul3A_282, %add3A_283 : i32
        %swap3A = arith.index_cast %add3A_284 : i32 to index
        %swap3A_285 = arith.constant 0 : index
        %swap3A_286 = tpu.vector_load %arg20[%swap3A, %swap3A_285] {strides = array<i32>} : memref<256x16xf32, #tpu.memory_space<vmem>>, vector<1x16xf32>,
        %swap3A_287 = vector.shape_cast %swap3A_286 : vector<1x16xf32> to vector<16xf32>
        %swap3A_288 = vector.shape_cast %max3A_280 : vector<16xf32> to vector<1x16xf32>
        tpu.vector_store %arg20[%swap3A, %swap3A_285], %swap3A_288 {strides = array<i32>} : memref<256x16xf32, #tpu.memory_space<vmem>>, vector<1x16xf32>,
        %mul3A_289 = arith.constant 8 : i32
        %mul3A_290 = arith.muli %scan3A_271, %mul3A_289 : i32
        %add3A_291 = arith.constant 1 : i32
        %add3A_292 = arith.addi %mul3A_290, %add3A_291 : i32
        %get3A_293 = arith.index_cast %add3A_292 : i32 to index
        %get3A_294 = arith.constant 0 : index
        %get3A_295 = tpu.vector_load %arg20[%get3A_293, %get3A_294] {strides = array<i32>} : memref<256x16xf32, #tpu.memory_space<vmem>>, vector<1x16xf32>,
        %get3A_296 = vector.shape_cast %get3A_295 : vector<1x16xf32> to vector<16xf32>
        %max3A_297 = arith.constant 0.000000e+00 : f32
        %max3A_298 = vector.broadcast %max3A_297 : f32 to vector<16xf32>
        %max3A_299 = arith.maximumf %get3A_296, %max3A_298 : vector<16xf32>
        %mul3A_300 = arith.constant 8 : i32
        %mul3A_301 = arith.muli %scan3A_271, %mul3A_300 : i32
        %add3A_302 = arith.constant 1 : i32
        %add3A_303 = arith.addi %mul3A_301, %add3A_302 : i32
        %swap3A_304 = arith.index_cast %add3A_303 : i32 to index
        %swap3A_305 = arith.constant 0 : index
        %swap3A_306 = tpu.vector_load %arg20[%swap3A_304, %swap3A_305] {strides = array<i32>} : memref<256x16xf32, #tpu.memory_space<vmem>>, vector<1x16xf32>,
        %swap3A_307 = vector.shape_cast %swap3A_306 : vector<1x16xf32> to vector<16xf32>
        %swap3A_308 = vector.shape_cast %max3A_299 : vector<16xf32> to vector<1x16xf32>
        tpu.vector_store %arg20[%swap3A_304, %swap3A_305], %swap3A_308 {strides = array<i32>} : memref<256x16xf32, #tpu.memory_space<vmem>>, vector<1x16xf32>,
        %mul3A_309 = arith.constant 8 : i32
        %mul3A_310 = arith.muli %scan3A_271, %mul3A_309 : i32
        %add3A_311 = arith.constant 2 : i32
        %add3A_312 = arith.addi %mul3A_310, %add3A_311 : i32
        %get3A_313 = arith.index_cast %add3A_312 : i32 to index
        %get3A_314 = arith.constant 0 : index
        %get3A_315 = tpu.vector_load %arg20[%get3A_313, %get3A_314] {strides = array<i32>} : memref<256x16xf32, #tpu.memory_space<vmem>>, vector<1x16xf32>,
        %get3A_316 = vector.shape_cast %get3A_315 : vector<1x16xf32> to vector<16xf32>
        %max3A_317 = arith.constant 0.000000e+00 : f32
        %max3A_318 = vector.broadcast %max3A_317 : f32 to vector<16xf32>
        %max3A_319 = arith.maximumf %get3A_316, %max3A_318 : vector<16xf32>
        %mul3A_320 = arith.constant 8 : i32
        %mul3A_321 = arith.muli %scan3A_271, %mul3A_320 : i32
        %add3A_322 = arith.constant 2 : i32
        %add3A_323 = arith.addi %mul3A_321, %add3A_322 : i32
        %swap3A_324 = arith.index_cast %add3A_323 : i32 to index
        %swap3A_325 = arith.constant 0 : index
        %swap3A_326 = tpu.vector_load %arg20[%swap3A_324, %swap3A_325] {strides = array<i32>} : memref<256x16xf32, #tpu.memory_space<vmem>>, vector<1x16xf32>,
        %swap3A_327 = vector.shape_cast %swap3A_326 : vector<1x16xf32> to vector<16xf32>
        %swap3A_328 = vector.shape_cast %max3A_319 : vector<16xf32> to vector<1x16xf32>
        tpu.vector_store %arg20[%swap3A_324, %swap3A_325], %swap3A_328 {strides = array<i32>} : memref<256x16xf32, #tpu.memory_space<vmem>>, vector<1x16xf32>,
        %mul3A_329 = arith.constant 8 : i32
        %mul3A_330 = arith.muli %scan3A_271, %mul3A_329 : i32
        %add3A_331 = arith.constant 3 : i32
        %add3A_332 = arith.addi %mul3A_330, %add3A_331 : i32
        %get3A_333 = arith.index_cast %add3A_332 : i32 to index
        %get3A_334 = arith.constant 0 : index
        %get3A_335 = tpu.vector_load %arg20[%get3A_333, %get3A_334] {strides = array<i32>} : memref<256x16xf32, #tpu.memory_space<vmem>>, vector<1x16xf32>,
        %get3A_336 = vector.shape_cast %get3A_335 : vector<1x16xf32> to vector<16xf32>
        %max3A_337 = arith.constant 0.000000e+00 : f32
        %max3A_338 = vector.broadcast %max3A_337 : f32 to vector<16xf32>
        %max3A_339 = arith.maximumf %get3A_336, %max3A_338 : vector<16xf32>
        %mul3A_340 = arith.constant 8 : i32
        %mul3A_341 = arith.muli %scan3A_271, %mul3A_340 : i32
        %add3A_342 = arith.constant 3 : i32
        %add3A_343 = arith.addi %mul3A_341, %add3A_342 : i32
        %swap3A_344 = arith.index_cast %add3A_343 : i32 to index
        %swap3A_345 = arith.constant 0 : index
        %swap3A_346 = tpu.vector_load %arg20[%swap3A_344, %swap3A_345] {strides = array<i32>} : memref<256x16xf32, #tpu.memory_space<vmem>>, vector<1x16xf32>,
        %swap3A_347 = vector.shape_cast %swap3A_346 : vector<1x16xf32> to vector<16xf32>
        %swap3A_348 = vector.shape_cast %max3A_339 : vector<16xf32> to vector<1x16xf32>
        tpu.vector_store %arg20[%swap3A_344, %swap3A_345], %swap3A_348 {strides = array<i32>} : memref<256x16xf32, #tpu.memory_space<vmem>>, vector<1x16xf32>,
        %mul3A_349 = arith.constant 8 : i32
        %mul3A_350 = arith.muli %scan3A_271, %mul3A_349 : i32
        %add3A_351 = arith.constant 4 : i32
        %add3A_352 = arith.addi %mul3A_350, %add3A_351 : i32
        %get3A_353 = arith.index_cast %add3A_352 : i32 to index
        %get3A_354 = arith.constant 0 : index
        %get3A_355 = tpu.vector_load %arg20[%get3A_353, %get3A_354] {strides = array<i32>} : memref<256x16xf32, #tpu.memory_space<vmem>>, vector<1x16xf32>,
        %get3A_356 = vector.shape_cast %get3A_355 : vector<1x16xf32> to vector<16xf32>
        %max3A_357 = arith.constant 0.000000e+00 : f32
        %max3A_358 = vector.broadcast %max3A_357 : f32 to vector<16xf32>
        %max3A_359 = arith.maximumf %get3A_356, %max3A_358 : vector<16xf32>
        %mul3A_360 = arith.constant 8 : i32
        %mul3A_361 = arith.muli %scan3A_271, %mul3A_360 : i32
        %add3A_362 = arith.constant 4 : i32
        %add3A_363 = arith.addi %mul3A_361, %add3A_362 : i32
        %swap3A_364 = arith.index_cast %add3A_363 : i32 to index
        %swap3A_365 = arith.constant 0 : index
        %swap3A_366 = tpu.vector_load %arg20[%swap3A_364, %swap3A_365] {strides = array<i32>} : memref<256x16xf32, #tpu.memory_space<vmem>>, vector<1x16xf32>,
        %swap3A_367 = vector.shape_cast %swap3A_366 : vector<1x16xf32> to vector<16xf32>
        %swap3A_368 = vector.shape_cast %max3A_359 : vector<16xf32> to vector<1x16xf32>
        tpu.vector_store %arg20[%swap3A_364, %swap3A_365], %swap3A_368 {strides = array<i32>} : memref<256x16xf32, #tpu.memory_space<vmem>>, vector<1x16xf32>,
        %mul3A_369 = arith.constant 8 : i32
        %mul3A_370 = arith.muli %scan3A_271, %mul3A_369 : i32
        %add3A_371 = arith.constant 5 : i32
        %add3A_372 = arith.addi %mul3A_370, %add3A_371 : i32
        %get3A_373 = arith.index_cast %add3A_372 : i32 to index
        %get3A_374 = arith.constant 0 : index
        %get3A_375 = tpu.vector_load %arg20[%get3A_373, %get3A_374] {strides = array<i32>} : memref<256x16xf32, #tpu.memory_space<vmem>>, vector<1x16xf32>,
        %get3A_376 = vector.shape_cast %get3A_375 : vector<1x16xf32> to vector<16xf32>
        %max3A_377 = arith.constant 0.000000e+00 : f32
        %max3A_378 = vector.broadcast %max3A_377 : f32 to vector<16xf32>
        %max3A_379 = arith.maximumf %get3A_376, %max3A_378 : vector<16xf32>
        %mul3A_380 = arith.constant 8 : i32
        %mul3A_381 = arith.muli %scan3A_271, %mul3A_380 : i32
        %add3A_382 = arith.constant 5 : i32
        %add3A_383 = arith.addi %mul3A_381, %add3A_382 : i32
        %swap3A_384 = arith.index_cast %add3A_383 : i32 to index
        %swap3A_385 = arith.constant 0 : index
        %swap3A_386 = tpu.vector_load %arg20[%swap3A_384, %swap3A_385] {strides = array<i32>} : memref<256x16xf32, #tpu.memory_space<vmem>>, vector<1x16xf32>,
        %swap3A_387 = vector.shape_cast %swap3A_386 : vector<1x16xf32> to vector<16xf32>
        %swap3A_388 = vector.shape_cast %max3A_379 : vector<16xf32> to vector<1x16xf32>
        tpu.vector_store %arg20[%swap3A_384, %swap3A_385], %swap3A_388 {strides = array<i32>} : memref<256x16xf32, #tpu.memory_space<vmem>>, vector<1x16xf32>,
        %mul3A_389 = arith.constant 8 : i32
        %mul3A_390 = arith.muli %scan3A_271, %mul3A_389 : i32
        %add3A_391 = arith.constant 6 : i32
        %add3A_392 = arith.addi %mul3A_390, %add3A_391 : i32
        %get3A_393 = arith.index_cast %add3A_392 : i32 to index
        %get3A_394 = arith.constant 0 : index
        %get3A_395 = tpu.vector_load %arg20[%get3A_393, %get3A_394] {strides = array<i32>} : memref<256x16xf32, #tpu.memory_space<vmem>>, vector<1x16xf32>,
        %get3A_396 = vector.shape_cast %get3A_395 : vector<1x16xf32> to vector<16xf32>
        %max3A_397 = arith.constant 0.000000e+00 : f32
        %max3A_398 = vector.broadcast %max3A_397 : f32 to vector<16xf32>
        %max3A_399 = arith.maximumf %get3A_396, %max3A_398 : vector<16xf32>
        %mul3A_400 = arith.constant 8 : i32
        %mul3A_401 = arith.muli %scan3A_271, %mul3A_400 : i32
        %add3A_402 = arith.constant 6 : i32
        %add3A_403 = arith.addi %mul3A_401, %add3A_402 : i32
        %swap3A_404 = arith.index_cast %add3A_403 : i32 to index
        %swap3A_405 = arith.constant 0 : index
        %swap3A_406 = tpu.vector_load %arg20[%swap3A_404, %swap3A_405] {strides = array<i32>} : memref<256x16xf32, #tpu.memory_space<vmem>>, vector<1x16xf32>,
        %swap3A_407 = vector.shape_cast %swap3A_406 : vector<1x16xf32> to vector<16xf32>
        %swap3A_408 = vector.shape_cast %max3A_399 : vector<16xf32> to vector<1x16xf32>
        tpu.vector_store %arg20[%swap3A_404, %swap3A_405], %swap3A_408 {strides = array<i32>} : memref<256x16xf32, #tpu.memory_space<vmem>>, vector<1x16xf32>,
        %mul3A_409 = arith.constant 8 : i32
        %mul3A_410 = arith.muli %scan3A_271, %mul3A_409 : i32
        %add3A_411 = arith.constant 7 : i32
        %add3A_412 = arith.addi %mul3A_410, %add3A_411 : i32
        %get3A_413 = arith.index_cast %add3A_412 : i32 to index
        %get3A_414 = arith.constant 0 : index
        %get3A_415 = tpu.vector_load %arg20[%get3A_413, %get3A_414] {strides = array<i32>} : memref<256x16xf32, #tpu.memory_space<vmem>>, vector<1x16xf32>,
        %get3A_416 = vector.shape_cast %get3A_415 : vector<1x16xf32> to vector<16xf32>
        %max3A_417 = arith.constant 0.000000e+00 : f32
        %max3A_418 = vector.broadcast %max3A_417 : f32 to vector<16xf32>
        %max3A_419 = arith.maximumf %get3A_416, %max3A_418 : vector<16xf32>
        %mul3A_420 = arith.constant 8 : i32
        %mul3A_421 = arith.muli %scan3A_271, %mul3A_420 : i32
        %add3A_422 = arith.constant 7 : i32
        %add3A_423 = arith.addi %mul3A_421, %add3A_422 : i32
        %swap3A_424 = arith.index_cast %add3A_423 : i32 to index
        %swap3A_425 = arith.constant 0 : index
        %swap3A_426 = tpu.vector_load %arg20[%swap3A_424, %swap3A_425] {strides = array<i32>} : memref<256x16xf32, #tpu.memory_space<vmem>>, vector<1x16xf32>,
        %swap3A_427 = vector.shape_cast %swap3A_426 : vector<1x16xf32> to vector<16xf32>
        %swap3A_428 = vector.shape_cast %max3A_419 : vector<16xf32> to vector<1x16xf32>
        tpu.vector_store %arg20[%swap3A_424, %swap3A_425], %swap3A_428 {strides = array<i32>} : memref<256x16xf32, #tpu.memory_space<vmem>>, vector<1x16xf32>,
      }
      %scan3A_270 = arith.constant 32 : i32
      "tpu.region"() ({
        %run_scoped3A = tpu.sem_alloc : memref<!tpu.dma_semaphore, #tpu.memory_space<semaphore_mem>>
        %dma_start3A_271 = arith.constant 0 : i32
        %dma_start3A_272 = tpu.memref_slice %arg19[%scan3A_256, %dma_start3A_271] : memref<49x256xi32, #tpu.memory_space<vmem>> -> memref<1x256xi32, #tpu.memory_space<vmem>>
        %dma_start3A_273 = tpu.memref_squeeze %dma_start3A_272 : memref<1x256xi32, #tpu.memory_space<vmem>> -> memref<256xi32, #tpu.memory_space<vmem>>
        %dma_start3A_274 = arith.constant 0 : i32
        %dma_start3A_275 = arith.constant 0 : i32
        %dma_start3A_276 = tpu.memref_slice %arg22[%dma_start3A_274, %dma_start3A_275] : memref<50048x16xf32, #tpu.memory_space<vmem_shared>> -> memref<50048x16xf32, #tpu.memory_space<vmem_shared>>
        tpu.enqueue_indirect_dma source(%arg20 : memref<256x16xf32, #tpu.memory_space<vmem>>) target(%dma_start3A_276 : memref<50048x16xf32, #tpu.memory_space<vmem_shared>>) offsets(%dma_start3A_273 : memref<256xi32, #tpu.memory_space<vmem>>) semaphore(%run_scoped3A : memref<!tpu.dma_semaphore, #tpu.memory_space<semaphore_mem>>) {add = true}
        %dma_wait3A_277 = arith.constant 0 : i32
        %dma_wait3A_278 = tpu.memref_slice %arg19[%scan3A_256, %dma_wait3A_277] : memref<49x256xi32, #tpu.memory_space<vmem>> -> memref<1x256xi32, #tpu.memory_space<vmem>>
        %dma_wait3A_279 = tpu.memref_squeeze %dma_wait3A_278 : memref<1x256xi32, #tpu.memory_space<vmem>> -> memref<256xi32, #tpu.memory_space<vmem>>
        %dma_wait3A_280 = arith.constant 0 : i32
        %dma_wait3A_281 = arith.constant 0 : i32
        %dma_wait3A_282 = tpu.memref_slice %arg22[%dma_wait3A_280, %dma_wait3A_281] : memref<50048x16xf32, #tpu.memory_space<vmem_shared>> -> memref<50048x16xf32, #tpu.memory_space<vmem_shared>>
        tpu.wait_indirect_dma semaphore(%run_scoped3A : memref<!tpu.dma_semaphore, #tpu.memory_space<semaphore_mem>>) src(%arg20 : memref<256x16xf32, #tpu.memory_space<vmem>>) dst(%dma_wait3A_282 : memref<50048x16xf32, #tpu.memory_space<vmem_shared>>)
        tpu.yield
      }) : () -> ()
    }
    %scan3A_205 = arith.constant 49 : i32
    %barrier3A_206 = arith.constant 0 : index
    tpu.barrier barrier_id(%barrier3A_206)
    %mul3A_207 = arith.constant 4 : i32
    %mul3A_208 = arith.muli %arg0, %mul3A_207 : i32
    %add3A_209 = arith.constant 1 : i32
    %add3A_210 = arith.addi %mul3A_208, %add3A_209 : i32
    %mul3A_211 = arith.constant 16 : i32
    %mul3A_212 = arith.muli %add3A_210, %mul3A_211 : i32
    "tpu.region"() ({
      %run_scoped3A = tpu.sem_alloc : memref<!tpu.dma_semaphore, #tpu.memory_space<semaphore_mem>>
      %dma_start3A = tpu.memref_slice %arg16[%mul3A_0, %mul3A_212] : memref<50048x128xf32, #tpu.memory_space<hbm>> -> memref<3128x16xf32, #tpu.memory_space<hbm>>
      %dma_start3A_256 = arith.constant 0 : i32
      %dma_start3A_257 = tpu.memref_slice %arg21[%mul3A_0, %dma_start3A_256] : memref<50048x16xf32, #tpu.memory_space<vmem_shared>> -> memref<3128x16xf32, #tpu.memory_space<vmem_shared>>
      tpu.enqueue_dma source(%dma_start3A_257 : memref<3128x16xf32, #tpu.memory_space<vmem_shared>>) target(%dma_start3A : memref<3128x16xf32, #tpu.memory_space<hbm>>) target_semaphore(%run_scoped3A : memref<!tpu.dma_semaphore, #tpu.memory_space<semaphore_mem>>)
      %dma_wait3A = tpu.memref_slice %arg16[%mul3A_0, %mul3A_212] : memref<50048x128xf32, #tpu.memory_space<hbm>> -> memref<3128x16xf32, #tpu.memory_space<hbm>>
      %dma_wait3A_258 = arith.constant 0 : i32
      %dma_wait3A_259 = tpu.memref_slice %arg21[%mul3A_0, %dma_wait3A_258] : memref<50048x16xf32, #tpu.memory_space<vmem_shared>> -> memref<3128x16xf32, #tpu.memory_space<vmem_shared>>
      tpu.wait_dma2 semaphore(%run_scoped3A : memref<!tpu.dma_semaphore, #tpu.memory_space<semaphore_mem>>) src(%dma_wait3A_259 : memref<3128x16xf32, #tpu.memory_space<vmem_shared>>) dst(%dma_wait3A : memref<3128x16xf32, #tpu.memory_space<hbm>>)
      tpu.yield
    }) : () -> ()
    "tpu.region"() ({
      %run_scoped3A = tpu.sem_alloc : memref<!tpu.dma_semaphore, #tpu.memory_space<semaphore_mem>>
      %dma_start3A = tpu.memref_slice %arg17[%mul3A_0, %mul3A_212] : memref<50048x128xf32, #tpu.memory_space<hbm>> -> memref<3128x16xf32, #tpu.memory_space<hbm>>
      %dma_start3A_256 = arith.constant 0 : i32
      %dma_start3A_257 = tpu.memref_slice %arg22[%mul3A_0, %dma_start3A_256] : memref<50048x16xf32, #tpu.memory_space<vmem_shared>> -> memref<3128x16xf32, #tpu.memory_space<vmem_shared>>
      tpu.enqueue_dma source(%dma_start3A_257 : memref<3128x16xf32, #tpu.memory_space<vmem_shared>>) target(%dma_start3A : memref<3128x16xf32, #tpu.memory_space<hbm>>) target_semaphore(%run_scoped3A : memref<!tpu.dma_semaphore, #tpu.memory_space<semaphore_mem>>)
      %dma_wait3A = tpu.memref_slice %arg17[%mul3A_0, %mul3A_212] : memref<50048x128xf32, #tpu.memory_space<hbm>> -> memref<3128x16xf32, #tpu.memory_space<hbm>>
      %dma_wait3A_258 = arith.constant 0 : i32
      %dma_wait3A_259 = tpu.memref_slice %arg22[%mul3A_0, %dma_wait3A_258] : memref<50048x16xf32, #tpu.memory_space<vmem_shared>> -> memref<3128x16xf32, #tpu.memory_space<vmem_shared>>
      tpu.wait_dma2 semaphore(%run_scoped3A : memref<!tpu.dma_semaphore, #tpu.memory_space<semaphore_mem>>) src(%dma_wait3A_259 : memref<3128x16xf32, #tpu.memory_space<vmem_shared>>) dst(%dma_wait3A : memref<3128x16xf32, #tpu.memory_space<hbm>>)
      tpu.yield
    }) : () -> ()
    %barrier3A_213 = arith.constant 0 : index
    tpu.barrier barrier_id(%barrier3A_213)
    %scan3A_214 = arith.constant 0 : i32
    %scan3A_215 = arith.constant 0 : i32
    %scan3A_216 = arith.constant 784 : i32
    %scan3A_217 = arith.addi %scan3A_215, %scan3A_216 : i32
    %scan3A_218 = arith.constant 1 : i32
    scf.for %scan3A_256 = %scan3A_215 to %scan3A_217 step %scan3A_218  : i32 {
      %mul3A_257 = arith.constant 16 : i32
      %mul3A_258 = arith.muli %scan3A_256, %mul3A_257 : i32
      %get3A = arith.index_cast %mul3A_258 : i32 to index
      %get3A_259 = tpu.vector_load %arg18[%get3A] {strides = array<i32>} : memref<12544xi32, #tpu.memory_space<vmem>>, vector<16xi32>,
      %get3A_260 = vector.shape_cast %get3A_259 : vector<16xi32> to vector<16xi32>
      %add3A_261 = arith.constant 1 : i32
      %add3A_262 = vector.broadcast %add3A_261 : i32 to vector<16xi32>
      %add3A_263 = arith.addi %get3A_260, %add3A_262 : vector<16xi32>
      %swap3A = arith.index_cast %mul3A_258 : i32 to index
      %swap3A_264 = tpu.vector_load %arg18[%swap3A] {strides = array<i32>} : memref<12544xi32, #tpu.memory_space<vmem>>, vector<16xi32>,
      %swap3A_265 = vector.shape_cast %swap3A_264 : vector<16xi32> to vector<16xi32>
      %swap3A_266 = vector.shape_cast %add3A_263 : vector<16xi32> to vector<16xi32>
      tpu.vector_store %arg18[%swap3A], %swap3A_266 {strides = array<i32>} : memref<12544xi32, #tpu.memory_space<vmem>>, vector<16xi32>,
    }
    %scan3A_219 = arith.constant 784 : i32
    "tpu.region"() ({
      %run_scoped3A = tpu.sem_alloc : memref<!tpu.dma_semaphore, #tpu.memory_space<semaphore_mem>>
      %dma_start3A = arith.constant 0 : i32
      %dma_start3A_256 = tpu.memref_slice %arg21[%mul3A_0, %dma_start3A] : memref<50048x16xf32, #tpu.memory_space<vmem_shared>> -> memref<3128x16xf32, #tpu.memory_space<vmem_shared>>
      tpu.enqueue_dma source(%arg11 : memref<3128x16xf32, #tpu.memory_space<hbm>>) target(%dma_start3A_256 : memref<3128x16xf32, #tpu.memory_space<vmem_shared>>) target_semaphore(%run_scoped3A : memref<!tpu.dma_semaphore, #tpu.memory_space<semaphore_mem>>)
      %dma_wait3A = arith.constant 0 : i32
      %dma_wait3A_257 = tpu.memref_slice %arg21[%mul3A_0, %dma_wait3A] : memref<50048x16xf32, #tpu.memory_space<vmem_shared>> -> memref<3128x16xf32, #tpu.memory_space<vmem_shared>>
      tpu.wait_dma2 semaphore(%run_scoped3A : memref<!tpu.dma_semaphore, #tpu.memory_space<semaphore_mem>>) src(%arg11 : memref<3128x16xf32, #tpu.memory_space<hbm>>) dst(%dma_wait3A_257 : memref<3128x16xf32, #tpu.memory_space<vmem_shared>>)
      tpu.yield
    }) : () -> ()
    "tpu.region"() ({
      %run_scoped3A = tpu.sem_alloc : memref<!tpu.dma_semaphore, #tpu.memory_space<semaphore_mem>>
      %dma_start3A = arith.constant 0 : i32
      %dma_start3A_256 = tpu.memref_slice %arg22[%mul3A_0, %dma_start3A] : memref<50048x16xf32, #tpu.memory_space<vmem_shared>> -> memref<3128x16xf32, #tpu.memory_space<vmem_shared>>
      tpu.enqueue_dma source(%arg11 : memref<3128x16xf32, #tpu.memory_space<hbm>>) target(%dma_start3A_256 : memref<3128x16xf32, #tpu.memory_space<vmem_shared>>) target_semaphore(%run_scoped3A : memref<!tpu.dma_semaphore, #tpu.memory_space<semaphore_mem>>)
      %dma_wait3A = arith.constant 0 : i32
      %dma_wait3A_257 = tpu.memref_slice %arg22[%mul3A_0, %dma_wait3A] : memref<50048x16xf32, #tpu.memory_space<vmem_shared>> -> memref<3128x16xf32, #tpu.memory_space<vmem_shared>>
      tpu.wait_dma2 semaphore(%run_scoped3A : memref<!tpu.dma_semaphore, #tpu.memory_space<semaphore_mem>>) src(%arg11 : memref<3128x16xf32, #tpu.memory_space<hbm>>) dst(%dma_wait3A_257 : memref<3128x16xf32, #tpu.memory_space<vmem_shared>>)
      tpu.yield
    }) : () -> ()
    %barrier3A_220 = arith.constant 0 : index
    tpu.barrier barrier_id(%barrier3A_220)
    %scan3A_221 = arith.constant 0 : i32
    %scan3A_222 = arith.constant 0 : i32
    %scan3A_223 = arith.constant 49 : i32
    %scan3A_224 = arith.addi %scan3A_222, %scan3A_223 : i32
    %scan3A_225 = arith.constant 1 : i32
    scf.for %scan3A_256 = %scan3A_222 to %scan3A_224 step %scan3A_225  : i32 {
      %mul3A_257 = arith.constant 256 : i32
      %mul3A_258 = arith.muli %scan3A_256, %mul3A_257 : i32
      %dma_start3A = tpu.memref_slice %arg18[%mul3A_258] : memref<12544xi32, #tpu.memory_space<vmem>> -> memref<256xi32, #tpu.memory_space<vmem>>
      %dma_start3A_259 = arith.constant 0 : i32
      %dma_start3A_260 = arith.constant 0 : i32
      %dma_start3A_261 = tpu.memref_slice %arg8[%dma_start3A_259, %dma_start3A_260] : memref<400000x16xf32, #tpu.memory_space<hbm>> -> memref<400000x16xf32, #tpu.memory_space<hbm>>
      tpu.enqueue_indirect_dma source(%dma_start3A_261 : memref<400000x16xf32, #tpu.memory_space<hbm>>) target(%arg20 : memref<256x16xf32, #tpu.memory_space<vmem>>) offsets(%dma_start3A : memref<256xi32, #tpu.memory_space<vmem>>) semaphore(%arg23 : memref<!tpu.dma_semaphore, #tpu.memory_space<semaphore_mem>>)
      %dma_wait3A = tpu.memref_slice %arg18[%mul3A_258] : memref<12544xi32, #tpu.memory_space<vmem>> -> memref<256xi32, #tpu.memory_space<vmem>>
      %dma_wait3A_262 = arith.constant 0 : i32
      %dma_wait3A_263 = arith.constant 0 : i32
      %dma_wait3A_264 = tpu.memref_slice %arg8[%dma_wait3A_262, %dma_wait3A_263] : memref<400000x16xf32, #tpu.memory_space<hbm>> -> memref<400000x16xf32, #tpu.memory_space<hbm>>
      tpu.wait_indirect_dma semaphore(%arg23 : memref<!tpu.dma_semaphore, #tpu.memory_space<semaphore_mem>>) src(%dma_wait3A_264 : memref<400000x16xf32, #tpu.memory_space<hbm>>) dst(%arg20 : memref<256x16xf32, #tpu.memory_space<vmem>>)
      "tpu.region"() ({
        %run_scoped3A = tpu.sem_alloc : memref<!tpu.dma_semaphore, #tpu.memory_space<semaphore_mem>>
        %dma_start3A_271 = arith.constant 0 : i32
        %dma_start3A_272 = tpu.memref_slice %arg19[%scan3A_256, %dma_start3A_271] : memref<49x256xi32, #tpu.memory_space<vmem>> -> memref<1x256xi32, #tpu.memory_space<vmem>>
        %dma_start3A_273 = tpu.memref_squeeze %dma_start3A_272 : memref<1x256xi32, #tpu.memory_space<vmem>> -> memref<256xi32, #tpu.memory_space<vmem>>
        %dma_start3A_274 = arith.constant 0 : i32
        %dma_start3A_275 = arith.constant 0 : i32
        %dma_start3A_276 = tpu.memref_slice %arg21[%dma_start3A_274, %dma_start3A_275] : memref<50048x16xf32, #tpu.memory_space<vmem_shared>> -> memref<50048x16xf32, #tpu.memory_space<vmem_shared>>
        tpu.enqueue_indirect_dma source(%arg20 : memref<256x16xf32, #tpu.memory_space<vmem>>) target(%dma_start3A_276 : memref<50048x16xf32, #tpu.memory_space<vmem_shared>>) offsets(%dma_start3A_273 : memref<256xi32, #tpu.memory_space<vmem>>) semaphore(%run_scoped3A : memref<!tpu.dma_semaphore, #tpu.memory_space<semaphore_mem>>) {add = true}
        %dma_wait3A_277 = arith.constant 0 : i32
        %dma_wait3A_278 = tpu.memref_slice %arg19[%scan3A_256, %dma_wait3A_277] : memref<49x256xi32, #tpu.memory_space<vmem>> -> memref<1x256xi32, #tpu.memory_space<vmem>>
        %dma_wait3A_279 = tpu.memref_squeeze %dma_wait3A_278 : memref<1x256xi32, #tpu.memory_space<vmem>> -> memref<256xi32, #tpu.memory_space<vmem>>
        %dma_wait3A_280 = arith.constant 0 : i32
        %dma_wait3A_281 = arith.constant 0 : i32
        %dma_wait3A_282 = tpu.memref_slice %arg21[%dma_wait3A_280, %dma_wait3A_281] : memref<50048x16xf32, #tpu.memory_space<vmem_shared>> -> memref<50048x16xf32, #tpu.memory_space<vmem_shared>>
        tpu.wait_indirect_dma semaphore(%run_scoped3A : memref<!tpu.dma_semaphore, #tpu.memory_space<semaphore_mem>>) src(%arg20 : memref<256x16xf32, #tpu.memory_space<vmem>>) dst(%dma_wait3A_282 : memref<50048x16xf32, #tpu.memory_space<vmem_shared>>)
        tpu.yield
      }) : () -> ()
      %scan3A_265 = arith.constant 0 : i32
      %scan3A_266 = arith.constant 0 : i32
      %scan3A_267 = arith.constant 32 : i32
      %scan3A_268 = arith.addi %scan3A_266, %scan3A_267 : i32
      %scan3A_269 = arith.constant 1 : i32
      scf.for %scan3A_271 = %scan3A_266 to %scan3A_268 step %scan3A_269  : i32 {
        %mul3A_272 = arith.constant 8 : i32
        %mul3A_273 = arith.muli %scan3A_271, %mul3A_272 : i32
        %add3A_274 = arith.constant 0 : i32
        %add3A_275 = arith.addi %mul3A_273, %add3A_274 : i32
        %get3A = arith.index_cast %add3A_275 : i32 to index
        %get3A_276 = arith.constant 0 : index
        %get3A_277 = tpu.vector_load %arg20[%get3A, %get3A_276] {strides = array<i32>} : memref<256x16xf32, #tpu.memory_space<vmem>>, vector<1x16xf32>,
        %get3A_278 = vector.shape_cast %get3A_277 : vector<1x16xf32> to vector<16xf32>
        %max3A = arith.constant 0.000000e+00 : f32
        %max3A_279 = vector.broadcast %max3A : f32 to vector<16xf32>
        %max3A_280 = arith.maximumf %get3A_278, %max3A_279 : vector<16xf32>
        %mul3A_281 = arith.constant 8 : i32
        %mul3A_282 = arith.muli %scan3A_271, %mul3A_281 : i32
        %add3A_283 = arith.constant 0 : i32
        %add3A_284 = arith.addi %mul3A_282, %add3A_283 : i32
        %swap3A = arith.index_cast %add3A_284 : i32 to index
        %swap3A_285 = arith.constant 0 : index
        %swap3A_286 = tpu.vector_load %arg20[%swap3A, %swap3A_285] {strides = array<i32>} : memref<256x16xf32, #tpu.memory_space<vmem>>, vector<1x16xf32>,
        %swap3A_287 = vector.shape_cast %swap3A_286 : vector<1x16xf32> to vector<16xf32>
        %swap3A_288 = vector.shape_cast %max3A_280 : vector<16xf32> to vector<1x16xf32>
        tpu.vector_store %arg20[%swap3A, %swap3A_285], %swap3A_288 {strides = array<i32>} : memref<256x16xf32, #tpu.memory_space<vmem>>, vector<1x16xf32>,
        %mul3A_289 = arith.constant 8 : i32
        %mul3A_290 = arith.muli %scan3A_271, %mul3A_289 : i32
        %add3A_291 = arith.constant 1 : i32
        %add3A_292 = arith.addi %mul3A_290, %add3A_291 : i32
        %get3A_293 = arith.index_cast %add3A_292 : i32 to index
        %get3A_294 = arith.constant 0 : index
        %get3A_295 = tpu.vector_load %arg20[%get3A_293, %get3A_294] {strides = array<i32>} : memref<256x16xf32, #tpu.memory_space<vmem>>, vector<1x16xf32>,
        %get3A_296 = vector.shape_cast %get3A_295 : vector<1x16xf32> to vector<16xf32>
        %max3A_297 = arith.constant 0.000000e+00 : f32
        %max3A_298 = vector.broadcast %max3A_297 : f32 to vector<16xf32>
        %max3A_299 = arith.maximumf %get3A_296, %max3A_298 : vector<16xf32>
        %mul3A_300 = arith.constant 8 : i32
        %mul3A_301 = arith.muli %scan3A_271, %mul3A_300 : i32
        %add3A_302 = arith.constant 1 : i32
        %add3A_303 = arith.addi %mul3A_301, %add3A_302 : i32
        %swap3A_304 = arith.index_cast %add3A_303 : i32 to index
        %swap3A_305 = arith.constant 0 : index
        %swap3A_306 = tpu.vector_load %arg20[%swap3A_304, %swap3A_305] {strides = array<i32>} : memref<256x16xf32, #tpu.memory_space<vmem>>, vector<1x16xf32>,
        %swap3A_307 = vector.shape_cast %swap3A_306 : vector<1x16xf32> to vector<16xf32>
        %swap3A_308 = vector.shape_cast %max3A_299 : vector<16xf32> to vector<1x16xf32>
        tpu.vector_store %arg20[%swap3A_304, %swap3A_305], %swap3A_308 {strides = array<i32>} : memref<256x16xf32, #tpu.memory_space<vmem>>, vector<1x16xf32>,
        %mul3A_309 = arith.constant 8 : i32
        %mul3A_310 = arith.muli %scan3A_271, %mul3A_309 : i32
        %add3A_311 = arith.constant 2 : i32
        %add3A_312 = arith.addi %mul3A_310, %add3A_311 : i32
        %get3A_313 = arith.index_cast %add3A_312 : i32 to index
        %get3A_314 = arith.constant 0 : index
        %get3A_315 = tpu.vector_load %arg20[%get3A_313, %get3A_314] {strides = array<i32>} : memref<256x16xf32, #tpu.memory_space<vmem>>, vector<1x16xf32>,
        %get3A_316 = vector.shape_cast %get3A_315 : vector<1x16xf32> to vector<16xf32>
        %max3A_317 = arith.constant 0.000000e+00 : f32
        %max3A_318 = vector.broadcast %max3A_317 : f32 to vector<16xf32>
        %max3A_319 = arith.maximumf %get3A_316, %max3A_318 : vector<16xf32>
        %mul3A_320 = arith.constant 8 : i32
        %mul3A_321 = arith.muli %scan3A_271, %mul3A_320 : i32
        %add3A_322 = arith.constant 2 : i32
        %add3A_323 = arith.addi %mul3A_321, %add3A_322 : i32
        %swap3A_324 = arith.index_cast %add3A_323 : i32 to index
        %swap3A_325 = arith.constant 0 : index
        %swap3A_326 = tpu.vector_load %arg20[%swap3A_324, %swap3A_325] {strides = array<i32>} : memref<256x16xf32, #tpu.memory_space<vmem>>, vector<1x16xf32>,
        %swap3A_327 = vector.shape_cast %swap3A_326 : vector<1x16xf32> to vector<16xf32>
        %swap3A_328 = vector.shape_cast %max3A_319 : vector<16xf32> to vector<1x16xf32>
        tpu.vector_store %arg20[%swap3A_324, %swap3A_325], %swap3A_328 {strides = array<i32>} : memref<256x16xf32, #tpu.memory_space<vmem>>, vector<1x16xf32>,
        %mul3A_329 = arith.constant 8 : i32
        %mul3A_330 = arith.muli %scan3A_271, %mul3A_329 : i32
        %add3A_331 = arith.constant 3 : i32
        %add3A_332 = arith.addi %mul3A_330, %add3A_331 : i32
        %get3A_333 = arith.index_cast %add3A_332 : i32 to index
        %get3A_334 = arith.constant 0 : index
        %get3A_335 = tpu.vector_load %arg20[%get3A_333, %get3A_334] {strides = array<i32>} : memref<256x16xf32, #tpu.memory_space<vmem>>, vector<1x16xf32>,
        %get3A_336 = vector.shape_cast %get3A_335 : vector<1x16xf32> to vector<16xf32>
        %max3A_337 = arith.constant 0.000000e+00 : f32
        %max3A_338 = vector.broadcast %max3A_337 : f32 to vector<16xf32>
        %max3A_339 = arith.maximumf %get3A_336, %max3A_338 : vector<16xf32>
        %mul3A_340 = arith.constant 8 : i32
        %mul3A_341 = arith.muli %scan3A_271, %mul3A_340 : i32
        %add3A_342 = arith.constant 3 : i32
        %add3A_343 = arith.addi %mul3A_341, %add3A_342 : i32
        %swap3A_344 = arith.index_cast %add3A_343 : i32 to index
        %swap3A_345 = arith.constant 0 : index
        %swap3A_346 = tpu.vector_load %arg20[%swap3A_344, %swap3A_345] {strides = array<i32>} : memref<256x16xf32, #tpu.memory_space<vmem>>, vector<1x16xf32>,
        %swap3A_347 = vector.shape_cast %swap3A_346 : vector<1x16xf32> to vector<16xf32>
        %swap3A_348 = vector.shape_cast %max3A_339 : vector<16xf32> to vector<1x16xf32>
        tpu.vector_store %arg20[%swap3A_344, %swap3A_345], %swap3A_348 {strides = array<i32>} : memref<256x16xf32, #tpu.memory_space<vmem>>, vector<1x16xf32>,
        %mul3A_349 = arith.constant 8 : i32
        %mul3A_350 = arith.muli %scan3A_271, %mul3A_349 : i32
        %add3A_351 = arith.constant 4 : i32
        %add3A_352 = arith.addi %mul3A_350, %add3A_351 : i32
        %get3A_353 = arith.index_cast %add3A_352 : i32 to index
        %get3A_354 = arith.constant 0 : index
        %get3A_355 = tpu.vector_load %arg20[%get3A_353, %get3A_354] {strides = array<i32>} : memref<256x16xf32, #tpu.memory_space<vmem>>, vector<1x16xf32>,
        %get3A_356 = vector.shape_cast %get3A_355 : vector<1x16xf32> to vector<16xf32>
        %max3A_357 = arith.constant 0.000000e+00 : f32
        %max3A_358 = vector.broadcast %max3A_357 : f32 to vector<16xf32>
        %max3A_359 = arith.maximumf %get3A_356, %max3A_358 : vector<16xf32>
        %mul3A_360 = arith.constant 8 : i32
        %mul3A_361 = arith.muli %scan3A_271, %mul3A_360 : i32
        %add3A_362 = arith.constant 4 : i32
        %add3A_363 = arith.addi %mul3A_361, %add3A_362 : i32
        %swap3A_364 = arith.index_cast %add3A_363 : i32 to index
        %swap3A_365 = arith.constant 0 : index
        %swap3A_366 = tpu.vector_load %arg20[%swap3A_364, %swap3A_365] {strides = array<i32>} : memref<256x16xf32, #tpu.memory_space<vmem>>, vector<1x16xf32>,
        %swap3A_367 = vector.shape_cast %swap3A_366 : vector<1x16xf32> to vector<16xf32>
        %swap3A_368 = vector.shape_cast %max3A_359 : vector<16xf32> to vector<1x16xf32>
        tpu.vector_store %arg20[%swap3A_364, %swap3A_365], %swap3A_368 {strides = array<i32>} : memref<256x16xf32, #tpu.memory_space<vmem>>, vector<1x16xf32>,
        %mul3A_369 = arith.constant 8 : i32
        %mul3A_370 = arith.muli %scan3A_271, %mul3A_369 : i32
        %add3A_371 = arith.constant 5 : i32
        %add3A_372 = arith.addi %mul3A_370, %add3A_371 : i32
        %get3A_373 = arith.index_cast %add3A_372 : i32 to index
        %get3A_374 = arith.constant 0 : index
        %get3A_375 = tpu.vector_load %arg20[%get3A_373, %get3A_374] {strides = array<i32>} : memref<256x16xf32, #tpu.memory_space<vmem>>, vector<1x16xf32>,
        %get3A_376 = vector.shape_cast %get3A_375 : vector<1x16xf32> to vector<16xf32>
        %max3A_377 = arith.constant 0.000000e+00 : f32
        %max3A_378 = vector.broadcast %max3A_377 : f32 to vector<16xf32>
        %max3A_379 = arith.maximumf %get3A_376, %max3A_378 : vector<16xf32>
        %mul3A_380 = arith.constant 8 : i32
        %mul3A_381 = arith.muli %scan3A_271, %mul3A_380 : i32
        %add3A_382 = arith.constant 5 : i32
        %add3A_383 = arith.addi %mul3A_381, %add3A_382 : i32
        %swap3A_384 = arith.index_cast %add3A_383 : i32 to index
        %swap3A_385 = arith.constant 0 : index
        %swap3A_386 = tpu.vector_load %arg20[%swap3A_384, %swap3A_385] {strides = array<i32>} : memref<256x16xf32, #tpu.memory_space<vmem>>, vector<1x16xf32>,
        %swap3A_387 = vector.shape_cast %swap3A_386 : vector<1x16xf32> to vector<16xf32>
        %swap3A_388 = vector.shape_cast %max3A_379 : vector<16xf32> to vector<1x16xf32>
        tpu.vector_store %arg20[%swap3A_384, %swap3A_385], %swap3A_388 {strides = array<i32>} : memref<256x16xf32, #tpu.memory_space<vmem>>, vector<1x16xf32>,
        %mul3A_389 = arith.constant 8 : i32
        %mul3A_390 = arith.muli %scan3A_271, %mul3A_389 : i32
        %add3A_391 = arith.constant 6 : i32
        %add3A_392 = arith.addi %mul3A_390, %add3A_391 : i32
        %get3A_393 = arith.index_cast %add3A_392 : i32 to index
        %get3A_394 = arith.constant 0 : index
        %get3A_395 = tpu.vector_load %arg20[%get3A_393, %get3A_394] {strides = array<i32>} : memref<256x16xf32, #tpu.memory_space<vmem>>, vector<1x16xf32>,
        %get3A_396 = vector.shape_cast %get3A_395 : vector<1x16xf32> to vector<16xf32>
        %max3A_397 = arith.constant 0.000000e+00 : f32
        %max3A_398 = vector.broadcast %max3A_397 : f32 to vector<16xf32>
        %max3A_399 = arith.maximumf %get3A_396, %max3A_398 : vector<16xf32>
        %mul3A_400 = arith.constant 8 : i32
        %mul3A_401 = arith.muli %scan3A_271, %mul3A_400 : i32
        %add3A_402 = arith.constant 6 : i32
        %add3A_403 = arith.addi %mul3A_401, %add3A_402 : i32
        %swap3A_404 = arith.index_cast %add3A_403 : i32 to index
        %swap3A_405 = arith.constant 0 : index
        %swap3A_406 = tpu.vector_load %arg20[%swap3A_404, %swap3A_405] {strides = array<i32>} : memref<256x16xf32, #tpu.memory_space<vmem>>, vector<1x16xf32>,
        %swap3A_407 = vector.shape_cast %swap3A_406 : vector<1x16xf32> to vector<16xf32>
        %swap3A_408 = vector.shape_cast %max3A_399 : vector<16xf32> to vector<1x16xf32>
        tpu.vector_store %arg20[%swap3A_404, %swap3A_405], %swap3A_408 {strides = array<i32>} : memref<256x16xf32, #tpu.memory_space<vmem>>, vector<1x16xf32>,
        %mul3A_409 = arith.constant 8 : i32
        %mul3A_410 = arith.muli %scan3A_271, %mul3A_409 : i32
        %add3A_411 = arith.constant 7 : i32
        %add3A_412 = arith.addi %mul3A_410, %add3A_411 : i32
        %get3A_413 = arith.index_cast %add3A_412 : i32 to index
        %get3A_414 = arith.constant 0 : index
        %get3A_415 = tpu.vector_load %arg20[%get3A_413, %get3A_414] {strides = array<i32>} : memref<256x16xf32, #tpu.memory_space<vmem>>, vector<1x16xf32>,
        %get3A_416 = vector.shape_cast %get3A_415 : vector<1x16xf32> to vector<16xf32>
        %max3A_417 = arith.constant 0.000000e+00 : f32
        %max3A_418 = vector.broadcast %max3A_417 : f32 to vector<16xf32>
        %max3A_419 = arith.maximumf %get3A_416, %max3A_418 : vector<16xf32>
        %mul3A_420 = arith.constant 8 : i32
        %mul3A_421 = arith.muli %scan3A_271, %mul3A_420 : i32
        %add3A_422 = arith.constant 7 : i32
        %add3A_423 = arith.addi %mul3A_421, %add3A_422 : i32
        %swap3A_424 = arith.index_cast %add3A_423 : i32 to index
        %swap3A_425 = arith.constant 0 : index
        %swap3A_426 = tpu.vector_load %arg20[%swap3A_424, %swap3A_425] {strides = array<i32>} : memref<256x16xf32, #tpu.memory_space<vmem>>, vector<1x16xf32>,
        %swap3A_427 = vector.shape_cast %swap3A_426 : vector<1x16xf32> to vector<16xf32>
        %swap3A_428 = vector.shape_cast %max3A_419 : vector<16xf32> to vector<1x16xf32>
        tpu.vector_store %arg20[%swap3A_424, %swap3A_425], %swap3A_428 {strides = array<i32>} : memref<256x16xf32, #tpu.memory_space<vmem>>, vector<1x16xf32>,
      }
      %scan3A_270 = arith.constant 32 : i32
      "tpu.region"() ({
        %run_scoped3A = tpu.sem_alloc : memref<!tpu.dma_semaphore, #tpu.memory_space<semaphore_mem>>
        %dma_start3A_271 = arith.constant 0 : i32
        %dma_start3A_272 = tpu.memref_slice %arg19[%scan3A_256, %dma_start3A_271] : memref<49x256xi32, #tpu.memory_space<vmem>> -> memref<1x256xi32, #tpu.memory_space<vmem>>
        %dma_start3A_273 = tpu.memref_squeeze %dma_start3A_272 : memref<1x256xi32, #tpu.memory_space<vmem>> -> memref<256xi32, #tpu.memory_space<vmem>>
        %dma_start3A_274 = arith.constant 0 : i32
        %dma_start3A_275 = arith.constant 0 : i32
        %dma_start3A_276 = tpu.memref_slice %arg22[%dma_start3A_274, %dma_start3A_275] : memref<50048x16xf32, #tpu.memory_space<vmem_shared>> -> memref<50048x16xf32, #tpu.memory_space<vmem_shared>>
        tpu.enqueue_indirect_dma source(%arg20 : memref<256x16xf32, #tpu.memory_space<vmem>>) target(%dma_start3A_276 : memref<50048x16xf32, #tpu.memory_space<vmem_shared>>) offsets(%dma_start3A_273 : memref<256xi32, #tpu.memory_space<vmem>>) semaphore(%run_scoped3A : memref<!tpu.dma_semaphore, #tpu.memory_space<semaphore_mem>>) {add = true}
        %dma_wait3A_277 = arith.constant 0 : i32
        %dma_wait3A_278 = tpu.memref_slice %arg19[%scan3A_256, %dma_wait3A_277] : memref<49x256xi32, #tpu.memory_space<vmem>> -> memref<1x256xi32, #tpu.memory_space<vmem>>
        %dma_wait3A_279 = tpu.memref_squeeze %dma_wait3A_278 : memref<1x256xi32, #tpu.memory_space<vmem>> -> memref<256xi32, #tpu.memory_space<vmem>>
        %dma_wait3A_280 = arith.constant 0 : i32
        %dma_wait3A_281 = arith.constant 0 : i32
        %dma_wait3A_282 = tpu.memref_slice %arg22[%dma_wait3A_280, %dma_wait3A_281] : memref<50048x16xf32, #tpu.memory_space<vmem_shared>> -> memref<50048x16xf32, #tpu.memory_space<vmem_shared>>
        tpu.wait_indirect_dma semaphore(%run_scoped3A : memref<!tpu.dma_semaphore, #tpu.memory_space<semaphore_mem>>) src(%arg20 : memref<256x16xf32, #tpu.memory_space<vmem>>) dst(%dma_wait3A_282 : memref<50048x16xf32, #tpu.memory_space<vmem_shared>>)
        tpu.yield
      }) : () -> ()
    }
    %scan3A_226 = arith.constant 49 : i32
    %barrier3A_227 = arith.constant 0 : index
    tpu.barrier barrier_id(%barrier3A_227)
    %mul3A_228 = arith.constant 4 : i32
    %mul3A_229 = arith.muli %arg0, %mul3A_228 : i32
    %add3A_230 = arith.constant 2 : i32
    %add3A_231 = arith.addi %mul3A_229, %add3A_230 : i32
    %mul3A_232 = arith.constant 16 : i32
    %mul3A_233 = arith.muli %add3A_231, %mul3A_232 : i32
    "tpu.region"() ({
      %run_scoped3A = tpu.sem_alloc : memref<!tpu.dma_semaphore, #tpu.memory_space<semaphore_mem>>
      %dma_start3A = tpu.memref_slice %arg16[%mul3A_0, %mul3A_233] : memref<50048x128xf32, #tpu.memory_space<hbm>> -> memref<3128x16xf32, #tpu.memory_space<hbm>>
      %dma_start3A_256 = arith.constant 0 : i32
      %dma_start3A_257 = tpu.memref_slice %arg21[%mul3A_0, %dma_start3A_256] : memref<50048x16xf32, #tpu.memory_space<vmem_shared>> -> memref<3128x16xf32, #tpu.memory_space<vmem_shared>>
      tpu.enqueue_dma source(%dma_start3A_257 : memref<3128x16xf32, #tpu.memory_space<vmem_shared>>) target(%dma_start3A : memref<3128x16xf32, #tpu.memory_space<hbm>>) target_semaphore(%run_scoped3A : memref<!tpu.dma_semaphore, #tpu.memory_space<semaphore_mem>>)
      %dma_wait3A = tpu.memref_slice %arg16[%mul3A_0, %mul3A_233] : memref<50048x128xf32, #tpu.memory_space<hbm>> -> memref<3128x16xf32, #tpu.memory_space<hbm>>
      %dma_wait3A_258 = arith.constant 0 : i32
      %dma_wait3A_259 = tpu.memref_slice %arg21[%mul3A_0, %dma_wait3A_258] : memref<50048x16xf32, #tpu.memory_space<vmem_shared>> -> memref<3128x16xf32, #tpu.memory_space<vmem_shared>>
      tpu.wait_dma2 semaphore(%run_scoped3A : memref<!tpu.dma_semaphore, #tpu.memory_space<semaphore_mem>>) src(%dma_wait3A_259 : memref<3128x16xf32, #tpu.memory_space<vmem_shared>>) dst(%dma_wait3A : memref<3128x16xf32, #tpu.memory_space<hbm>>)
      tpu.yield
    }) : () -> ()
    "tpu.region"() ({
      %run_scoped3A = tpu.sem_alloc : memref<!tpu.dma_semaphore, #tpu.memory_space<semaphore_mem>>
      %dma_start3A = tpu.memref_slice %arg17[%mul3A_0, %mul3A_233] : memref<50048x128xf32, #tpu.memory_space<hbm>> -> memref<3128x16xf32, #tpu.memory_space<hbm>>
      %dma_start3A_256 = arith.constant 0 : i32
      %dma_start3A_257 = tpu.memref_slice %arg22[%mul3A_0, %dma_start3A_256] : memref<50048x16xf32, #tpu.memory_space<vmem_shared>> -> memref<3128x16xf32, #tpu.memory_space<vmem_shared>>
      tpu.enqueue_dma source(%dma_start3A_257 : memref<3128x16xf32, #tpu.memory_space<vmem_shared>>) target(%dma_start3A : memref<3128x16xf32, #tpu.memory_space<hbm>>) target_semaphore(%run_scoped3A : memref<!tpu.dma_semaphore, #tpu.memory_space<semaphore_mem>>)
      %dma_wait3A = tpu.memref_slice %arg17[%mul3A_0, %mul3A_233] : memref<50048x128xf32, #tpu.memory_space<hbm>> -> memref<3128x16xf32, #tpu.memory_space<hbm>>
      %dma_wait3A_258 = arith.constant 0 : i32
      %dma_wait3A_259 = tpu.memref_slice %arg22[%mul3A_0, %dma_wait3A_258] : memref<50048x16xf32, #tpu.memory_space<vmem_shared>> -> memref<3128x16xf32, #tpu.memory_space<vmem_shared>>
      tpu.wait_dma2 semaphore(%run_scoped3A : memref<!tpu.dma_semaphore, #tpu.memory_space<semaphore_mem>>) src(%dma_wait3A_259 : memref<3128x16xf32, #tpu.memory_space<vmem_shared>>) dst(%dma_wait3A : memref<3128x16xf32, #tpu.memory_space<hbm>>)
      tpu.yield
    }) : () -> ()
    %barrier3A_234 = arith.constant 0 : index
    tpu.barrier barrier_id(%barrier3A_234)
    %scan3A_235 = arith.constant 0 : i32
    %scan3A_236 = arith.constant 0 : i32
    %scan3A_237 = arith.constant 784 : i32
    %scan3A_238 = arith.addi %scan3A_236, %scan3A_237 : i32
    %scan3A_239 = arith.constant 1 : i32
    scf.for %scan3A_256 = %scan3A_236 to %scan3A_238 step %scan3A_239  : i32 {
      %mul3A_257 = arith.constant 16 : i32
      %mul3A_258 = arith.muli %scan3A_256, %mul3A_257 : i32
      %get3A = arith.index_cast %mul3A_258 : i32 to index
      %get3A_259 = tpu.vector_load %arg18[%get3A] {strides = array<i32>} : memref<12544xi32, #tpu.memory_space<vmem>>, vector<16xi32>,
      %get3A_260 = vector.shape_cast %get3A_259 : vector<16xi32> to vector<16xi32>
      %add3A_261 = arith.constant 1 : i32
      %add3A_262 = vector.broadcast %add3A_261 : i32 to vector<16xi32>
      %add3A_263 = arith.addi %get3A_260, %add3A_262 : vector<16xi32>
      %swap3A = arith.index_cast %mul3A_258 : i32 to index
      %swap3A_264 = tpu.vector_load %arg18[%swap3A] {strides = array<i32>} : memref<12544xi32, #tpu.memory_space<vmem>>, vector<16xi32>,
      %swap3A_265 = vector.shape_cast %swap3A_264 : vector<16xi32> to vector<16xi32>
      %swap3A_266 = vector.shape_cast %add3A_263 : vector<16xi32> to vector<16xi32>
      tpu.vector_store %arg18[%swap3A], %swap3A_266 {strides = array<i32>} : memref<12544xi32, #tpu.memory_space<vmem>>, vector<16xi32>,
    }
    %scan3A_240 = arith.constant 784 : i32
    "tpu.region"() ({
      %run_scoped3A = tpu.sem_alloc : memref<!tpu.dma_semaphore, #tpu.memory_space<semaphore_mem>>
      %dma_start3A = arith.constant 0 : i32
      %dma_start3A_256 = tpu.memref_slice %arg21[%mul3A_0, %dma_start3A] : memref<50048x16xf32, #tpu.memory_space<vmem_shared>> -> memref<3128x16xf32, #tpu.memory_space<vmem_shared>>
      tpu.enqueue_dma source(%arg11 : memref<3128x16xf32, #tpu.memory_space<hbm>>) target(%dma_start3A_256 : memref<3128x16xf32, #tpu.memory_space<vmem_shared>>) target_semaphore(%run_scoped3A : memref<!tpu.dma_semaphore, #tpu.memory_space<semaphore_mem>>)
      %dma_wait3A = arith.constant 0 : i32
      %dma_wait3A_257 = tpu.memref_slice %arg21[%mul3A_0, %dma_wait3A] : memref<50048x16xf32, #tpu.memory_space<vmem_shared>> -> memref<3128x16xf32, #tpu.memory_space<vmem_shared>>
      tpu.wait_dma2 semaphore(%run_scoped3A : memref<!tpu.dma_semaphore, #tpu.memory_space<semaphore_mem>>) src(%arg11 : memref<3128x16xf32, #tpu.memory_space<hbm>>) dst(%dma_wait3A_257 : memref<3128x16xf32, #tpu.memory_space<vmem_shared>>)
      tpu.yield
    }) : () -> ()
    "tpu.region"() ({
      %run_scoped3A = tpu.sem_alloc : memref<!tpu.dma_semaphore, #tpu.memory_space<semaphore_mem>>
      %dma_start3A = arith.constant 0 : i32
      %dma_start3A_256 = tpu.memref_slice %arg22[%mul3A_0, %dma_start3A] : memref<50048x16xf32, #tpu.memory_space<vmem_shared>> -> memref<3128x16xf32, #tpu.memory_space<vmem_shared>>
      tpu.enqueue_dma source(%arg11 : memref<3128x16xf32, #tpu.memory_space<hbm>>) target(%dma_start3A_256 : memref<3128x16xf32, #tpu.memory_space<vmem_shared>>) target_semaphore(%run_scoped3A : memref<!tpu.dma_semaphore, #tpu.memory_space<semaphore_mem>>)
      %dma_wait3A = arith.constant 0 : i32
      %dma_wait3A_257 = tpu.memref_slice %arg22[%mul3A_0, %dma_wait3A] : memref<50048x16xf32, #tpu.memory_space<vmem_shared>> -> memref<3128x16xf32, #tpu.memory_space<vmem_shared>>
      tpu.wait_dma2 semaphore(%run_scoped3A : memref<!tpu.dma_semaphore, #tpu.memory_space<semaphore_mem>>) src(%arg11 : memref<3128x16xf32, #tpu.memory_space<hbm>>) dst(%dma_wait3A_257 : memref<3128x16xf32, #tpu.memory_space<vmem_shared>>)
      tpu.yield
    }) : () -> ()
    %barrier3A_241 = arith.constant 0 : index
    tpu.barrier barrier_id(%barrier3A_241)
    %scan3A_242 = arith.constant 0 : i32
    %scan3A_243 = arith.constant 0 : i32
    %scan3A_244 = arith.constant 49 : i32
    %scan3A_245 = arith.addi %scan3A_243, %scan3A_244 : i32
    %scan3A_246 = arith.constant 1 : i32
    scf.for %scan3A_256 = %scan3A_243 to %scan3A_245 step %scan3A_246  : i32 {
      %mul3A_257 = arith.constant 256 : i32
      %mul3A_258 = arith.muli %scan3A_256, %mul3A_257 : i32
      %dma_start3A = tpu.memref_slice %arg18[%mul3A_258] : memref<12544xi32, #tpu.memory_space<vmem>> -> memref<256xi32, #tpu.memory_space<vmem>>
      %dma_start3A_259 = arith.constant 0 : i32
      %dma_start3A_260 = arith.constant 0 : i32
      %dma_start3A_261 = tpu.memref_slice %arg8[%dma_start3A_259, %dma_start3A_260] : memref<400000x16xf32, #tpu.memory_space<hbm>> -> memref<400000x16xf32, #tpu.memory_space<hbm>>
      tpu.enqueue_indirect_dma source(%dma_start3A_261 : memref<400000x16xf32, #tpu.memory_space<hbm>>) target(%arg20 : memref<256x16xf32, #tpu.memory_space<vmem>>) offsets(%dma_start3A : memref<256xi32, #tpu.memory_space<vmem>>) semaphore(%arg23 : memref<!tpu.dma_semaphore, #tpu.memory_space<semaphore_mem>>)
      %dma_wait3A = tpu.memref_slice %arg18[%mul3A_258] : memref<12544xi32, #tpu.memory_space<vmem>> -> memref<256xi32, #tpu.memory_space<vmem>>
      %dma_wait3A_262 = arith.constant 0 : i32
      %dma_wait3A_263 = arith.constant 0 : i32
      %dma_wait3A_264 = tpu.memref_slice %arg8[%dma_wait3A_262, %dma_wait3A_263] : memref<400000x16xf32, #tpu.memory_space<hbm>> -> memref<400000x16xf32, #tpu.memory_space<hbm>>
      tpu.wait_indirect_dma semaphore(%arg23 : memref<!tpu.dma_semaphore, #tpu.memory_space<semaphore_mem>>) src(%dma_wait3A_264 : memref<400000x16xf32, #tpu.memory_space<hbm>>) dst(%arg20 : memref<256x16xf32, #tpu.memory_space<vmem>>)
      "tpu.region"() ({
        %run_scoped3A = tpu.sem_alloc : memref<!tpu.dma_semaphore, #tpu.memory_space<semaphore_mem>>
        %dma_start3A_271 = arith.constant 0 : i32
        %dma_start3A_272 = tpu.memref_slice %arg19[%scan3A_256, %dma_start3A_271] : memref<49x256xi32, #tpu.memory_space<vmem>> -> memref<1x256xi32, #tpu.memory_space<vmem>>
        %dma_start3A_273 = tpu.memref_squeeze %dma_start3A_272 : memref<1x256xi32, #tpu.memory_space<vmem>> -> memref<256xi32, #tpu.memory_space<vmem>>
        %dma_start3A_274 = arith.constant 0 : i32
        %dma_start3A_275 = arith.constant 0 : i32
        %dma_start3A_276 = tpu.memref_slice %arg21[%dma_start3A_274, %dma_start3A_275] : memref<50048x16xf32, #tpu.memory_space<vmem_shared>> -> memref<50048x16xf32, #tpu.memory_space<vmem_shared>>
        tpu.enqueue_indirect_dma source(%arg20 : memref<256x16xf32, #tpu.memory_space<vmem>>) target(%dma_start3A_276 : memref<50048x16xf32, #tpu.memory_space<vmem_shared>>) offsets(%dma_start3A_273 : memref<256xi32, #tpu.memory_space<vmem>>) semaphore(%run_scoped3A : memref<!tpu.dma_semaphore, #tpu.memory_space<semaphore_mem>>) {add = true}
        %dma_wait3A_277 = arith.constant 0 : i32
        %dma_wait3A_278 = tpu.memref_slice %arg19[%scan3A_256, %dma_wait3A_277] : memref<49x256xi32, #tpu.memory_space<vmem>> -> memref<1x256xi32, #tpu.memory_space<vmem>>
        %dma_wait3A_279 = tpu.memref_squeeze %dma_wait3A_278 : memref<1x256xi32, #tpu.memory_space<vmem>> -> memref<256xi32, #tpu.memory_space<vmem>>
        %dma_wait3A_280 = arith.constant 0 : i32
        %dma_wait3A_281 = arith.constant 0 : i32
        %dma_wait3A_282 = tpu.memref_slice %arg21[%dma_wait3A_280, %dma_wait3A_281] : memref<50048x16xf32, #tpu.memory_space<vmem_shared>> -> memref<50048x16xf32, #tpu.memory_space<vmem_shared>>
        tpu.wait_indirect_dma semaphore(%run_scoped3A : memref<!tpu.dma_semaphore, #tpu.memory_space<semaphore_mem>>) src(%arg20 : memref<256x16xf32, #tpu.memory_space<vmem>>) dst(%dma_wait3A_282 : memref<50048x16xf32, #tpu.memory_space<vmem_shared>>)
        tpu.yield
      }) : () -> ()
      %scan3A_265 = arith.constant 0 : i32
      %scan3A_266 = arith.constant 0 : i32
      %scan3A_267 = arith.constant 32 : i32
      %scan3A_268 = arith.addi %scan3A_266, %scan3A_267 : i32
      %scan3A_269 = arith.constant 1 : i32
      scf.for %scan3A_271 = %scan3A_266 to %scan3A_268 step %scan3A_269  : i32 {
        %mul3A_272 = arith.constant 8 : i32
        %mul3A_273 = arith.muli %scan3A_271, %mul3A_272 : i32
        %add3A_274 = arith.constant 0 : i32
        %add3A_275 = arith.addi %mul3A_273, %add3A_274 : i32
        %get3A = arith.index_cast %add3A_275 : i32 to index
        %get3A_276 = arith.constant 0 : index
        %get3A_277 = tpu.vector_load %arg20[%get3A, %get3A_276] {strides = array<i32>} : memref<256x16xf32, #tpu.memory_space<vmem>>, vector<1x16xf32>,
        %get3A_278 = vector.shape_cast %get3A_277 : vector<1x16xf32> to vector<16xf32>
        %max3A = arith.constant 0.000000e+00 : f32
        %max3A_279 = vector.broadcast %max3A : f32 to vector<16xf32>
        %max3A_280 = arith.maximumf %get3A_278, %max3A_279 : vector<16xf32>
        %mul3A_281 = arith.constant 8 : i32
        %mul3A_282 = arith.muli %scan3A_271, %mul3A_281 : i32
        %add3A_283 = arith.constant 0 : i32
        %add3A_284 = arith.addi %mul3A_282, %add3A_283 : i32
        %swap3A = arith.index_cast %add3A_284 : i32 to index
        %swap3A_285 = arith.constant 0 : index
        %swap3A_286 = tpu.vector_load %arg20[%swap3A, %swap3A_285] {strides = array<i32>} : memref<256x16xf32, #tpu.memory_space<vmem>>, vector<1x16xf32>,
        %swap3A_287 = vector.shape_cast %swap3A_286 : vector<1x16xf32> to vector<16xf32>
        %swap3A_288 = vector.shape_cast %max3A_280 : vector<16xf32> to vector<1x16xf32>
        tpu.vector_store %arg20[%swap3A, %swap3A_285], %swap3A_288 {strides = array<i32>} : memref<256x16xf32, #tpu.memory_space<vmem>>, vector<1x16xf32>,
        %mul3A_289 = arith.constant 8 : i32
        %mul3A_290 = arith.muli %scan3A_271, %mul3A_289 : i32
        %add3A_291 = arith.constant 1 : i32
        %add3A_292 = arith.addi %mul3A_290, %add3A_291 : i32
        %get3A_293 = arith.index_cast %add3A_292 : i32 to index
        %get3A_294 = arith.constant 0 : index
        %get3A_295 = tpu.vector_load %arg20[%get3A_293, %get3A_294] {strides = array<i32>} : memref<256x16xf32, #tpu.memory_space<vmem>>, vector<1x16xf32>,
        %get3A_296 = vector.shape_cast %get3A_295 : vector<1x16xf32> to vector<16xf32>
        %max3A_297 = arith.constant 0.000000e+00 : f32
        %max3A_298 = vector.broadcast %max3A_297 : f32 to vector<16xf32>
        %max3A_299 = arith.maximumf %get3A_296, %max3A_298 : vector<16xf32>
        %mul3A_300 = arith.constant 8 : i32
        %mul3A_301 = arith.muli %scan3A_271, %mul3A_300 : i32
        %add3A_302 = arith.constant 1 : i32
        %add3A_303 = arith.addi %mul3A_301, %add3A_302 : i32
        %swap3A_304 = arith.index_cast %add3A_303 : i32 to index
        %swap3A_305 = arith.constant 0 : index
        %swap3A_306 = tpu.vector_load %arg20[%swap3A_304, %swap3A_305] {strides = array<i32>} : memref<256x16xf32, #tpu.memory_space<vmem>>, vector<1x16xf32>,
        %swap3A_307 = vector.shape_cast %swap3A_306 : vector<1x16xf32> to vector<16xf32>
        %swap3A_308 = vector.shape_cast %max3A_299 : vector<16xf32> to vector<1x16xf32>
        tpu.vector_store %arg20[%swap3A_304, %swap3A_305], %swap3A_308 {strides = array<i32>} : memref<256x16xf32, #tpu.memory_space<vmem>>, vector<1x16xf32>,
        %mul3A_309 = arith.constant 8 : i32
        %mul3A_310 = arith.muli %scan3A_271, %mul3A_309 : i32
        %add3A_311 = arith.constant 2 : i32
        %add3A_312 = arith.addi %mul3A_310, %add3A_311 : i32
        %get3A_313 = arith.index_cast %add3A_312 : i32 to index
        %get3A_314 = arith.constant 0 : index
        %get3A_315 = tpu.vector_load %arg20[%get3A_313, %get3A_314] {strides = array<i32>} : memref<256x16xf32, #tpu.memory_space<vmem>>, vector<1x16xf32>,
        %get3A_316 = vector.shape_cast %get3A_315 : vector<1x16xf32> to vector<16xf32>
        %max3A_317 = arith.constant 0.000000e+00 : f32
        %max3A_318 = vector.broadcast %max3A_317 : f32 to vector<16xf32>
        %max3A_319 = arith.maximumf %get3A_316, %max3A_318 : vector<16xf32>
        %mul3A_320 = arith.constant 8 : i32
        %mul3A_321 = arith.muli %scan3A_271, %mul3A_320 : i32
        %add3A_322 = arith.constant 2 : i32
        %add3A_323 = arith.addi %mul3A_321, %add3A_322 : i32
        %swap3A_324 = arith.index_cast %add3A_323 : i32 to index
        %swap3A_325 = arith.constant 0 : index
        %swap3A_326 = tpu.vector_load %arg20[%swap3A_324, %swap3A_325] {strides = array<i32>} : memref<256x16xf32, #tpu.memory_space<vmem>>, vector<1x16xf32>,
        %swap3A_327 = vector.shape_cast %swap3A_326 : vector<1x16xf32> to vector<16xf32>
        %swap3A_328 = vector.shape_cast %max3A_319 : vector<16xf32> to vector<1x16xf32>
        tpu.vector_store %arg20[%swap3A_324, %swap3A_325], %swap3A_328 {strides = array<i32>} : memref<256x16xf32, #tpu.memory_space<vmem>>, vector<1x16xf32>,
        %mul3A_329 = arith.constant 8 : i32
        %mul3A_330 = arith.muli %scan3A_271, %mul3A_329 : i32
        %add3A_331 = arith.constant 3 : i32
        %add3A_332 = arith.addi %mul3A_330, %add3A_331 : i32
        %get3A_333 = arith.index_cast %add3A_332 : i32 to index
        %get3A_334 = arith.constant 0 : index
        %get3A_335 = tpu.vector_load %arg20[%get3A_333, %get3A_334] {strides = array<i32>} : memref<256x16xf32, #tpu.memory_space<vmem>>, vector<1x16xf32>,
        %get3A_336 = vector.shape_cast %get3A_335 : vector<1x16xf32> to vector<16xf32>
        %max3A_337 = arith.constant 0.000000e+00 : f32
        %max3A_338 = vector.broadcast %max3A_337 : f32 to vector<16xf32>
        %max3A_339 = arith.maximumf %get3A_336, %max3A_338 : vector<16xf32>
        %mul3A_340 = arith.constant 8 : i32
        %mul3A_341 = arith.muli %scan3A_271, %mul3A_340 : i32
        %add3A_342 = arith.constant 3 : i32
        %add3A_343 = arith.addi %mul3A_341, %add3A_342 : i32
        %swap3A_344 = arith.index_cast %add3A_343 : i32 to index
        %swap3A_345 = arith.constant 0 : index
        %swap3A_346 = tpu.vector_load %arg20[%swap3A_344, %swap3A_345] {strides = array<i32>} : memref<256x16xf32, #tpu.memory_space<vmem>>, vector<1x16xf32>,
        %swap3A_347 = vector.shape_cast %swap3A_346 : vector<1x16xf32> to vector<16xf32>
        %swap3A_348 = vector.shape_cast %max3A_339 : vector<16xf32> to vector<1x16xf32>
        tpu.vector_store %arg20[%swap3A_344, %swap3A_345], %swap3A_348 {strides = array<i32>} : memref<256x16xf32, #tpu.memory_space<vmem>>, vector<1x16xf32>,
        %mul3A_349 = arith.constant 8 : i32
        %mul3A_350 = arith.muli %scan3A_271, %mul3A_349 : i32
        %add3A_351 = arith.constant 4 : i32
        %add3A_352 = arith.addi %mul3A_350, %add3A_351 : i32
        %get3A_353 = arith.index_cast %add3A_352 : i32 to index
        %get3A_354 = arith.constant 0 : index
        %get3A_355 = tpu.vector_load %arg20[%get3A_353, %get3A_354] {strides = array<i32>} : memref<256x16xf32, #tpu.memory_space<vmem>>, vector<1x16xf32>,
        %get3A_356 = vector.shape_cast %get3A_355 : vector<1x16xf32> to vector<16xf32>
        %max3A_357 = arith.constant 0.000000e+00 : f32
        %max3A_358 = vector.broadcast %max3A_357 : f32 to vector<16xf32>
        %max3A_359 = arith.maximumf %get3A_356, %max3A_358 : vector<16xf32>
        %mul3A_360 = arith.constant 8 : i32
        %mul3A_361 = arith.muli %scan3A_271, %mul3A_360 : i32
        %add3A_362 = arith.constant 4 : i32
        %add3A_363 = arith.addi %mul3A_361, %add3A_362 : i32
        %swap3A_364 = arith.index_cast %add3A_363 : i32 to index
        %swap3A_365 = arith.constant 0 : index
        %swap3A_366 = tpu.vector_load %arg20[%swap3A_364, %swap3A_365] {strides = array<i32>} : memref<256x16xf32, #tpu.memory_space<vmem>>, vector<1x16xf32>,
        %swap3A_367 = vector.shape_cast %swap3A_366 : vector<1x16xf32> to vector<16xf32>
        %swap3A_368 = vector.shape_cast %max3A_359 : vector<16xf32> to vector<1x16xf32>
        tpu.vector_store %arg20[%swap3A_364, %swap3A_365], %swap3A_368 {strides = array<i32>} : memref<256x16xf32, #tpu.memory_space<vmem>>, vector<1x16xf32>,
        %mul3A_369 = arith.constant 8 : i32
        %mul3A_370 = arith.muli %scan3A_271, %mul3A_369 : i32
        %add3A_371 = arith.constant 5 : i32
        %add3A_372 = arith.addi %mul3A_370, %add3A_371 : i32
        %get3A_373 = arith.index_cast %add3A_372 : i32 to index
        %get3A_374 = arith.constant 0 : index
        %get3A_375 = tpu.vector_load %arg20[%get3A_373, %get3A_374] {strides = array<i32>} : memref<256x16xf32, #tpu.memory_space<vmem>>, vector<1x16xf32>,
        %get3A_376 = vector.shape_cast %get3A_375 : vector<1x16xf32> to vector<16xf32>
        %max3A_377 = arith.constant 0.000000e+00 : f32
        %max3A_378 = vector.broadcast %max3A_377 : f32 to vector<16xf32>
        %max3A_379 = arith.maximumf %get3A_376, %max3A_378 : vector<16xf32>
        %mul3A_380 = arith.constant 8 : i32
        %mul3A_381 = arith.muli %scan3A_271, %mul3A_380 : i32
        %add3A_382 = arith.constant 5 : i32
        %add3A_383 = arith.addi %mul3A_381, %add3A_382 : i32
        %swap3A_384 = arith.index_cast %add3A_383 : i32 to index
        %swap3A_385 = arith.constant 0 : index
        %swap3A_386 = tpu.vector_load %arg20[%swap3A_384, %swap3A_385] {strides = array<i32>} : memref<256x16xf32, #tpu.memory_space<vmem>>, vector<1x16xf32>,
        %swap3A_387 = vector.shape_cast %swap3A_386 : vector<1x16xf32> to vector<16xf32>
        %swap3A_388 = vector.shape_cast %max3A_379 : vector<16xf32> to vector<1x16xf32>
        tpu.vector_store %arg20[%swap3A_384, %swap3A_385], %swap3A_388 {strides = array<i32>} : memref<256x16xf32, #tpu.memory_space<vmem>>, vector<1x16xf32>,
        %mul3A_389 = arith.constant 8 : i32
        %mul3A_390 = arith.muli %scan3A_271, %mul3A_389 : i32
        %add3A_391 = arith.constant 6 : i32
        %add3A_392 = arith.addi %mul3A_390, %add3A_391 : i32
        %get3A_393 = arith.index_cast %add3A_392 : i32 to index
        %get3A_394 = arith.constant 0 : index
        %get3A_395 = tpu.vector_load %arg20[%get3A_393, %get3A_394] {strides = array<i32>} : memref<256x16xf32, #tpu.memory_space<vmem>>, vector<1x16xf32>,
        %get3A_396 = vector.shape_cast %get3A_395 : vector<1x16xf32> to vector<16xf32>
        %max3A_397 = arith.constant 0.000000e+00 : f32
        %max3A_398 = vector.broadcast %max3A_397 : f32 to vector<16xf32>
        %max3A_399 = arith.maximumf %get3A_396, %max3A_398 : vector<16xf32>
        %mul3A_400 = arith.constant 8 : i32
        %mul3A_401 = arith.muli %scan3A_271, %mul3A_400 : i32
        %add3A_402 = arith.constant 6 : i32
        %add3A_403 = arith.addi %mul3A_401, %add3A_402 : i32
        %swap3A_404 = arith.index_cast %add3A_403 : i32 to index
        %swap3A_405 = arith.constant 0 : index
        %swap3A_406 = tpu.vector_load %arg20[%swap3A_404, %swap3A_405] {strides = array<i32>} : memref<256x16xf32, #tpu.memory_space<vmem>>, vector<1x16xf32>,
        %swap3A_407 = vector.shape_cast %swap3A_406 : vector<1x16xf32> to vector<16xf32>
        %swap3A_408 = vector.shape_cast %max3A_399 : vector<16xf32> to vector<1x16xf32>
        tpu.vector_store %arg20[%swap3A_404, %swap3A_405], %swap3A_408 {strides = array<i32>} : memref<256x16xf32, #tpu.memory_space<vmem>>, vector<1x16xf32>,
        %mul3A_409 = arith.constant 8 : i32
        %mul3A_410 = arith.muli %scan3A_271, %mul3A_409 : i32
        %add3A_411 = arith.constant 7 : i32
        %add3A_412 = arith.addi %mul3A_410, %add3A_411 : i32
        %get3A_413 = arith.index_cast %add3A_412 : i32 to index
        %get3A_414 = arith.constant 0 : index
        %get3A_415 = tpu.vector_load %arg20[%get3A_413, %get3A_414] {strides = array<i32>} : memref<256x16xf32, #tpu.memory_space<vmem>>, vector<1x16xf32>,
        %get3A_416 = vector.shape_cast %get3A_415 : vector<1x16xf32> to vector<16xf32>
        %max3A_417 = arith.constant 0.000000e+00 : f32
        %max3A_418 = vector.broadcast %max3A_417 : f32 to vector<16xf32>
        %max3A_419 = arith.maximumf %get3A_416, %max3A_418 : vector<16xf32>
        %mul3A_420 = arith.constant 8 : i32
        %mul3A_421 = arith.muli %scan3A_271, %mul3A_420 : i32
        %add3A_422 = arith.constant 7 : i32
        %add3A_423 = arith.addi %mul3A_421, %add3A_422 : i32
        %swap3A_424 = arith.index_cast %add3A_423 : i32 to index
        %swap3A_425 = arith.constant 0 : index
        %swap3A_426 = tpu.vector_load %arg20[%swap3A_424, %swap3A_425] {strides = array<i32>} : memref<256x16xf32, #tpu.memory_space<vmem>>, vector<1x16xf32>,
        %swap3A_427 = vector.shape_cast %swap3A_426 : vector<1x16xf32> to vector<16xf32>
        %swap3A_428 = vector.shape_cast %max3A_419 : vector<16xf32> to vector<1x16xf32>
        tpu.vector_store %arg20[%swap3A_424, %swap3A_425], %swap3A_428 {strides = array<i32>} : memref<256x16xf32, #tpu.memory_space<vmem>>, vector<1x16xf32>,
      }
      %scan3A_270 = arith.constant 32 : i32
      "tpu.region"() ({
        %run_scoped3A = tpu.sem_alloc : memref<!tpu.dma_semaphore, #tpu.memory_space<semaphore_mem>>
        %dma_start3A_271 = arith.constant 0 : i32
        %dma_start3A_272 = tpu.memref_slice %arg19[%scan3A_256, %dma_start3A_271] : memref<49x256xi32, #tpu.memory_space<vmem>> -> memref<1x256xi32, #tpu.memory_space<vmem>>
        %dma_start3A_273 = tpu.memref_squeeze %dma_start3A_272 : memref<1x256xi32, #tpu.memory_space<vmem>> -> memref<256xi32, #tpu.memory_space<vmem>>
        %dma_start3A_274 = arith.constant 0 : i32
        %dma_start3A_275 = arith.constant 0 : i32
        %dma_start3A_276 = tpu.memref_slice %arg22[%dma_start3A_274, %dma_start3A_275] : memref<50048x16xf32, #tpu.memory_space<vmem_shared>> -> memref<50048x16xf32, #tpu.memory_space<vmem_shared>>
        tpu.enqueue_indirect_dma source(%arg20 : memref<256x16xf32, #tpu.memory_space<vmem>>) target(%dma_start3A_276 : memref<50048x16xf32, #tpu.memory_space<vmem_shared>>) offsets(%dma_start3A_273 : memref<256xi32, #tpu.memory_space<vmem>>) semaphore(%run_scoped3A : memref<!tpu.dma_semaphore, #tpu.memory_space<semaphore_mem>>) {add = true}
        %dma_wait3A_277 = arith.constant 0 : i32
        %dma_wait3A_278 = tpu.memref_slice %arg19[%scan3A_256, %dma_wait3A_277] : memref<49x256xi32, #tpu.memory_space<vmem>> -> memref<1x256xi32, #tpu.memory_space<vmem>>
        %dma_wait3A_279 = tpu.memref_squeeze %dma_wait3A_278 : memref<1x256xi32, #tpu.memory_space<vmem>> -> memref<256xi32, #tpu.memory_space<vmem>>
        %dma_wait3A_280 = arith.constant 0 : i32
        %dma_wait3A_281 = arith.constant 0 : i32
        %dma_wait3A_282 = tpu.memref_slice %arg22[%dma_wait3A_280, %dma_wait3A_281] : memref<50048x16xf32, #tpu.memory_space<vmem_shared>> -> memref<50048x16xf32, #tpu.memory_space<vmem_shared>>
        tpu.wait_indirect_dma semaphore(%run_scoped3A : memref<!tpu.dma_semaphore, #tpu.memory_space<semaphore_mem>>) src(%arg20 : memref<256x16xf32, #tpu.memory_space<vmem>>) dst(%dma_wait3A_282 : memref<50048x16xf32, #tpu.memory_space<vmem_shared>>)
        tpu.yield
      }) : () -> ()
    }
    %scan3A_247 = arith.constant 49 : i32
    %barrier3A_248 = arith.constant 0 : index
    tpu.barrier barrier_id(%barrier3A_248)
    %mul3A_249 = arith.constant 4 : i32
    %mul3A_250 = arith.muli %arg0, %mul3A_249 : i32
    %add3A_251 = arith.constant 3 : i32
    %add3A_252 = arith.addi %mul3A_250, %add3A_251 : i32
    %mul3A_253 = arith.constant 16 : i32
    %mul3A_254 = arith.muli %add3A_252, %mul3A_253 : i32
    "tpu.region"() ({
      %run_scoped3A = tpu.sem_alloc : memref<!tpu.dma_semaphore, #tpu.memory_space<semaphore_mem>>
      %dma_start3A = tpu.memref_slice %arg16[%mul3A_0, %mul3A_254] : memref<50048x128xf32, #tpu.memory_space<hbm>> -> memref<3128x16xf32, #tpu.memory_space<hbm>>
      %dma_start3A_256 = arith.constant 0 : i32
      %dma_start3A_257 = tpu.memref_slice %arg21[%mul3A_0, %dma_start3A_256] : memref<50048x16xf32, #tpu.memory_space<vmem_shared>> -> memref<3128x16xf32, #tpu.memory_space<vmem_shared>>
      tpu.enqueue_dma source(%dma_start3A_257 : memref<3128x16xf32, #tpu.memory_space<vmem_shared>>) target(%dma_start3A : memref<3128x16xf32, #tpu.memory_space<hbm>>) target_semaphore(%run_scoped3A : memref<!tpu.dma_semaphore, #tpu.memory_space<semaphore_mem>>)
      %dma_wait3A = tpu.memref_slice %arg16[%mul3A_0, %mul3A_254] : memref<50048x128xf32, #tpu.memory_space<hbm>> -> memref<3128x16xf32, #tpu.memory_space<hbm>>
      %dma_wait3A_258 = arith.constant 0 : i32
      %dma_wait3A_259 = tpu.memref_slice %arg21[%mul3A_0, %dma_wait3A_258] : memref<50048x16xf32, #tpu.memory_space<vmem_shared>> -> memref<3128x16xf32, #tpu.memory_space<vmem_shared>>
      tpu.wait_dma2 semaphore(%run_scoped3A : memref<!tpu.dma_semaphore, #tpu.memory_space<semaphore_mem>>) src(%dma_wait3A_259 : memref<3128x16xf32, #tpu.memory_space<vmem_shared>>) dst(%dma_wait3A : memref<3128x16xf32, #tpu.memory_space<hbm>>)
      tpu.yield
    }) : () -> ()
    "tpu.region"() ({
      %run_scoped3A = tpu.sem_alloc : memref<!tpu.dma_semaphore, #tpu.memory_space<semaphore_mem>>
      %dma_start3A = tpu.memref_slice %arg17[%mul3A_0, %mul3A_254] : memref<50048x128xf32, #tpu.memory_space<hbm>> -> memref<3128x16xf32, #tpu.memory_space<hbm>>
      %dma_start3A_256 = arith.constant 0 : i32
      %dma_start3A_257 = tpu.memref_slice %arg22[%mul3A_0, %dma_start3A_256] : memref<50048x16xf32, #tpu.memory_space<vmem_shared>> -> memref<3128x16xf32, #tpu.memory_space<vmem_shared>>
      tpu.enqueue_dma source(%dma_start3A_257 : memref<3128x16xf32, #tpu.memory_space<vmem_shared>>) target(%dma_start3A : memref<3128x16xf32, #tpu.memory_space<hbm>>) target_semaphore(%run_scoped3A : memref<!tpu.dma_semaphore, #tpu.memory_space<semaphore_mem>>)
      %dma_wait3A = tpu.memref_slice %arg17[%mul3A_0, %mul3A_254] : memref<50048x128xf32, #tpu.memory_space<hbm>> -> memref<3128x16xf32, #tpu.memory_space<hbm>>
      %dma_wait3A_258 = arith.constant 0 : i32
      %dma_wait3A_259 = tpu.memref_slice %arg22[%mul3A_0, %dma_wait3A_258] : memref<50048x16xf32, #tpu.memory_space<vmem_shared>> -> memref<3128x16xf32, #tpu.memory_space<vmem_shared>>
      tpu.wait_dma2 semaphore(%run_scoped3A : memref<!tpu.dma_semaphore, #tpu.memory_space<semaphore_mem>>) src(%dma_wait3A_259 : memref<3128x16xf32, #tpu.memory_space<vmem_shared>>) dst(%dma_wait3A : memref<3128x16xf32, #tpu.memory_space<hbm>>)
      tpu.yield
    }) : () -> ()
    %barrier3A_255 = arith.constant 0 : index
    tpu.barrier barrier_id(%barrier3A_255)
    return
  }
}

module attributes {stable_mosaic.version = 14 : i64} {
  func.func @hetero_gnn_dense_tc(%arg0: i32, %arg1: memref<400x128xf32, #tpu.memory_space<vmem>>, %arg2: memref<400x128xf32, #tpu.memory_space<vmem>>, %arg3: memref<400x128xf32, #tpu.memory_space<vmem>>, %arg4: memref<400x128xf32, #tpu.memory_space<vmem>>, %arg5: memref<400x128xf32, #tpu.memory_space<vmem>>, %arg6: memref<400x128xf32, #tpu.memory_space<vmem>>, %arg7: memref<400x128xf32, #tpu.memory_space<vmem>>, %arg8: memref<128x128xf32, #tpu.memory_space<vmem>>, %arg9: memref<128x128xf32, #tpu.memory_space<vmem>>, %arg10: memref<128x128xf32, #tpu.memory_space<vmem>>, %arg11: memref<128x128xf32, #tpu.memory_space<vmem>>, %arg12: memref<128x128xf32, #tpu.memory_space<vmem>>, %arg13: memref<128x128xf32, #tpu.memory_space<vmem>>, %arg14: memref<128x128xf32, #tpu.memory_space<vmem>>, %arg15: memref<128x128xf32, #tpu.memory_space<vmem>>, %arg16: memref<128x128xf32, #tpu.memory_space<vmem>>, %arg17: memref<128x128xf32, #tpu.memory_space<vmem>>, %arg18: memref<128x128xf32, #tpu.memory_space<vmem>>, %arg19: memref<128x128xf32, #tpu.memory_space<vmem>>, %arg20: memref<1x128xf32, #tpu.memory_space<vmem>>, %arg21: memref<1x128xf32, #tpu.memory_space<vmem>>, %arg22: memref<128x128xf32, #tpu.memory_space<vmem>>, %arg23: memref<1x128xf32, #tpu.memory_space<vmem>>, %arg24: memref<128x64xf32, #tpu.memory_space<vmem>>, %arg25: memref<1x64xf32, #tpu.memory_space<vmem>>, %arg26: memref<400x64xf32, #tpu.memory_space<vmem>>) attributes {dimension_semantics = [#tpu.dimension_semantics<arbitrary>], iteration_bounds = array<i64: 125>, scalar_prefetch = 0 : i64, scratch_operands = 0 : i64, tpu.core_type = #tpu.core_type<tc>, window_params = [{transform_indices = @transform_0, window_bounds = array<i64: 400, 128>}, {transform_indices = @transform_1, window_bounds = array<i64: 400, 128>}, {transform_indices = @transform_2, window_bounds = array<i64: 400, 128>}, {transform_indices = @transform_3, window_bounds = array<i64: 400, 128>}, {transform_indices = @transform_4, window_bounds = array<i64: 400, 128>}, {transform_indices = @transform_5, window_bounds = array<i64: 400, 128>}, {transform_indices = @transform_6, window_bounds = array<i64: 400, 128>}, {pipeline_mode = #tpu.pipeline_mode<synchronous>, transform_indices = @transform_7, window_bounds = array<i64: 128, 128>}, {pipeline_mode = #tpu.pipeline_mode<synchronous>, transform_indices = @transform_8, window_bounds = array<i64: 128, 128>}, {pipeline_mode = #tpu.pipeline_mode<synchronous>, transform_indices = @transform_9, window_bounds = array<i64: 128, 128>}, {pipeline_mode = #tpu.pipeline_mode<synchronous>, transform_indices = @transform_10, window_bounds = array<i64: 128, 128>}, {pipeline_mode = #tpu.pipeline_mode<synchronous>, transform_indices = @transform_11, window_bounds = array<i64: 128, 128>}, {pipeline_mode = #tpu.pipeline_mode<synchronous>, transform_indices = @transform_12, window_bounds = array<i64: 128, 128>}, {pipeline_mode = #tpu.pipeline_mode<synchronous>, transform_indices = @transform_13, window_bounds = array<i64: 128, 128>}, {pipeline_mode = #tpu.pipeline_mode<synchronous>, transform_indices = @transform_14, window_bounds = array<i64: 128, 128>}, {pipeline_mode = #tpu.pipeline_mode<synchronous>, transform_indices = @transform_15, window_bounds = array<i64: 128, 128>}, {pipeline_mode = #tpu.pipeline_mode<synchronous>, transform_indices = @transform_16, window_bounds = array<i64: 128, 128>}, {pipeline_mode = #tpu.pipeline_mode<synchronous>, transform_indices = @transform_17, window_bounds = array<i64: 128, 128>}, {pipeline_mode = #tpu.pipeline_mode<synchronous>, transform_indices = @transform_18, window_bounds = array<i64: 128, 128>}, {pipeline_mode = #tpu.pipeline_mode<synchronous>, transform_indices = @transform_19, window_bounds = array<i64: 1, 128>}, {pipeline_mode = #tpu.pipeline_mode<synchronous>, transform_indices = @transform_20, window_bounds = array<i64: 1, 128>}, {pipeline_mode = #tpu.pipeline_mode<synchronous>, transform_indices = @transform_21, window_bounds = array<i64: 128, 128>}, {pipeline_mode = #tpu.pipeline_mode<synchronous>, transform_indices = @transform_22, window_bounds = array<i64: 1, 128>}, {pipeline_mode = #tpu.pipeline_mode<synchronous>, transform_indices = @transform_23, window_bounds = array<i64: 128, 64>}, {pipeline_mode = #tpu.pipeline_mode<synchronous>, transform_indices = @transform_24, window_bounds = array<i64: 1, 64>}, {transform_indices = @transform_25, window_bounds = array<i64: 400, 64>}]} {
    %get3A = arith.constant 0 : index
    %get3A_0 = arith.constant 0 : index
    %get3A_1 = vector.load %arg14[%get3A, %get3A_0] : memref<128x128xf32, #tpu.memory_space<vmem>>, vector<128x128xf32>
    %get3A_2 = arith.constant 0 : index
    %get3A_3 = arith.constant 0 : index
    %get3A_4 = vector.load %arg15[%get3A_2, %get3A_3] : memref<128x128xf32, #tpu.memory_space<vmem>>, vector<128x128xf32>
    %add3A = arith.addf %get3A_1, %get3A_4 : vector<128x128xf32>
    %get3A_5 = arith.constant 0 : index
    %get3A_6 = arith.constant 0 : index
    %get3A_7 = vector.load %arg16[%get3A_5, %get3A_6] : memref<128x128xf32, #tpu.memory_space<vmem>>, vector<128x128xf32>
    %add3A_8 = arith.addf %add3A, %get3A_7 : vector<128x128xf32>
    %get3A_9 = arith.constant 0 : index
    %get3A_10 = arith.constant 0 : index
    %get3A_11 = vector.load %arg17[%get3A_9, %get3A_10] : memref<128x128xf32, #tpu.memory_space<vmem>>, vector<128x128xf32>
    %get3A_12 = arith.constant 0 : index
    %get3A_13 = arith.constant 0 : index
    %get3A_14 = vector.load %arg18[%get3A_12, %get3A_13] : memref<128x128xf32, #tpu.memory_space<vmem>>, vector<128x128xf32>
    %add3A_15 = arith.addf %get3A_11, %get3A_14 : vector<128x128xf32>
    %get3A_16 = arith.constant 0 : index
    %get3A_17 = arith.constant 0 : index
    %get3A_18 = vector.load %arg19[%get3A_16, %get3A_17] : memref<128x128xf32, #tpu.memory_space<vmem>>, vector<128x128xf32>
    %add3A_19 = arith.addf %add3A_15, %get3A_18 : vector<128x128xf32>
    %get3A_20 = arith.constant 0 : index
    %get3A_21 = arith.constant 0 : index
    %get3A_22 = vector.load %arg1[%get3A_20, %get3A_21] : memref<400x128xf32, #tpu.memory_space<vmem>>, vector<400x128xf32>
    %get3A_23 = arith.constant 0 : index
    %get3A_24 = arith.constant 0 : index
    %get3A_25 = vector.load %arg8[%get3A_23, %get3A_24] : memref<128x128xf32, #tpu.memory_space<vmem>>, vector<128x128xf32>
    %dot_general3A = arith.constant dense<0.000000e+00> : vector<400x128xf32>
    %dot_general3A_26 = tpu.matmul %get3A_22, %get3A_25, %dot_general3A {dimension_numbers = #tpu.dot_dimension_numbers<[1], [0], [0], [1], [0, 0, 1, 1], [], []>, transpose_lhs_hint = false} : vector<400x128xf32>, vector<128x128xf32>, vector<400x128xf32> -> vector<400x128xf32>
    %get3A_27 = arith.constant 0 : index
    %get3A_28 = arith.constant 0 : index
    %get3A_29 = vector.load %arg2[%get3A_27, %get3A_28] : memref<400x128xf32, #tpu.memory_space<vmem>>, vector<400x128xf32>
    %get3A_30 = arith.constant 0 : index
    %get3A_31 = arith.constant 0 : index
    %get3A_32 = vector.load %arg9[%get3A_30, %get3A_31] : memref<128x128xf32, #tpu.memory_space<vmem>>, vector<128x128xf32>
    %dot_general3A_33 = arith.constant dense<0.000000e+00> : vector<400x128xf32>
    %dot_general3A_34 = tpu.matmul %get3A_29, %get3A_32, %dot_general3A_33 {dimension_numbers = #tpu.dot_dimension_numbers<[1], [0], [0], [1], [0, 0, 1, 1], [], []>, transpose_lhs_hint = false} : vector<400x128xf32>, vector<128x128xf32>, vector<400x128xf32> -> vector<400x128xf32>
    %add3A_35 = arith.addf %dot_general3A_26, %dot_general3A_34 : vector<400x128xf32>
    %get3A_36 = arith.constant 0 : index
    %get3A_37 = arith.constant 0 : index
    %get3A_38 = vector.load %arg3[%get3A_36, %get3A_37] : memref<400x128xf32, #tpu.memory_space<vmem>>, vector<400x128xf32>
    %get3A_39 = arith.constant 0 : index
    %get3A_40 = arith.constant 0 : index
    %get3A_41 = vector.load %arg10[%get3A_39, %get3A_40] : memref<128x128xf32, #tpu.memory_space<vmem>>, vector<128x128xf32>
    %dot_general3A_42 = arith.constant dense<0.000000e+00> : vector<400x128xf32>
    %dot_general3A_43 = tpu.matmul %get3A_38, %get3A_41, %dot_general3A_42 {dimension_numbers = #tpu.dot_dimension_numbers<[1], [0], [0], [1], [0, 0, 1, 1], [], []>, transpose_lhs_hint = false} : vector<400x128xf32>, vector<128x128xf32>, vector<400x128xf32> -> vector<400x128xf32>
    %add3A_44 = arith.addf %add3A_35, %dot_general3A_43 : vector<400x128xf32>
    %get3A_45 = arith.constant 0 : index
    %get3A_46 = arith.constant 0 : index
    %get3A_47 = vector.load %arg7[%get3A_45, %get3A_46] : memref<400x128xf32, #tpu.memory_space<vmem>>, vector<400x128xf32>
    %dot_general3A_48 = arith.constant dense<0.000000e+00> : vector<400x128xf32>
    %dot_general3A_49 = tpu.matmul %get3A_47, %add3A_8, %dot_general3A_48 {dimension_numbers = #tpu.dot_dimension_numbers<[1], [0], [0], [1], [0, 0, 1, 1], [], []>, transpose_lhs_hint = false} : vector<400x128xf32>, vector<128x128xf32>, vector<400x128xf32> -> vector<400x128xf32>
    %add3A_50 = arith.addf %add3A_44, %dot_general3A_49 : vector<400x128xf32>
    %get3A_51 = arith.constant 0 : index
    %get3A_52 = arith.constant 0 : index
    %get3A_53 = vector.load %arg20[%get3A_51, %get3A_52] : memref<1x128xf32, #tpu.memory_space<vmem>>, vector<1x128xf32>
    %add3A_54 = vector.broadcast %get3A_53 : vector<1x128xf32> to vector<400x128xf32>
    %add3A_55 = arith.addf %add3A_50, %add3A_54 : vector<400x128xf32>
    %max3A = arith.constant 0.000000e+00 : f32
    %max3A_56 = vector.broadcast %max3A : f32 to vector<400x128xf32>
    %max3A_57 = arith.maximumf %add3A_55, %max3A_56 : vector<400x128xf32>
    %get3A_58 = arith.constant 0 : index
    %get3A_59 = arith.constant 0 : index
    %get3A_60 = vector.load %arg4[%get3A_58, %get3A_59] : memref<400x128xf32, #tpu.memory_space<vmem>>, vector<400x128xf32>
    %get3A_61 = arith.constant 0 : index
    %get3A_62 = arith.constant 0 : index
    %get3A_63 = vector.load %arg11[%get3A_61, %get3A_62] : memref<128x128xf32, #tpu.memory_space<vmem>>, vector<128x128xf32>
    %dot_general3A_64 = arith.constant dense<0.000000e+00> : vector<400x128xf32>
    %dot_general3A_65 = tpu.matmul %get3A_60, %get3A_63, %dot_general3A_64 {dimension_numbers = #tpu.dot_dimension_numbers<[1], [0], [0], [1], [0, 0, 1, 1], [], []>, transpose_lhs_hint = false} : vector<400x128xf32>, vector<128x128xf32>, vector<400x128xf32> -> vector<400x128xf32>
    %get3A_66 = arith.constant 0 : index
    %get3A_67 = arith.constant 0 : index
    %get3A_68 = vector.load %arg5[%get3A_66, %get3A_67] : memref<400x128xf32, #tpu.memory_space<vmem>>, vector<400x128xf32>
    %get3A_69 = arith.constant 0 : index
    %get3A_70 = arith.constant 0 : index
    %get3A_71 = vector.load %arg12[%get3A_69, %get3A_70] : memref<128x128xf32, #tpu.memory_space<vmem>>, vector<128x128xf32>
    %dot_general3A_72 = arith.constant dense<0.000000e+00> : vector<400x128xf32>
    %dot_general3A_73 = tpu.matmul %get3A_68, %get3A_71, %dot_general3A_72 {dimension_numbers = #tpu.dot_dimension_numbers<[1], [0], [0], [1], [0, 0, 1, 1], [], []>, transpose_lhs_hint = false} : vector<400x128xf32>, vector<128x128xf32>, vector<400x128xf32> -> vector<400x128xf32>
    %add3A_74 = arith.addf %dot_general3A_65, %dot_general3A_73 : vector<400x128xf32>
    %get3A_75 = arith.constant 0 : index
    %get3A_76 = arith.constant 0 : index
    %get3A_77 = vector.load %arg6[%get3A_75, %get3A_76] : memref<400x128xf32, #tpu.memory_space<vmem>>, vector<400x128xf32>
    %get3A_78 = arith.constant 0 : index
    %get3A_79 = arith.constant 0 : index
    %get3A_80 = vector.load %arg13[%get3A_78, %get3A_79] : memref<128x128xf32, #tpu.memory_space<vmem>>, vector<128x128xf32>
    %dot_general3A_81 = arith.constant dense<0.000000e+00> : vector<400x128xf32>
    %dot_general3A_82 = tpu.matmul %get3A_77, %get3A_80, %dot_general3A_81 {dimension_numbers = #tpu.dot_dimension_numbers<[1], [0], [0], [1], [0, 0, 1, 1], [], []>, transpose_lhs_hint = false} : vector<400x128xf32>, vector<128x128xf32>, vector<400x128xf32> -> vector<400x128xf32>
    %add3A_83 = arith.addf %add3A_74, %dot_general3A_82 : vector<400x128xf32>
    %dot_general3A_84 = arith.constant dense<0.000000e+00> : vector<400x128xf32>
    %dot_general3A_85 = tpu.matmul %max3A_57, %add3A_19, %dot_general3A_84 {dimension_numbers = #tpu.dot_dimension_numbers<[1], [0], [0], [1], [0, 0, 1, 1], [], []>, transpose_lhs_hint = false} : vector<400x128xf32>, vector<128x128xf32>, vector<400x128xf32> -> vector<400x128xf32>
    %add3A_86 = arith.addf %add3A_83, %dot_general3A_85 : vector<400x128xf32>
    %get3A_87 = arith.constant 0 : index
    %get3A_88 = arith.constant 0 : index
    %get3A_89 = vector.load %arg21[%get3A_87, %get3A_88] : memref<1x128xf32, #tpu.memory_space<vmem>>, vector<1x128xf32>
    %add3A_90 = vector.broadcast %get3A_89 : vector<1x128xf32> to vector<400x128xf32>
    %add3A_91 = arith.addf %add3A_86, %add3A_90 : vector<400x128xf32>
    %max3A_92 = arith.constant 0.000000e+00 : f32
    %max3A_93 = vector.broadcast %max3A_92 : f32 to vector<400x128xf32>
    %max3A_94 = arith.maximumf %add3A_91, %max3A_93 : vector<400x128xf32>
    %get3A_95 = arith.constant 0 : index
    %get3A_96 = arith.constant 0 : index
    %get3A_97 = vector.load %arg22[%get3A_95, %get3A_96] : memref<128x128xf32, #tpu.memory_space<vmem>>, vector<128x128xf32>
    %dot_general3A_98 = arith.constant dense<0.000000e+00> : vector<400x128xf32>
    %dot_general3A_99 = tpu.matmul %max3A_94, %get3A_97, %dot_general3A_98 {dimension_numbers = #tpu.dot_dimension_numbers<[1], [0], [0], [1], [0, 0, 1, 1], [], []>, transpose_lhs_hint = false} : vector<400x128xf32>, vector<128x128xf32>, vector<400x128xf32> -> vector<400x128xf32>
    %get3A_100 = arith.constant 0 : index
    %get3A_101 = arith.constant 0 : index
    %get3A_102 = vector.load %arg23[%get3A_100, %get3A_101] : memref<1x128xf32, #tpu.memory_space<vmem>>, vector<1x128xf32>
    %add3A_103 = vector.broadcast %get3A_102 : vector<1x128xf32> to vector<400x128xf32>
    %add3A_104 = arith.addf %dot_general3A_99, %add3A_103 : vector<400x128xf32>
    %get3A_105 = arith.constant 0 : index
    %get3A_106 = arith.constant 0 : index
    %get3A_107 = vector.load %arg24[%get3A_105, %get3A_106] : memref<128x64xf32, #tpu.memory_space<vmem>>, vector<128x64xf32>
    %dot_general3A_108 = arith.constant dense<0.000000e+00> : vector<400x64xf32>
    %dot_general3A_109 = tpu.matmul %add3A_104, %get3A_107, %dot_general3A_108 {dimension_numbers = #tpu.dot_dimension_numbers<[1], [0], [0], [1], [0, 0, 1, 1], [], []>, transpose_lhs_hint = false} : vector<400x128xf32>, vector<128x64xf32>, vector<400x64xf32> -> vector<400x64xf32>
    %get3A_110 = arith.constant 0 : index
    %get3A_111 = arith.constant 0 : index
    %get3A_112 = vector.load %arg25[%get3A_110, %get3A_111] : memref<1x64xf32, #tpu.memory_space<vmem>>, vector<1x64xf32>
    %add3A_113 = vector.broadcast %get3A_112 : vector<1x64xf32> to vector<400x64xf32>
    %add3A_114 = arith.addf %dot_general3A_109, %add3A_113 : vector<400x64xf32>
    %swap3A = arith.constant 0 : index
    %swap3A_115 = arith.constant 0 : index
    %swap3A_116 = vector.load %arg26[%swap3A, %swap3A_115] : memref<400x64xf32, #tpu.memory_space<vmem>>, vector<400x64xf32>
    tpu.vector_store %arg26[%swap3A, %swap3A_115], %add3A_114 {strides = array<i32>} : memref<400x64xf32, #tpu.memory_space<vmem>>, vector<400x64xf32>,
    return
  }
  func.func @transform_0(%arg0: i32) -> (i32, i32) {
    %c0_i32 = arith.constant 0 : i32
    %c0_i32_0 = arith.constant 0 : i32
    return %arg0, %c0_i32 : i32, i32
  }
  func.func @transform_1(%arg0: i32) -> (i32, i32) {
    %c0_i32 = arith.constant 0 : i32
    %c0_i32_0 = arith.constant 0 : i32
    return %arg0, %c0_i32 : i32, i32
  }
  func.func @transform_2(%arg0: i32) -> (i32, i32) {
    %c0_i32 = arith.constant 0 : i32
    %c0_i32_0 = arith.constant 0 : i32
    return %arg0, %c0_i32 : i32, i32
  }
  func.func @transform_3(%arg0: i32) -> (i32, i32) {
    %c0_i32 = arith.constant 0 : i32
    %c0_i32_0 = arith.constant 0 : i32
    return %arg0, %c0_i32 : i32, i32
  }
  func.func @transform_4(%arg0: i32) -> (i32, i32) {
    %c0_i32 = arith.constant 0 : i32
    %c0_i32_0 = arith.constant 0 : i32
    return %arg0, %c0_i32 : i32, i32
  }
  func.func @transform_5(%arg0: i32) -> (i32, i32) {
    %c0_i32 = arith.constant 0 : i32
    %c0_i32_0 = arith.constant 0 : i32
    return %arg0, %c0_i32 : i32, i32
  }
  func.func @transform_6(%arg0: i32) -> (i32, i32) {
    %c0_i32 = arith.constant 0 : i32
    %c0_i32_0 = arith.constant 0 : i32
    return %arg0, %c0_i32 : i32, i32
  }
  func.func @transform_7(%arg0: i32) -> (i32, i32) {
    %c0_i32 = arith.constant 0 : i32
    %c0_i32_0 = arith.constant 0 : i32
    %c0_i32_1 = arith.constant 0 : i32
    return %c0_i32, %c0_i32_0 : i32, i32
  }
  func.func @transform_8(%arg0: i32) -> (i32, i32) {
    %c0_i32 = arith.constant 0 : i32
    %c0_i32_0 = arith.constant 0 : i32
    %c0_i32_1 = arith.constant 0 : i32
    return %c0_i32, %c0_i32_0 : i32, i32
  }
  func.func @transform_9(%arg0: i32) -> (i32, i32) {
    %c0_i32 = arith.constant 0 : i32
    %c0_i32_0 = arith.constant 0 : i32
    %c0_i32_1 = arith.constant 0 : i32
    return %c0_i32, %c0_i32_0 : i32, i32
  }
  func.func @transform_10(%arg0: i32) -> (i32, i32) {
    %c0_i32 = arith.constant 0 : i32
    %c0_i32_0 = arith.constant 0 : i32
    %c0_i32_1 = arith.constant 0 : i32
    return %c0_i32, %c0_i32_0 : i32, i32
  }
  func.func @transform_11(%arg0: i32) -> (i32, i32) {
    %c0_i32 = arith.constant 0 : i32
    %c0_i32_0 = arith.constant 0 : i32
    %c0_i32_1 = arith.constant 0 : i32
    return %c0_i32, %c0_i32_0 : i32, i32
  }
  func.func @transform_12(%arg0: i32) -> (i32, i32) {
    %c0_i32 = arith.constant 0 : i32
    %c0_i32_0 = arith.constant 0 : i32
    %c0_i32_1 = arith.constant 0 : i32
    return %c0_i32, %c0_i32_0 : i32, i32
  }
  func.func @transform_13(%arg0: i32) -> (i32, i32) {
    %c0_i32 = arith.constant 0 : i32
    %c0_i32_0 = arith.constant 0 : i32
    %c0_i32_1 = arith.constant 0 : i32
    return %c0_i32, %c0_i32_0 : i32, i32
  }
  func.func @transform_14(%arg0: i32) -> (i32, i32) {
    %c0_i32 = arith.constant 0 : i32
    %c0_i32_0 = arith.constant 0 : i32
    %c0_i32_1 = arith.constant 0 : i32
    return %c0_i32, %c0_i32_0 : i32, i32
  }
  func.func @transform_15(%arg0: i32) -> (i32, i32) {
    %c0_i32 = arith.constant 0 : i32
    %c0_i32_0 = arith.constant 0 : i32
    %c0_i32_1 = arith.constant 0 : i32
    return %c0_i32, %c0_i32_0 : i32, i32
  }
  func.func @transform_16(%arg0: i32) -> (i32, i32) {
    %c0_i32 = arith.constant 0 : i32
    %c0_i32_0 = arith.constant 0 : i32
    %c0_i32_1 = arith.constant 0 : i32
    return %c0_i32, %c0_i32_0 : i32, i32
  }
  func.func @transform_17(%arg0: i32) -> (i32, i32) {
    %c0_i32 = arith.constant 0 : i32
    %c0_i32_0 = arith.constant 0 : i32
    %c0_i32_1 = arith.constant 0 : i32
    return %c0_i32, %c0_i32_0 : i32, i32
  }
  func.func @transform_18(%arg0: i32) -> (i32, i32) {
    %c0_i32 = arith.constant 0 : i32
    %c0_i32_0 = arith.constant 0 : i32
    %c0_i32_1 = arith.constant 0 : i32
    return %c0_i32, %c0_i32_0 : i32, i32
  }
  func.func @transform_19(%arg0: i32) -> (i32, i32) {
    %c0_i32 = arith.constant 0 : i32
    %c0_i32_0 = arith.constant 0 : i32
    %c0_i32_1 = arith.constant 0 : i32
    return %c0_i32, %c0_i32_0 : i32, i32
  }
  func.func @transform_20(%arg0: i32) -> (i32, i32) {
    %c0_i32 = arith.constant 0 : i32
    %c0_i32_0 = arith.constant 0 : i32
    %c0_i32_1 = arith.constant 0 : i32
    return %c0_i32, %c0_i32_0 : i32, i32
  }
  func.func @transform_21(%arg0: i32) -> (i32, i32) {
    %c0_i32 = arith.constant 0 : i32
    %c0_i32_0 = arith.constant 0 : i32
    %c0_i32_1 = arith.constant 0 : i32
    return %c0_i32, %c0_i32_0 : i32, i32
  }
  func.func @transform_22(%arg0: i32) -> (i32, i32) {
    %c0_i32 = arith.constant 0 : i32
    %c0_i32_0 = arith.constant 0 : i32
    %c0_i32_1 = arith.constant 0 : i32
    return %c0_i32, %c0_i32_0 : i32, i32
  }
  func.func @transform_23(%arg0: i32) -> (i32, i32) {
    %c0_i32 = arith.constant 0 : i32
    %c0_i32_0 = arith.constant 0 : i32
    %c0_i32_1 = arith.constant 0 : i32
    return %c0_i32, %c0_i32_0 : i32, i32
  }
  func.func @transform_24(%arg0: i32) -> (i32, i32) {
    %c0_i32 = arith.constant 0 : i32
    %c0_i32_0 = arith.constant 0 : i32
    %c0_i32_1 = arith.constant 0 : i32
    return %c0_i32, %c0_i32_0 : i32, i32
  }
  func.func @transform_25(%arg0: i32) -> (i32, i32) {
    %c0_i32 = arith.constant 0 : i32
    %c0_i32_0 = arith.constant 0 : i32
    return %arg0, %c0_i32 : i32, i32
  }
}

</mosaic_0001>

<sc_bundles>
// kernel: hetero_gnn_segsum_sc.3.cloned.1.call-start
scs
__scs_entry_jumppad:
0x0: {  	(pc) =	sbr.rel $0x88, $3  }
0x1: {  	(tag) =	ssettag $0x0;
	lr =	simm.s32 $0x1  }
0x2: {  	[smem:$0x3F84] =	sst lr;
	_ =	strace $0xD0000000  }
0x3: {  	_ = 	snop  }
0x4: {  	_ = 	snop  }
0x5: {  	_ = 	snop  }
0x6: {  	_ = 	snop  }
0x7: {  	_ = 	snop  }
__scs_overlays_trampoline_lowered:
0x8: {  	[smem:$0x3F93] =	sst s0  }
0x9: {  	[smem:$0x3F94] =	sst s1  }
0xa: {  	[smem:$0x3F95] =	sst s2  }
0xb: {  	[smem:$0x3F96] =	sst s3  }
0xc: {  	[smem:$0x3F97] =	sst s4  }
0xd: {  	[smem:$0x3F98] =	sst s5  }
0xe: {  	[smem:$0x3F99] =	sst s6  }
0xf: {  	[smem:$0x3F9A] =	sst s7  }
0x10: {  	[smem:$0x3F9B] =	sst s8  }
0x11: {  	[smem:$0x3F9C] =	sst s9;
	s0 =	simm.s32 @!p0 $0x0  }
0x12: {  	s1 =	sld [smem:$0x3F82];
	s0 =	simm.s32 @p0 $0x1  }
0x13: {  	[smem:$0x3F9D] =	sst s0;
	s0 =	simm.s32 @!p1 $0x0  }
0x14: {  	s2 =	sld [smem:$0x3F81];
	s0 =	simm.s32 @p1 $0x1  }
0x15: {  	[smem:$0x3F9E] =	sst s0;
	s0 =	simm.s32 @!p2 $0x0  }
0x16: {  	s3 =	sld [smem:$0x3FDB];
	s0 =	simm.s32 @p2 $0x1  }
0x17: {  	s4 =	simm.s32 $0x1BF5;
	[smem:$0x3FA0] =	sst s0  }
0x18: {  	s0 =	sld [smem:$0x3F83];
	_ =	swait.ge [sflag:s4], $0x0  }
0x19: {  	s7 =	sld [smem:$0x3F84]  }
0x1a: {  	s8 =	sadd.s32 $0xFFFFE003, lr  }
0x1b: {  	s9 =	sadd.s32 $0xFFFFFEF7, lr;
	s5 =	simm.s32 $0xFFFFFFFF;
	p2 =	slt.u32 s8, $0xFFFFF086  }
0x1c: {  	p1 =	slt.u32 s9, $0xF7A;
	s5 =	simm.s32 @!p2 $0x0  }
0x1d: {  	s5 =	simm.s32 @p1 $0x1;
	p0 =	seq.s32 s7, s2  }
0x1e: {  	s7 =	smul.u32 @!p0 $0xF7A, s2;
	p2 =	seq.s32 @!p0 s5, $0x0  }
0x1f: {  	s9 =	smul.u32 $0xF7A, s1;
	s8 =	simm.s32 @!p0 $0x1BF5;
	p2 =	por !p2, p0  }
0x20: {  	[sflag:s8] =	ssyncset.s32 @!p0 $0xFFFFF086;
	s6 =	sadd.s32 @!p0 s3, s7;
	s7 =	simm.s32 @!p0 $0x108  }
0x21: {  	s3 =	sadd.s32 s3, s9;
	s6 =	sadd.s32 @!p0 $0x88, s6;
	s7 =	simm.s32 @p2 $0x1082  }
0x22: {  	[simem:s7], [sflag:s8] =	dma.local @!p0 [hbm:s6], $0xF7A  }
0x23: {  	s9 =	sor.u32 $0xD0000000, s2;
	s6 =	simm.s32 $0x108;
	_ =	swait.ge @!p0 [sflag:s8], $0x0  }
0x24: {  	s3 =	sadd.s32 $0x88, s3;
	s6 =	simm.s32 @!p1 $0x1082;
	[sflag:s4] =	ssyncset.s32 $0xFFFFF086  }
0x25: {  	[simem:s6], [sflag:s4] =	dma.local [hbm:s3], $0xF7A  }
0x26: {  	[smem:$0x3F84] =	sst s1;
	(tag) =	ssettag s2;
	_ =	strace s9  }
0x27: {  	s1 =	sld [smem:$0x3F94]  }
0x28: {  	s2 =	sld [smem:$0x3F95]  }
0x29: {  	s4 =	sld [smem:$0x3F97]  }
0x2a: {  	p0 =	seq.s32 s5, $0x0;
	s5 =	sld [smem:$0x3F98]  }
0x2b: {  	s6 =	sld [smem:$0x3F99]  }
0x2c: {  	s7 =	sld [smem:$0x3F9A]  }
0x2d: {  	s3 =	simm.s32 $0x108;
	s8 =	sld [smem:$0x3F9B]  }
0x2e: {  	s3 =	simm.s32 @!p0 $0x1082;
	s9 =	sld [smem:$0x3F9C]  }
0x2f: {  	lr =	sadd.s32 s0, s3;
	s0 =	sld [smem:$0x3F93]  }
0x30: {  	s3 =	sld [smem:$0x3F96]  }
0x31: {  	[smem:$0x3F9F] =	sst s10  }
0x32: {  	s10 =	sld [smem:$0x3F9D];
	_ =	sdelay $0x3  }
0x33: {  	p0 =	seq.s32 s10, $0x1;
	s10 =	sld [smem:$0x3F9F];
	_ =	sdelay $0x3  }
0x34: {  	[smem:$0x3F9F] =	sst s10  }
0x35: {  	s10 =	sld [smem:$0x3F9E];
	_ =	sdelay $0x3  }
0x36: {  	p1 =	seq.s32 s10, $0x1;
	s10 =	sld [smem:$0x3F9F];
	_ =	sdelay $0x3  }
0x37: {  	[smem:$0x3F9F] =	sst s10  }
0x38: {  	s10 =	sld [smem:$0x3FA0]  }
0x39: {  	_ = 	snop;
	(pc) =	sbr.ind lr, $3  }
0x3a: {  	_ = 	snop  }
0x3b: {  	_ = 	snop  }
0x3c: {  	p2 =	seq.s32 s10, $0x1;
	s10 =	sld [smem:$0x3F9F]  }
0x3d: {  	_ =	shalt  }
0x3e: {  	_ =	shalt  }
0x3f: {  	_ =	shalt  }
0x40: {  	_ =	shalt  }
0x41: {  	_ =	shalt  }
0x42: {  	_ =	shalt  }
0x43: {  	_ =	shalt  }
0x44: {  	_ =	shalt  }
0x45: {  	_ =	shalt  }
0x46: {  	_ =	shalt  }
0x47: {  	_ =	shalt  }
0x48: {  	_ =	shalt  }
0x49: {  	_ =	shalt  }
0x4a: {  	_ =	shalt  }
0x4b: {  	_ =	shalt  }
0x4c: {  	_ =	shalt  }
0x4d: {  	_ =	shalt  }
0x4e: {  	_ =	shalt  }
0x4f: {  	_ =	shalt  }
0x50: {  	_ =	shalt  }
0x51: {  	_ =	shalt  }
0x52: {  	_ =	shalt  }
0x53: {  	_ =	shalt  }
0x54: {  	_ =	shalt  }
0x55: {  	_ =	shalt  }
0x56: {  	_ =	shalt  }
0x57: {  	_ =	shalt  }
0x58: {  	_ =	shalt  }
0x59: {  	_ =	shalt  }
0x5a: {  	_ =	shalt  }
0x5b: {  	_ =	shalt  }
0x5c: {  	_ =	shalt  }
0x5d: {  	_ =	shalt  }
0x5e: {  	_ =	shalt  }
0x5f: {  	_ =	shalt  }
0x60: {  	_ =	shalt  }
0x61: {  	_ =	shalt  }
0x62: {  	_ =	shalt  }
0x63: {  	_ =	shalt  }
0x64: {  	_ =	shalt  }
0x65: {  	_ =	shalt  }
0x66: {  	_ =	shalt  }
0x67: {  	_ =	shalt  }
0x68: {  	_ =	shalt  }
0x69: {  	_ =	shalt  }
0x6a: {  	_ =	shalt  }
0x6b: {  	_ =	shalt  }
0x6c: {  	_ =	shalt  }
0x6d: {  	_ =	shalt  }
0x6e: {  	_ =	shalt  }
0x6f: {  	_ =	shalt  }
0x70: {  	_ =	shalt  }
0x71: {  	_ =	shalt  }
0x72: {  	_ =	shalt  }
0x73: {  	_ =	shalt  }
0x74: {  	_ =	shalt  }
0x75: {  	_ =	shalt  }
0x76: {  	_ =	shalt  }
0x77: {  	_ =	shalt  }
0x78: {  	_ =	shalt  }
0x79: {  	_ =	shalt  }
0x7a: {  	_ =	shalt  }
0x7b: {  	_ =	shalt  }
0x7c: {  	_ =	shalt  }
0x7d: {  	_ =	shalt  }
0x7e: {  	_ =	shalt  }
0x7f: {  	_ =	shalt  }
0x80: {  	_ =	shalt  }
0x81: {  	_ =	shalt  }
0x82: {  	_ =	shalt  }
0x83: {  	_ =	shalt  }
0x84: {  	_ =	shalt  }
0x85: {  	_ =	shalt  }
0x86: {  	_ =	shalt  }
0x87: {  	_ =	shalt  }
.Lfunc_end0:
.L_simem_size_0:
called_computation_lowered:
.L_overlay_start_0:
0x88: {  	s2 =	sld [smem:$0x3FD9]  }
0x89: {  	s3 =	sld [smem:$0x3FFE];
	_ =	sdelay $0x1  }
0x8a: {  	s1 =	srdreg.scid  }
0x8b: {  	s0 =	sand.u32 $0x1, s1  }
0x8c: {  	s17 =	sshll.u32 s0, $0xA;
	s2 =	sadd.s32 s3, s2  }
0x8d: {  	s2 =	sadd.s32 s2, s17  }
0x8e: {  	[smem:$0x3FAB] =	sst s2  }
0x8f: {  	_ = 	snop  }
0x90: {  	s2 =	sld [smem:$0x3FC9]  }
0x91: {  	s18 =	sld [smem:$0x3FC8]  }
0x92: {  	s4 =	sld [smem:$0x3FC7]  }
0x93: {  	s5 =	sld [smem:$0x3FD0];
	(tm) =	ssettm $0x1  }
0x94: {  	s6 =	sld [smem:$0x3FFB];
	_ =	sdelay $0x3  }
0x95: {  	_ =	strace s6  }
0x96: {  	s6 =	sld [smem:$0x3FFC];
	_ =	sdelay $0x3  }
0x97: {  	_ =	strace s6  }
0x98: {  	s6 =	sld [smem:$0x3FFD];
	_ =	sdelay $0x3  }
0x99: {  	_ =	strace s6  }
0x9a: {  	_ =	strace $0x8FFFFFFF  }
0x9b: {  	s19 =	sld [smem:$0x3FDB];
	_ =	sdelay $0x1  }
0x9c: {  	s7 =	simm.s32 $_scs_section_size  }
0x9d: {  	s8 =	simm.s32 $_size__tile_overlayer_lowered;
	s9 =	simm.s32 $_tile_overlayer_lowered  }
0x9e: {  	s22 =	simm.s32 $0x1BFF;
	s21 =	sshll.u32 s9, $0x1;
	s6 =	sadd.s32 s7, s19  }
0x9f: {  	s10 =	simm.s32 $0x0;
	s20 =	sshll.u32 s8, $0x1;
	s8 =	sadd.s32 s21, s6  }
0xa0: {  	[timem:s10], [sflag:s22] =	dma.local [hbm:s8], s20  }
0xa1: {  	_ =	swait.ge [sflag:s22], s20  }
0xa2: {  	s7 =	ssub.s32 $0x0, s20;
	[sflag:s22] =	ssyncset.done $0x0  }
0xa3: {  	[sflag:s22] =	ssyncadd.s32 s7;
	_ =	sdelay $0x1  }
0xa4: {  	s23 =	simm.s32 $0x1B8B  }
0xa5: {  	_ =	swait.ge [sflag:s23], $0x1  }
0xa6: {  	[sflag:s23] =	ssyncset.done $0x0  }
0xa7: {  	s25 =	simm.s32 $0x1B8E;
	s24 =	sld [smem:$0x3FFE];
	[sflag:s23] =	ssyncadd.s32 $0xFFFFFFFF  }
0xa8: {  	s26 =	simm.s32 $execute0_lowered;
	[smem:$0x3FD2] =	sst s25  }
0xa9: {  	s8 =	sshll.u32 s26, $0x1;
	_ =	strace $0x80000046;
	[dreg:$0x1] =	wrdreg $0xFFFFFFFF  }
0xaa: {  	s28 =	simm.s32 $_size_execute0_lowered;
	s6 =	sadd.s32 s6, s8;
	[dreg:$0x0] =	wrdreg $0x0  }
0xab: {  	s8 =	sshll.u32 s28, $0x1;
	[dreg:$0x2] =	wrdreg s6  }
0xac: {  	[dreg:$0x3] =	wrdreg s8  }
0xad: {  	[dreg:$0x4] =	wrdreg $0xC0  }
0xae: {  	_ =	task [dreg:s10], $0x5FFFF  }
0xaf: {  	[dreg:$0x1] =	wrdreg $0xFFFFFFFF  }
0xb0: {  	[dreg:$0x0] =	wrdreg $0x60  }
0xb1: {  	[dreg:$0x2] =	wrdreg s2  }
0xb2: {  	[dreg:$0x3] =	wrdreg s24  }
0xb3: {  	[dreg:$0x4] =	wrdreg s18  }
0xb4: {  	[dreg:$0x5] =	wrdreg s4  }
0xb5: {  	[dreg:$0x6] =	wrdreg s5  }
0xb6: {  	[dreg:$0x7] =	wrdreg $0x72000  }
0xb7: {  	[dreg:$0x8] =	wrdreg $0x135800  }
0xb8: {  	[dreg:$0x9] =	wrdreg $0x9  }
0xb9: {  	_ =	task.clear_ibuf [dreg:s10], $0xAFFFF;
	_ =	strace $0x90000046  }
0xba: {  	s29 =	simm.s32 $0x9;
	_ =	strace $0x80000048  }
0xbb: {  	_ =	swait.ge [sflag:s29], $0x1  }
0xbc: {  	[sflag:s29] =	ssyncadd.s32 $0xFFFFFFFF  }
0xbd: {  	_ =	strace $0x90000048  }
0xbe: {  	_ =	sfence  }
0xbf: {  	s30 =	sld [smem:$0x0];
	_ =	sdelay $0x2  }
0xc0: {  	s31 =	sshll.u32 s1, $0xD;
	s1 =	sshrl.u32 s1, $0x2  }
0xc1: {  	s3 =	sand.u32 $0x4000, s31;
	s1 =	sadd.s32 s1, s30  }
0xc2: {  	s0 =	sor.u32 s3, s0;
	s1 =	sshll.u32 s1, $0x11  }
0xc3: {  	s0 =	sor.u32 s1, s0  }
0xc4: {  	s0 =	sadd.s32 $0x8F2B, s0  }
0xc5: {  	[sflag:s0] =	ssyncadd.remote.s32 $0x1  }
0xc6: {  	_ =	sfence.sel $0xFFFF  }
0xc7: {  	[dreg:$0x0] =	wrdreg $0xFFFFFFFF;
	(pc) =	sbr.abs _section_cstart, $3  }
0xc8: {  	[dreg:$0x1] =	wrdreg $0xFFFFFFFF  }
0xc9: {  	_ =	task.clear_ibuf [dreg:s10], $0x2FFFF;
	_ =	strace $0x9FFFFFFF  }
0xca: {  	(tm) =	ssettm $0x7FFFFFFF  }
0xcb: {  	_ =	shalt  }
tec
execute0_lowered:
.L_overlay_start_1:
0x0: {  	(tag) =	ssettag $0x1  }
0x1: {  	s1 =	rddreg [dreg:$0x0]  }
0x2: {  	s12 =	stileid.u32;
	s18 =	srdreg.scid  }
0x3: {  	s2 =	rddreg [dreg:$0x1];
	s4 =	sand.u32 $0x1, s18;
	s19 =	smul.u32 $0x61C00, s12  }
0x4: {  	s0 =	simm.s32 $0x0;
	s30 =	rddreg [dreg:$0x6];
	s7 =	sshll.u32 s4, $0x6  }
0x5: {  	[smem:$0x7FF] =	sst s0;
	s0 =	sor.u32 s7, s19  }
0x6: {  	s3 =	sadd.s32 $0x22000, s2;
	s5 =	sadd.s32 $0xE5800, s2;
	s0 =	sshrl.u32 s0, $0x3  }
0x7: {  	s8 =	sadd.s32 $0x1A9000, s2;
	s19 =	rddreg [dreg:$0x2];
	s21 =	sadd.s32 s3, s0  }
0x8: {  	s20 =	sadd.s32 $0x26C800, s2;
	s22 =	sadd.s32 s5, s0;
	[dreg:$0x8] =	wrdreg s21  }
0x9: {  	s6 =	ssub.s32 $0x2, s4;
	s28 =	sadd.s32 s8, s0;
	[dreg:$0x9] =	wrdreg s22  }
0xa: {  	s9 =	sshrl.u32 s6, $0x1;
	s29 =	sadd.s32 s20, s0;
	[dreg:$0x10] =	wrdreg s28  }
0xb: {  	s10 =	ssub.s32 s6, s9;
	s6 =	sor.u32 $0x2, s0;
	[dreg:$0x11] =	wrdreg s29  }
0xc: {  	s23 =	sadd.s32 s3, s6;
	s22 =	rddreg [dreg:$0x4]  }
0xd: {  	s9 =	sor.u32 $0x4, s0;
	s24 =	sadd.s32 s5, s6;
	[dreg:$0xa] =	wrdreg s23  }
0xe: {  	s11 =	sadd.s32 s3, s9;
	[dreg:$0xb] =	wrdreg s24  }
0xf: {  	s25 =	sadd.s32 s5, s9;
	[dreg:$0xc] =	wrdreg s11  }
0x10: {  	s31 =	sadd.s32 s8, s6;
	[dreg:$0xd] =	wrdreg s25  }
0x11: {  	s13 =	sadd.s32 s8, s9;
	[dreg:$0x12] =	wrdreg s31  }
0x12: {  	s17 =	sadd.s32 $0x330000, s2;
	s14 =	sadd.s32 s20, s9;
	[dreg:$0x14] =	wrdreg s13  }
0x13: {  	s21 =	sadd.s32 s17, s0;
	[dreg:$0x15] =	wrdreg s14  }
0x14: {  	s18 =	sadd.s32 $0x3F3800, s2;
	s11 =	sor.u32 $0x6, s0;
	[dreg:$0x18] =	wrdreg s21  }
0x15: {  	s0 =	sadd.s32 s18, s0;
	s25 =	rddreg [dreg:$0x5];
	s26 =	sadd.s32 s5, s11  }
0x16: {  	s5 =	sadd.s32 s20, s6;
	s16 =	sadd.s32 s20, s11;
	s20 =	rddreg [dreg:$0x3]  }
0x17: {  	s23 =	sadd.s32 s17, s6;
	[dreg:$0x19] =	wrdreg s0  }
0x18: {  	s24 =	sadd.s32 s17, s9;
	[dreg:$0x1a] =	wrdreg s23  }
0x19: {  	s3 =	sadd.s32 s3, s11;
	[dreg:$0x1c] =	wrdreg s24  }
0x1a: {  	s28 =	smul.u32 $0x620, s12;
	[dreg:$0xe] =	wrdreg s3  }
0x1b: {  	s10 =	smax.u32 s10, $0x1;
	s29 =	smul.u32 $0xC380, s12;
	[dreg:$0xf] =	wrdreg s26  }
0x1c: {  	s12 =	simm.s32 $0x3100;
	s15 =	sadd.s32 s8, s11;
	[dreg:$0x13] =	wrdreg s5  }
0x1d: {  	s13 =	simm.s32 $0x100;
	s14 =	simm.s32 $0x6200;
	[dreg:$0x16] =	wrdreg s15  }
0x1e: {  	s6 =	sadd.s32 s18, s6;
	s0 =	sadd.s32 s22, s28;
	[dreg:$0x17] =	wrdreg s16  }
0x1f: {  	s31 =	sadd.s32 s28, s2;
	s2 =	sadd.s32 $0x20600, s2;
	[dreg:$0x1b] =	wrdreg s6  }
0x20: {  	s26 =	sadd.s32 s18, s9;
	s3 =	sadd.s32 s17, s11;
	s15 =	sshll.u32 s4, $0x2  }
0x21: {  	s4 =	sadd.s32 s29, s30;
	s5 =	sadd.s32 $0x7E00, s31;
	s6 =	sadd.s32 $0xE000, s31  }
0x22: {  	s7 =	sadd.s32 $0x1C00, s31;
	s8 =	sadd.s32 $0x14200, s31;
	s9 =	sadd.s32 $0x1A400, s31  }
0x23: {  	s16 =	simm.s32 $0x10;
	s17 =	simm.s32 $0x0;
	[dreg:$0x1d] =	wrdreg s26  }
0x24: {  	[dreg:$0x1e] =	wrdreg s3;
	s26 =	sadd.s32 s18, s11;
	s3 =	sadd.s32 s29, s25  }
0x25: {  	s11 =	simm.s32 $0x2;
	v0 =	vmov s15;
	s15 =	simm.s32 $0x1;
	_ =	strace $0x80000047  }
.LBB2_1:
0x26: {  	s18 =	simm.s32 $0x0  }
0x27: {  	[tilespmem:s18], [sflag:$0x2] =	stream.linear.gather [hbm4b:s5+s18], $0x3100, $0x38;
	[tilespmem:$0x1F900] =	vst v63  }
0x28: {  	_ =	swait.ge [sflag:s11], $0x3100  }
0x29: {  	[sflag:s11] =	ssyncset.done $0x0  }
0x2a: {  	[sflag:s11] =	ssyncadd.s32 $0xFFFFCF00  }
0x2b: {  	[tilespmem:s12], [sflag:$0x2] =	stream.linear.gather [hbm4b:s6+s18], $0x3100, $0x38;
	[tilespmem:$0x1F900] =	vst v63  }
0x2c: {  	_ =	swait.ge [sflag:s11], $0x3100  }
0x2d: {  	[sflag:s11] =	ssyncset.done $0x0  }
0x2e: {  	s21 =	simm.s32 $0x40;
	s18 =	simm.s32 $0x0;
	[sflag:s11] =	ssyncadd.s32 $0xFFFFCF00  }
.LBB2_2:
0x2f: {  	p0 =	sne.s32 s21, $0xC3C0;
	v1 =	vld [tilespmem:s18+$0x0];
	_ =	sdelay $0x2  }
.Ltmp0:
0x30: {  	(pc) =	sbr.rel @p0 .LBB2_2-.Ltmp0, $4  }
0x31: {  	_ = 	snop  }
0x32: {  	v1 =	vshll.u32 v1, $0x3  }
0x33: {  	v1 =	vor.u32 v0, v1  }
0x34: {  	[tilespmem:s18+$0x0] =	vst v1;
	s18 =	sshra.s32 s21, $0x2;
	s21 =	sadd.s32 $0x40, s21  }
0x35: {  	v1 =	vld [tilespmem:s18+$0x0];
	_ =	sdelay $0x4  }
0x36: {  	s21 =	stileid.u32;
	v1 =	vshll.u32 v1, $0x3  }
0x37: {  	s21 =	sshll.u32 s21, $0x6;
	v1 =	vor.u32 v0, v1  }
0x38: {  	[tilespmem:s18+$0x0] =	vst v1;
	s18 =	sor.u32 $0x1C02, s21;
	s21 =	sshrl.u32 s3, $0x3  }
0x39: {  	[spmem:s21], [sflag:s18] =	dma.local [hbm:s2], $0x1870  }
0x3a: {  	_ =	swait.ge [sflag:s11], $0x1870  }
0x3b: {  	[sflag:s11] =	ssyncset.done $0x0  }
0x3c: {  	s22 =	sshrl.u32 s4, $0x3;
	[sflag:s11] =	ssyncadd.s32 $0xFFFFE790  }
0x3d: {  	[spmem:s22], [sflag:s18] =	dma.local [hbm:s2], $0x1870  }
0x3e: {  	_ =	swait.ge [sflag:s11], $0x1870  }
0x3f: {  	[sflag:s11] =	ssyncset.done $0x0  }
0x40: {  	[sflag:s11] =	ssyncadd.s32 $0xFFFFE790  }
0x41: {  	s23 =	simm.s32 $0x0;
	[bflag:$0x0] =	sbarrier.arrive $0xFFFF  }
.LBB2_4:
0x42: {  	s24 =	sshll.u32 s23, $0x8  }
0x43: {  	[tilespmem:s14], [sflag:$0x1] =	stream.indirect.gather [hbm4b:s1+s13], $0x10, s24, s13, $0xb8;
	[tilespmem:$0x1F900] =	vst v63  }
0x44: {  	_ =	swait.ge [sflag:s15], $0x1000  }
0x45: {  	[sflag:s15] =	ssyncset.done $0x0  }
0x46: {  	s24 =	sadd.s32 $0x3100, s24;
	[sflag:s15] =	ssyncadd.s32 $0xFFFFF000  }
0x47: {  	[spmem:s25] =	stream.indirect.scatter.add.f32 [tilespmem:s14], [sflag:$0x2], $0x10, s24, s13, $0xb8;
	[tilespmem:$0x1F900] =	vst v63  }
0x48: {  	_ =	swait.ge [sflag:s11], $0x1000  }
0x49: {  	[sflag:s11] =	ssyncset.done $0x0  }
0x4a: {  	s28 =	simm.s32 $0x0;
	[sflag:s11] =	ssyncadd.s32 $0xFFFFF000  }
0x4b: {  	v3 =	vld [tilespmem:s28+$0x6200]  }
0x4c: {  	v5 =	vld [tilespmem:s28+$0x6210]  }
0x4d: {  	v4 =	vld [tilespmem:s28+$0x6220]  }
0x4e: {  	v2 =	vld [tilespmem:s28+$0x6230]  }
0x4f: {  	v1 =	vld [tilespmem:s28+$0x6240]  }
0x50: {  	v6 =	vmax.f32 v3, $0.0e+00;
	v3 =	vld [tilespmem:s28+$0x6250]  }
0x51: {  	s29 =	simm.s32 $0x200;
	[tilespmem:s28+$0x6200] =	vst v6;
	v6 =	vmax.f32 v5, $0.0e+00;
	v5 =	vld [tilespmem:s28+$0x6260]  }
.LBB2_5:
0x52: {  	s31 =	sshra.s32 s29, $0x2;
	p0 =	sne.s32 s29, $0x3E00;
	[tilespmem:s28+$0x6210] =	vst v6;
	v4 =	vmax.f32 v4, $0.0e+00;
	v6 =	vld [tilespmem:s28+$0x6270]  }
0x53: {  	v7 =	vld [tilespmem:s31+$0x6200];
	[tilespmem:s28+$0x6220] =	vst v4;
	v2 =	vmax.f32 v2, $0.0e+00  }
0x54: {  	v8 =	vld [tilespmem:s31+$0x6210];
	[tilespmem:s28+$0x6230] =	vst v2;
	v1 =	vmax.f32 v1, $0.0e+00  }
.Ltmp1:
0x55: {  	v4 =	vld [tilespmem:s31+$0x6220];
	[tilespmem:s28+$0x6240] =	vst v1;
	v1 =	vmax.f32 v3, $0.0e+00;
	(pc) =	sbr.rel @p0 .LBB2_5-.Ltmp1, $4  }
0x56: {  	v2 =	vld [tilespmem:s31+$0x6230];
	[tilespmem:s28+$0x6250] =	vst v1;
	v3 =	vmax.f32 v5, $0.0e+00  }
0x57: {  	v1 =	vld [tilespmem:s31+$0x6240];
	[tilespmem:s28+$0x6260] =	vst v3;
	v5 =	vmax.f32 v6, $0.0e+00  }
0x58: {  	v6 =	vmax.f32 v7, $0.0e+00;
	v3 =	vld [tilespmem:s31+$0x6250];
	[tilespmem:s28+$0x6270] =	vst v5;
	s28 =	smov.u32 s31  }
0x59: {  	s29 =	sadd.s32 $0x200, s29;
	[tilespmem:s28+$0x6200] =	vst v6;
	v6 =	vmax.f32 v8, $0.0e+00;
	v5 =	vld [tilespmem:s28+$0x6260]  }
0x5a: {  	[tilespmem:s28+$0x6210] =	vst v6;
	v4 =	vmax.f32 v4, $0.0e+00;
	v63 =	vld [tilespmem:s28+$0x6270]  }
0x5b: {  	[tilespmem:s28+$0x6220] =	vst v4;
	v2 =	vmax.f32 v2, $0.0e+00  }
0x5c: {  	[tilespmem:s28+$0x6230] =	vst v2;
	v1 =	vmax.f32 v1, $0.0e+00  }
0x5d: {  	[tilespmem:s28+$0x6240] =	vst v1;
	v1 =	vmax.f32 v3, $0.0e+00  }
0x5e: {  	s23 =	sadd.s32 $0x1, s23;
	[tilespmem:s28+$0x6250] =	vst v1;
	v1 =	vmax.f32 v5, $0.0e+00  }
0x5f: {  	p0 =	sne.s32 s23, $0x31;
	[tilespmem:s28+$0x6260] =	vst v1;
	v1 =	vmax.f32 v63, $0.0e+00  }
.Ltmp2:
0x60: {  	[tilespmem:s28+$0x6270] =	vst v1;
	(pc) =	sbr.rel @p0 .LBB2_4-.Ltmp2, $4  }
0x61: {  	[spmem:s30] =	stream.indirect.scatter.add.f32 [tilespmem:s14], [sflag:$0x2], $0x10, s24, s13, $0xb8;
	[tilespmem:$0x1F900] =	vst v63  }
0x62: {  	_ =	swait.ge [sflag:s11], $0x1000  }
0x63: {  	[sflag:s11] =	ssyncset.done $0x0  }
0x64: {  	[sflag:s11] =	ssyncadd.s32 $0xFFFFF000  }
0x65: {  	[bflag:$0x0] =	sbarrier.arrive $0xFFFF  }
0x66: {  	s23 =	rddreg [dreg:$0x8]  }
0x67: {  	[hbm:s23@s16], [sflag:s18] =	dma.strided [spmem:s21@s11], $0x1870, s15, $0x2   }
0x68: {  	_ =	swait.ge [sflag:s11], $0x1870  }
0x69: {  	[sflag:s11] =	ssyncset.done $0x0  }
0x6a: {  	s31 =	rddreg [dreg:$0x9];
	[sflag:s11] =	ssyncadd.s32 $0xFFFFE790  }
0x6b: {  	[hbm:s31@s16], [sflag:s18] =	dma.strided [spmem:s22@s11], $0x1870, s15, $0x2   }
0x6c: {  	_ =	swait.ge [sflag:s11], $0x1870  }
0x6d: {  	[sflag:s11] =	ssyncset.done $0x0  }
0x6e: {  	[sflag:s11] =	ssyncadd.s32 $0xFFFFE790  }
0x6f: {  	s24 =	simm.s32 $0x40;
	s23 =	simm.s32 $0x0;
	[bflag:$0x0] =	sbarrier.arrive $0xFFFF  }
.LBB2_8:
0x70: {  	p0 =	sne.s32 s24, $0xC3C0;
	v1 =	vld [tilespmem:s23+$0x0];
	_ =	sdelay $0x1  }
.Ltmp3:
0x71: {  	(pc) =	sbr.rel @p0 .LBB2_8-.Ltmp3, $3  }
0x72: {  	_ =	sdelay $0x1  }
0x73: {  	v1 =	vadd.s32 $0x1, v1  }
0x74: {  	[tilespmem:s23+$0x0] =	vst v1;
	s23 =	sshra.s32 s24, $0x2;
	s24 =	sadd.s32 $0x40, s24  }
0x75: {  	v1 =	vld [tilespmem:s23+$0x0];
	_ =	sdelay $0x4  }
0x76: {  	v1 =	vadd.s32 $0x1, v1  }
0x77: {  	[tilespmem:s23+$0x0] =	vst v1  }
0x78: {  	[spmem:s21], [sflag:s18] =	dma.local [hbm:s2], $0x1870  }
0x79: {  	_ =	swait.ge [sflag:s11], $0x1870  }
0x7a: {  	[sflag:s11] =	ssyncset.done $0x0  }
0x7b: {  	[sflag:s11] =	ssyncadd.s32 $0xFFFFE790  }
0x7c: {  	[spmem:s22], [sflag:s18] =	dma.local [hbm:s2], $0x1870  }
0x7d: {  	_ =	swait.ge [sflag:s11], $0x1870  }
0x7e: {  	[sflag:s11] =	ssyncset.done $0x0  }
0x7f: {  	[sflag:s11] =	ssyncadd.s32 $0xFFFFE790  }
0x80: {  	s23 =	simm.s32 $0x0;
	[bflag:$0x0] =	sbarrier.arrive $0xFFFF  }
.LBB2_10:
0x81: {  	s24 =	sshll.u32 s23, $0x8  }
0x82: {  	[tilespmem:s14], [sflag:$0x1] =	stream.indirect.gather [hbm4b:s1+s13], $0x10, s24, s13, $0xb8;
	[tilespmem:$0x1F900] =	vst v63  }
0x83: {  	_ =	swait.ge [sflag:s15], $0x1000  }
0x84: {  	[sflag:s15] =	ssyncset.done $0x0  }
0x85: {  	s24 =	sadd.s32 $0x3100, s24;
	[sflag:s15] =	ssyncadd.s32 $0xFFFFF000  }
0x86: {  	[spmem:s25] =	stream.indirect.scatter.add.f32 [tilespmem:s14], [sflag:$0x2], $0x10, s24, s13, $0xb8;
	[tilespmem:$0x1F900] =	vst v63  }
0x87: {  	_ =	swait.ge [sflag:s11], $0x1000  }
0x88: {  	[sflag:s11] =	ssyncset.done $0x0  }
0x89: {  	s28 =	simm.s32 $0x0;
	[sflag:s11] =	ssyncadd.s32 $0xFFFFF000  }
0x8a: {  	v3 =	vld [tilespmem:s28+$0x6200]  }
0x8b: {  	v5 =	vld [tilespmem:s28+$0x6210]  }
0x8c: {  	v4 =	vld [tilespmem:s28+$0x6220]  }
0x8d: {  	v2 =	vld [tilespmem:s28+$0x6230]  }
0x8e: {  	v1 =	vld [tilespmem:s28+$0x6240]  }
0x8f: {  	v6 =	vmax.f32 v3, $0.0e+00;
	v3 =	vld [tilespmem:s28+$0x6250]  }
0x90: {  	s29 =	simm.s32 $0x200;
	[tilespmem:s28+$0x6200] =	vst v6;
	v6 =	vmax.f32 v5, $0.0e+00;
	v5 =	vld [tilespmem:s28+$0x6260]  }
.LBB2_11:
0x91: {  	s31 =	sshra.s32 s29, $0x2;
	p0 =	sne.s32 s29, $0x3E00;
	[tilespmem:s28+$0x6210] =	vst v6;
	v4 =	vmax.f32 v4, $0.0e+00;
	v6 =	vld [tilespmem:s28+$0x6270]  }
0x92: {  	v7 =	vld [tilespmem:s31+$0x6200];
	[tilespmem:s28+$0x6220] =	vst v4;
	v2 =	vmax.f32 v2, $0.0e+00  }
0x93: {  	v8 =	vld [tilespmem:s31+$0x6210];
	[tilespmem:s28+$0x6230] =	vst v2;
	v1 =	vmax.f32 v1, $0.0e+00  }
.Ltmp4:
0x94: {  	v4 =	vld [tilespmem:s31+$0x6220];
	[tilespmem:s28+$0x6240] =	vst v1;
	v1 =	vmax.f32 v3, $0.0e+00;
	(pc) =	sbr.rel @p0 .LBB2_11-.Ltmp4, $4  }
0x95: {  	v2 =	vld [tilespmem:s31+$0x6230];
	[tilespmem:s28+$0x6250] =	vst v1;
	v3 =	vmax.f32 v5, $0.0e+00  }
0x96: {  	v1 =	vld [tilespmem:s31+$0x6240];
	[tilespmem:s28+$0x6260] =	vst v3;
	v5 =	vmax.f32 v6, $0.0e+00  }
0x97: {  	v6 =	vmax.f32 v7, $0.0e+00;
	v3 =	vld [tilespmem:s31+$0x6250];
	[tilespmem:s28+$0x6270] =	vst v5;
	s28 =	smov.u32 s31  }
0x98: {  	s29 =	sadd.s32 $0x200, s29;
	[tilespmem:s28+$0x6200] =	vst v6;
	v6 =	vmax.f32 v8, $0.0e+00;
	v5 =	vld [tilespmem:s28+$0x6260]  }
0x99: {  	[tilespmem:s28+$0x6210] =	vst v6;
	v4 =	vmax.f32 v4, $0.0e+00;
	v63 =	vld [tilespmem:s28+$0x6270]  }
0x9a: {  	[tilespmem:s28+$0x6220] =	vst v4;
	v2 =	vmax.f32 v2, $0.0e+00  }
0x9b: {  	[tilespmem:s28+$0x6230] =	vst v2;
	v1 =	vmax.f32 v1, $0.0e+00  }
0x9c: {  	[tilespmem:s28+$0x6240] =	vst v1;
	v1 =	vmax.f32 v3, $0.0e+00  }
0x9d: {  	s23 =	sadd.s32 $0x1, s23;
	[tilespmem:s28+$0x6250] =	vst v1;
	v1 =	vmax.f32 v5, $0.0e+00  }
0x9e: {  	p0 =	sne.s32 s23, $0x31;
	[tilespmem:s28+$0x6260] =	vst v1;
	v1 =	vmax.f32 v63, $0.0e+00  }
.Ltmp5:
0x9f: {  	[tilespmem:s28+$0x6270] =	vst v1;
	(pc) =	sbr.rel @p0 .LBB2_10-.Ltmp5, $4  }
0xa0: {  	[spmem:s30] =	stream.indirect.scatter.add.f32 [tilespmem:s14], [sflag:$0x2], $0x10, s24, s13, $0xb8;
	[tilespmem:$0x1F900] =	vst v63  }
0xa1: {  	_ =	swait.ge [sflag:s11], $0x1000  }
0xa2: {  	[sflag:s11] =	ssyncset.done $0x0  }
0xa3: {  	[sflag:s11] =	ssyncadd.s32 $0xFFFFF000  }
0xa4: {  	[bflag:$0x0] =	sbarrier.arrive $0xFFFF  }
0xa5: {  	s23 =	rddreg [dreg:$0xa]  }
0xa6: {  	[hbm:s23@s16], [sflag:s18] =	dma.strided [spmem:s21@s11], $0x1870, s15, $0x2   }
0xa7: {  	_ =	swait.ge [sflag:s11], $0x1870  }
0xa8: {  	[sflag:s11] =	ssyncset.done $0x0  }
0xa9: {  	s31 =	rddreg [dreg:$0xb];
	[sflag:s11] =	ssyncadd.s32 $0xFFFFE790  }
0xaa: {  	[hbm:s31@s16], [sflag:s18] =	dma.strided [spmem:s22@s11], $0x1870, s15, $0x2   }
0xab: {  	_ =	swait.ge [sflag:s11], $0x1870  }
0xac: {  	[sflag:s11] =	ssyncset.done $0x0  }
0xad: {  	[sflag:s11] =	ssyncadd.s32 $0xFFFFE790  }
0xae: {  	s24 =	simm.s32 $0x40;
	s23 =	simm.s32 $0x0;
	[bflag:$0x0] =	sbarrier.arrive $0xFFFF  }
.LBB2_14:
0xaf: {  	p0 =	sne.s32 s24, $0xC3C0;
	v1 =	vld [tilespmem:s23+$0x0];
	_ =	sdelay $0x1  }
.Ltmp6:
0xb0: {  	(pc) =	sbr.rel @p0 .LBB2_14-.Ltmp6, $3  }
0xb1: {  	_ =	sdelay $0x1  }
0xb2: {  	v1 =	vadd.s32 $0x1, v1  }
0xb3: {  	[tilespmem:s23+$0x0] =	vst v1;
	s23 =	sshra.s32 s24, $0x2;
	s24 =	sadd.s32 $0x40, s24  }
0xb4: {  	v1 =	vld [tilespmem:s23+$0x0];
	_ =	sdelay $0x4  }
0xb5: {  	v1 =	vadd.s32 $0x1, v1  }
0xb6: {  	[tilespmem:s23+$0x0] =	vst v1  }
0xb7: {  	[spmem:s21], [sflag:s18] =	dma.local [hbm:s2], $0x1870  }
0xb8: {  	_ =	swait.ge [sflag:s11], $0x1870  }
0xb9: {  	[sflag:s11] =	ssyncset.done $0x0  }
0xba: {  	[sflag:s11] =	ssyncadd.s32 $0xFFFFE790  }
0xbb: {  	[spmem:s22], [sflag:s18] =	dma.local [hbm:s2], $0x1870  }
0xbc: {  	_ =	swait.ge [sflag:s11], $0x1870  }
0xbd: {  	[sflag:s11] =	ssyncset.done $0x0  }
0xbe: {  	[sflag:s11] =	ssyncadd.s32 $0xFFFFE790  }
0xbf: {  	s23 =	simm.s32 $0x0;
	[bflag:$0x0] =	sbarrier.arrive $0xFFFF  }
.LBB2_16:
0xc0: {  	s24 =	sshll.u32 s23, $0x8  }
0xc1: {  	[tilespmem:s14], [sflag:$0x1] =	stream.indirect.gather [hbm4b:s1+s13], $0x10, s24, s13, $0xb8;
	[tilespmem:$0x1F900] =	vst v63  }
0xc2: {  	_ =	swait.ge [sflag:s15], $0x1000  }
0xc3: {  	[sflag:s15] =	ssyncset.done $0x0  }
0xc4: {  	s24 =	sadd.s32 $0x3100, s24;
	[sflag:s15] =	ssyncadd.s32 $0xFFFFF000  }
0xc5: {  	[spmem:s25] =	stream.indirect.scatter.add.f32 [tilespmem:s14], [sflag:$0x2], $0x10, s24, s13, $0xb8;
	[tilespmem:$0x1F900] =	vst v63  }
0xc6: {  	_ =	swait.ge [sflag:s11], $0x1000  }
0xc7: {  	[sflag:s11] =	ssyncset.done $0x0  }
0xc8: {  	s28 =	simm.s32 $0x0;
	[sflag:s11] =	ssyncadd.s32 $0xFFFFF000  }
0xc9: {  	v3 =	vld [tilespmem:s28+$0x6200]  }
0xca: {  	v5 =	vld [tilespmem:s28+$0x6210]  }
0xcb: {  	v4 =	vld [tilespmem:s28+$0x6220]  }
0xcc: {  	v2 =	vld [tilespmem:s28+$0x6230]  }
0xcd: {  	v1 =	vld [tilespmem:s28+$0x6240]  }
0xce: {  	v6 =	vmax.f32 v3, $0.0e+00;
	v3 =	vld [tilespmem:s28+$0x6250]  }
0xcf: {  	s29 =	simm.s32 $0x200;
	[tilespmem:s28+$0x6200] =	vst v6;
	v6 =	vmax.f32 v5, $0.0e+00;
	v5 =	vld [tilespmem:s28+$0x6260]  }
.LBB2_17:
0xd0: {  	s31 =	sshra.s32 s29, $0x2;
	p0 =	sne.s32 s29, $0x3E00;
	[tilespmem:s28+$0x6210] =	vst v6;
	v4 =	vmax.f32 v4, $0.0e+00;
	v6 =	vld [tilespmem:s28+$0x6270]  }
0xd1: {  	v7 =	vld [tilespmem:s31+$0x6200];
	[tilespmem:s28+$0x6220] =	vst v4;
	v2 =	vmax.f32 v2, $0.0e+00  }
0xd2: {  	v8 =	vld [tilespmem:s31+$0x6210];
	[tilespmem:s28+$0x6230] =	vst v2;
	v1 =	vmax.f32 v1, $0.0e+00  }
.Ltmp7:
0xd3: {  	v4 =	vld [tilespmem:s31+$0x6220];
	[tilespmem:s28+$0x6240] =	vst v1;
	v1 =	vmax.f32 v3, $0.0e+00;
	(pc) =	sbr.rel @p0 .LBB2_17-.Ltmp7, $4  }
0xd4: {  	v2 =	vld [tilespmem:s31+$0x6230];
	[tilespmem:s28+$0x6250] =	vst v1;
	v3 =	vmax.f32 v5, $0.0e+00  }
0xd5: {  	v1 =	vld [tilespmem:s31+$0x6240];
	[tilespmem:s28+$0x6260] =	vst v3;
	v5 =	vmax.f32 v6, $0.0e+00  }
0xd6: {  	v6 =	vmax.f32 v7, $0.0e+00;
	v3 =	vld [tilespmem:s31+$0x6250];
	[tilespmem:s28+$0x6270] =	vst v5;
	s28 =	smov.u32 s31  }
0xd7: {  	s29 =	sadd.s32 $0x200, s29;
	[tilespmem:s28+$0x6200] =	vst v6;
	v6 =	vmax.f32 v8, $0.0e+00;
	v5 =	vld [tilespmem:s28+$0x6260]  }
0xd8: {  	[tilespmem:s28+$0x6210] =	vst v6;
	v4 =	vmax.f32 v4, $0.0e+00;
	v63 =	vld [tilespmem:s28+$0x6270]  }
0xd9: {  	[tilespmem:s28+$0x6220] =	vst v4;
	v2 =	vmax.f32 v2, $0.0e+00  }
0xda: {  	[tilespmem:s28+$0x6230] =	vst v2;
	v1 =	vmax.f32 v1, $0.0e+00  }
0xdb: {  	[tilespmem:s28+$0x6240] =	vst v1;
	v1 =	vmax.f32 v3, $0.0e+00  }
0xdc: {  	s23 =	sadd.s32 $0x1, s23;
	[tilespmem:s28+$0x6250] =	vst v1;
	v1 =	vmax.f32 v5, $0.0e+00  }
0xdd: {  	p0 =	sne.s32 s23, $0x31;
	[tilespmem:s28+$0x6260] =	vst v1;
	v1 =	vmax.f32 v63, $0.0e+00  }
.Ltmp8:
0xde: {  	[tilespmem:s28+$0x6270] =	vst v1;
	(pc) =	sbr.rel @p0 .LBB2_16-.Ltmp8, $4  }
0xdf: {  	[spmem:s30] =	stream.indirect.scatter.add.f32 [tilespmem:s14], [sflag:$0x2], $0x10, s24, s13, $0xb8;
	[tilespmem:$0x1F900] =	vst v63  }
0xe0: {  	_ =	swait.ge [sflag:s11], $0x1000  }
0xe1: {  	[sflag:s11] =	ssyncset.done $0x0  }
0xe2: {  	[sflag:s11] =	ssyncadd.s32 $0xFFFFF000  }
0xe3: {  	[bflag:$0x0] =	sbarrier.arrive $0xFFFF  }
0xe4: {  	s23 =	rddreg [dreg:$0xc]  }
0xe5: {  	[hbm:s23@s16], [sflag:s18] =	dma.strided [spmem:s21@s11], $0x1870, s15, $0x2   }
0xe6: {  	_ =	swait.ge [sflag:s11], $0x1870  }
0xe7: {  	[sflag:s11] =	ssyncset.done $0x0  }
0xe8: {  	s31 =	rddreg [dreg:$0xd];
	[sflag:s11] =	ssyncadd.s32 $0xFFFFE790  }
0xe9: {  	[hbm:s31@s16], [sflag:s18] =	dma.strided [spmem:s22@s11], $0x1870, s15, $0x2   }
0xea: {  	_ =	swait.ge [sflag:s11], $0x1870  }
0xeb: {  	[sflag:s11] =	ssyncset.done $0x0  }
0xec: {  	[sflag:s11] =	ssyncadd.s32 $0xFFFFE790  }
0xed: {  	s24 =	simm.s32 $0x40;
	s23 =	simm.s32 $0x0;
	[bflag:$0x0] =	sbarrier.arrive $0xFFFF  }
.LBB2_20:
0xee: {  	p0 =	sne.s32 s24, $0xC3C0;
	v1 =	vld [tilespmem:s23+$0x0];
	_ =	sdelay $0x1  }
.Ltmp9:
0xef: {  	(pc) =	sbr.rel @p0 .LBB2_20-.Ltmp9, $3  }
0xf0: {  	_ =	sdelay $0x1  }
0xf1: {  	v1 =	vadd.s32 $0x1, v1  }
0xf2: {  	[tilespmem:s23+$0x0] =	vst v1;
	s23 =	sshra.s32 s24, $0x2;
	s24 =	sadd.s32 $0x40, s24  }
0xf3: {  	v1 =	vld [tilespmem:s23+$0x0];
	_ =	sdelay $0x4  }
0xf4: {  	v1 =	vadd.s32 $0x1, v1  }
0xf5: {  	[tilespmem:s23+$0x0] =	vst v1  }
0xf6: {  	[spmem:s21], [sflag:s18] =	dma.local [hbm:s2], $0x1870  }
0xf7: {  	_ =	swait.ge [sflag:s11], $0x1870  }
0xf8: {  	[sflag:s11] =	ssyncset.done $0x0  }
0xf9: {  	[sflag:s11] =	ssyncadd.s32 $0xFFFFE790  }
0xfa: {  	[spmem:s22], [sflag:s18] =	dma.local [hbm:s2], $0x1870  }
0xfb: {  	_ =	swait.ge [sflag:s11], $0x1870  }
0xfc: {  	[sflag:s11] =	ssyncset.done $0x0  }
0xfd: {  	[sflag:s11] =	ssyncadd.s32 $0xFFFFE790  }
0xfe: {  	s23 =	simm.s32 $0x0;
	[bflag:$0x0] =	sbarrier.arrive $0xFFFF  }
.LBB2_22:
0xff: {  	s24 =	sshll.u32 s23, $0x8  }
0x100: {  	[tilespmem:s14], [sflag:$0x1] =	stream.indirect.gather [hbm4b:s1+s13], $0x10, s24, s13, $0xb8;
	[tilespmem:$0x1F900] =	vst v63  }
0x101: {  	_ =	swait.ge [sflag:s15], $0x1000  }
0x102: {  	[sflag:s15] =	ssyncset.done $0x0  }
0x103: {  	s24 =	sadd.s32 $0x3100, s24;
	[sflag:s15] =	ssyncadd.s32 $0xFFFFF000  }
0x104: {  	[spmem:s25] =	stream.indirect.scatter.add.f32 [tilespmem:s14], [sflag:$0x2], $0x10, s24, s13, $0xb8;
	[tilespmem:$0x1F900] =	vst v63  }
0x105: {  	_ =	swait.ge [sflag:s11], $0x1000  }
0x106: {  	[sflag:s11] =	ssyncset.done $0x0  }
0x107: {  	s28 =	simm.s32 $0x0;
	[sflag:s11] =	ssyncadd.s32 $0xFFFFF000  }
0x108: {  	v3 =	vld [tilespmem:s28+$0x6200]  }
0x109: {  	v5 =	vld [tilespmem:s28+$0x6210]  }
0x10a: {  	v4 =	vld [tilespmem:s28+$0x6220]  }
0x10b: {  	v2 =	vld [tilespmem:s28+$0x6230]  }
0x10c: {  	v1 =	vld [tilespmem:s28+$0x6240]  }
0x10d: {  	v6 =	vmax.f32 v3, $0.0e+00;
	v3 =	vld [tilespmem:s28+$0x6250]  }
0x10e: {  	s29 =	simm.s32 $0x200;
	[tilespmem:s28+$0x6200] =	vst v6;
	v6 =	vmax.f32 v5, $0.0e+00;
	v5 =	vld [tilespmem:s28+$0x6260]  }
.LBB2_23:
0x10f: {  	s31 =	sshra.s32 s29, $0x2;
	p0 =	sne.s32 s29, $0x3E00;
	[tilespmem:s28+$0x6210] =	vst v6;
	v4 =	vmax.f32 v4, $0.0e+00;
	v6 =	vld [tilespmem:s28+$0x6270]  }
0x110: {  	v7 =	vld [tilespmem:s31+$0x6200];
	[tilespmem:s28+$0x6220] =	vst v4;
	v2 =	vmax.f32 v2, $0.0e+00  }
0x111: {  	v8 =	vld [tilespmem:s31+$0x6210];
	[tilespmem:s28+$0x6230] =	vst v2;
	v1 =	vmax.f32 v1, $0.0e+00  }
.Ltmp10:
0x112: {  	v4 =	vld [tilespmem:s31+$0x6220];
	[tilespmem:s28+$0x6240] =	vst v1;
	v1 =	vmax.f32 v3, $0.0e+00;
	(pc) =	sbr.rel @p0 .LBB2_23-.Ltmp10, $4  }
0x113: {  	v2 =	vld [tilespmem:s31+$0x6230];
	[tilespmem:s28+$0x6250] =	vst v1;
	v3 =	vmax.f32 v5, $0.0e+00  }
0x114: {  	v1 =	vld [tilespmem:s31+$0x6240];
	[tilespmem:s28+$0x6260] =	vst v3;
	v5 =	vmax.f32 v6, $0.0e+00  }
0x115: {  	v6 =	vmax.f32 v7, $0.0e+00;
	v3 =	vld [tilespmem:s31+$0x6250];
	[tilespmem:s28+$0x6270] =	vst v5;
	s28 =	smov.u32 s31  }
0x116: {  	s29 =	sadd.s32 $0x200, s29;
	[tilespmem:s28+$0x6200] =	vst v6;
	v6 =	vmax.f32 v8, $0.0e+00;
	v5 =	vld [tilespmem:s28+$0x6260]  }
0x117: {  	[tilespmem:s28+$0x6210] =	vst v6;
	v4 =	vmax.f32 v4, $0.0e+00;
	v63 =	vld [tilespmem:s28+$0x6270]  }
0x118: {  	[tilespmem:s28+$0x6220] =	vst v4;
	v2 =	vmax.f32 v2, $0.0e+00  }
0x119: {  	[tilespmem:s28+$0x6230] =	vst v2;
	v1 =	vmax.f32 v1, $0.0e+00  }
0x11a: {  	[tilespmem:s28+$0x6240] =	vst v1;
	v1 =	vmax.f32 v3, $0.0e+00  }
0x11b: {  	s23 =	sadd.s32 $0x1, s23;
	[tilespmem:s28+$0x6250] =	vst v1;
	v1 =	vmax.f32 v5, $0.0e+00  }
0x11c: {  	p0 =	sne.s32 s23, $0x31;
	[tilespmem:s28+$0x6260] =	vst v1;
	v1 =	vmax.f32 v63, $0.0e+00  }
.Ltmp11:
0x11d: {  	[tilespmem:s28+$0x6270] =	vst v1;
	(pc) =	sbr.rel @p0 .LBB2_22-.Ltmp11, $4  }
0x11e: {  	[spmem:s30] =	stream.indirect.scatter.add.f32 [tilespmem:s14], [sflag:$0x2], $0x10, s24, s13, $0xb8;
	[tilespmem:$0x1F900] =	vst v63  }
0x11f: {  	_ =	swait.ge [sflag:s11], $0x1000  }
0x120: {  	[sflag:s11] =	ssyncset.done $0x0  }
0x121: {  	[sflag:s11] =	ssyncadd.s32 $0xFFFFF000  }
0x122: {  	[bflag:$0x0] =	sbarrier.arrive $0xFFFF  }
0x123: {  	s23 =	rddreg [dreg:$0xe]  }
0x124: {  	[hbm:s23@s16], [sflag:s18] =	dma.strided [spmem:s21@s11], $0x1870, s15, $0x2   }
0x125: {  	_ =	swait.ge [sflag:s11], $0x1870  }
0x126: {  	[sflag:s11] =	ssyncset.done $0x0  }
0x127: {  	s29 =	rddreg [dreg:$0xf];
	[sflag:s11] =	ssyncadd.s32 $0xFFFFE790  }
0x128: {  	[hbm:s29@s16], [sflag:s18] =	dma.strided [spmem:s22@s11], $0x1870, s15, $0x2   }
0x129: {  	_ =	swait.ge [sflag:s11], $0x1870  }
0x12a: {  	[sflag:s11] =	ssyncset.done $0x0  }
0x12b: {  	[sflag:s11] =	ssyncadd.s32 $0xFFFFE790  }
0x12c: {  	s31 =	simm.s32 $0x0;
	[bflag:$0x0] =	sbarrier.arrive $0xFFFF  }
0x12d: {  	[tilespmem:s31], [sflag:$0x2] =	stream.linear.gather [hbm4b:s7+s31], $0x3100, $0x38;
	[tilespmem:$0x1F900] =	vst v63  }
0x12e: {  	_ =	swait.ge [sflag:s11], $0x3100  }
0x12f: {  	[sflag:s11] =	ssyncset.done $0x0  }
0x130: {  	[sflag:s11] =	ssyncadd.s32 $0xFFFFCF00  }
0x131: {  	[tilespmem:s12], [sflag:$0x2] =	stream.linear.gather [hbm4b:s8+s31], $0x3100, $0x38;
	[tilespmem:$0x1F900] =	vst v63  }
0x132: {  	_ =	swait.ge [sflag:s11], $0x3100  }
0x133: {  	[sflag:s11] =	ssyncset.done $0x0  }
0x134: {  	s24 =	simm.s32 $0x40;
	s23 =	simm.s32 $0x0;
	[sflag:s11] =	ssyncadd.s32 $0xFFFFCF00  }
.LBB2_26:
0x135: {  	p0 =	sne.s32 s24, $0xC3C0;
	v1 =	vld [tilespmem:s23+$0x0];
	_ =	sdelay $0x2  }
.Ltmp12:
0x136: {  	(pc) =	sbr.rel @p0 .LBB2_26-.Ltmp12, $4  }
0x137: {  	_ = 	snop  }
0x138: {  	v1 =	vshll.u32 v1, $0x3  }
0x139: {  	v1 =	vor.u32 v0, v1  }
0x13a: {  	[tilespmem:s23+$0x0] =	vst v1;
	s23 =	sshra.s32 s24, $0x2;
	s24 =	sadd.s32 $0x40, s24  }
0x13b: {  	v1 =	vld [tilespmem:s23+$0x0];
	_ =	sdelay $0x4  }
0x13c: {  	v1 =	vshll.u32 v1, $0x3  }
0x13d: {  	v1 =	vor.u32 v0, v1  }
0x13e: {  	[tilespmem:s23+$0x0] =	vst v1  }
0x13f: {  	[spmem:s21], [sflag:s18] =	dma.local [hbm:s2], $0x1870  }
0x140: {  	_ =	swait.ge [sflag:s11], $0x1870  }
0x141: {  	[sflag:s11] =	ssyncset.done $0x0  }
0x142: {  	[sflag:s11] =	ssyncadd.s32 $0xFFFFE790  }
0x143: {  	[spmem:s22], [sflag:s18] =	dma.local [hbm:s2], $0x1870  }
0x144: {  	_ =	swait.ge [sflag:s11], $0x1870  }
0x145: {  	[sflag:s11] =	ssyncset.done $0x0  }
0x146: {  	[sflag:s11] =	ssyncadd.s32 $0xFFFFE790  }
0x147: {  	s23 =	simm.s32 $0x0;
	[bflag:$0x0] =	sbarrier.arrive $0xFFFF  }
.LBB2_28:
0x148: {  	s24 =	sshll.u32 s23, $0x8  }
0x149: {  	[tilespmem:s14], [sflag:$0x1] =	stream.indirect.gather [hbm4b:s19+s13], $0x10, s24, s13, $0xb8;
	[tilespmem:$0x1F900] =	vst v63  }
0x14a: {  	_ =	swait.ge [sflag:s15], $0x1000  }
0x14b: {  	[sflag:s15] =	ssyncset.done $0x0  }
0x14c: {  	s24 =	sadd.s32 $0x3100, s24;
	[sflag:s15] =	ssyncadd.s32 $0xFFFFF000  }
0x14d: {  	[spmem:s25] =	stream.indirect.scatter.add.f32 [tilespmem:s14], [sflag:$0x2], $0x10, s24, s13, $0xb8;
	[tilespmem:$0x1F900] =	vst v63  }
0x14e: {  	_ =	swait.ge [sflag:s11], $0x1000  }
0x14f: {  	[sflag:s11] =	ssyncset.done $0x0  }
0x150: {  	s28 =	simm.s32 $0x0;
	[sflag:s11] =	ssyncadd.s32 $0xFFFFF000  }
0x151: {  	v3 =	vld [tilespmem:s28+$0x6200]  }
0x152: {  	v5 =	vld [tilespmem:s28+$0x6210]  }
0x153: {  	v4 =	vld [tilespmem:s28+$0x6220]  }
0x154: {  	v2 =	vld [tilespmem:s28+$0x6230]  }
0x155: {  	v1 =	vld [tilespmem:s28+$0x6240]  }
0x156: {  	v6 =	vmax.f32 v3, $0.0e+00;
	v3 =	vld [tilespmem:s28+$0x6250]  }
0x157: {  	s29 =	simm.s32 $0x200;
	[tilespmem:s28+$0x6200] =	vst v6;
	v6 =	vmax.f32 v5, $0.0e+00;
	v5 =	vld [tilespmem:s28+$0x6260]  }
.LBB2_29:
0x158: {  	s31 =	sshra.s32 s29, $0x2;
	p0 =	sne.s32 s29, $0x3E00;
	[tilespmem:s28+$0x6210] =	vst v6;
	v4 =	vmax.f32 v4, $0.0e+00;
	v6 =	vld [tilespmem:s28+$0x6270]  }
0x159: {  	v7 =	vld [tilespmem:s31+$0x6200];
	[tilespmem:s28+$0x6220] =	vst v4;
	v2 =	vmax.f32 v2, $0.0e+00  }
0x15a: {  	v8 =	vld [tilespmem:s31+$0x6210];
	[tilespmem:s28+$0x6230] =	vst v2;
	v1 =	vmax.f32 v1, $0.0e+00  }
.Ltmp13:
0x15b: {  	v4 =	vld [tilespmem:s31+$0x6220];
	[tilespmem:s28+$0x6240] =	vst v1;
	v1 =	vmax.f32 v3, $0.0e+00;
	(pc) =	sbr.rel @p0 .LBB2_29-.Ltmp13, $4  }
0x15c: {  	v2 =	vld [tilespmem:s31+$0x6230];
	[tilespmem:s28+$0x6250] =	vst v1;
	v3 =	vmax.f32 v5, $0.0e+00  }
0x15d: {  	v1 =	vld [tilespmem:s31+$0x6240];
	[tilespmem:s28+$0x6260] =	vst v3;
	v5 =	vmax.f32 v6, $0.0e+00  }
0x15e: {  	v6 =	vmax.f32 v7, $0.0e+00;
	v3 =	vld [tilespmem:s31+$0x6250];
	[tilespmem:s28+$0x6270] =	vst v5;
	s28 =	smov.u32 s31  }
0x15f: {  	s29 =	sadd.s32 $0x200, s29;
	[tilespmem:s28+$0x6200] =	vst v6;
	v6 =	vmax.f32 v8, $0.0e+00;
	v5 =	vld [tilespmem:s28+$0x6260]  }
0x160: {  	[tilespmem:s28+$0x6210] =	vst v6;
	v4 =	vmax.f32 v4, $0.0e+00;
	v63 =	vld [tilespmem:s28+$0x6270]  }
0x161: {  	[tilespmem:s28+$0x6220] =	vst v4;
	v2 =	vmax.f32 v2, $0.0e+00  }
0x162: {  	[tilespmem:s28+$0x6230] =	vst v2;
	v1 =	vmax.f32 v1, $0.0e+00  }
0x163: {  	[tilespmem:s28+$0x6240] =	vst v1;
	v1 =	vmax.f32 v3, $0.0e+00  }
0x164: {  	s23 =	sadd.s32 $0x1, s23;
	[tilespmem:s28+$0x6250] =	vst v1;
	v1 =	vmax.f32 v5, $0.0e+00  }
0x165: {  	p0 =	sne.s32 s23, $0x31;
	[tilespmem:s28+$0x6260] =	vst v1;
	v1 =	vmax.f32 v63, $0.0e+00  }
.Ltmp14:
0x166: {  	[tilespmem:s28+$0x6270] =	vst v1;
	(pc) =	sbr.rel @p0 .LBB2_28-.Ltmp14, $4  }
0x167: {  	[spmem:s30] =	stream.indirect.scatter.add.f32 [tilespmem:s14], [sflag:$0x2], $0x10, s24, s13, $0xb8;
	[tilespmem:$0x1F900] =	vst v63  }
0x168: {  	_ =	swait.ge [sflag:s11], $0x1000  }
0x169: {  	[sflag:s11] =	ssyncset.done $0x0  }
0x16a: {  	[sflag:s11] =	ssyncadd.s32 $0xFFFFF000  }
0x16b: {  	[bflag:$0x0] =	sbarrier.arrive $0xFFFF  }
0x16c: {  	s23 =	rddreg [dreg:$0x10]  }
0x16d: {  	[hbm:s23@s16], [sflag:s18] =	dma.strided [spmem:s21@s11], $0x1870, s15, $0x2   }
0x16e: {  	_ =	swait.ge [sflag:s11], $0x1870  }
0x16f: {  	[sflag:s11] =	ssyncset.done $0x0  }
0x170: {  	s31 =	rddreg [dreg:$0x11];
	[sflag:s11] =	ssyncadd.s32 $0xFFFFE790  }
0x171: {  	[hbm:s31@s16], [sflag:s18] =	dma.strided [spmem:s22@s11], $0x1870, s15, $0x2   }
0x172: {  	_ =	swait.ge [sflag:s11], $0x1870  }
0x173: {  	[sflag:s11] =	ssyncset.done $0x0  }
0x174: {  	[sflag:s11] =	ssyncadd.s32 $0xFFFFE790  }
0x175: {  	s24 =	simm.s32 $0x40;
	s23 =	simm.s32 $0x0;
	[bflag:$0x0] =	sbarrier.arrive $0xFFFF  }
.LBB2_32:
0x176: {  	p0 =	sne.s32 s24, $0xC3C0;
	v1 =	vld [tilespmem:s23+$0x0];
	_ =	sdelay $0x1  }
.Ltmp15:
0x177: {  	(pc) =	sbr.rel @p0 .LBB2_32-.Ltmp15, $3  }
0x178: {  	_ =	sdelay $0x1  }
0x179: {  	v1 =	vadd.s32 $0x1, v1  }
0x17a: {  	[tilespmem:s23+$0x0] =	vst v1;
	s23 =	sshra.s32 s24, $0x2;
	s24 =	sadd.s32 $0x40, s24  }
0x17b: {  	v1 =	vld [tilespmem:s23+$0x0];
	_ =	sdelay $0x4  }
0x17c: {  	v1 =	vadd.s32 $0x1, v1  }
0x17d: {  	[tilespmem:s23+$0x0] =	vst v1  }
0x17e: {  	[spmem:s21], [sflag:s18] =	dma.local [hbm:s2], $0x1870  }
0x17f: {  	_ =	swait.ge [sflag:s11], $0x1870  }
0x180: {  	[sflag:s11] =	ssyncset.done $0x0  }
0x181: {  	[sflag:s11] =	ssyncadd.s32 $0xFFFFE790  }
0x182: {  	[spmem:s22], [sflag:s18] =	dma.local [hbm:s2], $0x1870  }
0x183: {  	_ =	swait.ge [sflag:s11], $0x1870  }
0x184: {  	[sflag:s11] =	ssyncset.done $0x0  }
0x185: {  	[sflag:s11] =	ssyncadd.s32 $0xFFFFE790  }
0x186: {  	s23 =	simm.s32 $0x0;
	[bflag:$0x0] =	sbarrier.arrive $0xFFFF  }
.LBB2_34:
0x187: {  	s24 =	sshll.u32 s23, $0x8  }
0x188: {  	[tilespmem:s14], [sflag:$0x1] =	stream.indirect.gather [hbm4b:s19+s13], $0x10, s24, s13, $0xb8;
	[tilespmem:$0x1F900] =	vst v63  }
0x189: {  	_ =	swait.ge [sflag:s15], $0x1000  }
0x18a: {  	[sflag:s15] =	ssyncset.done $0x0  }
0x18b: {  	s24 =	sadd.s32 $0x3100, s24;
	[sflag:s15] =	ssyncadd.s32 $0xFFFFF000  }
0x18c: {  	[spmem:s25] =	stream.indirect.scatter.add.f32 [tilespmem:s14], [sflag:$0x2], $0x10, s24, s13, $0xb8;
	[tilespmem:$0x1F900] =	vst v63  }
0x18d: {  	_ =	swait.ge [sflag:s11], $0x1000  }
0x18e: {  	[sflag:s11] =	ssyncset.done $0x0  }
0x18f: {  	s28 =	simm.s32 $0x0;
	[sflag:s11] =	ssyncadd.s32 $0xFFFFF000  }
0x190: {  	v3 =	vld [tilespmem:s28+$0x6200]  }
0x191: {  	v5 =	vld [tilespmem:s28+$0x6210]  }
0x192: {  	v4 =	vld [tilespmem:s28+$0x6220]  }
0x193: {  	v2 =	vld [tilespmem:s28+$0x6230]  }
0x194: {  	v1 =	vld [tilespmem:s28+$0x6240]  }
0x195: {  	v6 =	vmax.f32 v3, $0.0e+00;
	v3 =	vld [tilespmem:s28+$0x6250]  }
0x196: {  	s29 =	simm.s32 $0x200;
	[tilespmem:s28+$0x6200] =	vst v6;
	v6 =	vmax.f32 v5, $0.0e+00;
	v5 =	vld [tilespmem:s28+$0x6260]  }
.LBB2_35:
0x197: {  	s31 =	sshra.s32 s29, $0x2;
	p0 =	sne.s32 s29, $0x3E00;
	[tilespmem:s28+$0x6210] =	vst v6;
	v4 =	vmax.f32 v4, $0.0e+00;
	v6 =	vld [tilespmem:s28+$0x6270]  }
0x198: {  	v7 =	vld [tilespmem:s31+$0x6200];
	[tilespmem:s28+$0x6220] =	vst v4;
	v2 =	vmax.f32 v2, $0.0e+00  }
0x199: {  	v8 =	vld [tilespmem:s31+$0x6210];
	[tilespmem:s28+$0x6230] =	vst v2;
	v1 =	vmax.f32 v1, $0.0e+00  }
.Ltmp16:
0x19a: {  	v4 =	vld [tilespmem:s31+$0x6220];
	[tilespmem:s28+$0x6240] =	vst v1;
	v1 =	vmax.f32 v3, $0.0e+00;
	(pc) =	sbr.rel @p0 .LBB2_35-.Ltmp16, $4  }
0x19b: {  	v2 =	vld [tilespmem:s31+$0x6230];
	[tilespmem:s28+$0x6250] =	vst v1;
	v3 =	vmax.f32 v5, $0.0e+00  }
0x19c: {  	v1 =	vld [tilespmem:s31+$0x6240];
	[tilespmem:s28+$0x6260] =	vst v3;
	v5 =	vmax.f32 v6, $0.0e+00  }
0x19d: {  	v6 =	vmax.f32 v7, $0.0e+00;
	v3 =	vld [tilespmem:s31+$0x6250];
	[tilespmem:s28+$0x6270] =	vst v5;
	s28 =	smov.u32 s31  }
0x19e: {  	s29 =	sadd.s32 $0x200, s29;
	[tilespmem:s28+$0x6200] =	vst v6;
	v6 =	vmax.f32 v8, $0.0e+00;
	v5 =	vld [tilespmem:s28+$0x6260]  }
0x19f: {  	[tilespmem:s28+$0x6210] =	vst v6;
	v4 =	vmax.f32 v4, $0.0e+00;
	v63 =	vld [tilespmem:s28+$0x6270]  }
0x1a0: {  	[tilespmem:s28+$0x6220] =	vst v4;
	v2 =	vmax.f32 v2, $0.0e+00  }
0x1a1: {  	[tilespmem:s28+$0x6230] =	vst v2;
	v1 =	vmax.f32 v1, $0.0e+00  }
0x1a2: {  	[tilespmem:s28+$0x6240] =	vst v1;
	v1 =	vmax.f32 v3, $0.0e+00  }
0x1a3: {  	s23 =	sadd.s32 $0x1, s23;
	[tilespmem:s28+$0x6250] =	vst v1;
	v1 =	vmax.f32 v5, $0.0e+00  }
0x1a4: {  	p0 =	sne.s32 s23, $0x31;
	[tilespmem:s28+$0x6260] =	vst v1;
	v1 =	vmax.f32 v63, $0.0e+00  }
.Ltmp17:
0x1a5: {  	[tilespmem:s28+$0x6270] =	vst v1;
	(pc) =	sbr.rel @p0 .LBB2_34-.Ltmp17, $4  }
0x1a6: {  	[spmem:s30] =	stream.indirect.scatter.add.f32 [tilespmem:s14], [sflag:$0x2], $0x10, s24, s13, $0xb8;
	[tilespmem:$0x1F900] =	vst v63  }
0x1a7: {  	_ =	swait.ge [sflag:s11], $0x1000  }
0x1a8: {  	[sflag:s11] =	ssyncset.done $0x0  }
0x1a9: {  	[sflag:s11] =	ssyncadd.s32 $0xFFFFF000  }
0x1aa: {  	[bflag:$0x0] =	sbarrier.arrive $0xFFFF  }
0x1ab: {  	s23 =	rddreg [dreg:$0x12]  }
0x1ac: {  	[hbm:s23@s16], [sflag:s18] =	dma.strided [spmem:s21@s11], $0x1870, s15, $0x2   }
0x1ad: {  	_ =	swait.ge [sflag:s11], $0x1870  }
0x1ae: {  	[sflag:s11] =	ssyncset.done $0x0  }
0x1af: {  	s31 =	rddreg [dreg:$0x13];
	[sflag:s11] =	ssyncadd.s32 $0xFFFFE790  }
0x1b0: {  	[hbm:s31@s16], [sflag:s18] =	dma.strided [spmem:s22@s11], $0x1870, s15, $0x2   }
0x1b1: {  	_ =	swait.ge [sflag:s11], $0x1870  }
0x1b2: {  	[sflag:s11] =	ssyncset.done $0x0  }
0x1b3: {  	[sflag:s11] =	ssyncadd.s32 $0xFFFFE790  }
0x1b4: {  	s24 =	simm.s32 $0x40;
	s23 =	simm.s32 $0x0;
	[bflag:$0x0] =	sbarrier.arrive $0xFFFF  }
.LBB2_38:
0x1b5: {  	p0 =	sne.s32 s24, $0xC3C0;
	v1 =	vld [tilespmem:s23+$0x0];
	_ =	sdelay $0x1  }
.Ltmp18:
0x1b6: {  	(pc) =	sbr.rel @p0 .LBB2_38-.Ltmp18, $3  }
0x1b7: {  	_ =	sdelay $0x1  }
0x1b8: {  	v1 =	vadd.s32 $0x1, v1  }
0x1b9: {  	[tilespmem:s23+$0x0] =	vst v1;
	s23 =	sshra.s32 s24, $0x2;
	s24 =	sadd.s32 $0x40, s24  }
0x1ba: {  	v1 =	vld [tilespmem:s23+$0x0];
	_ =	sdelay $0x4  }
0x1bb: {  	v1 =	vadd.s32 $0x1, v1  }
0x1bc: {  	[tilespmem:s23+$0x0] =	vst v1  }
0x1bd: {  	[spmem:s21], [sflag:s18] =	dma.local [hbm:s2], $0x1870  }
0x1be: {  	_ =	swait.ge [sflag:s11], $0x1870  }
0x1bf: {  	[sflag:s11] =	ssyncset.done $0x0  }
0x1c0: {  	[sflag:s11] =	ssyncadd.s32 $0xFFFFE790  }
0x1c1: {  	[spmem:s22], [sflag:s18] =	dma.local [hbm:s2], $0x1870  }
0x1c2: {  	_ =	swait.ge [sflag:s11], $0x1870  }
0x1c3: {  	[sflag:s11] =	ssyncset.done $0x0  }
0x1c4: {  	[sflag:s11] =	ssyncadd.s32 $0xFFFFE790  }
0x1c5: {  	s23 =	simm.s32 $0x0;
	[bflag:$0x0] =	sbarrier.arrive $0xFFFF  }
.LBB2_40:
0x1c6: {  	s24 =	sshll.u32 s23, $0x8  }
0x1c7: {  	[tilespmem:s14], [sflag:$0x1] =	stream.indirect.gather [hbm4b:s19+s13], $0x10, s24, s13, $0xb8;
	[tilespmem:$0x1F900] =	vst v63  }
0x1c8: {  	_ =	swait.ge [sflag:s15], $0x1000  }
0x1c9: {  	[sflag:s15] =	ssyncset.done $0x0  }
0x1ca: {  	s24 =	sadd.s32 $0x3100, s24;
	[sflag:s15] =	ssyncadd.s32 $0xFFFFF000  }
0x1cb: {  	[spmem:s25] =	stream.indirect.scatter.add.f32 [tilespmem:s14], [sflag:$0x2], $0x10, s24, s13, $0xb8;
	[tilespmem:$0x1F900] =	vst v63  }
0x1cc: {  	_ =	swait.ge [sflag:s11], $0x1000  }
0x1cd: {  	[sflag:s11] =	ssyncset.done $0x0  }
0x1ce: {  	s28 =	simm.s32 $0x0;
	[sflag:s11] =	ssyncadd.s32 $0xFFFFF000  }
0x1cf: {  	v3 =	vld [tilespmem:s28+$0x6200]  }
0x1d0: {  	v5 =	vld [tilespmem:s28+$0x6210]  }
0x1d1: {  	v4 =	vld [tilespmem:s28+$0x6220]  }
0x1d2: {  	v2 =	vld [tilespmem:s28+$0x6230]  }
0x1d3: {  	v1 =	vld [tilespmem:s28+$0x6240]  }
0x1d4: {  	v6 =	vmax.f32 v3, $0.0e+00;
	v3 =	vld [tilespmem:s28+$0x6250]  }
0x1d5: {  	s29 =	simm.s32 $0x200;
	[tilespmem:s28+$0x6200] =	vst v6;
	v6 =	vmax.f32 v5, $0.0e+00;
	v5 =	vld [tilespmem:s28+$0x6260]  }
.LBB2_41:
0x1d6: {  	s31 =	sshra.s32 s29, $0x2;
	p0 =	sne.s32 s29, $0x3E00;
	[tilespmem:s28+$0x6210] =	vst v6;
	v4 =	vmax.f32 v4, $0.0e+00;
	v6 =	vld [tilespmem:s28+$0x6270]  }
0x1d7: {  	v7 =	vld [tilespmem:s31+$0x6200];
	[tilespmem:s28+$0x6220] =	vst v4;
	v2 =	vmax.f32 v2, $0.0e+00  }
0x1d8: {  	v8 =	vld [tilespmem:s31+$0x6210];
	[tilespmem:s28+$0x6230] =	vst v2;
	v1 =	vmax.f32 v1, $0.0e+00  }
.Ltmp19:
0x1d9: {  	v4 =	vld [tilespmem:s31+$0x6220];
	[tilespmem:s28+$0x6240] =	vst v1;
	v1 =	vmax.f32 v3, $0.0e+00;
	(pc) =	sbr.rel @p0 .LBB2_41-.Ltmp19, $4  }
0x1da: {  	v2 =	vld [tilespmem:s31+$0x6230];
	[tilespmem:s28+$0x6250] =	vst v1;
	v3 =	vmax.f32 v5, $0.0e+00  }
0x1db: {  	v1 =	vld [tilespmem:s31+$0x6240];
	[tilespmem:s28+$0x6260] =	vst v3;
	v5 =	vmax.f32 v6, $0.0e+00  }
0x1dc: {  	v6 =	vmax.f32 v7, $0.0e+00;
	v3 =	vld [tilespmem:s31+$0x6250];
	[tilespmem:s28+$0x6270] =	vst v5;
	s28 =	smov.u32 s31  }
0x1dd: {  	s29 =	sadd.s32 $0x200, s29;
	[tilespmem:s28+$0x6200] =	vst v6;
	v6 =	vmax.f32 v8, $0.0e+00;
	v5 =	vld [tilespmem:s28+$0x6260]  }
0x1de: {  	[tilespmem:s28+$0x6210] =	vst v6;
	v4 =	vmax.f32 v4, $0.0e+00;
	v63 =	vld [tilespmem:s28+$0x6270]  }
0x1df: {  	[tilespmem:s28+$0x6220] =	vst v4;
	v2 =	vmax.f32 v2, $0.0e+00  }
0x1e0: {  	[tilespmem:s28+$0x6230] =	vst v2;
	v1 =	vmax.f32 v1, $0.0e+00  }
0x1e1: {  	[tilespmem:s28+$0x6240] =	vst v1;
	v1 =	vmax.f32 v3, $0.0e+00  }
0x1e2: {  	s23 =	sadd.s32 $0x1, s23;
	[tilespmem:s28+$0x6250] =	vst v1;
	v1 =	vmax.f32 v5, $0.0e+00  }
0x1e3: {  	p0 =	sne.s32 s23, $0x31;
	[tilespmem:s28+$0x6260] =	vst v1;
	v1 =	vmax.f32 v63, $0.0e+00  }
.Ltmp20:
0x1e4: {  	[tilespmem:s28+$0x6270] =	vst v1;
	(pc) =	sbr.rel @p0 .LBB2_40-.Ltmp20, $4  }
0x1e5: {  	[spmem:s30] =	stream.indirect.scatter.add.f32 [tilespmem:s14], [sflag:$0x2], $0x10, s24, s13, $0xb8;
	[tilespmem:$0x1F900] =	vst v63  }
0x1e6: {  	_ =	swait.ge [sflag:s11], $0x1000  }
0x1e7: {  	[sflag:s11] =	ssyncset.done $0x0  }
0x1e8: {  	[sflag:s11] =	ssyncadd.s32 $0xFFFFF000  }
0x1e9: {  	[bflag:$0x0] =	sbarrier.arrive $0xFFFF  }
0x1ea: {  	s23 =	rddreg [dreg:$0x14]  }
0x1eb: {  	[hbm:s23@s16], [sflag:s18] =	dma.strided [spmem:s21@s11], $0x1870, s15, $0x2   }
0x1ec: {  	_ =	swait.ge [sflag:s11], $0x1870  }
0x1ed: {  	[sflag:s11] =	ssyncset.done $0x0  }
0x1ee: {  	s31 =	rddreg [dreg:$0x15];
	[sflag:s11] =	ssyncadd.s32 $0xFFFFE790  }
0x1ef: {  	[hbm:s31@s16], [sflag:s18] =	dma.strided [spmem:s22@s11], $0x1870, s15, $0x2   }
0x1f0: {  	_ =	swait.ge [sflag:s11], $0x1870  }
0x1f1: {  	[sflag:s11] =	ssyncset.done $0x0  }
0x1f2: {  	[sflag:s11] =	ssyncadd.s32 $0xFFFFE790  }
0x1f3: {  	s24 =	simm.s32 $0x40;
	s23 =	simm.s32 $0x0;
	[bflag:$0x0] =	sbarrier.arrive $0xFFFF  }
.LBB2_44:
0x1f4: {  	p0 =	sne.s32 s24, $0xC3C0;
	v1 =	vld [tilespmem:s23+$0x0];
	_ =	sdelay $0x1  }
.Ltmp21:
0x1f5: {  	(pc) =	sbr.rel @p0 .LBB2_44-.Ltmp21, $3  }
0x1f6: {  	_ =	sdelay $0x1  }
0x1f7: {  	v1 =	vadd.s32 $0x1, v1  }
0x1f8: {  	[tilespmem:s23+$0x0] =	vst v1;
	s23 =	sshra.s32 s24, $0x2;
	s24 =	sadd.s32 $0x40, s24  }
0x1f9: {  	v1 =	vld [tilespmem:s23+$0x0];
	_ =	sdelay $0x4  }
0x1fa: {  	v1 =	vadd.s32 $0x1, v1  }
0x1fb: {  	[tilespmem:s23+$0x0] =	vst v1  }
0x1fc: {  	[spmem:s21], [sflag:s18] =	dma.local [hbm:s2], $0x1870  }
0x1fd: {  	_ =	swait.ge [sflag:s11], $0x1870  }
0x1fe: {  	[sflag:s11] =	ssyncset.done $0x0  }
0x1ff: {  	[sflag:s11] =	ssyncadd.s32 $0xFFFFE790  }
0x200: {  	[spmem:s22], [sflag:s18] =	dma.local [hbm:s2], $0x1870  }
0x201: {  	_ =	swait.ge [sflag:s11], $0x1870  }
0x202: {  	[sflag:s11] =	ssyncset.done $0x0  }
0x203: {  	[sflag:s11] =	ssyncadd.s32 $0xFFFFE790  }
0x204: {  	s23 =	simm.s32 $0x0;
	[bflag:$0x0] =	sbarrier.arrive $0xFFFF  }
.LBB2_46:
0x205: {  	s24 =	sshll.u32 s23, $0x8  }
0x206: {  	[tilespmem:s14], [sflag:$0x1] =	stream.indirect.gather [hbm4b:s19+s13], $0x10, s24, s13, $0xb8;
	[tilespmem:$0x1F900] =	vst v63  }
0x207: {  	_ =	swait.ge [sflag:s15], $0x1000  }
0x208: {  	[sflag:s15] =	ssyncset.done $0x0  }
0x209: {  	s24 =	sadd.s32 $0x3100, s24;
	[sflag:s15] =	ssyncadd.s32 $0xFFFFF000  }
0x20a: {  	[spmem:s25] =	stream.indirect.scatter.add.f32 [tilespmem:s14], [sflag:$0x2], $0x10, s24, s13, $0xb8;
	[tilespmem:$0x1F900] =	vst v63  }
0x20b: {  	_ =	swait.ge [sflag:s11], $0x1000  }
0x20c: {  	[sflag:s11] =	ssyncset.done $0x0  }
0x20d: {  	s28 =	simm.s32 $0x0;
	[sflag:s11] =	ssyncadd.s32 $0xFFFFF000  }
0x20e: {  	v3 =	vld [tilespmem:s28+$0x6200]  }
0x20f: {  	v5 =	vld [tilespmem:s28+$0x6210]  }
0x210: {  	v4 =	vld [tilespmem:s28+$0x6220]  }
0x211: {  	v2 =	vld [tilespmem:s28+$0x6230]  }
0x212: {  	v1 =	vld [tilespmem:s28+$0x6240]  }
0x213: {  	v6 =	vmax.f32 v3, $0.0e+00;
	v3 =	vld [tilespmem:s28+$0x6250]  }
0x214: {  	s29 =	simm.s32 $0x200;
	[tilespmem:s28+$0x6200] =	vst v6;
	v6 =	vmax.f32 v5, $0.0e+00;
	v5 =	vld [tilespmem:s28+$0x6260]  }
.LBB2_47:
0x215: {  	s31 =	sshra.s32 s29, $0x2;
	p0 =	sne.s32 s29, $0x3E00;
	[tilespmem:s28+$0x6210] =	vst v6;
	v4 =	vmax.f32 v4, $0.0e+00;
	v6 =	vld [tilespmem:s28+$0x6270]  }
0x216: {  	v7 =	vld [tilespmem:s31+$0x6200];
	[tilespmem:s28+$0x6220] =	vst v4;
	v2 =	vmax.f32 v2, $0.0e+00  }
0x217: {  	v8 =	vld [tilespmem:s31+$0x6210];
	[tilespmem:s28+$0x6230] =	vst v2;
	v1 =	vmax.f32 v1, $0.0e+00  }
.Ltmp22:
0x218: {  	v4 =	vld [tilespmem:s31+$0x6220];
	[tilespmem:s28+$0x6240] =	vst v1;
	v1 =	vmax.f32 v3, $0.0e+00;
	(pc) =	sbr.rel @p0 .LBB2_47-.Ltmp22, $4  }
0x219: {  	v2 =	vld [tilespmem:s31+$0x6230];
	[tilespmem:s28+$0x6250] =	vst v1;
	v3 =	vmax.f32 v5, $0.0e+00  }
0x21a: {  	v1 =	vld [tilespmem:s31+$0x6240];
	[tilespmem:s28+$0x6260] =	vst v3;
	v5 =	vmax.f32 v6, $0.0e+00  }
0x21b: {  	v6 =	vmax.f32 v7, $0.0e+00;
	v3 =	vld [tilespmem:s31+$0x6250];
	[tilespmem:s28+$0x6270] =	vst v5;
	s28 =	smov.u32 s31  }
0x21c: {  	s29 =	sadd.s32 $0x200, s29;
	[tilespmem:s28+$0x6200] =	vst v6;
	v6 =	vmax.f32 v8, $0.0e+00;
	v5 =	vld [tilespmem:s28+$0x6260]  }
0x21d: {  	[tilespmem:s28+$0x6210] =	vst v6;
	v4 =	vmax.f32 v4, $0.0e+00;
	v63 =	vld [tilespmem:s28+$0x6270]  }
0x21e: {  	[tilespmem:s28+$0x6220] =	vst v4;
	v2 =	vmax.f32 v2, $0.0e+00  }
0x21f: {  	[tilespmem:s28+$0x6230] =	vst v2;
	v1 =	vmax.f32 v1, $0.0e+00  }
0x220: {  	[tilespmem:s28+$0x6240] =	vst v1;
	v1 =	vmax.f32 v3, $0.0e+00  }
0x221: {  	s23 =	sadd.s32 $0x1, s23;
	[tilespmem:s28+$0x6250] =	vst v1;
	v1 =	vmax.f32 v5, $0.0e+00  }
0x222: {  	p0 =	sne.s32 s23, $0x31;
	[tilespmem:s28+$0x6260] =	vst v1;
	v1 =	vmax.f32 v63, $0.0e+00  }
.Ltmp23:
0x223: {  	[tilespmem:s28+$0x6270] =	vst v1;
	(pc) =	sbr.rel @p0 .LBB2_46-.Ltmp23, $4  }
0x224: {  	[spmem:s30] =	stream.indirect.scatter.add.f32 [tilespmem:s14], [sflag:$0x2], $0x10, s24, s13, $0xb8;
	[tilespmem:$0x1F900] =	vst v63  }
0x225: {  	_ =	swait.ge [sflag:s11], $0x1000  }
0x226: {  	[sflag:s11] =	ssyncset.done $0x0  }
0x227: {  	[sflag:s11] =	ssyncadd.s32 $0xFFFFF000  }
0x228: {  	[bflag:$0x0] =	sbarrier.arrive $0xFFFF  }
0x229: {  	s23 =	rddreg [dreg:$0x16]  }
0x22a: {  	[hbm:s23@s16], [sflag:s18] =	dma.strided [spmem:s21@s11], $0x1870, s15, $0x2   }
0x22b: {  	_ =	swait.ge [sflag:s11], $0x1870  }
0x22c: {  	[sflag:s11] =	ssyncset.done $0x0  }
0x22d: {  	s29 =	rddreg [dreg:$0x17];
	[sflag:s11] =	ssyncadd.s32 $0xFFFFE790  }
0x22e: {  	[hbm:s29@s16], [sflag:s18] =	dma.strided [spmem:s22@s11], $0x1870, s15, $0x2   }
0x22f: {  	_ =	swait.ge [sflag:s11], $0x1870  }
0x230: {  	[sflag:s11] =	ssyncset.done $0x0  }
0x231: {  	[sflag:s11] =	ssyncadd.s32 $0xFFFFE790  }
0x232: {  	s31 =	simm.s32 $0x0;
	[bflag:$0x0] =	sbarrier.arrive $0xFFFF  }
0x233: {  	[tilespmem:s31], [sflag:$0x2] =	stream.linear.gather [hbm4b:s0+s31], $0x3100, $0x38;
	[tilespmem:$0x1F900] =	vst v63  }
0x234: {  	_ =	swait.ge [sflag:s11], $0x3100  }
0x235: {  	[sflag:s11] =	ssyncset.done $0x0  }
0x236: {  	[sflag:s11] =	ssyncadd.s32 $0xFFFFCF00  }
0x237: {  	[tilespmem:s12], [sflag:$0x2] =	stream.linear.gather [hbm4b:s9+s31], $0x3100, $0x38;
	[tilespmem:$0x1F900] =	vst v63  }
0x238: {  	_ =	swait.ge [sflag:s11], $0x3100  }
0x239: {  	[sflag:s11] =	ssyncset.done $0x0  }
0x23a: {  	s24 =	simm.s32 $0x40;
	s23 =	simm.s32 $0x0;
	[sflag:s11] =	ssyncadd.s32 $0xFFFFCF00  }
.LBB2_50:
0x23b: {  	p0 =	sne.s32 s24, $0xC3C0;
	v1 =	vld [tilespmem:s23+$0x0];
	_ =	sdelay $0x2  }
.Ltmp24:
0x23c: {  	(pc) =	sbr.rel @p0 .LBB2_50-.Ltmp24, $4  }
0x23d: {  	_ = 	snop  }
0x23e: {  	v1 =	vshll.u32 v1, $0x3  }
0x23f: {  	v1 =	vor.u32 v0, v1  }
0x240: {  	[tilespmem:s23+$0x0] =	vst v1;
	s23 =	sshra.s32 s24, $0x2;
	s24 =	sadd.s32 $0x40, s24  }
0x241: {  	v1 =	vld [tilespmem:s23+$0x0];
	_ =	sdelay $0x4  }
0x242: {  	v1 =	vshll.u32 v1, $0x3  }
0x243: {  	v1 =	vor.u32 v0, v1  }
0x244: {  	[tilespmem:s23+$0x0] =	vst v1  }
0x245: {  	[spmem:s21], [sflag:s18] =	dma.local [hbm:s2], $0x1870  }
0x246: {  	_ =	swait.ge [sflag:s11], $0x1870  }
0x247: {  	[sflag:s11] =	ssyncset.done $0x0  }
0x248: {  	[sflag:s11] =	ssyncadd.s32 $0xFFFFE790  }
0x249: {  	[spmem:s22], [sflag:s18] =	dma.local [hbm:s2], $0x1870  }
0x24a: {  	_ =	swait.ge [sflag:s11], $0x1870  }
0x24b: {  	[sflag:s11] =	ssyncset.done $0x0  }
0x24c: {  	[sflag:s11] =	ssyncadd.s32 $0xFFFFE790  }
0x24d: {  	s23 =	simm.s32 $0x0;
	[bflag:$0x0] =	sbarrier.arrive $0xFFFF  }
.LBB2_52:
0x24e: {  	s24 =	sshll.u32 s23, $0x8  }
0x24f: {  	[tilespmem:s14], [sflag:$0x1] =	stream.indirect.gather [hbm4b:s20+s13], $0x10, s24, s13, $0xb8;
	[tilespmem:$0x1F900] =	vst v63  }
0x250: {  	_ =	swait.ge [sflag:s15], $0x1000  }
0x251: {  	[sflag:s15] =	ssyncset.done $0x0  }
0x252: {  	s24 =	sadd.s32 $0x3100, s24;
	[sflag:s15] =	ssyncadd.s32 $0xFFFFF000  }
0x253: {  	[spmem:s25] =	stream.indirect.scatter.add.f32 [tilespmem:s14], [sflag:$0x2], $0x10, s24, s13, $0xb8;
	[tilespmem:$0x1F900] =	vst v63  }
0x254: {  	_ =	swait.ge [sflag:s11], $0x1000  }
0x255: {  	[sflag:s11] =	ssyncset.done $0x0  }
0x256: {  	s28 =	simm.s32 $0x0;
	[sflag:s11] =	ssyncadd.s32 $0xFFFFF000  }
0x257: {  	v3 =	vld [tilespmem:s28+$0x6200]  }
0x258: {  	v5 =	vld [tilespmem:s28+$0x6210]  }
0x259: {  	v4 =	vld [tilespmem:s28+$0x6220]  }
0x25a: {  	v2 =	vld [tilespmem:s28+$0x6230]  }
0x25b: {  	v1 =	vld [tilespmem:s28+$0x6240]  }
0x25c: {  	v6 =	vmax.f32 v3, $0.0e+00;
	v3 =	vld [tilespmem:s28+$0x6250]  }
0x25d: {  	s29 =	simm.s32 $0x200;
	[tilespmem:s28+$0x6200] =	vst v6;
	v6 =	vmax.f32 v5, $0.0e+00;
	v5 =	vld [tilespmem:s28+$0x6260]  }
.LBB2_53:
0x25e: {  	s31 =	sshra.s32 s29, $0x2;
	p0 =	sne.s32 s29, $0x3E00;
	[tilespmem:s28+$0x6210] =	vst v6;
	v4 =	vmax.f32 v4, $0.0e+00;
	v6 =	vld [tilespmem:s28+$0x6270]  }
0x25f: {  	v7 =	vld [tilespmem:s31+$0x6200];
	[tilespmem:s28+$0x6220] =	vst v4;
	v2 =	vmax.f32 v2, $0.0e+00  }
0x260: {  	v8 =	vld [tilespmem:s31+$0x6210];
	[tilespmem:s28+$0x6230] =	vst v2;
	v1 =	vmax.f32 v1, $0.0e+00  }
.Ltmp25:
0x261: {  	v4 =	vld [tilespmem:s31+$0x6220];
	[tilespmem:s28+$0x6240] =	vst v1;
	v1 =	vmax.f32 v3, $0.0e+00;
	(pc) =	sbr.rel @p0 .LBB2_53-.Ltmp25, $4  }
0x262: {  	v2 =	vld [tilespmem:s31+$0x6230];
	[tilespmem:s28+$0x6250] =	vst v1;
	v3 =	vmax.f32 v5, $0.0e+00  }
0x263: {  	v1 =	vld [tilespmem:s31+$0x6240];
	[tilespmem:s28+$0x6260] =	vst v3;
	v5 =	vmax.f32 v6, $0.0e+00  }
0x264: {  	v6 =	vmax.f32 v7, $0.0e+00;
	v3 =	vld [tilespmem:s31+$0x6250];
	[tilespmem:s28+$0x6270] =	vst v5;
	s28 =	smov.u32 s31  }
0x265: {  	s29 =	sadd.s32 $0x200, s29;
	[tilespmem:s28+$0x6200] =	vst v6;
	v6 =	vmax.f32 v8, $0.0e+00;
	v5 =	vld [tilespmem:s28+$0x6260]  }
0x266: {  	[tilespmem:s28+$0x6210] =	vst v6;
	v4 =	vmax.f32 v4, $0.0e+00;
	v63 =	vld [tilespmem:s28+$0x6270]  }
0x267: {  	[tilespmem:s28+$0x6220] =	vst v4;
	v2 =	vmax.f32 v2, $0.0e+00  }
0x268: {  	[tilespmem:s28+$0x6230] =	vst v2;
	v1 =	vmax.f32 v1, $0.0e+00  }
0x269: {  	[tilespmem:s28+$0x6240] =	vst v1;
	v1 =	vmax.f32 v3, $0.0e+00  }
0x26a: {  	s23 =	sadd.s32 $0x1, s23;
	[tilespmem:s28+$0x6250] =	vst v1;
	v1 =	vmax.f32 v5, $0.0e+00  }
0x26b: {  	p0 =	sne.s32 s23, $0x31;
	[tilespmem:s28+$0x6260] =	vst v1;
	v1 =	vmax.f32 v63, $0.0e+00  }
.Ltmp26:
0x26c: {  	[tilespmem:s28+$0x6270] =	vst v1;
	(pc) =	sbr.rel @p0 .LBB2_52-.Ltmp26, $4  }
0x26d: {  	[spmem:s30] =	stream.indirect.scatter.add.f32 [tilespmem:s14], [sflag:$0x2], $0x10, s24, s13, $0xb8;
	[tilespmem:$0x1F900] =	vst v63  }
0x26e: {  	_ =	swait.ge [sflag:s11], $0x1000  }
0x26f: {  	[sflag:s11] =	ssyncset.done $0x0  }
0x270: {  	[sflag:s11] =	ssyncadd.s32 $0xFFFFF000  }
0x271: {  	[bflag:$0x0] =	sbarrier.arrive $0xFFFF  }
0x272: {  	s23 =	rddreg [dreg:$0x18]  }
0x273: {  	[hbm:s23@s16], [sflag:s18] =	dma.strided [spmem:s21@s11], $0x1870, s15, $0x2   }
0x274: {  	_ =	swait.ge [sflag:s11], $0x1870  }
0x275: {  	[sflag:s11] =	ssyncset.done $0x0  }
0x276: {  	s31 =	rddreg [dreg:$0x19];
	[sflag:s11] =	ssyncadd.s32 $0xFFFFE790  }
0x277: {  	[hbm:s31@s16], [sflag:s18] =	dma.strided [spmem:s22@s11], $0x1870, s15, $0x2   }
0x278: {  	_ =	swait.ge [sflag:s11], $0x1870  }
0x279: {  	[sflag:s11] =	ssyncset.done $0x0  }
0x27a: {  	[sflag:s11] =	ssyncadd.s32 $0xFFFFE790  }
0x27b: {  	s24 =	simm.s32 $0x40;
	s23 =	simm.s32 $0x0;
	[bflag:$0x0] =	sbarrier.arrive $0xFFFF  }
.LBB2_56:
0x27c: {  	p0 =	sne.s32 s24, $0xC3C0;
	v1 =	vld [tilespmem:s23+$0x0];
	_ =	sdelay $0x1  }
.Ltmp27:
0x27d: {  	(pc) =	sbr.rel @p0 .LBB2_56-.Ltmp27, $3  }
0x27e: {  	_ =	sdelay $0x1  }
0x27f: {  	v1 =	vadd.s32 $0x1, v1  }
0x280: {  	[tilespmem:s23+$0x0] =	vst v1;
	s23 =	sshra.s32 s24, $0x2;
	s24 =	sadd.s32 $0x40, s24  }
0x281: {  	v1 =	vld [tilespmem:s23+$0x0];
	_ =	sdelay $0x4  }
0x282: {  	v1 =	vadd.s32 $0x1, v1  }
0x283: {  	[tilespmem:s23+$0x0] =	vst v1  }
0x284: {  	[spmem:s21], [sflag:s18] =	dma.local [hbm:s2], $0x1870  }
0x285: {  	_ =	swait.ge [sflag:s11], $0x1870  }
0x286: {  	[sflag:s11] =	ssyncset.done $0x0  }
0x287: {  	[sflag:s11] =	ssyncadd.s32 $0xFFFFE790  }
0x288: {  	[spmem:s22], [sflag:s18] =	dma.local [hbm:s2], $0x1870  }
0x289: {  	_ =	swait.ge [sflag:s11], $0x1870  }
0x28a: {  	[sflag:s11] =	ssyncset.done $0x0  }
0x28b: {  	[sflag:s11] =	ssyncadd.s32 $0xFFFFE790  }
0x28c: {  	s23 =	simm.s32 $0x0;
	[bflag:$0x0] =	sbarrier.arrive $0xFFFF  }
.LBB2_58:
0x28d: {  	s24 =	sshll.u32 s23, $0x8  }
0x28e: {  	[tilespmem:s14], [sflag:$0x1] =	stream.indirect.gather [hbm4b:s20+s13], $0x10, s24, s13, $0xb8;
	[tilespmem:$0x1F900] =	vst v63  }
0x28f: {  	_ =	swait.ge [sflag:s15], $0x1000  }
0x290: {  	[sflag:s15] =	ssyncset.done $0x0  }
0x291: {  	s24 =	sadd.s32 $0x3100, s24;
	[sflag:s15] =	ssyncadd.s32 $0xFFFFF000  }
0x292: {  	[spmem:s25] =	stream.indirect.scatter.add.f32 [tilespmem:s14], [sflag:$0x2], $0x10, s24, s13, $0xb8;
	[tilespmem:$0x1F900] =	vst v63  }
0x293: {  	_ =	swait.ge [sflag:s11], $0x1000  }
0x294: {  	[sflag:s11] =	ssyncset.done $0x0  }
0x295: {  	s28 =	simm.s32 $0x0;
	[sflag:s11] =	ssyncadd.s32 $0xFFFFF000  }
0x296: {  	v3 =	vld [tilespmem:s28+$0x6200]  }
0x297: {  	v5 =	vld [tilespmem:s28+$0x6210]  }
0x298: {  	v4 =	vld [tilespmem:s28+$0x6220]  }
0x299: {  	v2 =	vld [tilespmem:s28+$0x6230]  }
0x29a: {  	v1 =	vld [tilespmem:s28+$0x6240]  }
0x29b: {  	v6 =	vmax.f32 v3, $0.0e+00;
	v3 =	vld [tilespmem:s28+$0x6250]  }
0x29c: {  	s29 =	simm.s32 $0x200;
	[tilespmem:s28+$0x6200] =	vst v6;
	v6 =	vmax.f32 v5, $0.0e+00;
	v5 =	vld [tilespmem:s28+$0x6260]  }
.LBB2_59:
0x29d: {  	s31 =	sshra.s32 s29, $0x2;
	p0 =	sne.s32 s29, $0x3E00;
	[tilespmem:s28+$0x6210] =	vst v6;
	v4 =	vmax.f32 v4, $0.0e+00;
	v6 =	vld [tilespmem:s28+$0x6270]  }
0x29e: {  	v7 =	vld [tilespmem:s31+$0x6200];
	[tilespmem:s28+$0x6220] =	vst v4;
	v2 =	vmax.f32 v2, $0.0e+00  }
0x29f: {  	v8 =	vld [tilespmem:s31+$0x6210];
	[tilespmem:s28+$0x6230] =	vst v2;
	v1 =	vmax.f32 v1, $0.0e+00  }
.Ltmp28:
0x2a0: {  	v4 =	vld [tilespmem:s31+$0x6220];
	[tilespmem:s28+$0x6240] =	vst v1;
	v1 =	vmax.f32 v3, $0.0e+00;
	(pc) =	sbr.rel @p0 .LBB2_59-.Ltmp28, $4  }
0x2a1: {  	v2 =	vld [tilespmem:s31+$0x6230];
	[tilespmem:s28+$0x6250] =	vst v1;
	v3 =	vmax.f32 v5, $0.0e+00  }
0x2a2: {  	v1 =	vld [tilespmem:s31+$0x6240];
	[tilespmem:s28+$0x6260] =	vst v3;
	v5 =	vmax.f32 v6, $0.0e+00  }
0x2a3: {  	v6 =	vmax.f32 v7, $0.0e+00;
	v3 =	vld [tilespmem:s31+$0x6250];
	[tilespmem:s28+$0x6270] =	vst v5;
	s28 =	smov.u32 s31  }
0x2a4: {  	s29 =	sadd.s32 $0x200, s29;
	[tilespmem:s28+$0x6200] =	vst v6;
	v6 =	vmax.f32 v8, $0.0e+00;
	v5 =	vld [tilespmem:s28+$0x6260]  }
0x2a5: {  	[tilespmem:s28+$0x6210] =	vst v6;
	v4 =	vmax.f32 v4, $0.0e+00;
	v63 =	vld [tilespmem:s28+$0x6270]  }
0x2a6: {  	[tilespmem:s28+$0x6220] =	vst v4;
	v2 =	vmax.f32 v2, $0.0e+00  }
0x2a7: {  	[tilespmem:s28+$0x6230] =	vst v2;
	v1 =	vmax.f32 v1, $0.0e+00  }
0x2a8: {  	[tilespmem:s28+$0x6240] =	vst v1;
	v1 =	vmax.f32 v3, $0.0e+00  }
0x2a9: {  	s23 =	sadd.s32 $0x1, s23;
	[tilespmem:s28+$0x6250] =	vst v1;
	v1 =	vmax.f32 v5, $0.0e+00  }
0x2aa: {  	p0 =	sne.s32 s23, $0x31;
	[tilespmem:s28+$0x6260] =	vst v1;
	v1 =	vmax.f32 v63, $0.0e+00  }
.Ltmp29:
0x2ab: {  	[tilespmem:s28+$0x6270] =	vst v1;
	(pc) =	sbr.rel @p0 .LBB2_58-.Ltmp29, $4  }
0x2ac: {  	[spmem:s30] =	stream.indirect.scatter.add.f32 [tilespmem:s14], [sflag:$0x2], $0x10, s24, s13, $0xb8;
	[tilespmem:$0x1F900] =	vst v63  }
0x2ad: {  	_ =	swait.ge [sflag:s11], $0x1000  }
0x2ae: {  	[sflag:s11] =	ssyncset.done $0x0  }
0x2af: {  	[sflag:s11] =	ssyncadd.s32 $0xFFFFF000  }
0x2b0: {  	[bflag:$0x0] =	sbarrier.arrive $0xFFFF  }
0x2b1: {  	s23 =	rddreg [dreg:$0x1a]  }
0x2b2: {  	[hbm:s23@s16], [sflag:s18] =	dma.strided [spmem:s21@s11], $0x1870, s15, $0x2   }
0x2b3: {  	_ =	swait.ge [sflag:s11], $0x1870  }
0x2b4: {  	[sflag:s11] =	ssyncset.done $0x0  }
0x2b5: {  	s31 =	rddreg [dreg:$0x1b];
	[sflag:s11] =	ssyncadd.s32 $0xFFFFE790  }
0x2b6: {  	[hbm:s31@s16], [sflag:s18] =	dma.strided [spmem:s22@s11], $0x1870, s15, $0x2   }
0x2b7: {  	_ =	swait.ge [sflag:s11], $0x1870  }
0x2b8: {  	[sflag:s11] =	ssyncset.done $0x0  }
0x2b9: {  	[sflag:s11] =	ssyncadd.s32 $0xFFFFE790  }
0x2ba: {  	s24 =	simm.s32 $0x40;
	s23 =	simm.s32 $0x0;
	[bflag:$0x0] =	sbarrier.arrive $0xFFFF  }
.LBB2_62:
0x2bb: {  	p0 =	sne.s32 s24, $0xC3C0;
	v1 =	vld [tilespmem:s23+$0x0];
	_ =	sdelay $0x1  }
.Ltmp30:
0x2bc: {  	(pc) =	sbr.rel @p0 .LBB2_62-.Ltmp30, $3  }
0x2bd: {  	_ =	sdelay $0x1  }
0x2be: {  	v1 =	vadd.s32 $0x1, v1  }
0x2bf: {  	[tilespmem:s23+$0x0] =	vst v1;
	s23 =	sshra.s32 s24, $0x2;
	s24 =	sadd.s32 $0x40, s24  }
0x2c0: {  	v1 =	vld [tilespmem:s23+$0x0];
	_ =	sdelay $0x4  }
0x2c1: {  	v1 =	vadd.s32 $0x1, v1  }
0x2c2: {  	[tilespmem:s23+$0x0] =	vst v1  }
0x2c3: {  	[spmem:s21], [sflag:s18] =	dma.local [hbm:s2], $0x1870  }
0x2c4: {  	_ =	swait.ge [sflag:s11], $0x1870  }
0x2c5: {  	[sflag:s11] =	ssyncset.done $0x0  }
0x2c6: {  	[sflag:s11] =	ssyncadd.s32 $0xFFFFE790  }
0x2c7: {  	[spmem:s22], [sflag:s18] =	dma.local [hbm:s2], $0x1870  }
0x2c8: {  	_ =	swait.ge [sflag:s11], $0x1870  }
0x2c9: {  	[sflag:s11] =	ssyncset.done $0x0  }
0x2ca: {  	[sflag:s11] =	ssyncadd.s32 $0xFFFFE790  }
0x2cb: {  	s23 =	simm.s32 $0x0;
	[bflag:$0x0] =	sbarrier.arrive $0xFFFF  }
.LBB2_64:
0x2cc: {  	s24 =	sshll.u32 s23, $0x8  }
0x2cd: {  	[tilespmem:s14], [sflag:$0x1] =	stream.indirect.gather [hbm4b:s20+s13], $0x10, s24, s13, $0xb8;
	[tilespmem:$0x1F900] =	vst v63  }
0x2ce: {  	_ =	swait.ge [sflag:s15], $0x1000  }
0x2cf: {  	[sflag:s15] =	ssyncset.done $0x0  }
0x2d0: {  	s24 =	sadd.s32 $0x3100, s24;
	[sflag:s15] =	ssyncadd.s32 $0xFFFFF000  }
0x2d1: {  	[spmem:s25] =	stream.indirect.scatter.add.f32 [tilespmem:s14], [sflag:$0x2], $0x10, s24, s13, $0xb8;
	[tilespmem:$0x1F900] =	vst v63  }
0x2d2: {  	_ =	swait.ge [sflag:s11], $0x1000  }
0x2d3: {  	[sflag:s11] =	ssyncset.done $0x0  }
0x2d4: {  	s28 =	simm.s32 $0x0;
	[sflag:s11] =	ssyncadd.s32 $0xFFFFF000  }
0x2d5: {  	v3 =	vld [tilespmem:s28+$0x6200]  }
0x2d6: {  	v5 =	vld [tilespmem:s28+$0x6210]  }
0x2d7: {  	v4 =	vld [tilespmem:s28+$0x6220]  }
0x2d8: {  	v2 =	vld [tilespmem:s28+$0x6230]  }
0x2d9: {  	v1 =	vld [tilespmem:s28+$0x6240]  }
0x2da: {  	v6 =	vmax.f32 v3, $0.0e+00;
	v3 =	vld [tilespmem:s28+$0x6250]  }
0x2db: {  	s29 =	simm.s32 $0x200;
	[tilespmem:s28+$0x6200] =	vst v6;
	v6 =	vmax.f32 v5, $0.0e+00;
	v5 =	vld [tilespmem:s28+$0x6260]  }
.LBB2_65:
0x2dc: {  	s31 =	sshra.s32 s29, $0x2;
	p0 =	sne.s32 s29, $0x3E00;
	[tilespmem:s28+$0x6210] =	vst v6;
	v4 =	vmax.f32 v4, $0.0e+00;
	v6 =	vld [tilespmem:s28+$0x6270]  }
0x2dd: {  	v7 =	vld [tilespmem:s31+$0x6200];
	[tilespmem:s28+$0x6220] =	vst v4;
	v2 =	vmax.f32 v2, $0.0e+00  }
0x2de: {  	v8 =	vld [tilespmem:s31+$0x6210];
	[tilespmem:s28+$0x6230] =	vst v2;
	v1 =	vmax.f32 v1, $0.0e+00  }
.Ltmp31:
0x2df: {  	v4 =	vld [tilespmem:s31+$0x6220];
	[tilespmem:s28+$0x6240] =	vst v1;
	v1 =	vmax.f32 v3, $0.0e+00;
	(pc) =	sbr.rel @p0 .LBB2_65-.Ltmp31, $4  }
0x2e0: {  	v2 =	vld [tilespmem:s31+$0x6230];
	[tilespmem:s28+$0x6250] =	vst v1;
	v3 =	vmax.f32 v5, $0.0e+00  }
0x2e1: {  	v1 =	vld [tilespmem:s31+$0x6240];
	[tilespmem:s28+$0x6260] =	vst v3;
	v5 =	vmax.f32 v6, $0.0e+00  }
0x2e2: {  	v6 =	vmax.f32 v7, $0.0e+00;
	v3 =	vld [tilespmem:s31+$0x6250];
	[tilespmem:s28+$0x6270] =	vst v5;
	s28 =	smov.u32 s31  }
0x2e3: {  	s29 =	sadd.s32 $0x200, s29;
	[tilespmem:s28+$0x6200] =	vst v6;
	v6 =	vmax.f32 v8, $0.0e+00;
	v5 =	vld [tilespmem:s28+$0x6260]  }
0x2e4: {  	[tilespmem:s28+$0x6210] =	vst v6;
	v4 =	vmax.f32 v4, $0.0e+00;
	v63 =	vld [tilespmem:s28+$0x6270]  }
0x2e5: {  	[tilespmem:s28+$0x6220] =	vst v4;
	v2 =	vmax.f32 v2, $0.0e+00  }
0x2e6: {  	[tilespmem:s28+$0x6230] =	vst v2;
	v1 =	vmax.f32 v1, $0.0e+00  }
0x2e7: {  	[tilespmem:s28+$0x6240] =	vst v1;
	v1 =	vmax.f32 v3, $0.0e+00  }
0x2e8: {  	s23 =	sadd.s32 $0x1, s23;
	[tilespmem:s28+$0x6250] =	vst v1;
	v1 =	vmax.f32 v5, $0.0e+00  }
0x2e9: {  	p0 =	sne.s32 s23, $0x31;
	[tilespmem:s28+$0x6260] =	vst v1;
	v1 =	vmax.f32 v63, $0.0e+00  }
.Ltmp32:
0x2ea: {  	[tilespmem:s28+$0x6270] =	vst v1;
	(pc) =	sbr.rel @p0 .LBB2_64-.Ltmp32, $4  }
0x2eb: {  	[spmem:s30] =	stream.indirect.scatter.add.f32 [tilespmem:s14], [sflag:$0x2], $0x10, s24, s13, $0xb8;
	[tilespmem:$0x1F900] =	vst v63  }
0x2ec: {  	_ =	swait.ge [sflag:s11], $0x1000  }
0x2ed: {  	[sflag:s11] =	ssyncset.done $0x0  }
0x2ee: {  	[sflag:s11] =	ssyncadd.s32 $0xFFFFF000  }
0x2ef: {  	[bflag:$0x0] =	sbarrier.arrive $0xFFFF  }
0x2f0: {  	s23 =	rddreg [dreg:$0x1c]  }
0x2f1: {  	[hbm:s23@s16], [sflag:s18] =	dma.strided [spmem:s21@s11], $0x1870, s15, $0x2   }
0x2f2: {  	_ =	swait.ge [sflag:s11], $0x1870  }
0x2f3: {  	[sflag:s11] =	ssyncset.done $0x0  }
0x2f4: {  	s31 =	rddreg [dreg:$0x1d];
	[sflag:s11] =	ssyncadd.s32 $0xFFFFE790  }
0x2f5: {  	[hbm:s31@s16], [sflag:s18] =	dma.strided [spmem:s22@s11], $0x1870, s15, $0x2   }
0x2f6: {  	_ =	swait.ge [sflag:s11], $0x1870  }
0x2f7: {  	[sflag:s11] =	ssyncset.done $0x0  }
0x2f8: {  	[sflag:s11] =	ssyncadd.s32 $0xFFFFE790  }
0x2f9: {  	s24 =	simm.s32 $0x40;
	s23 =	simm.s32 $0x0;
	[bflag:$0x0] =	sbarrier.arrive $0xFFFF  }
.LBB2_68:
0x2fa: {  	p0 =	sne.s32 s24, $0xC3C0;
	v1 =	vld [tilespmem:s23+$0x0];
	_ =	sdelay $0x1  }
.Ltmp33:
0x2fb: {  	(pc) =	sbr.rel @p0 .LBB2_68-.Ltmp33, $3  }
0x2fc: {  	_ =	sdelay $0x1  }
0x2fd: {  	v1 =	vadd.s32 $0x1, v1  }
0x2fe: {  	[tilespmem:s23+$0x0] =	vst v1;
	s23 =	sshra.s32 s24, $0x2;
	s24 =	sadd.s32 $0x40, s24  }
0x2ff: {  	v1 =	vld [tilespmem:s23+$0x0];
	_ =	sdelay $0x4  }
0x300: {  	v1 =	vadd.s32 $0x1, v1  }
0x301: {  	[tilespmem:s23+$0x0] =	vst v1  }
0x302: {  	[spmem:s21], [sflag:s18] =	dma.local [hbm:s2], $0x1870  }
0x303: {  	_ =	swait.ge [sflag:s11], $0x1870  }
0x304: {  	[sflag:s11] =	ssyncset.done $0x0  }
0x305: {  	[sflag:s11] =	ssyncadd.s32 $0xFFFFE790  }
0x306: {  	[spmem:s22], [sflag:s18] =	dma.local [hbm:s2], $0x1870  }
0x307: {  	_ =	swait.ge [sflag:s11], $0x1870  }
0x308: {  	[sflag:s11] =	ssyncset.done $0x0  }
0x309: {  	[sflag:s11] =	ssyncadd.s32 $0xFFFFE790  }
0x30a: {  	s23 =	simm.s32 $0x0;
	[bflag:$0x0] =	sbarrier.arrive $0xFFFF  }
.LBB2_70:
0x30b: {  	s24 =	sshll.u32 s23, $0x8  }
0x30c: {  	[tilespmem:s14], [sflag:$0x1] =	stream.indirect.gather [hbm4b:s20+s13], $0x10, s24, s13, $0xb8;
	[tilespmem:$0x1F900] =	vst v63  }
0x30d: {  	_ =	swait.ge [sflag:s15], $0x1000  }
0x30e: {  	[sflag:s15] =	ssyncset.done $0x0  }
0x30f: {  	s24 =	sadd.s32 $0x3100, s24;
	[sflag:s15] =	ssyncadd.s32 $0xFFFFF000  }
0x310: {  	[spmem:s25] =	stream.indirect.scatter.add.f32 [tilespmem:s14], [sflag:$0x2], $0x10, s24, s13, $0xb8;
	[tilespmem:$0x1F900] =	vst v63  }
0x311: {  	_ =	swait.ge [sflag:s11], $0x1000  }
0x312: {  	[sflag:s11] =	ssyncset.done $0x0  }
0x313: {  	s28 =	simm.s32 $0x0;
	[sflag:s11] =	ssyncadd.s32 $0xFFFFF000  }
0x314: {  	v3 =	vld [tilespmem:s28+$0x6200]  }
0x315: {  	v5 =	vld [tilespmem:s28+$0x6210]  }
0x316: {  	v4 =	vld [tilespmem:s28+$0x6220]  }
0x317: {  	v2 =	vld [tilespmem:s28+$0x6230]  }
0x318: {  	v1 =	vld [tilespmem:s28+$0x6240]  }
0x319: {  	v6 =	vmax.f32 v3, $0.0e+00;
	v3 =	vld [tilespmem:s28+$0x6250]  }
0x31a: {  	s29 =	simm.s32 $0x200;
	[tilespmem:s28+$0x6200] =	vst v6;
	v6 =	vmax.f32 v5, $0.0e+00;
	v5 =	vld [tilespmem:s28+$0x6260]  }
.LBB2_71:
0x31b: {  	s31 =	sshra.s32 s29, $0x2;
	p0 =	sne.s32 s29, $0x3E00;
	[tilespmem:s28+$0x6210] =	vst v6;
	v4 =	vmax.f32 v4, $0.0e+00;
	v6 =	vld [tilespmem:s28+$0x6270]  }
0x31c: {  	v7 =	vld [tilespmem:s31+$0x6200];
	[tilespmem:s28+$0x6220] =	vst v4;
	v2 =	vmax.f32 v2, $0.0e+00  }
0x31d: {  	v8 =	vld [tilespmem:s31+$0x6210];
	[tilespmem:s28+$0x6230] =	vst v2;
	v1 =	vmax.f32 v1, $0.0e+00  }
.Ltmp34:
0x31e: {  	v4 =	vld [tilespmem:s31+$0x6220];
	[tilespmem:s28+$0x6240] =	vst v1;
	v1 =	vmax.f32 v3, $0.0e+00;
	(pc) =	sbr.rel @p0 .LBB2_71-.Ltmp34, $4  }
0x31f: {  	v2 =	vld [tilespmem:s31+$0x6230];
	[tilespmem:s28+$0x6250] =	vst v1;
	v3 =	vmax.f32 v5, $0.0e+00  }
0x320: {  	v1 =	vld [tilespmem:s31+$0x6240];
	[tilespmem:s28+$0x6260] =	vst v3;
	v5 =	vmax.f32 v6, $0.0e+00  }
0x321: {  	v6 =	vmax.f32 v7, $0.0e+00;
	v3 =	vld [tilespmem:s31+$0x6250];
	[tilespmem:s28+$0x6270] =	vst v5;
	s28 =	smov.u32 s31  }
0x322: {  	s29 =	sadd.s32 $0x200, s29;
	[tilespmem:s28+$0x6200] =	vst v6;
	v6 =	vmax.f32 v8, $0.0e+00;
	v5 =	vld [tilespmem:s28+$0x6260]  }
0x323: {  	[tilespmem:s28+$0x6210] =	vst v6;
	v4 =	vmax.f32 v4, $0.0e+00;
	v63 =	vld [tilespmem:s28+$0x6270]  }
0x324: {  	[tilespmem:s28+$0x6220] =	vst v4;
	v2 =	vmax.f32 v2, $0.0e+00  }
0x325: {  	[tilespmem:s28+$0x6230] =	vst v2;
	v1 =	vmax.f32 v1, $0.0e+00  }
0x326: {  	[tilespmem:s28+$0x6240] =	vst v1;
	v1 =	vmax.f32 v3, $0.0e+00  }
0x327: {  	s23 =	sadd.s32 $0x1, s23;
	[tilespmem:s28+$0x6250] =	vst v1;
	v1 =	vmax.f32 v5, $0.0e+00  }
0x328: {  	p0 =	sne.s32 s23, $0x31;
	[tilespmem:s28+$0x6260] =	vst v1;
	v1 =	vmax.f32 v63, $0.0e+00  }
.Ltmp35:
0x329: {  	[tilespmem:s28+$0x6270] =	vst v1;
	(pc) =	sbr.rel @p0 .LBB2_70-.Ltmp35, $4  }
0x32a: {  	[spmem:s30] =	stream.indirect.scatter.add.f32 [tilespmem:s14], [sflag:$0x2], $0x10, s24, s13, $0xb8;
	[tilespmem:$0x1F900] =	vst v63  }
0x32b: {  	_ =	swait.ge [sflag:s11], $0x1000  }
0x32c: {  	[sflag:s11] =	ssyncset.done $0x0  }
0x32d: {  	[sflag:s11] =	ssyncadd.s32 $0xFFFFF000  }
0x32e: {  	[bflag:$0x0] =	sbarrier.arrive $0xFFFF  }
0x32f: {  	s23 =	rddreg [dreg:$0x1e]  }
0x330: {  	[hbm:s23@s16], [sflag:s18] =	dma.strided [spmem:s21@s11], $0x1870, s15, $0x2   }
0x331: {  	_ =	swait.ge [sflag:s11], $0x1870  }
0x332: {  	s17 =	sadd.s32 $0x1, s17;
	[sflag:s11] =	ssyncset.done $0x0  }
0x333: {  	p0 =	sne.s32 s17, s10;
	[sflag:s11] =	ssyncadd.s32 $0xFFFFE790  }
0x334: {  	[hbm:s26@s16], [sflag:s18] =	dma.strided [spmem:s22@s11], $0x1870, s15, $0x2   }
.Ltmp36:
0x335: {  	_ =	swait.ge [sflag:s11], $0x1870;
	(pc) =	sbr.rel @p0 .LBB2_1-.Ltmp36, $3  }
0x336: {  	[sflag:s11] =	ssyncset.done $0x0  }
0x337: {  	[sflag:s11] =	ssyncadd.s32 $0xFFFFE790  }
0x338: {  	[bflag:$0x0] =	sbarrier.arrive $0xFFFF;
	_ =	sdelay $0x1  }
0x339: {  	_ =	sfence.sel $0x180000  }
0x33a: {  	[bflag:$0x0] =	sbarrier.arrive $0xFFFF  }
0x33b: {  	_ =	strace $0x90000047  }
0x33c: {  	s0 =	stileid.u32;
	[bflag:$0x2] =	sbarrier.arrive $0xFFFF  }
0x33d: {  	p0 =	sne.s32 s0, $0x0;
	s0 =	rddreg [dreg:$0x7]  }
0x33e: {  	s0 =	sadd.s32 @!p0 $0x100000, s0  }
0x33f: {  	[sflag:s0] =	ssyncadd.tile.s32 @!p0 $0x1;
	_ =	shalt  }
.Lfunc_end2:
_tile_overlayer_lowered:
.L_overlay_start_2:
0x340: {  	(tag) =	ssettag $0x2  }
0x341: {  	s0 =	rddreg [dreg:$0x0];
	s2 =	stileid.u32  }
0x342: {  	s1 =	rddreg [dreg:$0x1];
	p0 =	sne.s32 s2, $0x0  }
0x343: {  	s3 =	rddreg [dreg:$0x2];
	[bflag:$0x3] =	sbarrier.arrive $0xFFFF;
	s2 =	simm.s32 @!p0 $0x1C02  }
0x344: {  	[timem:s3], [sflag:s2] =	dma.local @!p0 [hbm:s0], s1  }
0x345: {  	s0 =	simm.s32 @!p0 $0x2  }
0x346: {  	_ =	swait.ge @!p0 [sflag:s0], s1  }
0x347: {  	s1 =	ssub.s32 @!p0 $0x0, s1;
	[sflag:s0] =	ssyncset.done @!p0 $0x0  }
0x348: {  	[sflag:s0] =	ssyncadd.s32 @!p0 s1  }
0x349: {  	[bflag:$0x3] =	sbarrier.arrive $0xFFFF  }
0x34a: {  	_ =	shalt  }

</sc_bundles>
